<compile_context>
chip_gen: v7x
topology: tpu7x:2x2x1
jax: 0.10.2.dev20260603
libtpu: 0.0.44.dev20260713+nightly
codegen_flags: <defaults>
</compile_context>

<pallas_src>
import functools

import jax
import jax.numpy as jnp
from jax import lax
from jax.experimental import pallas as pl
from jax.experimental.pallas import tpu as pltpu
from jax.experimental.pallas import tpu_sc as plsc

B = 16384
D = 64
N_NEG = 20
L = 16
NC, NS = 2, 16
NW = NC * NS
PER_W = B // NW
C = 32
N_CHUNKS = PER_W // C
NEG_IW = 128
NEG_ROWS_C = C * N_NEG // NEG_IW


def _mf_body(pos_hbm, neg_hbm, upk, itab, out_hbm,
             pidx, nidx, urows, prows, nrows, outv, sems):
    wid = lax.axis_index("s") * NC + lax.axis_index("c")
    base = wid * PER_W

    def fire(c, p):
        off = base + c * C
        pltpu.sync_copy(pos_hbm.at[pl.ds(off, C)], pidx[p])
        for k in range(NEG_ROWS_C):
            pltpu.sync_copy(
                neg_hbm.at[pl.ds(off * N_NEG + k * NEG_IW, NEG_IW)],
                nidx[p].at[k])
        pltpu.async_copy(upk.at[pl.ds(off // 2, C // 2)], urows[p], sems[p])
        pltpu.async_copy(itab.at[pidx[p]], prows[p], sems[p])
        for k in range(NEG_ROWS_C):
            pltpu.async_copy(itab.at[nidx[p].at[k]],
                             nrows[p].at[pl.ds(k * NEG_IW, NEG_IW)],
                             sems[p])

    def wait_all(p):
        pltpu.make_async_copy(upk.at[pl.ds(0, C // 2)], urows[p],
                              sems[p]).wait()
        pltpu.make_async_copy(itab.at[pidx[p]], prows[p], sems[p]).wait()
        for k in range(NEG_ROWS_C):
            pltpu.make_async_copy(itab.at[nidx[p].at[k]],
                                  nrows[p].at[pl.ds(k * NEG_IW, NEG_IW)],
                                  sems[p]).wait()

    def compute(c, p):
        off = base + c * C
        lane = jnp.arange(L, dtype=jnp.int32)
        zero = jnp.zeros((L,), jnp.float32)

        def elem(i, carry):
            ucol = (i & 1) * D
            u = [urows[p][i >> 1, pl.ds(ucol + q * L, L)]
                 for q in range(D // L)]
            pv = [prows[p][i, pl.ds(q * L, L)] for q in range(D // L)]
            pos_sc = jnp.sum(u[0] * pv[0] + u[1] * pv[1]
                             + u[2] * pv[2] + u[3] * pv[3])
            res0 = zero
            res1 = zero
            for j in range(N_NEG):
                r = i * N_NEG + j
                nv = [nrows[p][r, pl.ds(q * L, L)] for q in range(D // L)]
                ns = jnp.sum(u[0] * nv[0] + u[1] * nv[1]
                             + u[2] * nv[2] + u[3] * nv[3])
                r_splat = jnp.full((L,), pos_sc - ns)
                if j < L:
                    res0 = jnp.where(lane == j, r_splat, res0)
                else:
                    res1 = jnp.where(lane == (j - L), r_splat, res1)
            outv[p][i, pl.ds(0, L)] = res0
            plsc.store_scatter(outv[p],
                               [jnp.full((L,), i, jnp.int32),
                                L + (lane & (N_NEG - L - 1))],
                               res1, mask=lane < (N_NEG - L))
            return carry

        lax.fori_loop(0, C, elem, 0)
        pltpu.sync_copy(outv[p], out_hbm.at[pl.ds(off, C)])

    fire(0, 0)

    def pair_body(cp, carry):
        c0 = cp * 2
        fire(c0 + 1, 1)
        wait_all(0)
        compute(c0, 0)

        @pl.when(cp < N_CHUNKS // 2 - 1)
        def _():
            fire(c0 + 2, 0)

        wait_all(1)
        compute(c0 + 1, 1)
        return carry

    lax.fori_loop(0, N_CHUNKS // 2, pair_body, 0)


@jax.jit
def _mf(user, pos_item, neg_flat, user_embed, item_embed):
    mesh = plsc.VectorSubcoreMesh(core_axis_name="c", subcore_axis_name="s",
                                  num_cores=NC, num_subcores=NS)

    u = jnp.take(user_embed, user, axis=0)
    u_pk = u.reshape(B // 2, 2 * D)
    run = pl.kernel(
        _mf_body,
        out_type=jax.ShapeDtypeStruct((B, N_NEG), jnp.float32),
        mesh=mesh,
        compiler_params=pltpu.CompilerParams(needs_layout_passes=False,
                                             use_tc_tiling_on_sc=False),
        scratch_types=[
            [pltpu.VMEM((C,), jnp.int32)] * 2,
            [pltpu.VMEM((NEG_ROWS_C, NEG_IW), jnp.int32)] * 2,
            [pltpu.VMEM((C // 2, 2 * D), jnp.float32)] * 2,
            [pltpu.VMEM((C, D), jnp.float32)] * 2,
            [pltpu.VMEM((C * N_NEG, D), jnp.float32)] * 2,
            [pltpu.VMEM((C, N_NEG), jnp.float32)] * 2,
            [pltpu.SemaphoreType.DMA] * 2,
        ],
    )
    return run(pos_item, neg_flat, u_pk, item_embed)


def kernel(user, pos_item, neg_item, user_embed, item_embed):
    user = user.astype(jnp.int32)
    pos_item = pos_item.astype(jnp.int32)
    neg_flat = neg_item.astype(jnp.int32).reshape(B * N_NEG)
    return _mf(user, pos_item, neg_flat, user_embed, item_embed)

# --- scband reference (transcript-rebuilt; emitter-appended) ---
"""Pipeline reference for scband-mf-76459007803979 (READ-ONLY COPY).

The authoritative reference and input builder live on the scoring server;
editing this copy changes nothing except your own understanding.
"""

import jax, jax.numpy as jnp
import numpy as np

N_USERS = 1000000
N_ITEMS = 1000000
D = 64
B = 16384
N_NEG = 20

def setup_inputs(seed: int = 0) -> dict:
    key = jax.random.key(seed)
    k1, k2, k3, k4, k5 = jax.random.split(key, 5)
    user = jax.random.randint(k1, (B,), 0, N_USERS, dtype=jnp.int64) if jax.config.jax_enable_x64 else jax.random.randint(k1, (B,), 0, N_USERS).astype(jnp.int32)
    pos_item = jax.random.randint(k2, (B,), 0, N_ITEMS)
    neg_item = jax.random.randint(k3, (B, N_NEG), 0, N_ITEMS)
    initrange = 0.1
    user_embed = jax.random.uniform(k4, (N_USERS, D), dtype=jnp.float32, minval=-initrange, maxval=initrange)
    item_embed = jax.random.uniform(k5, (N_ITEMS, D), dtype=jnp.float32, minval=-initrange, maxval=initrange)
    return {"user": user, "pos_item": pos_item, "neg_item": neg_item, "user_embed": user_embed, "item_embed": item_embed}

def reference(user, pos_item, neg_item, user_embed, item_embed):
    u = jnp.take(user_embed, user, axis=0)            # [B, D]
    pos_i = jnp.take(item_embed, pos_item, axis=0)    # [B, D]
    neg_j = jnp.take(item_embed, neg_item, axis=0)    # [B, N_NEG, D]
    logit_ui = jnp.sum(u * pos_i, axis=-1)            # [B]
    logit_uj = jnp.sum(u[:, None, :] * neg_j, axis=-1)  # [B, N_NEG]
    logit_uij = logit_ui[:, None] - logit_uj          # [B, N_NEG]
    return logit_uij

if __name__ == "__main__":
    import jax
    _d = setup_inputs()
    print(jax.jit(kernel)(*tuple(_d.values())))

</pallas_src>

<mosaic_0001>
#map = affine_map<(d0, d1) -> (0)>
#map1 = affine_map<(d0, d1) -> (0, 0)>
module attributes {stable_mosaic.version = 14 : i64} {
  func.func @_mf_body(%arg0: i32, %arg1: i32, %arg2: memref<16384xi32, #tpu.memory_space<hbm>>, %arg3: memref<327680xi32, #tpu.memory_space<hbm>>, %arg4: memref<8192x128xf32, #tpu.memory_space<hbm>>, %arg5: memref<1000000x64xf32, #tpu.memory_space<hbm>>, %arg6: memref<16384x20xf32, #tpu.memory_space<hbm>>, %arg7: memref<32xi32, #tpu.memory_space<vmem>>, %arg8: memref<32xi32, #tpu.memory_space<vmem>>, %arg9: memref<5x128xi32, #tpu.memory_space<vmem>>, %arg10: memref<5x128xi32, #tpu.memory_space<vmem>>, %arg11: memref<16x128xf32, #tpu.memory_space<vmem>>, %arg12: memref<16x128xf32, #tpu.memory_space<vmem>>, %arg13: memref<32x64xf32, #tpu.memory_space<vmem>>, %arg14: memref<32x64xf32, #tpu.memory_space<vmem>>, %arg15: memref<640x64xf32, #tpu.memory_space<vmem>>, %arg16: memref<640x64xf32, #tpu.memory_space<vmem>>, %arg17: memref<32x20xf32, #tpu.memory_space<vmem>>, %arg18: memref<32x20xf32, #tpu.memory_space<vmem>>, %arg19: memref<!tpu.dma_semaphore, #tpu.memory_space<semaphore_mem>>, %arg20: memref<!tpu.dma_semaphore, #tpu.memory_space<semaphore_mem>>) attributes {dimension_semantics = [#tpu.dimension_semantics<core_parallel>, #tpu.dimension_semantics<subcore_parallel>], iteration_bounds = array<i64: 2, 16>, scalar_prefetch = 0 : i64, scratch_operands = 14 : i64, tpu.core_type = #tpu.core_type<sc_vector_subcore>, window_params = [{transform_indices = #map}, {transform_indices = #map}, {transform_indices = #map1}, {transform_indices = #map1}, {transform_indices = #map1}]} {
    %mul3A = arith.constant 2 : i32
    %mul3A_0 = arith.muli %arg1, %mul3A : i32
    %add3A = arith.addi %mul3A_0, %arg0 : i32
    %mul3A_1 = arith.constant 512 : i32
    %mul3A_2 = arith.muli %add3A, %mul3A_1 : i32
    %add3A_3 = arith.constant 0 : i32
    %add3A_4 = arith.addi %mul3A_2, %add3A_3 : i32
    "tpu.region"() ({
      %run_scoped3A_106 = tpu.sem_alloc : memref<!tpu.dma_semaphore, #tpu.memory_space<semaphore_mem>>
      %dma_start3A_107 = tpu.memref_slice %arg2[%add3A_4] : memref<16384xi32, #tpu.memory_space<hbm>> -> memref<32xi32, #tpu.memory_space<hbm>>
      %dma_start3A_108 = tpu.memref_slice %arg2[%add3A_4] : memref<16384xi32, #tpu.memory_space<hbm>> -> memref<32xi32, #tpu.memory_space<hbm>>
      tpu.enqueue_dma source(%dma_start3A_108 : memref<32xi32, #tpu.memory_space<hbm>>) target(%arg7 : memref<32xi32, #tpu.memory_space<vmem>>) target_semaphore(%run_scoped3A_106 : memref<!tpu.dma_semaphore, #tpu.memory_space<semaphore_mem>>)
      %dma_wait3A = tpu.memref_slice %arg2[%add3A_4] : memref<16384xi32, #tpu.memory_space<hbm>> -> memref<32xi32, #tpu.memory_space<hbm>>
      %dma_wait3A_109 = tpu.memref_slice %arg2[%add3A_4] : memref<16384xi32, #tpu.memory_space<hbm>> -> memref<32xi32, #tpu.memory_space<hbm>>
      tpu.wait_dma2 semaphore(%run_scoped3A_106 : memref<!tpu.dma_semaphore, #tpu.memory_space<semaphore_mem>>) src(%dma_wait3A_109 : memref<32xi32, #tpu.memory_space<hbm>>) dst(%arg7 : memref<32xi32, #tpu.memory_space<vmem>>)
      tpu.yield
    }) : () -> ()
    %mul3A_5 = arith.constant 20 : i32
    %mul3A_6 = arith.muli %add3A_4, %mul3A_5 : i32
    %add3A_7 = arith.constant 0 : i32
    %add3A_8 = arith.addi %mul3A_6, %add3A_7 : i32
    %run_scoped3A = arith.constant 0 : i32
    "tpu.region"() ({
      %run_scoped3A_106 = tpu.sem_alloc : memref<!tpu.dma_semaphore, #tpu.memory_space<semaphore_mem>>
      %dma_start3A_107 = arith.constant 0 : i32
      %dma_start3A_108 = tpu.memref_slice %arg9[%run_scoped3A, %dma_start3A_107] : memref<5x128xi32, #tpu.memory_space<vmem>> -> memref<1x128xi32, #tpu.memory_space<vmem>>
      %dma_start3A_109 = tpu.memref_squeeze %dma_start3A_108 : memref<1x128xi32, #tpu.memory_space<vmem>> -> memref<128xi32, #tpu.memory_space<vmem>>
      %dma_start3A_110 = tpu.memref_slice %arg3[%add3A_8] : memref<327680xi32, #tpu.memory_space<hbm>> -> memref<128xi32, #tpu.memory_space<hbm>>
      %dma_start3A_111 = arith.constant 0 : i32
      %dma_start3A_112 = tpu.memref_slice %arg9[%run_scoped3A, %dma_start3A_111] : memref<5x128xi32, #tpu.memory_space<vmem>> -> memref<1x128xi32, #tpu.memory_space<vmem>>
      %dma_start3A_113 = tpu.memref_squeeze %dma_start3A_112 : memref<1x128xi32, #tpu.memory_space<vmem>> -> memref<128xi32, #tpu.memory_space<vmem>>
      %dma_start3A_114 = tpu.memref_slice %arg3[%add3A_8] : memref<327680xi32, #tpu.memory_space<hbm>> -> memref<128xi32, #tpu.memory_space<hbm>>
      tpu.enqueue_dma source(%dma_start3A_114 : memref<128xi32, #tpu.memory_space<hbm>>) target(%dma_start3A_113 : memref<128xi32, #tpu.memory_space<vmem>>) target_semaphore(%run_scoped3A_106 : memref<!tpu.dma_semaphore, #tpu.memory_space<semaphore_mem>>)
      %dma_wait3A = arith.constant 0 : i32
      %dma_wait3A_115 = tpu.memref_slice %arg9[%run_scoped3A, %dma_wait3A] : memref<5x128xi32, #tpu.memory_space<vmem>> -> memref<1x128xi32, #tpu.memory_space<vmem>>
      %dma_wait3A_116 = tpu.memref_squeeze %dma_wait3A_115 : memref<1x128xi32, #tpu.memory_space<vmem>> -> memref<128xi32, #tpu.memory_space<vmem>>
      %dma_wait3A_117 = tpu.memref_slice %arg3[%add3A_8] : memref<327680xi32, #tpu.memory_space<hbm>> -> memref<128xi32, #tpu.memory_space<hbm>>
      %dma_wait3A_118 = arith.constant 0 : i32
      %dma_wait3A_119 = tpu.memref_slice %arg9[%run_scoped3A, %dma_wait3A_118] : memref<5x128xi32, #tpu.memory_space<vmem>> -> memref<1x128xi32, #tpu.memory_space<vmem>>
      %dma_wait3A_120 = tpu.memref_squeeze %dma_wait3A_119 : memref<1x128xi32, #tpu.memory_space<vmem>> -> memref<128xi32, #tpu.memory_space<vmem>>
      %dma_wait3A_121 = tpu.memref_slice %arg3[%add3A_8] : memref<327680xi32, #tpu.memory_space<hbm>> -> memref<128xi32, #tpu.memory_space<hbm>>
      tpu.wait_dma2 semaphore(%run_scoped3A_106 : memref<!tpu.dma_semaphore, #tpu.memory_space<semaphore_mem>>) src(%dma_wait3A_121 : memref<128xi32, #tpu.memory_space<hbm>>) dst(%dma_wait3A_120 : memref<128xi32, #tpu.memory_space<vmem>>)
      tpu.yield
    }) : () -> ()
    %mul3A_9 = arith.constant 20 : i32
    %mul3A_10 = arith.muli %add3A_4, %mul3A_9 : i32
    %add3A_11 = arith.constant 128 : i32
    %add3A_12 = arith.addi %mul3A_10, %add3A_11 : i32
    %run_scoped3A_13 = arith.constant 1 : i32
    "tpu.region"() ({
      %run_scoped3A_106 = tpu.sem_alloc : memref<!tpu.dma_semaphore, #tpu.memory_space<semaphore_mem>>
      %dma_start3A_107 = arith.constant 0 : i32
      %dma_start3A_108 = tpu.memref_slice %arg9[%run_scoped3A_13, %dma_start3A_107] : memref<5x128xi32, #tpu.memory_space<vmem>> -> memref<1x128xi32, #tpu.memory_space<vmem>>
      %dma_start3A_109 = tpu.memref_squeeze %dma_start3A_108 : memref<1x128xi32, #tpu.memory_space<vmem>> -> memref<128xi32, #tpu.memory_space<vmem>>
      %dma_start3A_110 = tpu.memref_slice %arg3[%add3A_12] : memref<327680xi32, #tpu.memory_space<hbm>> -> memref<128xi32, #tpu.memory_space<hbm>>
      %dma_start3A_111 = arith.constant 0 : i32
      %dma_start3A_112 = tpu.memref_slice %arg9[%run_scoped3A_13, %dma_start3A_111] : memref<5x128xi32, #tpu.memory_space<vmem>> -> memref<1x128xi32, #tpu.memory_space<vmem>>
      %dma_start3A_113 = tpu.memref_squeeze %dma_start3A_112 : memref<1x128xi32, #tpu.memory_space<vmem>> -> memref<128xi32, #tpu.memory_space<vmem>>
      %dma_start3A_114 = tpu.memref_slice %arg3[%add3A_12] : memref<327680xi32, #tpu.memory_space<hbm>> -> memref<128xi32, #tpu.memory_space<hbm>>
      tpu.enqueue_dma source(%dma_start3A_114 : memref<128xi32, #tpu.memory_space<hbm>>) target(%dma_start3A_113 : memref<128xi32, #tpu.memory_space<vmem>>) target_semaphore(%run_scoped3A_106 : memref<!tpu.dma_semaphore, #tpu.memory_space<semaphore_mem>>)
      %dma_wait3A = arith.constant 0 : i32
      %dma_wait3A_115 = tpu.memref_slice %arg9[%run_scoped3A_13, %dma_wait3A] : memref<5x128xi32, #tpu.memory_space<vmem>> -> memref<1x128xi32, #tpu.memory_space<vmem>>
      %dma_wait3A_116 = tpu.memref_squeeze %dma_wait3A_115 : memref<1x128xi32, #tpu.memory_space<vmem>> -> memref<128xi32, #tpu.memory_space<vmem>>
      %dma_wait3A_117 = tpu.memref_slice %arg3[%add3A_12] : memref<327680xi32, #tpu.memory_space<hbm>> -> memref<128xi32, #tpu.memory_space<hbm>>
      %dma_wait3A_118 = arith.constant 0 : i32
      %dma_wait3A_119 = tpu.memref_slice %arg9[%run_scoped3A_13, %dma_wait3A_118] : memref<5x128xi32, #tpu.memory_space<vmem>> -> memref<1x128xi32, #tpu.memory_space<vmem>>
      %dma_wait3A_120 = tpu.memref_squeeze %dma_wait3A_119 : memref<1x128xi32, #tpu.memory_space<vmem>> -> memref<128xi32, #tpu.memory_space<vmem>>
      %dma_wait3A_121 = tpu.memref_slice %arg3[%add3A_12] : memref<327680xi32, #tpu.memory_space<hbm>> -> memref<128xi32, #tpu.memory_space<hbm>>
      tpu.wait_dma2 semaphore(%run_scoped3A_106 : memref<!tpu.dma_semaphore, #tpu.memory_space<semaphore_mem>>) src(%dma_wait3A_121 : memref<128xi32, #tpu.memory_space<hbm>>) dst(%dma_wait3A_120 : memref<128xi32, #tpu.memory_space<vmem>>)
      tpu.yield
    }) : () -> ()
    %mul3A_14 = arith.constant 20 : i32
    %mul3A_15 = arith.muli %add3A_4, %mul3A_14 : i32
    %add3A_16 = arith.constant 256 : i32
    %add3A_17 = arith.addi %mul3A_15, %add3A_16 : i32
    %run_scoped3A_18 = arith.constant 2 : i32
    "tpu.region"() ({
      %run_scoped3A_106 = tpu.sem_alloc : memref<!tpu.dma_semaphore, #tpu.memory_space<semaphore_mem>>
      %dma_start3A_107 = arith.constant 0 : i32
      %dma_start3A_108 = tpu.memref_slice %arg9[%run_scoped3A_18, %dma_start3A_107] : memref<5x128xi32, #tpu.memory_space<vmem>> -> memref<1x128xi32, #tpu.memory_space<vmem>>
      %dma_start3A_109 = tpu.memref_squeeze %dma_start3A_108 : memref<1x128xi32, #tpu.memory_space<vmem>> -> memref<128xi32, #tpu.memory_space<vmem>>
      %dma_start3A_110 = tpu.memref_slice %arg3[%add3A_17] : memref<327680xi32, #tpu.memory_space<hbm>> -> memref<128xi32, #tpu.memory_space<hbm>>
      %dma_start3A_111 = arith.constant 0 : i32
      %dma_start3A_112 = tpu.memref_slice %arg9[%run_scoped3A_18, %dma_start3A_111] : memref<5x128xi32, #tpu.memory_space<vmem>> -> memref<1x128xi32, #tpu.memory_space<vmem>>
      %dma_start3A_113 = tpu.memref_squeeze %dma_start3A_112 : memref<1x128xi32, #tpu.memory_space<vmem>> -> memref<128xi32, #tpu.memory_space<vmem>>
      %dma_start3A_114 = tpu.memref_slice %arg3[%add3A_17] : memref<327680xi32, #tpu.memory_space<hbm>> -> memref<128xi32, #tpu.memory_space<hbm>>
      tpu.enqueue_dma source(%dma_start3A_114 : memref<128xi32, #tpu.memory_space<hbm>>) target(%dma_start3A_113 : memref<128xi32, #tpu.memory_space<vmem>>) target_semaphore(%run_scoped3A_106 : memref<!tpu.dma_semaphore, #tpu.memory_space<semaphore_mem>>)
      %dma_wait3A = arith.constant 0 : i32
      %dma_wait3A_115 = tpu.memref_slice %arg9[%run_scoped3A_18, %dma_wait3A] : memref<5x128xi32, #tpu.memory_space<vmem>> -> memref<1x128xi32, #tpu.memory_space<vmem>>
      %dma_wait3A_116 = tpu.memref_squeeze %dma_wait3A_115 : memref<1x128xi32, #tpu.memory_space<vmem>> -> memref<128xi32, #tpu.memory_space<vmem>>
      %dma_wait3A_117 = tpu.memref_slice %arg3[%add3A_17] : memref<327680xi32, #tpu.memory_space<hbm>> -> memref<128xi32, #tpu.memory_space<hbm>>
      %dma_wait3A_118 = arith.constant 0 : i32
      %dma_wait3A_119 = tpu.memref_slice %arg9[%run_scoped3A_18, %dma_wait3A_118] : memref<5x128xi32, #tpu.memory_space<vmem>> -> memref<1x128xi32, #tpu.memory_space<vmem>>
      %dma_wait3A_120 = tpu.memref_squeeze %dma_wait3A_119 : memref<1x128xi32, #tpu.memory_space<vmem>> -> memref<128xi32, #tpu.memory_space<vmem>>
      %dma_wait3A_121 = tpu.memref_slice %arg3[%add3A_17] : memref<327680xi32, #tpu.memory_space<hbm>> -> memref<128xi32, #tpu.memory_space<hbm>>
      tpu.wait_dma2 semaphore(%run_scoped3A_106 : memref<!tpu.dma_semaphore, #tpu.memory_space<semaphore_mem>>) src(%dma_wait3A_121 : memref<128xi32, #tpu.memory_space<hbm>>) dst(%dma_wait3A_120 : memref<128xi32, #tpu.memory_space<vmem>>)
      tpu.yield
    }) : () -> ()
    %mul3A_19 = arith.constant 20 : i32
    %mul3A_20 = arith.muli %add3A_4, %mul3A_19 : i32
    %add3A_21 = arith.constant 384 : i32
    %add3A_22 = arith.addi %mul3A_20, %add3A_21 : i32
    %run_scoped3A_23 = arith.constant 3 : i32
    "tpu.region"() ({
      %run_scoped3A_106 = tpu.sem_alloc : memref<!tpu.dma_semaphore, #tpu.memory_space<semaphore_mem>>
      %dma_start3A_107 = arith.constant 0 : i32
      %dma_start3A_108 = tpu.memref_slice %arg9[%run_scoped3A_23, %dma_start3A_107] : memref<5x128xi32, #tpu.memory_space<vmem>> -> memref<1x128xi32, #tpu.memory_space<vmem>>
      %dma_start3A_109 = tpu.memref_squeeze %dma_start3A_108 : memref<1x128xi32, #tpu.memory_space<vmem>> -> memref<128xi32, #tpu.memory_space<vmem>>
      %dma_start3A_110 = tpu.memref_slice %arg3[%add3A_22] : memref<327680xi32, #tpu.memory_space<hbm>> -> memref<128xi32, #tpu.memory_space<hbm>>
      %dma_start3A_111 = arith.constant 0 : i32
      %dma_start3A_112 = tpu.memref_slice %arg9[%run_scoped3A_23, %dma_start3A_111] : memref<5x128xi32, #tpu.memory_space<vmem>> -> memref<1x128xi32, #tpu.memory_space<vmem>>
      %dma_start3A_113 = tpu.memref_squeeze %dma_start3A_112 : memref<1x128xi32, #tpu.memory_space<vmem>> -> memref<128xi32, #tpu.memory_space<vmem>>
      %dma_start3A_114 = tpu.memref_slice %arg3[%add3A_22] : memref<327680xi32, #tpu.memory_space<hbm>> -> memref<128xi32, #tpu.memory_space<hbm>>
      tpu.enqueue_dma source(%dma_start3A_114 : memref<128xi32, #tpu.memory_space<hbm>>) target(%dma_start3A_113 : memref<128xi32, #tpu.memory_space<vmem>>) target_semaphore(%run_scoped3A_106 : memref<!tpu.dma_semaphore, #tpu.memory_space<semaphore_mem>>)
      %dma_wait3A = arith.constant 0 : i32
      %dma_wait3A_115 = tpu.memref_slice %arg9[%run_scoped3A_23, %dma_wait3A] : memref<5x128xi32, #tpu.memory_space<vmem>> -> memref<1x128xi32, #tpu.memory_space<vmem>>
      %dma_wait3A_116 = tpu.memref_squeeze %dma_wait3A_115 : memref<1x128xi32, #tpu.memory_space<vmem>> -> memref<128xi32, #tpu.memory_space<vmem>>
      %dma_wait3A_117 = tpu.memref_slice %arg3[%add3A_22] : memref<327680xi32, #tpu.memory_space<hbm>> -> memref<128xi32, #tpu.memory_space<hbm>>
      %dma_wait3A_118 = arith.constant 0 : i32
      %dma_wait3A_119 = tpu.memref_slice %arg9[%run_scoped3A_23, %dma_wait3A_118] : memref<5x128xi32, #tpu.memory_space<vmem>> -> memref<1x128xi32, #tpu.memory_space<vmem>>
      %dma_wait3A_120 = tpu.memref_squeeze %dma_wait3A_119 : memref<1x128xi32, #tpu.memory_space<vmem>> -> memref<128xi32, #tpu.memory_space<vmem>>
      %dma_wait3A_121 = tpu.memref_slice %arg3[%add3A_22] : memref<327680xi32, #tpu.memory_space<hbm>> -> memref<128xi32, #tpu.memory_space<hbm>>
      tpu.wait_dma2 semaphore(%run_scoped3A_106 : memref<!tpu.dma_semaphore, #tpu.memory_space<semaphore_mem>>) src(%dma_wait3A_121 : memref<128xi32, #tpu.memory_space<hbm>>) dst(%dma_wait3A_120 : memref<128xi32, #tpu.memory_space<vmem>>)
      tpu.yield
    }) : () -> ()
    %mul3A_24 = arith.constant 20 : i32
    %mul3A_25 = arith.muli %add3A_4, %mul3A_24 : i32
    %add3A_26 = arith.constant 512 : i32
    %add3A_27 = arith.addi %mul3A_25, %add3A_26 : i32
    %run_scoped3A_28 = arith.constant 4 : i32
    "tpu.region"() ({
      %run_scoped3A_106 = tpu.sem_alloc : memref<!tpu.dma_semaphore, #tpu.memory_space<semaphore_mem>>
      %dma_start3A_107 = arith.constant 0 : i32
      %dma_start3A_108 = tpu.memref_slice %arg9[%run_scoped3A_28, %dma_start3A_107] : memref<5x128xi32, #tpu.memory_space<vmem>> -> memref<1x128xi32, #tpu.memory_space<vmem>>
      %dma_start3A_109 = tpu.memref_squeeze %dma_start3A_108 : memref<1x128xi32, #tpu.memory_space<vmem>> -> memref<128xi32, #tpu.memory_space<vmem>>
      %dma_start3A_110 = tpu.memref_slice %arg3[%add3A_27] : memref<327680xi32, #tpu.memory_space<hbm>> -> memref<128xi32, #tpu.memory_space<hbm>>
      %dma_start3A_111 = arith.constant 0 : i32
      %dma_start3A_112 = tpu.memref_slice %arg9[%run_scoped3A_28, %dma_start3A_111] : memref<5x128xi32, #tpu.memory_space<vmem>> -> memref<1x128xi32, #tpu.memory_space<vmem>>
      %dma_start3A_113 = tpu.memref_squeeze %dma_start3A_112 : memref<1x128xi32, #tpu.memory_space<vmem>> -> memref<128xi32, #tpu.memory_space<vmem>>
      %dma_start3A_114 = tpu.memref_slice %arg3[%add3A_27] : memref<327680xi32, #tpu.memory_space<hbm>> -> memref<128xi32, #tpu.memory_space<hbm>>
      tpu.enqueue_dma source(%dma_start3A_114 : memref<128xi32, #tpu.memory_space<hbm>>) target(%dma_start3A_113 : memref<128xi32, #tpu.memory_space<vmem>>) target_semaphore(%run_scoped3A_106 : memref<!tpu.dma_semaphore, #tpu.memory_space<semaphore_mem>>)
      %dma_wait3A = arith.constant 0 : i32
      %dma_wait3A_115 = tpu.memref_slice %arg9[%run_scoped3A_28, %dma_wait3A] : memref<5x128xi32, #tpu.memory_space<vmem>> -> memref<1x128xi32, #tpu.memory_space<vmem>>
      %dma_wait3A_116 = tpu.memref_squeeze %dma_wait3A_115 : memref<1x128xi32, #tpu.memory_space<vmem>> -> memref<128xi32, #tpu.memory_space<vmem>>
      %dma_wait3A_117 = tpu.memref_slice %arg3[%add3A_27] : memref<327680xi32, #tpu.memory_space<hbm>> -> memref<128xi32, #tpu.memory_space<hbm>>
      %dma_wait3A_118 = arith.constant 0 : i32
      %dma_wait3A_119 = tpu.memref_slice %arg9[%run_scoped3A_28, %dma_wait3A_118] : memref<5x128xi32, #tpu.memory_space<vmem>> -> memref<1x128xi32, #tpu.memory_space<vmem>>
      %dma_wait3A_120 = tpu.memref_squeeze %dma_wait3A_119 : memref<1x128xi32, #tpu.memory_space<vmem>> -> memref<128xi32, #tpu.memory_space<vmem>>
      %dma_wait3A_121 = tpu.memref_slice %arg3[%add3A_27] : memref<327680xi32, #tpu.memory_space<hbm>> -> memref<128xi32, #tpu.memory_space<hbm>>
      tpu.wait_dma2 semaphore(%run_scoped3A_106 : memref<!tpu.dma_semaphore, #tpu.memory_space<semaphore_mem>>) src(%dma_wait3A_121 : memref<128xi32, #tpu.memory_space<hbm>>) dst(%dma_wait3A_120 : memref<128xi32, #tpu.memory_space<vmem>>)
      tpu.yield
    }) : () -> ()
    %jit3A = arith.constant 2 : i32
    %div3A = arith.divsi %add3A_4, %jit3A : i32
    %sign3A = arith.constant 0 : i32
    %sign3A_29 = arith.cmpi sgt, %add3A_4, %sign3A : i32
    %sign3A_30 = arith.extui %sign3A_29 : i1 to i32
    %sign3A_31 = arith.constant 0 : i32
    %sign3A_32 = arith.cmpi slt, %add3A_4, %sign3A_31 : i32
    %sign3A_33 = arith.extui %sign3A_32 : i1 to i32
    %sign3A_34 = arith.subi %sign3A_30, %sign3A_33 : i32
    %sign3A_35 = arith.constant 0 : i32
    %sign3A_36 = arith.cmpi sgt, %jit3A, %sign3A_35 : i32
    %sign3A_37 = arith.extui %sign3A_36 : i1 to i32
    %sign3A_38 = arith.constant 0 : i32
    %sign3A_39 = arith.cmpi slt, %jit3A, %sign3A_38 : i32
    %sign3A_40 = arith.extui %sign3A_39 : i1 to i32
    %sign3A_41 = arith.subi %sign3A_37, %sign3A_40 : i32
    %ne3A = arith.cmpi ne, %sign3A_34, %sign3A_41 : i32
    %rem3A = arith.remsi %add3A_4, %jit3A : i32
    %ne3A_42 = arith.constant 0 : i32
    %ne3A_43 = arith.cmpi ne, %rem3A, %ne3A_42 : i32
    %and3A = arith.andi %ne3A, %ne3A_43 : i1
    %sub3A = arith.constant 1 : i32
    %sub3A_44 = arith.subi %div3A, %sub3A : i32
    %select_n3A = arith.select %and3A, %sub3A_44, %div3A : i32
    %dma_start3A = arith.constant 0 : i32
    %dma_start3A_45 = tpu.memref_slice %arg4[%select_n3A, %dma_start3A] : memref<8192x128xf32, #tpu.memory_space<hbm>> -> memref<16x128xf32, #tpu.memory_space<hbm>>
    %dma_start3A_46 = arith.constant 0 : i32
    %dma_start3A_47 = tpu.memref_slice %arg4[%select_n3A, %dma_start3A_46] : memref<8192x128xf32, #tpu.memory_space<hbm>> -> memref<16x128xf32, #tpu.memory_space<hbm>>
    tpu.enqueue_dma source(%dma_start3A_47 : memref<16x128xf32, #tpu.memory_space<hbm>>) target(%arg11 : memref<16x128xf32, #tpu.memory_space<vmem>>) target_semaphore(%arg19 : memref<!tpu.dma_semaphore, #tpu.memory_space<semaphore_mem>>)
    %dma_start3A_48 = arith.constant 0 : i32
    %dma_start3A_49 = arith.constant 0 : i32
    %dma_start3A_50 = tpu.memref_slice %arg5[%dma_start3A_48, %dma_start3A_49] : memref<1000000x64xf32, #tpu.memory_space<hbm>> -> memref<1000000x64xf32, #tpu.memory_space<hbm>>
    tpu.enqueue_indirect_dma source(%dma_start3A_50 : memref<1000000x64xf32, #tpu.memory_space<hbm>>) target(%arg13 : memref<32x64xf32, #tpu.memory_space<vmem>>) offsets(%arg7 : memref<32xi32, #tpu.memory_space<vmem>>) semaphore(%arg19 : memref<!tpu.dma_semaphore, #tpu.memory_space<semaphore_mem>>)
    %dma_start3A_51 = arith.constant 0 : i32
    %dma_start3A_52 = arith.constant 0 : i32
    %dma_start3A_53 = arith.constant 0 : i32
    %dma_start3A_54 = tpu.memref_slice %arg15[%dma_start3A_52, %dma_start3A_53] : memref<640x64xf32, #tpu.memory_space<vmem>> -> memref<128x64xf32, #tpu.memory_space<vmem>>
    %dma_start3A_55 = arith.constant 0 : i32
    %dma_start3A_56 = tpu.memref_slice %arg9[%dma_start3A_51, %dma_start3A_55] : memref<5x128xi32, #tpu.memory_space<vmem>> -> memref<1x128xi32, #tpu.memory_space<vmem>>
    %dma_start3A_57 = tpu.memref_squeeze %dma_start3A_56 : memref<1x128xi32, #tpu.memory_space<vmem>> -> memref<128xi32, #tpu.memory_space<vmem>>
    %dma_start3A_58 = arith.constant 0 : i32
    %dma_start3A_59 = arith.constant 0 : i32
    %dma_start3A_60 = tpu.memref_slice %arg5[%dma_start3A_58, %dma_start3A_59] : memref<1000000x64xf32, #tpu.memory_space<hbm>> -> memref<1000000x64xf32, #tpu.memory_space<hbm>>
    tpu.enqueue_indirect_dma source(%dma_start3A_60 : memref<1000000x64xf32, #tpu.memory_space<hbm>>) target(%dma_start3A_54 : memref<128x64xf32, #tpu.memory_space<vmem>>) offsets(%dma_start3A_57 : memref<128xi32, #tpu.memory_space<vmem>>) semaphore(%arg19 : memref<!tpu.dma_semaphore, #tpu.memory_space<semaphore_mem>>)
    %dma_start3A_61 = arith.constant 1 : i32
    %dma_start3A_62 = arith.constant 128 : i32
    %dma_start3A_63 = arith.constant 0 : i32
    %dma_start3A_64 = tpu.memref_slice %arg15[%dma_start3A_62, %dma_start3A_63] : memref<640x64xf32, #tpu.memory_space<vmem>> -> memref<128x64xf32, #tpu.memory_space<vmem>>
    %dma_start3A_65 = arith.constant 0 : i32
    %dma_start3A_66 = tpu.memref_slice %arg9[%dma_start3A_61, %dma_start3A_65] : memref<5x128xi32, #tpu.memory_space<vmem>> -> memref<1x128xi32, #tpu.memory_space<vmem>>
    %dma_start3A_67 = tpu.memref_squeeze %dma_start3A_66 : memref<1x128xi32, #tpu.memory_space<vmem>> -> memref<128xi32, #tpu.memory_space<vmem>>
    %dma_start3A_68 = arith.constant 0 : i32
    %dma_start3A_69 = arith.constant 0 : i32
    %dma_start3A_70 = tpu.memref_slice %arg5[%dma_start3A_68, %dma_start3A_69] : memref<1000000x64xf32, #tpu.memory_space<hbm>> -> memref<1000000x64xf32, #tpu.memory_space<hbm>>
    tpu.enqueue_indirect_dma source(%dma_start3A_70 : memref<1000000x64xf32, #tpu.memory_space<hbm>>) target(%dma_start3A_64 : memref<128x64xf32, #tpu.memory_space<vmem>>) offsets(%dma_start3A_67 : memref<128xi32, #tpu.memory_space<vmem>>) semaphore(%arg19 : memref<!tpu.dma_semaphore, #tpu.memory_space<semaphore_mem>>)
    %dma_start3A_71 = arith.constant 2 : i32
    %dma_start3A_72 = arith.constant 256 : i32
    %dma_start3A_73 = arith.constant 0 : i32
    %dma_start3A_74 = tpu.memref_slice %arg15[%dma_start3A_72, %dma_start3A_73] : memref<640x64xf32, #tpu.memory_space<vmem>> -> memref<128x64xf32, #tpu.memory_space<vmem>>
    %dma_start3A_75 = arith.constant 0 : i32
    %dma_start3A_76 = tpu.memref_slice %arg9[%dma_start3A_71, %dma_start3A_75] : memref<5x128xi32, #tpu.memory_space<vmem>> -> memref<1x128xi32, #tpu.memory_space<vmem>>
    %dma_start3A_77 = tpu.memref_squeeze %dma_start3A_76 : memref<1x128xi32, #tpu.memory_space<vmem>> -> memref<128xi32, #tpu.memory_space<vmem>>
    %dma_start3A_78 = arith.constant 0 : i32
    %dma_start3A_79 = arith.constant 0 : i32
    %dma_start3A_80 = tpu.memref_slice %arg5[%dma_start3A_78, %dma_start3A_79] : memref<1000000x64xf32, #tpu.memory_space<hbm>> -> memref<1000000x64xf32, #tpu.memory_space<hbm>>
    tpu.enqueue_indirect_dma source(%dma_start3A_80 : memref<1000000x64xf32, #tpu.memory_space<hbm>>) target(%dma_start3A_74 : memref<128x64xf32, #tpu.memory_space<vmem>>) offsets(%dma_start3A_77 : memref<128xi32, #tpu.memory_space<vmem>>) semaphore(%arg19 : memref<!tpu.dma_semaphore, #tpu.memory_space<semaphore_mem>>)
    %dma_start3A_81 = arith.constant 3 : i32
    %dma_start3A_82 = arith.constant 384 : i32
    %dma_start3A_83 = arith.constant 0 : i32
    %dma_start3A_84 = tpu.memref_slice %arg15[%dma_start3A_82, %dma_start3A_83] : memref<640x64xf32, #tpu.memory_space<vmem>> -> memref<128x64xf32, #tpu.memory_space<vmem>>
    %dma_start3A_85 = arith.constant 0 : i32
    %dma_start3A_86 = tpu.memref_slice %arg9[%dma_start3A_81, %dma_start3A_85] : memref<5x128xi32, #tpu.memory_space<vmem>> -> memref<1x128xi32, #tpu.memory_space<vmem>>
    %dma_start3A_87 = tpu.memref_squeeze %dma_start3A_86 : memref<1x128xi32, #tpu.memory_space<vmem>> -> memref<128xi32, #tpu.memory_space<vmem>>
    %dma_start3A_88 = arith.constant 0 : i32
    %dma_start3A_89 = arith.constant 0 : i32
    %dma_start3A_90 = tpu.memref_slice %arg5[%dma_start3A_88, %dma_start3A_89] : memref<1000000x64xf32, #tpu.memory_space<hbm>> -> memref<1000000x64xf32, #tpu.memory_space<hbm>>
    tpu.enqueue_indirect_dma source(%dma_start3A_90 : memref<1000000x64xf32, #tpu.memory_space<hbm>>) target(%dma_start3A_84 : memref<128x64xf32, #tpu.memory_space<vmem>>) offsets(%dma_start3A_87 : memref<128xi32, #tpu.memory_space<vmem>>) semaphore(%arg19 : memref<!tpu.dma_semaphore, #tpu.memory_space<semaphore_mem>>)
    %dma_start3A_91 = arith.constant 4 : i32
    %dma_start3A_92 = arith.constant 512 : i32
    %dma_start3A_93 = arith.constant 0 : i32
    %dma_start3A_94 = tpu.memref_slice %arg15[%dma_start3A_92, %dma_start3A_93] : memref<640x64xf32, #tpu.memory_space<vmem>> -> memref<128x64xf32, #tpu.memory_space<vmem>>
    %dma_start3A_95 = arith.constant 0 : i32
    %dma_start3A_96 = tpu.memref_slice %arg9[%dma_start3A_91, %dma_start3A_95] : memref<5x128xi32, #tpu.memory_space<vmem>> -> memref<1x128xi32, #tpu.memory_space<vmem>>
    %dma_start3A_97 = tpu.memref_squeeze %dma_start3A_96 : memref<1x128xi32, #tpu.memory_space<vmem>> -> memref<128xi32, #tpu.memory_space<vmem>>
    %dma_start3A_98 = arith.constant 0 : i32
    %dma_start3A_99 = arith.constant 0 : i32
    %dma_start3A_100 = tpu.memref_slice %arg5[%dma_start3A_98, %dma_start3A_99] : memref<1000000x64xf32, #tpu.memory_space<hbm>> -> memref<1000000x64xf32, #tpu.memory_space<hbm>>
    tpu.enqueue_indirect_dma source(%dma_start3A_100 : memref<1000000x64xf32, #tpu.memory_space<hbm>>) target(%dma_start3A_94 : memref<128x64xf32, #tpu.memory_space<vmem>>) offsets(%dma_start3A_97 : memref<128xi32, #tpu.memory_space<vmem>>) semaphore(%arg19 : memref<!tpu.dma_semaphore, #tpu.memory_space<semaphore_mem>>)
    %scan3A = arith.constant 0 : i32
    %scan3A_101 = arith.constant 0 : i32
    %scan3A_102 = arith.constant 8 : i32
    %scan3A_103 = arith.addi %scan3A_101, %scan3A_102 : i32
    %scan3A_104 = arith.constant 1 : i32
    scf.for %scan3A_106 = %scan3A_101 to %scan3A_103 step %scan3A_104  : i32 {
      %mul3A_107 = arith.constant 2 : i32
      %mul3A_108 = arith.muli %scan3A_106, %mul3A_107 : i32
      %add3A_109 = arith.constant 1 : i32
      %add3A_110 = arith.addi %mul3A_108, %add3A_109 : i32
      %mul3A_111 = arith.constant 32 : i32
      %mul3A_112 = arith.muli %add3A_110, %mul3A_111 : i32
      %add3A_113 = arith.addi %mul3A_2, %mul3A_112 : i32
      "tpu.region"() ({
        %run_scoped3A_363 = tpu.sem_alloc : memref<!tpu.dma_semaphore, #tpu.memory_space<semaphore_mem>>
        %dma_start3A_364 = tpu.memref_slice %arg2[%add3A_113] : memref<16384xi32, #tpu.memory_space<hbm>> -> memref<32xi32, #tpu.memory_space<hbm>>
        %dma_start3A_365 = tpu.memref_slice %arg2[%add3A_113] : memref<16384xi32, #tpu.memory_space<hbm>> -> memref<32xi32, #tpu.memory_space<hbm>>
        tpu.enqueue_dma source(%dma_start3A_365 : memref<32xi32, #tpu.memory_space<hbm>>) target(%arg8 : memref<32xi32, #tpu.memory_space<vmem>>) target_semaphore(%run_scoped3A_363 : memref<!tpu.dma_semaphore, #tpu.memory_space<semaphore_mem>>)
        %dma_wait3A_366 = tpu.memref_slice %arg2[%add3A_113] : memref<16384xi32, #tpu.memory_space<hbm>> -> memref<32xi32, #tpu.memory_space<hbm>>
        %dma_wait3A_367 = tpu.memref_slice %arg2[%add3A_113] : memref<16384xi32, #tpu.memory_space<hbm>> -> memref<32xi32, #tpu.memory_space<hbm>>
        tpu.wait_dma2 semaphore(%run_scoped3A_363 : memref<!tpu.dma_semaphore, #tpu.memory_space<semaphore_mem>>) src(%dma_wait3A_367 : memref<32xi32, #tpu.memory_space<hbm>>) dst(%arg8 : memref<32xi32, #tpu.memory_space<vmem>>)
        tpu.yield
      }) : () -> ()
      %mul3A_114 = arith.constant 20 : i32
      %mul3A_115 = arith.muli %add3A_113, %mul3A_114 : i32
      %add3A_116 = arith.constant 0 : i32
      %add3A_117 = arith.addi %mul3A_115, %add3A_116 : i32
      %run_scoped3A_118 = arith.constant 0 : i32
      "tpu.region"() ({
        %run_scoped3A_363 = tpu.sem_alloc : memref<!tpu.dma_semaphore, #tpu.memory_space<semaphore_mem>>
        %dma_start3A_364 = arith.constant 0 : i32
        %dma_start3A_365 = tpu.memref_slice %arg10[%run_scoped3A_118, %dma_start3A_364] : memref<5x128xi32, #tpu.memory_space<vmem>> -> memref<1x128xi32, #tpu.memory_space<vmem>>
        %dma_start3A_366 = tpu.memref_squeeze %dma_start3A_365 : memref<1x128xi32, #tpu.memory_space<vmem>> -> memref<128xi32, #tpu.memory_space<vmem>>
        %dma_start3A_367 = tpu.memref_slice %arg3[%add3A_117] : memref<327680xi32, #tpu.memory_space<hbm>> -> memref<128xi32, #tpu.memory_space<hbm>>
        %dma_start3A_368 = arith.constant 0 : i32
        %dma_start3A_369 = tpu.memref_slice %arg10[%run_scoped3A_118, %dma_start3A_368] : memref<5x128xi32, #tpu.memory_space<vmem>> -> memref<1x128xi32, #tpu.memory_space<vmem>>
        %dma_start3A_370 = tpu.memref_squeeze %dma_start3A_369 : memref<1x128xi32, #tpu.memory_space<vmem>> -> memref<128xi32, #tpu.memory_space<vmem>>
        %dma_start3A_371 = tpu.memref_slice %arg3[%add3A_117] : memref<327680xi32, #tpu.memory_space<hbm>> -> memref<128xi32, #tpu.memory_space<hbm>>
        tpu.enqueue_dma source(%dma_start3A_371 : memref<128xi32, #tpu.memory_space<hbm>>) target(%dma_start3A_370 : memref<128xi32, #tpu.memory_space<vmem>>) target_semaphore(%run_scoped3A_363 : memref<!tpu.dma_semaphore, #tpu.memory_space<semaphore_mem>>)
        %dma_wait3A_372 = arith.constant 0 : i32
        %dma_wait3A_373 = tpu.memref_slice %arg10[%run_scoped3A_118, %dma_wait3A_372] : memref<5x128xi32, #tpu.memory_space<vmem>> -> memref<1x128xi32, #tpu.memory_space<vmem>>
        %dma_wait3A_374 = tpu.memref_squeeze %dma_wait3A_373 : memref<1x128xi32, #tpu.memory_space<vmem>> -> memref<128xi32, #tpu.memory_space<vmem>>
        %dma_wait3A_375 = tpu.memref_slice %arg3[%add3A_117] : memref<327680xi32, #tpu.memory_space<hbm>> -> memref<128xi32, #tpu.memory_space<hbm>>
        %dma_wait3A_376 = arith.constant 0 : i32
        %dma_wait3A_377 = tpu.memref_slice %arg10[%run_scoped3A_118, %dma_wait3A_376] : memref<5x128xi32, #tpu.memory_space<vmem>> -> memref<1x128xi32, #tpu.memory_space<vmem>>
        %dma_wait3A_378 = tpu.memref_squeeze %dma_wait3A_377 : memref<1x128xi32, #tpu.memory_space<vmem>> -> memref<128xi32, #tpu.memory_space<vmem>>
        %dma_wait3A_379 = tpu.memref_slice %arg3[%add3A_117] : memref<327680xi32, #tpu.memory_space<hbm>> -> memref<128xi32, #tpu.memory_space<hbm>>
        tpu.wait_dma2 semaphore(%run_scoped3A_363 : memref<!tpu.dma_semaphore, #tpu.memory_space<semaphore_mem>>) src(%dma_wait3A_379 : memref<128xi32, #tpu.memory_space<hbm>>) dst(%dma_wait3A_378 : memref<128xi32, #tpu.memory_space<vmem>>)
        tpu.yield
      }) : () -> ()
      %mul3A_119 = arith.constant 20 : i32
      %mul3A_120 = arith.muli %add3A_113, %mul3A_119 : i32
      %add3A_121 = arith.constant 128 : i32
      %add3A_122 = arith.addi %mul3A_120, %add3A_121 : i32
      %run_scoped3A_123 = arith.constant 1 : i32
      "tpu.region"() ({
        %run_scoped3A_363 = tpu.sem_alloc : memref<!tpu.dma_semaphore, #tpu.memory_space<semaphore_mem>>
        %dma_start3A_364 = arith.constant 0 : i32
        %dma_start3A_365 = tpu.memref_slice %arg10[%run_scoped3A_123, %dma_start3A_364] : memref<5x128xi32, #tpu.memory_space<vmem>> -> memref<1x128xi32, #tpu.memory_space<vmem>>
        %dma_start3A_366 = tpu.memref_squeeze %dma_start3A_365 : memref<1x128xi32, #tpu.memory_space<vmem>> -> memref<128xi32, #tpu.memory_space<vmem>>
        %dma_start3A_367 = tpu.memref_slice %arg3[%add3A_122] : memref<327680xi32, #tpu.memory_space<hbm>> -> memref<128xi32, #tpu.memory_space<hbm>>
        %dma_start3A_368 = arith.constant 0 : i32
        %dma_start3A_369 = tpu.memref_slice %arg10[%run_scoped3A_123, %dma_start3A_368] : memref<5x128xi32, #tpu.memory_space<vmem>> -> memref<1x128xi32, #tpu.memory_space<vmem>>
        %dma_start3A_370 = tpu.memref_squeeze %dma_start3A_369 : memref<1x128xi32, #tpu.memory_space<vmem>> -> memref<128xi32, #tpu.memory_space<vmem>>
        %dma_start3A_371 = tpu.memref_slice %arg3[%add3A_122] : memref<327680xi32, #tpu.memory_space<hbm>> -> memref<128xi32, #tpu.memory_space<hbm>>
        tpu.enqueue_dma source(%dma_start3A_371 : memref<128xi32, #tpu.memory_space<hbm>>) target(%dma_start3A_370 : memref<128xi32, #tpu.memory_space<vmem>>) target_semaphore(%run_scoped3A_363 : memref<!tpu.dma_semaphore, #tpu.memory_space<semaphore_mem>>)
        %dma_wait3A_372 = arith.constant 0 : i32
        %dma_wait3A_373 = tpu.memref_slice %arg10[%run_scoped3A_123, %dma_wait3A_372] : memref<5x128xi32, #tpu.memory_space<vmem>> -> memref<1x128xi32, #tpu.memory_space<vmem>>
        %dma_wait3A_374 = tpu.memref_squeeze %dma_wait3A_373 : memref<1x128xi32, #tpu.memory_space<vmem>> -> memref<128xi32, #tpu.memory_space<vmem>>
        %dma_wait3A_375 = tpu.memref_slice %arg3[%add3A_122] : memref<327680xi32, #tpu.memory_space<hbm>> -> memref<128xi32, #tpu.memory_space<hbm>>
        %dma_wait3A_376 = arith.constant 0 : i32
        %dma_wait3A_377 = tpu.memref_slice %arg10[%run_scoped3A_123, %dma_wait3A_376] : memref<5x128xi32, #tpu.memory_space<vmem>> -> memref<1x128xi32, #tpu.memory_space<vmem>>
        %dma_wait3A_378 = tpu.memref_squeeze %dma_wait3A_377 : memref<1x128xi32, #tpu.memory_space<vmem>> -> memref<128xi32, #tpu.memory_space<vmem>>
        %dma_wait3A_379 = tpu.memref_slice %arg3[%add3A_122] : memref<327680xi32, #tpu.memory_space<hbm>> -> memref<128xi32, #tpu.memory_space<hbm>>
        tpu.wait_dma2 semaphore(%run_scoped3A_363 : memref<!tpu.dma_semaphore, #tpu.memory_space<semaphore_mem>>) src(%dma_wait3A_379 : memref<128xi32, #tpu.memory_space<hbm>>) dst(%dma_wait3A_378 : memref<128xi32, #tpu.memory_space<vmem>>)
        tpu.yield
      }) : () -> ()
      %mul3A_124 = arith.constant 20 : i32
      %mul3A_125 = arith.muli %add3A_113, %mul3A_124 : i32
      %add3A_126 = arith.constant 256 : i32
      %add3A_127 = arith.addi %mul3A_125, %add3A_126 : i32
      %run_scoped3A_128 = arith.constant 2 : i32
      "tpu.region"() ({
        %run_scoped3A_363 = tpu.sem_alloc : memref<!tpu.dma_semaphore, #tpu.memory_space<semaphore_mem>>
        %dma_start3A_364 = arith.constant 0 : i32
        %dma_start3A_365 = tpu.memref_slice %arg10[%run_scoped3A_128, %dma_start3A_364] : memref<5x128xi32, #tpu.memory_space<vmem>> -> memref<1x128xi32, #tpu.memory_space<vmem>>
        %dma_start3A_366 = tpu.memref_squeeze %dma_start3A_365 : memref<1x128xi32, #tpu.memory_space<vmem>> -> memref<128xi32, #tpu.memory_space<vmem>>
        %dma_start3A_367 = tpu.memref_slice %arg3[%add3A_127] : memref<327680xi32, #tpu.memory_space<hbm>> -> memref<128xi32, #tpu.memory_space<hbm>>
        %dma_start3A_368 = arith.constant 0 : i32
        %dma_start3A_369 = tpu.memref_slice %arg10[%run_scoped3A_128, %dma_start3A_368] : memref<5x128xi32, #tpu.memory_space<vmem>> -> memref<1x128xi32, #tpu.memory_space<vmem>>
        %dma_start3A_370 = tpu.memref_squeeze %dma_start3A_369 : memref<1x128xi32, #tpu.memory_space<vmem>> -> memref<128xi32, #tpu.memory_space<vmem>>
        %dma_start3A_371 = tpu.memref_slice %arg3[%add3A_127] : memref<327680xi32, #tpu.memory_space<hbm>> -> memref<128xi32, #tpu.memory_space<hbm>>
        tpu.enqueue_dma source(%dma_start3A_371 : memref<128xi32, #tpu.memory_space<hbm>>) target(%dma_start3A_370 : memref<128xi32, #tpu.memory_space<vmem>>) target_semaphore(%run_scoped3A_363 : memref<!tpu.dma_semaphore, #tpu.memory_space<semaphore_mem>>)
        %dma_wait3A_372 = arith.constant 0 : i32
        %dma_wait3A_373 = tpu.memref_slice %arg10[%run_scoped3A_128, %dma_wait3A_372] : memref<5x128xi32, #tpu.memory_space<vmem>> -> memref<1x128xi32, #tpu.memory_space<vmem>>
        %dma_wait3A_374 = tpu.memref_squeeze %dma_wait3A_373 : memref<1x128xi32, #tpu.memory_space<vmem>> -> memref<128xi32, #tpu.memory_space<vmem>>
        %dma_wait3A_375 = tpu.memref_slice %arg3[%add3A_127] : memref<327680xi32, #tpu.memory_space<hbm>> -> memref<128xi32, #tpu.memory_space<hbm>>
        %dma_wait3A_376 = arith.constant 0 : i32
        %dma_wait3A_377 = tpu.memref_slice %arg10[%run_scoped3A_128, %dma_wait3A_376] : memref<5x128xi32, #tpu.memory_space<vmem>> -> memref<1x128xi32, #tpu.memory_space<vmem>>
        %dma_wait3A_378 = tpu.memref_squeeze %dma_wait3A_377 : memref<1x128xi32, #tpu.memory_space<vmem>> -> memref<128xi32, #tpu.memory_space<vmem>>
        %dma_wait3A_379 = tpu.memref_slice %arg3[%add3A_127] : memref<327680xi32, #tpu.memory_space<hbm>> -> memref<128xi32, #tpu.memory_space<hbm>>
        tpu.wait_dma2 semaphore(%run_scoped3A_363 : memref<!tpu.dma_semaphore, #tpu.memory_space<semaphore_mem>>) src(%dma_wait3A_379 : memref<128xi32, #tpu.memory_space<hbm>>) dst(%dma_wait3A_378 : memref<128xi32, #tpu.memory_space<vmem>>)
        tpu.yield
      }) : () -> ()
      %mul3A_129 = arith.constant 20 : i32
      %mul3A_130 = arith.muli %add3A_113, %mul3A_129 : i32
      %add3A_131 = arith.constant 384 : i32
      %add3A_132 = arith.addi %mul3A_130, %add3A_131 : i32
      %run_scoped3A_133 = arith.constant 3 : i32
      "tpu.region"() ({
        %run_scoped3A_363 = tpu.sem_alloc : memref<!tpu.dma_semaphore, #tpu.memory_space<semaphore_mem>>
        %dma_start3A_364 = arith.constant 0 : i32
        %dma_start3A_365 = tpu.memref_slice %arg10[%run_scoped3A_133, %dma_start3A_364] : memref<5x128xi32, #tpu.memory_space<vmem>> -> memref<1x128xi32, #tpu.memory_space<vmem>>
        %dma_start3A_366 = tpu.memref_squeeze %dma_start3A_365 : memref<1x128xi32, #tpu.memory_space<vmem>> -> memref<128xi32, #tpu.memory_space<vmem>>
        %dma_start3A_367 = tpu.memref_slice %arg3[%add3A_132] : memref<327680xi32, #tpu.memory_space<hbm>> -> memref<128xi32, #tpu.memory_space<hbm>>
        %dma_start3A_368 = arith.constant 0 : i32
        %dma_start3A_369 = tpu.memref_slice %arg10[%run_scoped3A_133, %dma_start3A_368] : memref<5x128xi32, #tpu.memory_space<vmem>> -> memref<1x128xi32, #tpu.memory_space<vmem>>
        %dma_start3A_370 = tpu.memref_squeeze %dma_start3A_369 : memref<1x128xi32, #tpu.memory_space<vmem>> -> memref<128xi32, #tpu.memory_space<vmem>>
        %dma_start3A_371 = tpu.memref_slice %arg3[%add3A_132] : memref<327680xi32, #tpu.memory_space<hbm>> -> memref<128xi32, #tpu.memory_space<hbm>>
        tpu.enqueue_dma source(%dma_start3A_371 : memref<128xi32, #tpu.memory_space<hbm>>) target(%dma_start3A_370 : memref<128xi32, #tpu.memory_space<vmem>>) target_semaphore(%run_scoped3A_363 : memref<!tpu.dma_semaphore, #tpu.memory_space<semaphore_mem>>)
        %dma_wait3A_372 = arith.constant 0 : i32
        %dma_wait3A_373 = tpu.memref_slice %arg10[%run_scoped3A_133, %dma_wait3A_372] : memref<5x128xi32, #tpu.memory_space<vmem>> -> memref<1x128xi32, #tpu.memory_space<vmem>>
        %dma_wait3A_374 = tpu.memref_squeeze %dma_wait3A_373 : memref<1x128xi32, #tpu.memory_space<vmem>> -> memref<128xi32, #tpu.memory_space<vmem>>
        %dma_wait3A_375 = tpu.memref_slice %arg3[%add3A_132] : memref<327680xi32, #tpu.memory_space<hbm>> -> memref<128xi32, #tpu.memory_space<hbm>>
        %dma_wait3A_376 = arith.constant 0 : i32
        %dma_wait3A_377 = tpu.memref_slice %arg10[%run_scoped3A_133, %dma_wait3A_376] : memref<5x128xi32, #tpu.memory_space<vmem>> -> memref<1x128xi32, #tpu.memory_space<vmem>>
        %dma_wait3A_378 = tpu.memref_squeeze %dma_wait3A_377 : memref<1x128xi32, #tpu.memory_space<vmem>> -> memref<128xi32, #tpu.memory_space<vmem>>
        %dma_wait3A_379 = tpu.memref_slice %arg3[%add3A_132] : memref<327680xi32, #tpu.memory_space<hbm>> -> memref<128xi32, #tpu.memory_space<hbm>>
        tpu.wait_dma2 semaphore(%run_scoped3A_363 : memref<!tpu.dma_semaphore, #tpu.memory_space<semaphore_mem>>) src(%dma_wait3A_379 : memref<128xi32, #tpu.memory_space<hbm>>) dst(%dma_wait3A_378 : memref<128xi32, #tpu.memory_space<vmem>>)
        tpu.yield
      }) : () -> ()
      %mul3A_134 = arith.constant 20 : i32
      %mul3A_135 = arith.muli %add3A_113, %mul3A_134 : i32
      %add3A_136 = arith.constant 512 : i32
      %add3A_137 = arith.addi %mul3A_135, %add3A_136 : i32
      %run_scoped3A_138 = arith.constant 4 : i32
      "tpu.region"() ({
        %run_scoped3A_363 = tpu.sem_alloc : memref<!tpu.dma_semaphore, #tpu.memory_space<semaphore_mem>>
        %dma_start3A_364 = arith.constant 0 : i32
        %dma_start3A_365 = tpu.memref_slice %arg10[%run_scoped3A_138, %dma_start3A_364] : memref<5x128xi32, #tpu.memory_space<vmem>> -> memref<1x128xi32, #tpu.memory_space<vmem>>
        %dma_start3A_366 = tpu.memref_squeeze %dma_start3A_365 : memref<1x128xi32, #tpu.memory_space<vmem>> -> memref<128xi32, #tpu.memory_space<vmem>>
        %dma_start3A_367 = tpu.memref_slice %arg3[%add3A_137] : memref<327680xi32, #tpu.memory_space<hbm>> -> memref<128xi32, #tpu.memory_space<hbm>>
        %dma_start3A_368 = arith.constant 0 : i32
        %dma_start3A_369 = tpu.memref_slice %arg10[%run_scoped3A_138, %dma_start3A_368] : memref<5x128xi32, #tpu.memory_space<vmem>> -> memref<1x128xi32, #tpu.memory_space<vmem>>
        %dma_start3A_370 = tpu.memref_squeeze %dma_start3A_369 : memref<1x128xi32, #tpu.memory_space<vmem>> -> memref<128xi32, #tpu.memory_space<vmem>>
        %dma_start3A_371 = tpu.memref_slice %arg3[%add3A_137] : memref<327680xi32, #tpu.memory_space<hbm>> -> memref<128xi32, #tpu.memory_space<hbm>>
        tpu.enqueue_dma source(%dma_start3A_371 : memref<128xi32, #tpu.memory_space<hbm>>) target(%dma_start3A_370 : memref<128xi32, #tpu.memory_space<vmem>>) target_semaphore(%run_scoped3A_363 : memref<!tpu.dma_semaphore, #tpu.memory_space<semaphore_mem>>)
        %dma_wait3A_372 = arith.constant 0 : i32
        %dma_wait3A_373 = tpu.memref_slice %arg10[%run_scoped3A_138, %dma_wait3A_372] : memref<5x128xi32, #tpu.memory_space<vmem>> -> memref<1x128xi32, #tpu.memory_space<vmem>>
        %dma_wait3A_374 = tpu.memref_squeeze %dma_wait3A_373 : memref<1x128xi32, #tpu.memory_space<vmem>> -> memref<128xi32, #tpu.memory_space<vmem>>
        %dma_wait3A_375 = tpu.memref_slice %arg3[%add3A_137] : memref<327680xi32, #tpu.memory_space<hbm>> -> memref<128xi32, #tpu.memory_space<hbm>>
        %dma_wait3A_376 = arith.constant 0 : i32
        %dma_wait3A_377 = tpu.memref_slice %arg10[%run_scoped3A_138, %dma_wait3A_376] : memref<5x128xi32, #tpu.memory_space<vmem>> -> memref<1x128xi32, #tpu.memory_space<vmem>>
        %dma_wait3A_378 = tpu.memref_squeeze %dma_wait3A_377 : memref<1x128xi32, #tpu.memory_space<vmem>> -> memref<128xi32, #tpu.memory_space<vmem>>
        %dma_wait3A_379 = tpu.memref_slice %arg3[%add3A_137] : memref<327680xi32, #tpu.memory_space<hbm>> -> memref<128xi32, #tpu.memory_space<hbm>>
        tpu.wait_dma2 semaphore(%run_scoped3A_363 : memref<!tpu.dma_semaphore, #tpu.memory_space<semaphore_mem>>) src(%dma_wait3A_379 : memref<128xi32, #tpu.memory_space<hbm>>) dst(%dma_wait3A_378 : memref<128xi32, #tpu.memory_space<vmem>>)
        tpu.yield
      }) : () -> ()
      %jit3A_139 = arith.constant 2 : i32
      %div3A_140 = arith.divsi %add3A_113, %jit3A_139 : i32
      %sign3A_141 = arith.constant 0 : i32
      %sign3A_142 = arith.cmpi sgt, %add3A_113, %sign3A_141 : i32
      %sign3A_143 = arith.extui %sign3A_142 : i1 to i32
      %sign3A_144 = arith.constant 0 : i32
      %sign3A_145 = arith.cmpi slt, %add3A_113, %sign3A_144 : i32
      %sign3A_146 = arith.extui %sign3A_145 : i1 to i32
      %sign3A_147 = arith.subi %sign3A_143, %sign3A_146 : i32
      %sign3A_148 = arith.constant 0 : i32
      %sign3A_149 = arith.cmpi sgt, %jit3A_139, %sign3A_148 : i32
      %sign3A_150 = arith.extui %sign3A_149 : i1 to i32
      %sign3A_151 = arith.constant 0 : i32
      %sign3A_152 = arith.cmpi slt, %jit3A_139, %sign3A_151 : i32
      %sign3A_153 = arith.extui %sign3A_152 : i1 to i32
      %sign3A_154 = arith.subi %sign3A_150, %sign3A_153 : i32
      %ne3A_155 = arith.cmpi ne, %sign3A_147, %sign3A_154 : i32
      %rem3A_156 = arith.remsi %add3A_113, %jit3A_139 : i32
      %ne3A_157 = arith.constant 0 : i32
      %ne3A_158 = arith.cmpi ne, %rem3A_156, %ne3A_157 : i32
      %and3A_159 = arith.andi %ne3A_155, %ne3A_158 : i1
      %sub3A_160 = arith.constant 1 : i32
      %sub3A_161 = arith.subi %div3A_140, %sub3A_160 : i32
      %select_n3A_162 = arith.select %and3A_159, %sub3A_161, %div3A_140 : i32
      %dma_start3A_163 = arith.constant 0 : i32
      %dma_start3A_164 = tpu.memref_slice %arg4[%select_n3A_162, %dma_start3A_163] : memref<8192x128xf32, #tpu.memory_space<hbm>> -> memref<16x128xf32, #tpu.memory_space<hbm>>
      %dma_start3A_165 = arith.constant 0 : i32
      %dma_start3A_166 = tpu.memref_slice %arg4[%select_n3A_162, %dma_start3A_165] : memref<8192x128xf32, #tpu.memory_space<hbm>> -> memref<16x128xf32, #tpu.memory_space<hbm>>
      tpu.enqueue_dma source(%dma_start3A_166 : memref<16x128xf32, #tpu.memory_space<hbm>>) target(%arg12 : memref<16x128xf32, #tpu.memory_space<vmem>>) target_semaphore(%arg20 : memref<!tpu.dma_semaphore, #tpu.memory_space<semaphore_mem>>)
      %dma_start3A_167 = arith.constant 0 : i32
      %dma_start3A_168 = arith.constant 0 : i32
      %dma_start3A_169 = tpu.memref_slice %arg5[%dma_start3A_167, %dma_start3A_168] : memref<1000000x64xf32, #tpu.memory_space<hbm>> -> memref<1000000x64xf32, #tpu.memory_space<hbm>>
      tpu.enqueue_indirect_dma source(%dma_start3A_169 : memref<1000000x64xf32, #tpu.memory_space<hbm>>) target(%arg14 : memref<32x64xf32, #tpu.memory_space<vmem>>) offsets(%arg8 : memref<32xi32, #tpu.memory_space<vmem>>) semaphore(%arg20 : memref<!tpu.dma_semaphore, #tpu.memory_space<semaphore_mem>>)
      %dma_start3A_170 = arith.constant 0 : i32
      %dma_start3A_171 = arith.constant 0 : i32
      %dma_start3A_172 = arith.constant 0 : i32
      %dma_start3A_173 = tpu.memref_slice %arg16[%dma_start3A_171, %dma_start3A_172] : memref<640x64xf32, #tpu.memory_space<vmem>> -> memref<128x64xf32, #tpu.memory_space<vmem>>
      %dma_start3A_174 = arith.constant 0 : i32
      %dma_start3A_175 = tpu.memref_slice %arg10[%dma_start3A_170, %dma_start3A_174] : memref<5x128xi32, #tpu.memory_space<vmem>> -> memref<1x128xi32, #tpu.memory_space<vmem>>
      %dma_start3A_176 = tpu.memref_squeeze %dma_start3A_175 : memref<1x128xi32, #tpu.memory_space<vmem>> -> memref<128xi32, #tpu.memory_space<vmem>>
      %dma_start3A_177 = arith.constant 0 : i32
      %dma_start3A_178 = arith.constant 0 : i32
      %dma_start3A_179 = tpu.memref_slice %arg5[%dma_start3A_177, %dma_start3A_178] : memref<1000000x64xf32, #tpu.memory_space<hbm>> -> memref<1000000x64xf32, #tpu.memory_space<hbm>>
      tpu.enqueue_indirect_dma source(%dma_start3A_179 : memref<1000000x64xf32, #tpu.memory_space<hbm>>) target(%dma_start3A_173 : memref<128x64xf32, #tpu.memory_space<vmem>>) offsets(%dma_start3A_176 : memref<128xi32, #tpu.memory_space<vmem>>) semaphore(%arg20 : memref<!tpu.dma_semaphore, #tpu.memory_space<semaphore_mem>>)
      %dma_start3A_180 = arith.constant 1 : i32
      %dma_start3A_181 = arith.constant 128 : i32
      %dma_start3A_182 = arith.constant 0 : i32
      %dma_start3A_183 = tpu.memref_slice %arg16[%dma_start3A_181, %dma_start3A_182] : memref<640x64xf32, #tpu.memory_space<vmem>> -> memref<128x64xf32, #tpu.memory_space<vmem>>
      %dma_start3A_184 = arith.constant 0 : i32
      %dma_start3A_185 = tpu.memref_slice %arg10[%dma_start3A_180, %dma_start3A_184] : memref<5x128xi32, #tpu.memory_space<vmem>> -> memref<1x128xi32, #tpu.memory_space<vmem>>
      %dma_start3A_186 = tpu.memref_squeeze %dma_start3A_185 : memref<1x128xi32, #tpu.memory_space<vmem>> -> memref<128xi32, #tpu.memory_space<vmem>>
      %dma_start3A_187 = arith.constant 0 : i32
      %dma_start3A_188 = arith.constant 0 : i32
      %dma_start3A_189 = tpu.memref_slice %arg5[%dma_start3A_187, %dma_start3A_188] : memref<1000000x64xf32, #tpu.memory_space<hbm>> -> memref<1000000x64xf32, #tpu.memory_space<hbm>>
      tpu.enqueue_indirect_dma source(%dma_start3A_189 : memref<1000000x64xf32, #tpu.memory_space<hbm>>) target(%dma_start3A_183 : memref<128x64xf32, #tpu.memory_space<vmem>>) offsets(%dma_start3A_186 : memref<128xi32, #tpu.memory_space<vmem>>) semaphore(%arg20 : memref<!tpu.dma_semaphore, #tpu.memory_space<semaphore_mem>>)
      %dma_start3A_190 = arith.constant 2 : i32
      %dma_start3A_191 = arith.constant 256 : i32
      %dma_start3A_192 = arith.constant 0 : i32
      %dma_start3A_193 = tpu.memref_slice %arg16[%dma_start3A_191, %dma_start3A_192] : memref<640x64xf32, #tpu.memory_space<vmem>> -> memref<128x64xf32, #tpu.memory_space<vmem>>
      %dma_start3A_194 = arith.constant 0 : i32
      %dma_start3A_195 = tpu.memref_slice %arg10[%dma_start3A_190, %dma_start3A_194] : memref<5x128xi32, #tpu.memory_space<vmem>> -> memref<1x128xi32, #tpu.memory_space<vmem>>
      %dma_start3A_196 = tpu.memref_squeeze %dma_start3A_195 : memref<1x128xi32, #tpu.memory_space<vmem>> -> memref<128xi32, #tpu.memory_space<vmem>>
      %dma_start3A_197 = arith.constant 0 : i32
      %dma_start3A_198 = arith.constant 0 : i32
      %dma_start3A_199 = tpu.memref_slice %arg5[%dma_start3A_197, %dma_start3A_198] : memref<1000000x64xf32, #tpu.memory_space<hbm>> -> memref<1000000x64xf32, #tpu.memory_space<hbm>>
      tpu.enqueue_indirect_dma source(%dma_start3A_199 : memref<1000000x64xf32, #tpu.memory_space<hbm>>) target(%dma_start3A_193 : memref<128x64xf32, #tpu.memory_space<vmem>>) offsets(%dma_start3A_196 : memref<128xi32, #tpu.memory_space<vmem>>) semaphore(%arg20 : memref<!tpu.dma_semaphore, #tpu.memory_space<semaphore_mem>>)
      %dma_start3A_200 = arith.constant 3 : i32
      %dma_start3A_201 = arith.constant 384 : i32
      %dma_start3A_202 = arith.constant 0 : i32
      %dma_start3A_203 = tpu.memref_slice %arg16[%dma_start3A_201, %dma_start3A_202] : memref<640x64xf32, #tpu.memory_space<vmem>> -> memref<128x64xf32, #tpu.memory_space<vmem>>
      %dma_start3A_204 = arith.constant 0 : i32
      %dma_start3A_205 = tpu.memref_slice %arg10[%dma_start3A_200, %dma_start3A_204] : memref<5x128xi32, #tpu.memory_space<vmem>> -> memref<1x128xi32, #tpu.memory_space<vmem>>
      %dma_start3A_206 = tpu.memref_squeeze %dma_start3A_205 : memref<1x128xi32, #tpu.memory_space<vmem>> -> memref<128xi32, #tpu.memory_space<vmem>>
      %dma_start3A_207 = arith.constant 0 : i32
      %dma_start3A_208 = arith.constant 0 : i32
      %dma_start3A_209 = tpu.memref_slice %arg5[%dma_start3A_207, %dma_start3A_208] : memref<1000000x64xf32, #tpu.memory_space<hbm>> -> memref<1000000x64xf32, #tpu.memory_space<hbm>>
      tpu.enqueue_indirect_dma source(%dma_start3A_209 : memref<1000000x64xf32, #tpu.memory_space<hbm>>) target(%dma_start3A_203 : memref<128x64xf32, #tpu.memory_space<vmem>>) offsets(%dma_start3A_206 : memref<128xi32, #tpu.memory_space<vmem>>) semaphore(%arg20 : memref<!tpu.dma_semaphore, #tpu.memory_space<semaphore_mem>>)
      %dma_start3A_210 = arith.constant 4 : i32
      %dma_start3A_211 = arith.constant 512 : i32
      %dma_start3A_212 = arith.constant 0 : i32
      %dma_start3A_213 = tpu.memref_slice %arg16[%dma_start3A_211, %dma_start3A_212] : memref<640x64xf32, #tpu.memory_space<vmem>> -> memref<128x64xf32, #tpu.memory_space<vmem>>
      %dma_start3A_214 = arith.constant 0 : i32
      %dma_start3A_215 = tpu.memref_slice %arg10[%dma_start3A_210, %dma_start3A_214] : memref<5x128xi32, #tpu.memory_space<vmem>> -> memref<1x128xi32, #tpu.memory_space<vmem>>
      %dma_start3A_216 = tpu.memref_squeeze %dma_start3A_215 : memref<1x128xi32, #tpu.memory_space<vmem>> -> memref<128xi32, #tpu.memory_space<vmem>>
      %dma_start3A_217 = arith.constant 0 : i32
      %dma_start3A_218 = arith.constant 0 : i32
      %dma_start3A_219 = tpu.memref_slice %arg5[%dma_start3A_217, %dma_start3A_218] : memref<1000000x64xf32, #tpu.memory_space<hbm>> -> memref<1000000x64xf32, #tpu.memory_space<hbm>>
      tpu.enqueue_indirect_dma source(%dma_start3A_219 : memref<1000000x64xf32, #tpu.memory_space<hbm>>) target(%dma_start3A_213 : memref<128x64xf32, #tpu.memory_space<vmem>>) offsets(%dma_start3A_216 : memref<128xi32, #tpu.memory_space<vmem>>) semaphore(%arg20 : memref<!tpu.dma_semaphore, #tpu.memory_space<semaphore_mem>>)
      %dma_wait3A = arith.constant 0 : i32
      %dma_wait3A_220 = arith.constant 0 : i32
      %dma_wait3A_221 = tpu.memref_slice %arg4[%dma_wait3A, %dma_wait3A_220] : memref<8192x128xf32, #tpu.memory_space<hbm>> -> memref<16x128xf32, #tpu.memory_space<hbm>>
      %dma_wait3A_222 = arith.constant 0 : i32
      %dma_wait3A_223 = arith.constant 0 : i32
      %dma_wait3A_224 = tpu.memref_slice %arg4[%dma_wait3A_222, %dma_wait3A_223] : memref<8192x128xf32, #tpu.memory_space<hbm>> -> memref<16x128xf32, #tpu.memory_space<hbm>>
      tpu.wait_dma2 semaphore(%arg19 : memref<!tpu.dma_semaphore, #tpu.memory_space<semaphore_mem>>) src(%dma_wait3A_224 : memref<16x128xf32, #tpu.memory_space<hbm>>) dst(%arg11 : memref<16x128xf32, #tpu.memory_space<vmem>>)
      %dma_wait3A_225 = arith.constant 0 : i32
      %dma_wait3A_226 = arith.constant 0 : i32
      %dma_wait3A_227 = tpu.memref_slice %arg5[%dma_wait3A_225, %dma_wait3A_226] : memref<1000000x64xf32, #tpu.memory_space<hbm>> -> memref<1000000x64xf32, #tpu.memory_space<hbm>>
      tpu.wait_indirect_dma semaphore(%arg19 : memref<!tpu.dma_semaphore, #tpu.memory_space<semaphore_mem>>) src(%dma_wait3A_227 : memref<1000000x64xf32, #tpu.memory_space<hbm>>) dst(%arg13 : memref<32x64xf32, #tpu.memory_space<vmem>>)
      %dma_wait3A_228 = arith.constant 0 : i32
      %dma_wait3A_229 = arith.constant 0 : i32
      %dma_wait3A_230 = arith.constant 0 : i32
      %dma_wait3A_231 = tpu.memref_slice %arg15[%dma_wait3A_229, %dma_wait3A_230] : memref<640x64xf32, #tpu.memory_space<vmem>> -> memref<128x64xf32, #tpu.memory_space<vmem>>
      %dma_wait3A_232 = arith.constant 0 : i32
      %dma_wait3A_233 = tpu.memref_slice %arg9[%dma_wait3A_228, %dma_wait3A_232] : memref<5x128xi32, #tpu.memory_space<vmem>> -> memref<1x128xi32, #tpu.memory_space<vmem>>
      %dma_wait3A_234 = tpu.memref_squeeze %dma_wait3A_233 : memref<1x128xi32, #tpu.memory_space<vmem>> -> memref<128xi32, #tpu.memory_space<vmem>>
      %dma_wait3A_235 = arith.constant 0 : i32
      %dma_wait3A_236 = arith.constant 0 : i32
      %dma_wait3A_237 = tpu.memref_slice %arg5[%dma_wait3A_235, %dma_wait3A_236] : memref<1000000x64xf32, #tpu.memory_space<hbm>> -> memref<1000000x64xf32, #tpu.memory_space<hbm>>
      tpu.wait_indirect_dma semaphore(%arg19 : memref<!tpu.dma_semaphore, #tpu.memory_space<semaphore_mem>>) src(%dma_wait3A_237 : memref<1000000x64xf32, #tpu.memory_space<hbm>>) dst(%dma_wait3A_231 : memref<128x64xf32, #tpu.memory_space<vmem>>)
      %dma_wait3A_238 = arith.constant 1 : i32
      %dma_wait3A_239 = arith.constant 128 : i32
      %dma_wait3A_240 = arith.constant 0 : i32
      %dma_wait3A_241 = tpu.memref_slice %arg15[%dma_wait3A_239, %dma_wait3A_240] : memref<640x64xf32, #tpu.memory_space<vmem>> -> memref<128x64xf32, #tpu.memory_space<vmem>>
      %dma_wait3A_242 = arith.constant 0 : i32
      %dma_wait3A_243 = tpu.memref_slice %arg9[%dma_wait3A_238, %dma_wait3A_242] : memref<5x128xi32, #tpu.memory_space<vmem>> -> memref<1x128xi32, #tpu.memory_space<vmem>>
      %dma_wait3A_244 = tpu.memref_squeeze %dma_wait3A_243 : memref<1x128xi32, #tpu.memory_space<vmem>> -> memref<128xi32, #tpu.memory_space<vmem>>
      %dma_wait3A_245 = arith.constant 0 : i32
      %dma_wait3A_246 = arith.constant 0 : i32
      %dma_wait3A_247 = tpu.memref_slice %arg5[%dma_wait3A_245, %dma_wait3A_246] : memref<1000000x64xf32, #tpu.memory_space<hbm>> -> memref<1000000x64xf32, #tpu.memory_space<hbm>>
      tpu.wait_indirect_dma semaphore(%arg19 : memref<!tpu.dma_semaphore, #tpu.memory_space<semaphore_mem>>) src(%dma_wait3A_247 : memref<1000000x64xf32, #tpu.memory_space<hbm>>) dst(%dma_wait3A_241 : memref<128x64xf32, #tpu.memory_space<vmem>>)
      %dma_wait3A_248 = arith.constant 2 : i32
      %dma_wait3A_249 = arith.constant 256 : i32
      %dma_wait3A_250 = arith.constant 0 : i32
      %dma_wait3A_251 = tpu.memref_slice %arg15[%dma_wait3A_249, %dma_wait3A_250] : memref<640x64xf32, #tpu.memory_space<vmem>> -> memref<128x64xf32, #tpu.memory_space<vmem>>
      %dma_wait3A_252 = arith.constant 0 : i32
      %dma_wait3A_253 = tpu.memref_slice %arg9[%dma_wait3A_248, %dma_wait3A_252] : memref<5x128xi32, #tpu.memory_space<vmem>> -> memref<1x128xi32, #tpu.memory_space<vmem>>
      %dma_wait3A_254 = tpu.memref_squeeze %dma_wait3A_253 : memref<1x128xi32, #tpu.memory_space<vmem>> -> memref<128xi32, #tpu.memory_space<vmem>>
      %dma_wait3A_255 = arith.constant 0 : i32
      %dma_wait3A_256 = arith.constant 0 : i32
      %dma_wait3A_257 = tpu.memref_slice %arg5[%dma_wait3A_255, %dma_wait3A_256] : memref<1000000x64xf32, #tpu.memory_space<hbm>> -> memref<1000000x64xf32, #tpu.memory_space<hbm>>
      tpu.wait_indirect_dma semaphore(%arg19 : memref<!tpu.dma_semaphore, #tpu.memory_space<semaphore_mem>>) src(%dma_wait3A_257 : memref<1000000x64xf32, #tpu.memory_space<hbm>>) dst(%dma_wait3A_251 : memref<128x64xf32, #tpu.memory_space<vmem>>)
      %dma_wait3A_258 = arith.constant 3 : i32
      %dma_wait3A_259 = arith.constant 384 : i32
      %dma_wait3A_260 = arith.constant 0 : i32
      %dma_wait3A_261 = tpu.memref_slice %arg15[%dma_wait3A_259, %dma_wait3A_260] : memref<640x64xf32, #tpu.memory_space<vmem>> -> memref<128x64xf32, #tpu.memory_space<vmem>>
      %dma_wait3A_262 = arith.constant 0 : i32
      %dma_wait3A_263 = tpu.memref_slice %arg9[%dma_wait3A_258, %dma_wait3A_262] : memref<5x128xi32, #tpu.memory_space<vmem>> -> memref<1x128xi32, #tpu.memory_space<vmem>>
      %dma_wait3A_264 = tpu.memref_squeeze %dma_wait3A_263 : memref<1x128xi32, #tpu.memory_space<vmem>> -> memref<128xi32, #tpu.memory_space<vmem>>
      %dma_wait3A_265 = arith.constant 0 : i32
      %dma_wait3A_266 = arith.constant 0 : i32
      %dma_wait3A_267 = tpu.memref_slice %arg5[%dma_wait3A_265, %dma_wait3A_266] : memref<1000000x64xf32, #tpu.memory_space<hbm>> -> memref<1000000x64xf32, #tpu.memory_space<hbm>>
      tpu.wait_indirect_dma semaphore(%arg19 : memref<!tpu.dma_semaphore, #tpu.memory_space<semaphore_mem>>) src(%dma_wait3A_267 : memref<1000000x64xf32, #tpu.memory_space<hbm>>) dst(%dma_wait3A_261 : memref<128x64xf32, #tpu.memory_space<vmem>>)
      %dma_wait3A_268 = arith.constant 4 : i32
      %dma_wait3A_269 = arith.constant 512 : i32
      %dma_wait3A_270 = arith.constant 0 : i32
      %dma_wait3A_271 = tpu.memref_slice %arg15[%dma_wait3A_269, %dma_wait3A_270] : memref<640x64xf32, #tpu.memory_space<vmem>> -> memref<128x64xf32, #tpu.memory_space<vmem>>
      %dma_wait3A_272 = arith.constant 0 : i32
      %dma_wait3A_273 = tpu.memref_slice %arg9[%dma_wait3A_268, %dma_wait3A_272] : memref<5x128xi32, #tpu.memory_space<vmem>> -> memref<1x128xi32, #tpu.memory_space<vmem>>
      %dma_wait3A_274 = tpu.memref_squeeze %dma_wait3A_273 : memref<1x128xi32, #tpu.memory_space<vmem>> -> memref<128xi32, #tpu.memory_space<vmem>>
      %dma_wait3A_275 = arith.constant 0 : i32
      %dma_wait3A_276 = arith.constant 0 : i32
      %dma_wait3A_277 = tpu.memref_slice %arg5[%dma_wait3A_275, %dma_wait3A_276] : memref<1000000x64xf32, #tpu.memory_space<hbm>> -> memref<1000000x64xf32, #tpu.memory_space<hbm>>
      tpu.wait_indirect_dma semaphore(%arg19 : memref<!tpu.dma_semaphore, #tpu.memory_space<semaphore_mem>>) src(%dma_wait3A_277 : memref<1000000x64xf32, #tpu.memory_space<hbm>>) dst(%dma_wait3A_271 : memref<128x64xf32, #tpu.memory_space<vmem>>)
      %mul3A_278 = arith.constant 32 : i32
      %mul3A_279 = arith.muli %mul3A_108, %mul3A_278 : i32
      %add3A_280 = arith.addi %mul3A_2, %mul3A_279 : i32
      %iota3A = tpu.iota {dimensions = array<i32: 0>} : vector<16xi32>
      %broadcast_in_dim3A = arith.constant 0.000000e+00 : f32
      %broadcast_in_dim3A_281 = vector.broadcast %broadcast_in_dim3A : f32 to vector<16xf32>
      %scan3A_282 = arith.constant 0 : i32
      %scan3A_283 = arith.constant 0 : i32
      %scan3A_284 = arith.constant 32 : i32
      %scan3A_285 = arith.addi %scan3A_283, %scan3A_284 : i32
      %scan3A_286 = arith.constant 1 : i32
      scf.for %scan3A_363 = %scan3A_283 to %scan3A_285 step %scan3A_286  : i32 {
        %and3A_364 = arith.constant 1 : i32
        %and3A_365 = arith.andi %scan3A_363, %and3A_364 : i32
        %mul3A_366 = arith.constant 64 : i32
        %mul3A_367 = arith.muli %and3A_365, %mul3A_366 : i32
        %shift_right_arithmetic3A = arith.constant 1 : i32
        %shift_right_arithmetic3A_368 = arith.shrsi %scan3A_363, %shift_right_arithmetic3A : i32
        %add3A_369 = arith.constant 0 : i32
        %add3A_370 = arith.addi %mul3A_367, %add3A_369 : i32
        %get3A = arith.index_cast %shift_right_arithmetic3A_368 : i32 to index
        %get3A_371 = arith.index_cast %add3A_370 : i32 to index
        %get3A_372 = tpu.vector_load %arg11[%get3A, %get3A_371] {strides = array<i32>} : memref<16x128xf32, #tpu.memory_space<vmem>>, vector<16xf32>,
        %shift_right_arithmetic3A_373 = arith.constant 1 : i32
        %shift_right_arithmetic3A_374 = arith.shrsi %scan3A_363, %shift_right_arithmetic3A_373 : i32
        %add3A_375 = arith.constant 16 : i32
        %add3A_376 = arith.addi %mul3A_367, %add3A_375 : i32
        %get3A_377 = arith.index_cast %shift_right_arithmetic3A_374 : i32 to index
        %get3A_378 = arith.index_cast %add3A_376 : i32 to index
        %get3A_379 = tpu.vector_load %arg11[%get3A_377, %get3A_378] {strides = array<i32>} : memref<16x128xf32, #tpu.memory_space<vmem>>, vector<16xf32>,
        %shift_right_arithmetic3A_380 = arith.constant 1 : i32
        %shift_right_arithmetic3A_381 = arith.shrsi %scan3A_363, %shift_right_arithmetic3A_380 : i32
        %add3A_382 = arith.constant 32 : i32
        %add3A_383 = arith.addi %mul3A_367, %add3A_382 : i32
        %get3A_384 = arith.index_cast %shift_right_arithmetic3A_381 : i32 to index
        %get3A_385 = arith.index_cast %add3A_383 : i32 to index
        %get3A_386 = tpu.vector_load %arg11[%get3A_384, %get3A_385] {strides = array<i32>} : memref<16x128xf32, #tpu.memory_space<vmem>>, vector<16xf32>,
        %shift_right_arithmetic3A_387 = arith.constant 1 : i32
        %shift_right_arithmetic3A_388 = arith.shrsi %scan3A_363, %shift_right_arithmetic3A_387 : i32
        %add3A_389 = arith.constant 48 : i32
        %add3A_390 = arith.addi %mul3A_367, %add3A_389 : i32
        %get3A_391 = arith.index_cast %shift_right_arithmetic3A_388 : i32 to index
        %get3A_392 = arith.index_cast %add3A_390 : i32 to index
        %get3A_393 = tpu.vector_load %arg11[%get3A_391, %get3A_392] {strides = array<i32>} : memref<16x128xf32, #tpu.memory_space<vmem>>, vector<16xf32>,
        %get3A_394 = arith.index_cast %scan3A_363 : i32 to index
        %get3A_395 = arith.constant 0 : index
        %get3A_396 = tpu.vector_load %arg13[%get3A_394, %get3A_395] {strides = array<i32>} : memref<32x64xf32, #tpu.memory_space<vmem>>, vector<16xf32>,
        %get3A_397 = arith.index_cast %scan3A_363 : i32 to index
        %get3A_398 = arith.constant 16 : index
        %get3A_399 = tpu.vector_load %arg13[%get3A_397, %get3A_398] {strides = array<i32>} : memref<32x64xf32, #tpu.memory_space<vmem>>, vector<16xf32>,
        %get3A_400 = arith.index_cast %scan3A_363 : i32 to index
        %get3A_401 = arith.constant 32 : index
        %get3A_402 = tpu.vector_load %arg13[%get3A_400, %get3A_401] {strides = array<i32>} : memref<32x64xf32, #tpu.memory_space<vmem>>, vector<16xf32>,
        %get3A_403 = arith.index_cast %scan3A_363 : i32 to index
        %get3A_404 = arith.constant 48 : index
        %get3A_405 = tpu.vector_load %arg13[%get3A_403, %get3A_404] {strides = array<i32>} : memref<32x64xf32, #tpu.memory_space<vmem>>, vector<16xf32>,
        %mul3A_406 = arith.mulf %get3A_372, %get3A_396 : vector<16xf32>
        %mul3A_407 = arith.mulf %get3A_379, %get3A_399 : vector<16xf32>
        %add3A_408 = arith.addf %mul3A_406, %mul3A_407 : vector<16xf32>
        %mul3A_409 = arith.mulf %get3A_386, %get3A_402 : vector<16xf32>
        %add3A_410 = arith.addf %add3A_408, %mul3A_409 : vector<16xf32>
        %mul3A_411 = arith.mulf %get3A_393, %get3A_405 : vector<16xf32>
        %add3A_412 = arith.addf %add3A_410, %mul3A_411 : vector<16xf32>
        %reduce_sum3A = arith.constant true
        %reduce_sum3A_413 = vector.broadcast %reduce_sum3A : i1 to vector<16xi1>
        %reduce_sum3A_414 = tpu.scan <sum>, %add3A_412 masked %reduce_sum3A_413 : vector<16xf32>, vector<16xi1> -> vector<16xf32>
        %reduce_sum3A_415 = vector.extract %reduce_sum3A_414[15] : f32 from vector<16xf32>
        %mul3A_416 = arith.constant 20 : i32
        %mul3A_417 = arith.muli %scan3A_363, %mul3A_416 : i32
        %add3A_418 = arith.constant 0 : i32
        %add3A_419 = arith.addi %mul3A_417, %add3A_418 : i32
        %get3A_420 = arith.index_cast %add3A_419 : i32 to index
        %get3A_421 = arith.constant 0 : index
        %get3A_422 = tpu.vector_load %arg15[%get3A_420, %get3A_421] {strides = array<i32>} : memref<640x64xf32, #tpu.memory_space<vmem>>, vector<16xf32>,
        %get3A_423 = arith.index_cast %add3A_419 : i32 to index
        %get3A_424 = arith.constant 16 : index
        %get3A_425 = tpu.vector_load %arg15[%get3A_423, %get3A_424] {strides = array<i32>} : memref<640x64xf32, #tpu.memory_space<vmem>>, vector<16xf32>,
        %get3A_426 = arith.index_cast %add3A_419 : i32 to index
        %get3A_427 = arith.constant 32 : index
        %get3A_428 = tpu.vector_load %arg15[%get3A_426, %get3A_427] {strides = array<i32>} : memref<640x64xf32, #tpu.memory_space<vmem>>, vector<16xf32>,
        %get3A_429 = arith.index_cast %add3A_419 : i32 to index
        %get3A_430 = arith.constant 48 : index
        %get3A_431 = tpu.vector_load %arg15[%get3A_429, %get3A_430] {strides = array<i32>} : memref<640x64xf32, #tpu.memory_space<vmem>>, vector<16xf32>,
        %mul3A_432 = arith.mulf %get3A_372, %get3A_422 : vector<16xf32>
        %mul3A_433 = arith.mulf %get3A_379, %get3A_425 : vector<16xf32>
        %add3A_434 = arith.addf %mul3A_432, %mul3A_433 : vector<16xf32>
        %mul3A_435 = arith.mulf %get3A_386, %get3A_428 : vector<16xf32>
        %add3A_436 = arith.addf %add3A_434, %mul3A_435 : vector<16xf32>
        %mul3A_437 = arith.mulf %get3A_393, %get3A_431 : vector<16xf32>
        %add3A_438 = arith.addf %add3A_436, %mul3A_437 : vector<16xf32>
        %reduce_sum3A_439 = arith.constant true
        %reduce_sum3A_440 = vector.broadcast %reduce_sum3A_439 : i1 to vector<16xi1>
        %reduce_sum3A_441 = tpu.scan <sum>, %add3A_438 masked %reduce_sum3A_440 : vector<16xf32>, vector<16xi1> -> vector<16xf32>
        %reduce_sum3A_442 = vector.extract %reduce_sum3A_441[15] : f32 from vector<16xf32>
        %sub3A_443 = arith.subf %reduce_sum3A_415, %reduce_sum3A_442 : f32
        %broadcast_in_dim3A_444 = vector.broadcast %sub3A_443 : f32 to vector<16xf32>
        %eq3A = arith.constant 0 : i32
        %eq3A_445 = vector.broadcast %eq3A : i32 to vector<16xi32>
        %eq3A_446 = arith.cmpi eq, %iota3A, %eq3A_445 : vector<16xi32>
        %select_n3A_447 = arith.select %eq3A_446, %broadcast_in_dim3A_444, %broadcast_in_dim3A_281 : vector<16xi1>, vector<16xf32>
        %mul3A_448 = arith.constant 20 : i32
        %mul3A_449 = arith.muli %scan3A_363, %mul3A_448 : i32
        %add3A_450 = arith.constant 1 : i32
        %add3A_451 = arith.addi %mul3A_449, %add3A_450 : i32
        %get3A_452 = arith.index_cast %add3A_451 : i32 to index
        %get3A_453 = arith.constant 0 : index
        %get3A_454 = tpu.vector_load %arg15[%get3A_452, %get3A_453] {strides = array<i32>} : memref<640x64xf32, #tpu.memory_space<vmem>>, vector<16xf32>,
        %get3A_455 = arith.index_cast %add3A_451 : i32 to index
        %get3A_456 = arith.constant 16 : index
        %get3A_457 = tpu.vector_load %arg15[%get3A_455, %get3A_456] {strides = array<i32>} : memref<640x64xf32, #tpu.memory_space<vmem>>, vector<16xf32>,
        %get3A_458 = arith.index_cast %add3A_451 : i32 to index
        %get3A_459 = arith.constant 32 : index
        %get3A_460 = tpu.vector_load %arg15[%get3A_458, %get3A_459] {strides = array<i32>} : memref<640x64xf32, #tpu.memory_space<vmem>>, vector<16xf32>,
        %get3A_461 = arith.index_cast %add3A_451 : i32 to index
        %get3A_462 = arith.constant 48 : index
        %get3A_463 = tpu.vector_load %arg15[%get3A_461, %get3A_462] {strides = array<i32>} : memref<640x64xf32, #tpu.memory_space<vmem>>, vector<16xf32>,
        %mul3A_464 = arith.mulf %get3A_372, %get3A_454 : vector<16xf32>
        %mul3A_465 = arith.mulf %get3A_379, %get3A_457 : vector<16xf32>
        %add3A_466 = arith.addf %mul3A_464, %mul3A_465 : vector<16xf32>
        %mul3A_467 = arith.mulf %get3A_386, %get3A_460 : vector<16xf32>
        %add3A_468 = arith.addf %add3A_466, %mul3A_467 : vector<16xf32>
        %mul3A_469 = arith.mulf %get3A_393, %get3A_463 : vector<16xf32>
        %add3A_470 = arith.addf %add3A_468, %mul3A_469 : vector<16xf32>
        %reduce_sum3A_471 = arith.constant true
        %reduce_sum3A_472 = vector.broadcast %reduce_sum3A_471 : i1 to vector<16xi1>
        %reduce_sum3A_473 = tpu.scan <sum>, %add3A_470 masked %reduce_sum3A_472 : vector<16xf32>, vector<16xi1> -> vector<16xf32>
        %reduce_sum3A_474 = vector.extract %reduce_sum3A_473[15] : f32 from vector<16xf32>
        %sub3A_475 = arith.subf %reduce_sum3A_415, %reduce_sum3A_474 : f32
        %broadcast_in_dim3A_476 = vector.broadcast %sub3A_475 : f32 to vector<16xf32>
        %eq3A_477 = arith.constant 1 : i32
        %eq3A_478 = vector.broadcast %eq3A_477 : i32 to vector<16xi32>
        %eq3A_479 = arith.cmpi eq, %iota3A, %eq3A_478 : vector<16xi32>
        %select_n3A_480 = arith.select %eq3A_479, %broadcast_in_dim3A_476, %select_n3A_447 : vector<16xi1>, vector<16xf32>
        %mul3A_481 = arith.constant 20 : i32
        %mul3A_482 = arith.muli %scan3A_363, %mul3A_481 : i32
        %add3A_483 = arith.constant 2 : i32
        %add3A_484 = arith.addi %mul3A_482, %add3A_483 : i32
        %get3A_485 = arith.index_cast %add3A_484 : i32 to index
        %get3A_486 = arith.constant 0 : index
        %get3A_487 = tpu.vector_load %arg15[%get3A_485, %get3A_486] {strides = array<i32>} : memref<640x64xf32, #tpu.memory_space<vmem>>, vector<16xf32>,
        %get3A_488 = arith.index_cast %add3A_484 : i32 to index
        %get3A_489 = arith.constant 16 : index
        %get3A_490 = tpu.vector_load %arg15[%get3A_488, %get3A_489] {strides = array<i32>} : memref<640x64xf32, #tpu.memory_space<vmem>>, vector<16xf32>,
        %get3A_491 = arith.index_cast %add3A_484 : i32 to index
        %get3A_492 = arith.constant 32 : index
        %get3A_493 = tpu.vector_load %arg15[%get3A_491, %get3A_492] {strides = array<i32>} : memref<640x64xf32, #tpu.memory_space<vmem>>, vector<16xf32>,
        %get3A_494 = arith.index_cast %add3A_484 : i32 to index
        %get3A_495 = arith.constant 48 : index
        %get3A_496 = tpu.vector_load %arg15[%get3A_494, %get3A_495] {strides = array<i32>} : memref<640x64xf32, #tpu.memory_space<vmem>>, vector<16xf32>,
        %mul3A_497 = arith.mulf %get3A_372, %get3A_487 : vector<16xf32>
        %mul3A_498 = arith.mulf %get3A_379, %get3A_490 : vector<16xf32>
        %add3A_499 = arith.addf %mul3A_497, %mul3A_498 : vector<16xf32>
        %mul3A_500 = arith.mulf %get3A_386, %get3A_493 : vector<16xf32>
        %add3A_501 = arith.addf %add3A_499, %mul3A_500 : vector<16xf32>
        %mul3A_502 = arith.mulf %get3A_393, %get3A_496 : vector<16xf32>
        %add3A_503 = arith.addf %add3A_501, %mul3A_502 : vector<16xf32>
        %reduce_sum3A_504 = arith.constant true
        %reduce_sum3A_505 = vector.broadcast %reduce_sum3A_504 : i1 to vector<16xi1>
        %reduce_sum3A_506 = tpu.scan <sum>, %add3A_503 masked %reduce_sum3A_505 : vector<16xf32>, vector<16xi1> -> vector<16xf32>
        %reduce_sum3A_507 = vector.extract %reduce_sum3A_506[15] : f32 from vector<16xf32>
        %sub3A_508 = arith.subf %reduce_sum3A_415, %reduce_sum3A_507 : f32
        %broadcast_in_dim3A_509 = vector.broadcast %sub3A_508 : f32 to vector<16xf32>
        %eq3A_510 = arith.constant 2 : i32
        %eq3A_511 = vector.broadcast %eq3A_510 : i32 to vector<16xi32>
        %eq3A_512 = arith.cmpi eq, %iota3A, %eq3A_511 : vector<16xi32>
        %select_n3A_513 = arith.select %eq3A_512, %broadcast_in_dim3A_509, %select_n3A_480 : vector<16xi1>, vector<16xf32>
        %mul3A_514 = arith.constant 20 : i32
        %mul3A_515 = arith.muli %scan3A_363, %mul3A_514 : i32
        %add3A_516 = arith.constant 3 : i32
        %add3A_517 = arith.addi %mul3A_515, %add3A_516 : i32
        %get3A_518 = arith.index_cast %add3A_517 : i32 to index
        %get3A_519 = arith.constant 0 : index
        %get3A_520 = tpu.vector_load %arg15[%get3A_518, %get3A_519] {strides = array<i32>} : memref<640x64xf32, #tpu.memory_space<vmem>>, vector<16xf32>,
        %get3A_521 = arith.index_cast %add3A_517 : i32 to index
        %get3A_522 = arith.constant 16 : index
        %get3A_523 = tpu.vector_load %arg15[%get3A_521, %get3A_522] {strides = array<i32>} : memref<640x64xf32, #tpu.memory_space<vmem>>, vector<16xf32>,
        %get3A_524 = arith.index_cast %add3A_517 : i32 to index
        %get3A_525 = arith.constant 32 : index
        %get3A_526 = tpu.vector_load %arg15[%get3A_524, %get3A_525] {strides = array<i32>} : memref<640x64xf32, #tpu.memory_space<vmem>>, vector<16xf32>,
        %get3A_527 = arith.index_cast %add3A_517 : i32 to index
        %get3A_528 = arith.constant 48 : index
        %get3A_529 = tpu.vector_load %arg15[%get3A_527, %get3A_528] {strides = array<i32>} : memref<640x64xf32, #tpu.memory_space<vmem>>, vector<16xf32>,
        %mul3A_530 = arith.mulf %get3A_372, %get3A_520 : vector<16xf32>
        %mul3A_531 = arith.mulf %get3A_379, %get3A_523 : vector<16xf32>
        %add3A_532 = arith.addf %mul3A_530, %mul3A_531 : vector<16xf32>
        %mul3A_533 = arith.mulf %get3A_386, %get3A_526 : vector<16xf32>
        %add3A_534 = arith.addf %add3A_532, %mul3A_533 : vector<16xf32>
        %mul3A_535 = arith.mulf %get3A_393, %get3A_529 : vector<16xf32>
        %add3A_536 = arith.addf %add3A_534, %mul3A_535 : vector<16xf32>
        %reduce_sum3A_537 = arith.constant true
        %reduce_sum3A_538 = vector.broadcast %reduce_sum3A_537 : i1 to vector<16xi1>
        %reduce_sum3A_539 = tpu.scan <sum>, %add3A_536 masked %reduce_sum3A_538 : vector<16xf32>, vector<16xi1> -> vector<16xf32>
        %reduce_sum3A_540 = vector.extract %reduce_sum3A_539[15] : f32 from vector<16xf32>
        %sub3A_541 = arith.subf %reduce_sum3A_415, %reduce_sum3A_540 : f32
        %broadcast_in_dim3A_542 = vector.broadcast %sub3A_541 : f32 to vector<16xf32>
        %eq3A_543 = arith.constant 3 : i32
        %eq3A_544 = vector.broadcast %eq3A_543 : i32 to vector<16xi32>
        %eq3A_545 = arith.cmpi eq, %iota3A, %eq3A_544 : vector<16xi32>
        %select_n3A_546 = arith.select %eq3A_545, %broadcast_in_dim3A_542, %select_n3A_513 : vector<16xi1>, vector<16xf32>
        %mul3A_547 = arith.constant 20 : i32
        %mul3A_548 = arith.muli %scan3A_363, %mul3A_547 : i32
        %add3A_549 = arith.constant 4 : i32
        %add3A_550 = arith.addi %mul3A_548, %add3A_549 : i32
        %get3A_551 = arith.index_cast %add3A_550 : i32 to index
        %get3A_552 = arith.constant 0 : index
        %get3A_553 = tpu.vector_load %arg15[%get3A_551, %get3A_552] {strides = array<i32>} : memref<640x64xf32, #tpu.memory_space<vmem>>, vector<16xf32>,
        %get3A_554 = arith.index_cast %add3A_550 : i32 to index
        %get3A_555 = arith.constant 16 : index
        %get3A_556 = tpu.vector_load %arg15[%get3A_554, %get3A_555] {strides = array<i32>} : memref<640x64xf32, #tpu.memory_space<vmem>>, vector<16xf32>,
        %get3A_557 = arith.index_cast %add3A_550 : i32 to index
        %get3A_558 = arith.constant 32 : index
        %get3A_559 = tpu.vector_load %arg15[%get3A_557, %get3A_558] {strides = array<i32>} : memref<640x64xf32, #tpu.memory_space<vmem>>, vector<16xf32>,
        %get3A_560 = arith.index_cast %add3A_550 : i32 to index
        %get3A_561 = arith.constant 48 : index
        %get3A_562 = tpu.vector_load %arg15[%get3A_560, %get3A_561] {strides = array<i32>} : memref<640x64xf32, #tpu.memory_space<vmem>>, vector<16xf32>,
        %mul3A_563 = arith.mulf %get3A_372, %get3A_553 : vector<16xf32>
        %mul3A_564 = arith.mulf %get3A_379, %get3A_556 : vector<16xf32>
        %add3A_565 = arith.addf %mul3A_563, %mul3A_564 : vector<16xf32>
        %mul3A_566 = arith.mulf %get3A_386, %get3A_559 : vector<16xf32>
        %add3A_567 = arith.addf %add3A_565, %mul3A_566 : vector<16xf32>
        %mul3A_568 = arith.mulf %get3A_393, %get3A_562 : vector<16xf32>
        %add3A_569 = arith.addf %add3A_567, %mul3A_568 : vector<16xf32>
        %reduce_sum3A_570 = arith.constant true
        %reduce_sum3A_571 = vector.broadcast %reduce_sum3A_570 : i1 to vector<16xi1>
        %reduce_sum3A_572 = tpu.scan <sum>, %add3A_569 masked %reduce_sum3A_571 : vector<16xf32>, vector<16xi1> -> vector<16xf32>
        %reduce_sum3A_573 = vector.extract %reduce_sum3A_572[15] : f32 from vector<16xf32>
        %sub3A_574 = arith.subf %reduce_sum3A_415, %reduce_sum3A_573 : f32
        %broadcast_in_dim3A_575 = vector.broadcast %sub3A_574 : f32 to vector<16xf32>
        %eq3A_576 = arith.constant 4 : i32
        %eq3A_577 = vector.broadcast %eq3A_576 : i32 to vector<16xi32>
        %eq3A_578 = arith.cmpi eq, %iota3A, %eq3A_577 : vector<16xi32>
        %select_n3A_579 = arith.select %eq3A_578, %broadcast_in_dim3A_575, %select_n3A_546 : vector<16xi1>, vector<16xf32>
        %mul3A_580 = arith.constant 20 : i32
        %mul3A_581 = arith.muli %scan3A_363, %mul3A_580 : i32
        %add3A_582 = arith.constant 5 : i32
        %add3A_583 = arith.addi %mul3A_581, %add3A_582 : i32
        %get3A_584 = arith.index_cast %add3A_583 : i32 to index
        %get3A_585 = arith.constant 0 : index
        %get3A_586 = tpu.vector_load %arg15[%get3A_584, %get3A_585] {strides = array<i32>} : memref<640x64xf32, #tpu.memory_space<vmem>>, vector<16xf32>,
        %get3A_587 = arith.index_cast %add3A_583 : i32 to index
        %get3A_588 = arith.constant 16 : index
        %get3A_589 = tpu.vector_load %arg15[%get3A_587, %get3A_588] {strides = array<i32>} : memref<640x64xf32, #tpu.memory_space<vmem>>, vector<16xf32>,
        %get3A_590 = arith.index_cast %add3A_583 : i32 to index
        %get3A_591 = arith.constant 32 : index
        %get3A_592 = tpu.vector_load %arg15[%get3A_590, %get3A_591] {strides = array<i32>} : memref<640x64xf32, #tpu.memory_space<vmem>>, vector<16xf32>,
        %get3A_593 = arith.index_cast %add3A_583 : i32 to index
        %get3A_594 = arith.constant 48 : index
        %get3A_595 = tpu.vector_load %arg15[%get3A_593, %get3A_594] {strides = array<i32>} : memref<640x64xf32, #tpu.memory_space<vmem>>, vector<16xf32>,
        %mul3A_596 = arith.mulf %get3A_372, %get3A_586 : vector<16xf32>
        %mul3A_597 = arith.mulf %get3A_379, %get3A_589 : vector<16xf32>
        %add3A_598 = arith.addf %mul3A_596, %mul3A_597 : vector<16xf32>
        %mul3A_599 = arith.mulf %get3A_386, %get3A_592 : vector<16xf32>
        %add3A_600 = arith.addf %add3A_598, %mul3A_599 : vector<16xf32>
        %mul3A_601 = arith.mulf %get3A_393, %get3A_595 : vector<16xf32>
        %add3A_602 = arith.addf %add3A_600, %mul3A_601 : vector<16xf32>
        %reduce_sum3A_603 = arith.constant true
        %reduce_sum3A_604 = vector.broadcast %reduce_sum3A_603 : i1 to vector<16xi1>
        %reduce_sum3A_605 = tpu.scan <sum>, %add3A_602 masked %reduce_sum3A_604 : vector<16xf32>, vector<16xi1> -> vector<16xf32>
        %reduce_sum3A_606 = vector.extract %reduce_sum3A_605[15] : f32 from vector<16xf32>
        %sub3A_607 = arith.subf %reduce_sum3A_415, %reduce_sum3A_606 : f32
        %broadcast_in_dim3A_608 = vector.broadcast %sub3A_607 : f32 to vector<16xf32>
        %eq3A_609 = arith.constant 5 : i32
        %eq3A_610 = vector.broadcast %eq3A_609 : i32 to vector<16xi32>
        %eq3A_611 = arith.cmpi eq, %iota3A, %eq3A_610 : vector<16xi32>
        %select_n3A_612 = arith.select %eq3A_611, %broadcast_in_dim3A_608, %select_n3A_579 : vector<16xi1>, vector<16xf32>
        %mul3A_613 = arith.constant 20 : i32
        %mul3A_614 = arith.muli %scan3A_363, %mul3A_613 : i32
        %add3A_615 = arith.constant 6 : i32
        %add3A_616 = arith.addi %mul3A_614, %add3A_615 : i32
        %get3A_617 = arith.index_cast %add3A_616 : i32 to index
        %get3A_618 = arith.constant 0 : index
        %get3A_619 = tpu.vector_load %arg15[%get3A_617, %get3A_618] {strides = array<i32>} : memref<640x64xf32, #tpu.memory_space<vmem>>, vector<16xf32>,
        %get3A_620 = arith.index_cast %add3A_616 : i32 to index
        %get3A_621 = arith.constant 16 : index
        %get3A_622 = tpu.vector_load %arg15[%get3A_620, %get3A_621] {strides = array<i32>} : memref<640x64xf32, #tpu.memory_space<vmem>>, vector<16xf32>,
        %get3A_623 = arith.index_cast %add3A_616 : i32 to index
        %get3A_624 = arith.constant 32 : index
        %get3A_625 = tpu.vector_load %arg15[%get3A_623, %get3A_624] {strides = array<i32>} : memref<640x64xf32, #tpu.memory_space<vmem>>, vector<16xf32>,
        %get3A_626 = arith.index_cast %add3A_616 : i32 to index
        %get3A_627 = arith.constant 48 : index
        %get3A_628 = tpu.vector_load %arg15[%get3A_626, %get3A_627] {strides = array<i32>} : memref<640x64xf32, #tpu.memory_space<vmem>>, vector<16xf32>,
        %mul3A_629 = arith.mulf %get3A_372, %get3A_619 : vector<16xf32>
        %mul3A_630 = arith.mulf %get3A_379, %get3A_622 : vector<16xf32>
        %add3A_631 = arith.addf %mul3A_629, %mul3A_630 : vector<16xf32>
        %mul3A_632 = arith.mulf %get3A_386, %get3A_625 : vector<16xf32>
        %add3A_633 = arith.addf %add3A_631, %mul3A_632 : vector<16xf32>
        %mul3A_634 = arith.mulf %get3A_393, %get3A_628 : vector<16xf32>
        %add3A_635 = arith.addf %add3A_633, %mul3A_634 : vector<16xf32>
        %reduce_sum3A_636 = arith.constant true
        %reduce_sum3A_637 = vector.broadcast %reduce_sum3A_636 : i1 to vector<16xi1>
        %reduce_sum3A_638 = tpu.scan <sum>, %add3A_635 masked %reduce_sum3A_637 : vector<16xf32>, vector<16xi1> -> vector<16xf32>
        %reduce_sum3A_639 = vector.extract %reduce_sum3A_638[15] : f32 from vector<16xf32>
        %sub3A_640 = arith.subf %reduce_sum3A_415, %reduce_sum3A_639 : f32
        %broadcast_in_dim3A_641 = vector.broadcast %sub3A_640 : f32 to vector<16xf32>
        %eq3A_642 = arith.constant 6 : i32
        %eq3A_643 = vector.broadcast %eq3A_642 : i32 to vector<16xi32>
        %eq3A_644 = arith.cmpi eq, %iota3A, %eq3A_643 : vector<16xi32>
        %select_n3A_645 = arith.select %eq3A_644, %broadcast_in_dim3A_641, %select_n3A_612 : vector<16xi1>, vector<16xf32>
        %mul3A_646 = arith.constant 20 : i32
        %mul3A_647 = arith.muli %scan3A_363, %mul3A_646 : i32
        %add3A_648 = arith.constant 7 : i32
        %add3A_649 = arith.addi %mul3A_647, %add3A_648 : i32
        %get3A_650 = arith.index_cast %add3A_649 : i32 to index
        %get3A_651 = arith.constant 0 : index
        %get3A_652 = tpu.vector_load %arg15[%get3A_650, %get3A_651] {strides = array<i32>} : memref<640x64xf32, #tpu.memory_space<vmem>>, vector<16xf32>,
        %get3A_653 = arith.index_cast %add3A_649 : i32 to index
        %get3A_654 = arith.constant 16 : index
        %get3A_655 = tpu.vector_load %arg15[%get3A_653, %get3A_654] {strides = array<i32>} : memref<640x64xf32, #tpu.memory_space<vmem>>, vector<16xf32>,
        %get3A_656 = arith.index_cast %add3A_649 : i32 to index
        %get3A_657 = arith.constant 32 : index
        %get3A_658 = tpu.vector_load %arg15[%get3A_656, %get3A_657] {strides = array<i32>} : memref<640x64xf32, #tpu.memory_space<vmem>>, vector<16xf32>,
        %get3A_659 = arith.index_cast %add3A_649 : i32 to index
        %get3A_660 = arith.constant 48 : index
        %get3A_661 = tpu.vector_load %arg15[%get3A_659, %get3A_660] {strides = array<i32>} : memref<640x64xf32, #tpu.memory_space<vmem>>, vector<16xf32>,
        %mul3A_662 = arith.mulf %get3A_372, %get3A_652 : vector<16xf32>
        %mul3A_663 = arith.mulf %get3A_379, %get3A_655 : vector<16xf32>
        %add3A_664 = arith.addf %mul3A_662, %mul3A_663 : vector<16xf32>
        %mul3A_665 = arith.mulf %get3A_386, %get3A_658 : vector<16xf32>
        %add3A_666 = arith.addf %add3A_664, %mul3A_665 : vector<16xf32>
        %mul3A_667 = arith.mulf %get3A_393, %get3A_661 : vector<16xf32>
        %add3A_668 = arith.addf %add3A_666, %mul3A_667 : vector<16xf32>
        %reduce_sum3A_669 = arith.constant true
        %reduce_sum3A_670 = vector.broadcast %reduce_sum3A_669 : i1 to vector<16xi1>
        %reduce_sum3A_671 = tpu.scan <sum>, %add3A_668 masked %reduce_sum3A_670 : vector<16xf32>, vector<16xi1> -> vector<16xf32>
        %reduce_sum3A_672 = vector.extract %reduce_sum3A_671[15] : f32 from vector<16xf32>
        %sub3A_673 = arith.subf %reduce_sum3A_415, %reduce_sum3A_672 : f32
        %broadcast_in_dim3A_674 = vector.broadcast %sub3A_673 : f32 to vector<16xf32>
        %eq3A_675 = arith.constant 7 : i32
        %eq3A_676 = vector.broadcast %eq3A_675 : i32 to vector<16xi32>
        %eq3A_677 = arith.cmpi eq, %iota3A, %eq3A_676 : vector<16xi32>
        %select_n3A_678 = arith.select %eq3A_677, %broadcast_in_dim3A_674, %select_n3A_645 : vector<16xi1>, vector<16xf32>
        %mul3A_679 = arith.constant 20 : i32
        %mul3A_680 = arith.muli %scan3A_363, %mul3A_679 : i32
        %add3A_681 = arith.constant 8 : i32
        %add3A_682 = arith.addi %mul3A_680, %add3A_681 : i32
        %get3A_683 = arith.index_cast %add3A_682 : i32 to index
        %get3A_684 = arith.constant 0 : index
        %get3A_685 = tpu.vector_load %arg15[%get3A_683, %get3A_684] {strides = array<i32>} : memref<640x64xf32, #tpu.memory_space<vmem>>, vector<16xf32>,
        %get3A_686 = arith.index_cast %add3A_682 : i32 to index
        %get3A_687 = arith.constant 16 : index
        %get3A_688 = tpu.vector_load %arg15[%get3A_686, %get3A_687] {strides = array<i32>} : memref<640x64xf32, #tpu.memory_space<vmem>>, vector<16xf32>,
        %get3A_689 = arith.index_cast %add3A_682 : i32 to index
        %get3A_690 = arith.constant 32 : index
        %get3A_691 = tpu.vector_load %arg15[%get3A_689, %get3A_690] {strides = array<i32>} : memref<640x64xf32, #tpu.memory_space<vmem>>, vector<16xf32>,
        %get3A_692 = arith.index_cast %add3A_682 : i32 to index
        %get3A_693 = arith.constant 48 : index
        %get3A_694 = tpu.vector_load %arg15[%get3A_692, %get3A_693] {strides = array<i32>} : memref<640x64xf32, #tpu.memory_space<vmem>>, vector<16xf32>,
        %mul3A_695 = arith.mulf %get3A_372, %get3A_685 : vector<16xf32>
        %mul3A_696 = arith.mulf %get3A_379, %get3A_688 : vector<16xf32>
        %add3A_697 = arith.addf %mul3A_695, %mul3A_696 : vector<16xf32>
        %mul3A_698 = arith.mulf %get3A_386, %get3A_691 : vector<16xf32>
        %add3A_699 = arith.addf %add3A_697, %mul3A_698 : vector<16xf32>
        %mul3A_700 = arith.mulf %get3A_393, %get3A_694 : vector<16xf32>
        %add3A_701 = arith.addf %add3A_699, %mul3A_700 : vector<16xf32>
        %reduce_sum3A_702 = arith.constant true
        %reduce_sum3A_703 = vector.broadcast %reduce_sum3A_702 : i1 to vector<16xi1>
        %reduce_sum3A_704 = tpu.scan <sum>, %add3A_701 masked %reduce_sum3A_703 : vector<16xf32>, vector<16xi1> -> vector<16xf32>
        %reduce_sum3A_705 = vector.extract %reduce_sum3A_704[15] : f32 from vector<16xf32>
        %sub3A_706 = arith.subf %reduce_sum3A_415, %reduce_sum3A_705 : f32
        %broadcast_in_dim3A_707 = vector.broadcast %sub3A_706 : f32 to vector<16xf32>
        %eq3A_708 = arith.constant 8 : i32
        %eq3A_709 = vector.broadcast %eq3A_708 : i32 to vector<16xi32>
        %eq3A_710 = arith.cmpi eq, %iota3A, %eq3A_709 : vector<16xi32>
        %select_n3A_711 = arith.select %eq3A_710, %broadcast_in_dim3A_707, %select_n3A_678 : vector<16xi1>, vector<16xf32>
        %mul3A_712 = arith.constant 20 : i32
        %mul3A_713 = arith.muli %scan3A_363, %mul3A_712 : i32
        %add3A_714 = arith.constant 9 : i32
        %add3A_715 = arith.addi %mul3A_713, %add3A_714 : i32
        %get3A_716 = arith.index_cast %add3A_715 : i32 to index
        %get3A_717 = arith.constant 0 : index
        %get3A_718 = tpu.vector_load %arg15[%get3A_716, %get3A_717] {strides = array<i32>} : memref<640x64xf32, #tpu.memory_space<vmem>>, vector<16xf32>,
        %get3A_719 = arith.index_cast %add3A_715 : i32 to index
        %get3A_720 = arith.constant 16 : index
        %get3A_721 = tpu.vector_load %arg15[%get3A_719, %get3A_720] {strides = array<i32>} : memref<640x64xf32, #tpu.memory_space<vmem>>, vector<16xf32>,
        %get3A_722 = arith.index_cast %add3A_715 : i32 to index
        %get3A_723 = arith.constant 32 : index
        %get3A_724 = tpu.vector_load %arg15[%get3A_722, %get3A_723] {strides = array<i32>} : memref<640x64xf32, #tpu.memory_space<vmem>>, vector<16xf32>,
        %get3A_725 = arith.index_cast %add3A_715 : i32 to index
        %get3A_726 = arith.constant 48 : index
        %get3A_727 = tpu.vector_load %arg15[%get3A_725, %get3A_726] {strides = array<i32>} : memref<640x64xf32, #tpu.memory_space<vmem>>, vector<16xf32>,
        %mul3A_728 = arith.mulf %get3A_372, %get3A_718 : vector<16xf32>
        %mul3A_729 = arith.mulf %get3A_379, %get3A_721 : vector<16xf32>
        %add3A_730 = arith.addf %mul3A_728, %mul3A_729 : vector<16xf32>
        %mul3A_731 = arith.mulf %get3A_386, %get3A_724 : vector<16xf32>
        %add3A_732 = arith.addf %add3A_730, %mul3A_731 : vector<16xf32>
        %mul3A_733 = arith.mulf %get3A_393, %get3A_727 : vector<16xf32>
        %add3A_734 = arith.addf %add3A_732, %mul3A_733 : vector<16xf32>
        %reduce_sum3A_735 = arith.constant true
        %reduce_sum3A_736 = vector.broadcast %reduce_sum3A_735 : i1 to vector<16xi1>
        %reduce_sum3A_737 = tpu.scan <sum>, %add3A_734 masked %reduce_sum3A_736 : vector<16xf32>, vector<16xi1> -> vector<16xf32>
        %reduce_sum3A_738 = vector.extract %reduce_sum3A_737[15] : f32 from vector<16xf32>
        %sub3A_739 = arith.subf %reduce_sum3A_415, %reduce_sum3A_738 : f32
        %broadcast_in_dim3A_740 = vector.broadcast %sub3A_739 : f32 to vector<16xf32>
        %eq3A_741 = arith.constant 9 : i32
        %eq3A_742 = vector.broadcast %eq3A_741 : i32 to vector<16xi32>
        %eq3A_743 = arith.cmpi eq, %iota3A, %eq3A_742 : vector<16xi32>
        %select_n3A_744 = arith.select %eq3A_743, %broadcast_in_dim3A_740, %select_n3A_711 : vector<16xi1>, vector<16xf32>
        %mul3A_745 = arith.constant 20 : i32
        %mul3A_746 = arith.muli %scan3A_363, %mul3A_745 : i32
        %add3A_747 = arith.constant 10 : i32
        %add3A_748 = arith.addi %mul3A_746, %add3A_747 : i32
        %get3A_749 = arith.index_cast %add3A_748 : i32 to index
        %get3A_750 = arith.constant 0 : index
        %get3A_751 = tpu.vector_load %arg15[%get3A_749, %get3A_750] {strides = array<i32>} : memref<640x64xf32, #tpu.memory_space<vmem>>, vector<16xf32>,
        %get3A_752 = arith.index_cast %add3A_748 : i32 to index
        %get3A_753 = arith.constant 16 : index
        %get3A_754 = tpu.vector_load %arg15[%get3A_752, %get3A_753] {strides = array<i32>} : memref<640x64xf32, #tpu.memory_space<vmem>>, vector<16xf32>,
        %get3A_755 = arith.index_cast %add3A_748 : i32 to index
        %get3A_756 = arith.constant 32 : index
        %get3A_757 = tpu.vector_load %arg15[%get3A_755, %get3A_756] {strides = array<i32>} : memref<640x64xf32, #tpu.memory_space<vmem>>, vector<16xf32>,
        %get3A_758 = arith.index_cast %add3A_748 : i32 to index
        %get3A_759 = arith.constant 48 : index
        %get3A_760 = tpu.vector_load %arg15[%get3A_758, %get3A_759] {strides = array<i32>} : memref<640x64xf32, #tpu.memory_space<vmem>>, vector<16xf32>,
        %mul3A_761 = arith.mulf %get3A_372, %get3A_751 : vector<16xf32>
        %mul3A_762 = arith.mulf %get3A_379, %get3A_754 : vector<16xf32>
        %add3A_763 = arith.addf %mul3A_761, %mul3A_762 : vector<16xf32>
        %mul3A_764 = arith.mulf %get3A_386, %get3A_757 : vector<16xf32>
        %add3A_765 = arith.addf %add3A_763, %mul3A_764 : vector<16xf32>
        %mul3A_766 = arith.mulf %get3A_393, %get3A_760 : vector<16xf32>
        %add3A_767 = arith.addf %add3A_765, %mul3A_766 : vector<16xf32>
        %reduce_sum3A_768 = arith.constant true
        %reduce_sum3A_769 = vector.broadcast %reduce_sum3A_768 : i1 to vector<16xi1>
        %reduce_sum3A_770 = tpu.scan <sum>, %add3A_767 masked %reduce_sum3A_769 : vector<16xf32>, vector<16xi1> -> vector<16xf32>
        %reduce_sum3A_771 = vector.extract %reduce_sum3A_770[15] : f32 from vector<16xf32>
        %sub3A_772 = arith.subf %reduce_sum3A_415, %reduce_sum3A_771 : f32
        %broadcast_in_dim3A_773 = vector.broadcast %sub3A_772 : f32 to vector<16xf32>
        %eq3A_774 = arith.constant 10 : i32
        %eq3A_775 = vector.broadcast %eq3A_774 : i32 to vector<16xi32>
        %eq3A_776 = arith.cmpi eq, %iota3A, %eq3A_775 : vector<16xi32>
        %select_n3A_777 = arith.select %eq3A_776, %broadcast_in_dim3A_773, %select_n3A_744 : vector<16xi1>, vector<16xf32>
        %mul3A_778 = arith.constant 20 : i32
        %mul3A_779 = arith.muli %scan3A_363, %mul3A_778 : i32
        %add3A_780 = arith.constant 11 : i32
        %add3A_781 = arith.addi %mul3A_779, %add3A_780 : i32
        %get3A_782 = arith.index_cast %add3A_781 : i32 to index
        %get3A_783 = arith.constant 0 : index
        %get3A_784 = tpu.vector_load %arg15[%get3A_782, %get3A_783] {strides = array<i32>} : memref<640x64xf32, #tpu.memory_space<vmem>>, vector<16xf32>,
        %get3A_785 = arith.index_cast %add3A_781 : i32 to index
        %get3A_786 = arith.constant 16 : index
        %get3A_787 = tpu.vector_load %arg15[%get3A_785, %get3A_786] {strides = array<i32>} : memref<640x64xf32, #tpu.memory_space<vmem>>, vector<16xf32>,
        %get3A_788 = arith.index_cast %add3A_781 : i32 to index
        %get3A_789 = arith.constant 32 : index
        %get3A_790 = tpu.vector_load %arg15[%get3A_788, %get3A_789] {strides = array<i32>} : memref<640x64xf32, #tpu.memory_space<vmem>>, vector<16xf32>,
        %get3A_791 = arith.index_cast %add3A_781 : i32 to index
        %get3A_792 = arith.constant 48 : index
        %get3A_793 = tpu.vector_load %arg15[%get3A_791, %get3A_792] {strides = array<i32>} : memref<640x64xf32, #tpu.memory_space<vmem>>, vector<16xf32>,
        %mul3A_794 = arith.mulf %get3A_372, %get3A_784 : vector<16xf32>
        %mul3A_795 = arith.mulf %get3A_379, %get3A_787 : vector<16xf32>
        %add3A_796 = arith.addf %mul3A_794, %mul3A_795 : vector<16xf32>
        %mul3A_797 = arith.mulf %get3A_386, %get3A_790 : vector<16xf32>
        %add3A_798 = arith.addf %add3A_796, %mul3A_797 : vector<16xf32>
        %mul3A_799 = arith.mulf %get3A_393, %get3A_793 : vector<16xf32>
        %add3A_800 = arith.addf %add3A_798, %mul3A_799 : vector<16xf32>
        %reduce_sum3A_801 = arith.constant true
        %reduce_sum3A_802 = vector.broadcast %reduce_sum3A_801 : i1 to vector<16xi1>
        %reduce_sum3A_803 = tpu.scan <sum>, %add3A_800 masked %reduce_sum3A_802 : vector<16xf32>, vector<16xi1> -> vector<16xf32>
        %reduce_sum3A_804 = vector.extract %reduce_sum3A_803[15] : f32 from vector<16xf32>
        %sub3A_805 = arith.subf %reduce_sum3A_415, %reduce_sum3A_804 : f32
        %broadcast_in_dim3A_806 = vector.broadcast %sub3A_805 : f32 to vector<16xf32>
        %eq3A_807 = arith.constant 11 : i32
        %eq3A_808 = vector.broadcast %eq3A_807 : i32 to vector<16xi32>
        %eq3A_809 = arith.cmpi eq, %iota3A, %eq3A_808 : vector<16xi32>
        %select_n3A_810 = arith.select %eq3A_809, %broadcast_in_dim3A_806, %select_n3A_777 : vector<16xi1>, vector<16xf32>
        %mul3A_811 = arith.constant 20 : i32
        %mul3A_812 = arith.muli %scan3A_363, %mul3A_811 : i32
        %add3A_813 = arith.constant 12 : i32
        %add3A_814 = arith.addi %mul3A_812, %add3A_813 : i32
        %get3A_815 = arith.index_cast %add3A_814 : i32 to index
        %get3A_816 = arith.constant 0 : index
        %get3A_817 = tpu.vector_load %arg15[%get3A_815, %get3A_816] {strides = array<i32>} : memref<640x64xf32, #tpu.memory_space<vmem>>, vector<16xf32>,
        %get3A_818 = arith.index_cast %add3A_814 : i32 to index
        %get3A_819 = arith.constant 16 : index
        %get3A_820 = tpu.vector_load %arg15[%get3A_818, %get3A_819] {strides = array<i32>} : memref<640x64xf32, #tpu.memory_space<vmem>>, vector<16xf32>,
        %get3A_821 = arith.index_cast %add3A_814 : i32 to index
        %get3A_822 = arith.constant 32 : index
        %get3A_823 = tpu.vector_load %arg15[%get3A_821, %get3A_822] {strides = array<i32>} : memref<640x64xf32, #tpu.memory_space<vmem>>, vector<16xf32>,
        %get3A_824 = arith.index_cast %add3A_814 : i32 to index
        %get3A_825 = arith.constant 48 : index
        %get3A_826 = tpu.vector_load %arg15[%get3A_824, %get3A_825] {strides = array<i32>} : memref<640x64xf32, #tpu.memory_space<vmem>>, vector<16xf32>,
        %mul3A_827 = arith.mulf %get3A_372, %get3A_817 : vector<16xf32>
        %mul3A_828 = arith.mulf %get3A_379, %get3A_820 : vector<16xf32>
        %add3A_829 = arith.addf %mul3A_827, %mul3A_828 : vector<16xf32>
        %mul3A_830 = arith.mulf %get3A_386, %get3A_823 : vector<16xf32>
        %add3A_831 = arith.addf %add3A_829, %mul3A_830 : vector<16xf32>
        %mul3A_832 = arith.mulf %get3A_393, %get3A_826 : vector<16xf32>
        %add3A_833 = arith.addf %add3A_831, %mul3A_832 : vector<16xf32>
        %reduce_sum3A_834 = arith.constant true
        %reduce_sum3A_835 = vector.broadcast %reduce_sum3A_834 : i1 to vector<16xi1>
        %reduce_sum3A_836 = tpu.scan <sum>, %add3A_833 masked %reduce_sum3A_835 : vector<16xf32>, vector<16xi1> -> vector<16xf32>
        %reduce_sum3A_837 = vector.extract %reduce_sum3A_836[15] : f32 from vector<16xf32>
        %sub3A_838 = arith.subf %reduce_sum3A_415, %reduce_sum3A_837 : f32
        %broadcast_in_dim3A_839 = vector.broadcast %sub3A_838 : f32 to vector<16xf32>
        %eq3A_840 = arith.constant 12 : i32
        %eq3A_841 = vector.broadcast %eq3A_840 : i32 to vector<16xi32>
        %eq3A_842 = arith.cmpi eq, %iota3A, %eq3A_841 : vector<16xi32>
        %select_n3A_843 = arith.select %eq3A_842, %broadcast_in_dim3A_839, %select_n3A_810 : vector<16xi1>, vector<16xf32>
        %mul3A_844 = arith.constant 20 : i32
        %mul3A_845 = arith.muli %scan3A_363, %mul3A_844 : i32
        %add3A_846 = arith.constant 13 : i32
        %add3A_847 = arith.addi %mul3A_845, %add3A_846 : i32
        %get3A_848 = arith.index_cast %add3A_847 : i32 to index
        %get3A_849 = arith.constant 0 : index
        %get3A_850 = tpu.vector_load %arg15[%get3A_848, %get3A_849] {strides = array<i32>} : memref<640x64xf32, #tpu.memory_space<vmem>>, vector<16xf32>,
        %get3A_851 = arith.index_cast %add3A_847 : i32 to index
        %get3A_852 = arith.constant 16 : index
        %get3A_853 = tpu.vector_load %arg15[%get3A_851, %get3A_852] {strides = array<i32>} : memref<640x64xf32, #tpu.memory_space<vmem>>, vector<16xf32>,
        %get3A_854 = arith.index_cast %add3A_847 : i32 to index
        %get3A_855 = arith.constant 32 : index
        %get3A_856 = tpu.vector_load %arg15[%get3A_854, %get3A_855] {strides = array<i32>} : memref<640x64xf32, #tpu.memory_space<vmem>>, vector<16xf32>,
        %get3A_857 = arith.index_cast %add3A_847 : i32 to index
        %get3A_858 = arith.constant 48 : index
        %get3A_859 = tpu.vector_load %arg15[%get3A_857, %get3A_858] {strides = array<i32>} : memref<640x64xf32, #tpu.memory_space<vmem>>, vector<16xf32>,
        %mul3A_860 = arith.mulf %get3A_372, %get3A_850 : vector<16xf32>
        %mul3A_861 = arith.mulf %get3A_379, %get3A_853 : vector<16xf32>
        %add3A_862 = arith.addf %mul3A_860, %mul3A_861 : vector<16xf32>
        %mul3A_863 = arith.mulf %get3A_386, %get3A_856 : vector<16xf32>
        %add3A_864 = arith.addf %add3A_862, %mul3A_863 : vector<16xf32>
        %mul3A_865 = arith.mulf %get3A_393, %get3A_859 : vector<16xf32>
        %add3A_866 = arith.addf %add3A_864, %mul3A_865 : vector<16xf32>
        %reduce_sum3A_867 = arith.constant true
        %reduce_sum3A_868 = vector.broadcast %reduce_sum3A_867 : i1 to vector<16xi1>
        %reduce_sum3A_869 = tpu.scan <sum>, %add3A_866 masked %reduce_sum3A_868 : vector<16xf32>, vector<16xi1> -> vector<16xf32>
        %reduce_sum3A_870 = vector.extract %reduce_sum3A_869[15] : f32 from vector<16xf32>
        %sub3A_871 = arith.subf %reduce_sum3A_415, %reduce_sum3A_870 : f32
        %broadcast_in_dim3A_872 = vector.broadcast %sub3A_871 : f32 to vector<16xf32>
        %eq3A_873 = arith.constant 13 : i32
        %eq3A_874 = vector.broadcast %eq3A_873 : i32 to vector<16xi32>
        %eq3A_875 = arith.cmpi eq, %iota3A, %eq3A_874 : vector<16xi32>
        %select_n3A_876 = arith.select %eq3A_875, %broadcast_in_dim3A_872, %select_n3A_843 : vector<16xi1>, vector<16xf32>
        %mul3A_877 = arith.constant 20 : i32
        %mul3A_878 = arith.muli %scan3A_363, %mul3A_877 : i32
        %add3A_879 = arith.constant 14 : i32
        %add3A_880 = arith.addi %mul3A_878, %add3A_879 : i32
        %get3A_881 = arith.index_cast %add3A_880 : i32 to index
        %get3A_882 = arith.constant 0 : index
        %get3A_883 = tpu.vector_load %arg15[%get3A_881, %get3A_882] {strides = array<i32>} : memref<640x64xf32, #tpu.memory_space<vmem>>, vector<16xf32>,
        %get3A_884 = arith.index_cast %add3A_880 : i32 to index
        %get3A_885 = arith.constant 16 : index
        %get3A_886 = tpu.vector_load %arg15[%get3A_884, %get3A_885] {strides = array<i32>} : memref<640x64xf32, #tpu.memory_space<vmem>>, vector<16xf32>,
        %get3A_887 = arith.index_cast %add3A_880 : i32 to index
        %get3A_888 = arith.constant 32 : index
        %get3A_889 = tpu.vector_load %arg15[%get3A_887, %get3A_888] {strides = array<i32>} : memref<640x64xf32, #tpu.memory_space<vmem>>, vector<16xf32>,
        %get3A_890 = arith.index_cast %add3A_880 : i32 to index
        %get3A_891 = arith.constant 48 : index
        %get3A_892 = tpu.vector_load %arg15[%get3A_890, %get3A_891] {strides = array<i32>} : memref<640x64xf32, #tpu.memory_space<vmem>>, vector<16xf32>,
        %mul3A_893 = arith.mulf %get3A_372, %get3A_883 : vector<16xf32>
        %mul3A_894 = arith.mulf %get3A_379, %get3A_886 : vector<16xf32>
        %add3A_895 = arith.addf %mul3A_893, %mul3A_894 : vector<16xf32>
        %mul3A_896 = arith.mulf %get3A_386, %get3A_889 : vector<16xf32>
        %add3A_897 = arith.addf %add3A_895, %mul3A_896 : vector<16xf32>
        %mul3A_898 = arith.mulf %get3A_393, %get3A_892 : vector<16xf32>
        %add3A_899 = arith.addf %add3A_897, %mul3A_898 : vector<16xf32>
        %reduce_sum3A_900 = arith.constant true
        %reduce_sum3A_901 = vector.broadcast %reduce_sum3A_900 : i1 to vector<16xi1>
        %reduce_sum3A_902 = tpu.scan <sum>, %add3A_899 masked %reduce_sum3A_901 : vector<16xf32>, vector<16xi1> -> vector<16xf32>
        %reduce_sum3A_903 = vector.extract %reduce_sum3A_902[15] : f32 from vector<16xf32>
        %sub3A_904 = arith.subf %reduce_sum3A_415, %reduce_sum3A_903 : f32
        %broadcast_in_dim3A_905 = vector.broadcast %sub3A_904 : f32 to vector<16xf32>
        %eq3A_906 = arith.constant 14 : i32
        %eq3A_907 = vector.broadcast %eq3A_906 : i32 to vector<16xi32>
        %eq3A_908 = arith.cmpi eq, %iota3A, %eq3A_907 : vector<16xi32>
        %select_n3A_909 = arith.select %eq3A_908, %broadcast_in_dim3A_905, %select_n3A_876 : vector<16xi1>, vector<16xf32>
        %mul3A_910 = arith.constant 20 : i32
        %mul3A_911 = arith.muli %scan3A_363, %mul3A_910 : i32
        %add3A_912 = arith.constant 15 : i32
        %add3A_913 = arith.addi %mul3A_911, %add3A_912 : i32
        %get3A_914 = arith.index_cast %add3A_913 : i32 to index
        %get3A_915 = arith.constant 0 : index
        %get3A_916 = tpu.vector_load %arg15[%get3A_914, %get3A_915] {strides = array<i32>} : memref<640x64xf32, #tpu.memory_space<vmem>>, vector<16xf32>,
        %get3A_917 = arith.index_cast %add3A_913 : i32 to index
        %get3A_918 = arith.constant 16 : index
        %get3A_919 = tpu.vector_load %arg15[%get3A_917, %get3A_918] {strides = array<i32>} : memref<640x64xf32, #tpu.memory_space<vmem>>, vector<16xf32>,
        %get3A_920 = arith.index_cast %add3A_913 : i32 to index
        %get3A_921 = arith.constant 32 : index
        %get3A_922 = tpu.vector_load %arg15[%get3A_920, %get3A_921] {strides = array<i32>} : memref<640x64xf32, #tpu.memory_space<vmem>>, vector<16xf32>,
        %get3A_923 = arith.index_cast %add3A_913 : i32 to index
        %get3A_924 = arith.constant 48 : index
        %get3A_925 = tpu.vector_load %arg15[%get3A_923, %get3A_924] {strides = array<i32>} : memref<640x64xf32, #tpu.memory_space<vmem>>, vector<16xf32>,
        %mul3A_926 = arith.mulf %get3A_372, %get3A_916 : vector<16xf32>
        %mul3A_927 = arith.mulf %get3A_379, %get3A_919 : vector<16xf32>
        %add3A_928 = arith.addf %mul3A_926, %mul3A_927 : vector<16xf32>
        %mul3A_929 = arith.mulf %get3A_386, %get3A_922 : vector<16xf32>
        %add3A_930 = arith.addf %add3A_928, %mul3A_929 : vector<16xf32>
        %mul3A_931 = arith.mulf %get3A_393, %get3A_925 : vector<16xf32>
        %add3A_932 = arith.addf %add3A_930, %mul3A_931 : vector<16xf32>
        %reduce_sum3A_933 = arith.constant true
        %reduce_sum3A_934 = vector.broadcast %reduce_sum3A_933 : i1 to vector<16xi1>
        %reduce_sum3A_935 = tpu.scan <sum>, %add3A_932 masked %reduce_sum3A_934 : vector<16xf32>, vector<16xi1> -> vector<16xf32>
        %reduce_sum3A_936 = vector.extract %reduce_sum3A_935[15] : f32 from vector<16xf32>
        %sub3A_937 = arith.subf %reduce_sum3A_415, %reduce_sum3A_936 : f32
        %broadcast_in_dim3A_938 = vector.broadcast %sub3A_937 : f32 to vector<16xf32>
        %eq3A_939 = arith.constant 15 : i32
        %eq3A_940 = vector.broadcast %eq3A_939 : i32 to vector<16xi32>
        %eq3A_941 = arith.cmpi eq, %iota3A, %eq3A_940 : vector<16xi32>
        %select_n3A_942 = arith.select %eq3A_941, %broadcast_in_dim3A_938, %select_n3A_909 : vector<16xi1>, vector<16xf32>
        %mul3A_943 = arith.constant 20 : i32
        %mul3A_944 = arith.muli %scan3A_363, %mul3A_943 : i32
        %add3A_945 = arith.constant 16 : i32
        %add3A_946 = arith.addi %mul3A_944, %add3A_945 : i32
        %get3A_947 = arith.index_cast %add3A_946 : i32 to index
        %get3A_948 = arith.constant 0 : index
        %get3A_949 = tpu.vector_load %arg15[%get3A_947, %get3A_948] {strides = array<i32>} : memref<640x64xf32, #tpu.memory_space<vmem>>, vector<16xf32>,
        %get3A_950 = arith.index_cast %add3A_946 : i32 to index
        %get3A_951 = arith.constant 16 : index
        %get3A_952 = tpu.vector_load %arg15[%get3A_950, %get3A_951] {strides = array<i32>} : memref<640x64xf32, #tpu.memory_space<vmem>>, vector<16xf32>,
        %get3A_953 = arith.index_cast %add3A_946 : i32 to index
        %get3A_954 = arith.constant 32 : index
        %get3A_955 = tpu.vector_load %arg15[%get3A_953, %get3A_954] {strides = array<i32>} : memref<640x64xf32, #tpu.memory_space<vmem>>, vector<16xf32>,
        %get3A_956 = arith.index_cast %add3A_946 : i32 to index
        %get3A_957 = arith.constant 48 : index
        %get3A_958 = tpu.vector_load %arg15[%get3A_956, %get3A_957] {strides = array<i32>} : memref<640x64xf32, #tpu.memory_space<vmem>>, vector<16xf32>,
        %mul3A_959 = arith.mulf %get3A_372, %get3A_949 : vector<16xf32>
        %mul3A_960 = arith.mulf %get3A_379, %get3A_952 : vector<16xf32>
        %add3A_961 = arith.addf %mul3A_959, %mul3A_960 : vector<16xf32>
        %mul3A_962 = arith.mulf %get3A_386, %get3A_955 : vector<16xf32>
        %add3A_963 = arith.addf %add3A_961, %mul3A_962 : vector<16xf32>
        %mul3A_964 = arith.mulf %get3A_393, %get3A_958 : vector<16xf32>
        %add3A_965 = arith.addf %add3A_963, %mul3A_964 : vector<16xf32>
        %reduce_sum3A_966 = arith.constant true
        %reduce_sum3A_967 = vector.broadcast %reduce_sum3A_966 : i1 to vector<16xi1>
        %reduce_sum3A_968 = tpu.scan <sum>, %add3A_965 masked %reduce_sum3A_967 : vector<16xf32>, vector<16xi1> -> vector<16xf32>
        %reduce_sum3A_969 = vector.extract %reduce_sum3A_968[15] : f32 from vector<16xf32>
        %sub3A_970 = arith.subf %reduce_sum3A_415, %reduce_sum3A_969 : f32
        %broadcast_in_dim3A_971 = vector.broadcast %sub3A_970 : f32 to vector<16xf32>
        %eq3A_972 = arith.constant 0 : i32
        %eq3A_973 = vector.broadcast %eq3A_972 : i32 to vector<16xi32>
        %eq3A_974 = arith.cmpi eq, %iota3A, %eq3A_973 : vector<16xi32>
        %select_n3A_975 = arith.select %eq3A_974, %broadcast_in_dim3A_971, %broadcast_in_dim3A_281 : vector<16xi1>, vector<16xf32>
        %mul3A_976 = arith.constant 20 : i32
        %mul3A_977 = arith.muli %scan3A_363, %mul3A_976 : i32
        %add3A_978 = arith.constant 17 : i32
        %add3A_979 = arith.addi %mul3A_977, %add3A_978 : i32
        %get3A_980 = arith.index_cast %add3A_979 : i32 to index
        %get3A_981 = arith.constant 0 : index
        %get3A_982 = tpu.vector_load %arg15[%get3A_980, %get3A_981] {strides = array<i32>} : memref<640x64xf32, #tpu.memory_space<vmem>>, vector<16xf32>,
        %get3A_983 = arith.index_cast %add3A_979 : i32 to index
        %get3A_984 = arith.constant 16 : index
        %get3A_985 = tpu.vector_load %arg15[%get3A_983, %get3A_984] {strides = array<i32>} : memref<640x64xf32, #tpu.memory_space<vmem>>, vector<16xf32>,
        %get3A_986 = arith.index_cast %add3A_979 : i32 to index
        %get3A_987 = arith.constant 32 : index
        %get3A_988 = tpu.vector_load %arg15[%get3A_986, %get3A_987] {strides = array<i32>} : memref<640x64xf32, #tpu.memory_space<vmem>>, vector<16xf32>,
        %get3A_989 = arith.index_cast %add3A_979 : i32 to index
        %get3A_990 = arith.constant 48 : index
        %get3A_991 = tpu.vector_load %arg15[%get3A_989, %get3A_990] {strides = array<i32>} : memref<640x64xf32, #tpu.memory_space<vmem>>, vector<16xf32>,
        %mul3A_992 = arith.mulf %get3A_372, %get3A_982 : vector<16xf32>
        %mul3A_993 = arith.mulf %get3A_379, %get3A_985 : vector<16xf32>
        %add3A_994 = arith.addf %mul3A_992, %mul3A_993 : vector<16xf32>
        %mul3A_995 = arith.mulf %get3A_386, %get3A_988 : vector<16xf32>
        %add3A_996 = arith.addf %add3A_994, %mul3A_995 : vector<16xf32>
        %mul3A_997 = arith.mulf %get3A_393, %get3A_991 : vector<16xf32>
        %add3A_998 = arith.addf %add3A_996, %mul3A_997 : vector<16xf32>
        %reduce_sum3A_999 = arith.constant true
        %reduce_sum3A_1000 = vector.broadcast %reduce_sum3A_999 : i1 to vector<16xi1>
        %reduce_sum3A_1001 = tpu.scan <sum>, %add3A_998 masked %reduce_sum3A_1000 : vector<16xf32>, vector<16xi1> -> vector<16xf32>
        %reduce_sum3A_1002 = vector.extract %reduce_sum3A_1001[15] : f32 from vector<16xf32>
        %sub3A_1003 = arith.subf %reduce_sum3A_415, %reduce_sum3A_1002 : f32
        %broadcast_in_dim3A_1004 = vector.broadcast %sub3A_1003 : f32 to vector<16xf32>
        %eq3A_1005 = arith.constant 1 : i32
        %eq3A_1006 = vector.broadcast %eq3A_1005 : i32 to vector<16xi32>
        %eq3A_1007 = arith.cmpi eq, %iota3A, %eq3A_1006 : vector<16xi32>
        %select_n3A_1008 = arith.select %eq3A_1007, %broadcast_in_dim3A_1004, %select_n3A_975 : vector<16xi1>, vector<16xf32>
        %mul3A_1009 = arith.constant 20 : i32
        %mul3A_1010 = arith.muli %scan3A_363, %mul3A_1009 : i32
        %add3A_1011 = arith.constant 18 : i32
        %add3A_1012 = arith.addi %mul3A_1010, %add3A_1011 : i32
        %get3A_1013 = arith.index_cast %add3A_1012 : i32 to index
        %get3A_1014 = arith.constant 0 : index
        %get3A_1015 = tpu.vector_load %arg15[%get3A_1013, %get3A_1014] {strides = array<i32>} : memref<640x64xf32, #tpu.memory_space<vmem>>, vector<16xf32>,
        %get3A_1016 = arith.index_cast %add3A_1012 : i32 to index
        %get3A_1017 = arith.constant 16 : index
        %get3A_1018 = tpu.vector_load %arg15[%get3A_1016, %get3A_1017] {strides = array<i32>} : memref<640x64xf32, #tpu.memory_space<vmem>>, vector<16xf32>,
        %get3A_1019 = arith.index_cast %add3A_1012 : i32 to index
        %get3A_1020 = arith.constant 32 : index
        %get3A_1021 = tpu.vector_load %arg15[%get3A_1019, %get3A_1020] {strides = array<i32>} : memref<640x64xf32, #tpu.memory_space<vmem>>, vector<16xf32>,
        %get3A_1022 = arith.index_cast %add3A_1012 : i32 to index
        %get3A_1023 = arith.constant 48 : index
        %get3A_1024 = tpu.vector_load %arg15[%get3A_1022, %get3A_1023] {strides = array<i32>} : memref<640x64xf32, #tpu.memory_space<vmem>>, vector<16xf32>,
        %mul3A_1025 = arith.mulf %get3A_372, %get3A_1015 : vector<16xf32>
        %mul3A_1026 = arith.mulf %get3A_379, %get3A_1018 : vector<16xf32>
        %add3A_1027 = arith.addf %mul3A_1025, %mul3A_1026 : vector<16xf32>
        %mul3A_1028 = arith.mulf %get3A_386, %get3A_1021 : vector<16xf32>
        %add3A_1029 = arith.addf %add3A_1027, %mul3A_1028 : vector<16xf32>
        %mul3A_1030 = arith.mulf %get3A_393, %get3A_1024 : vector<16xf32>
        %add3A_1031 = arith.addf %add3A_1029, %mul3A_1030 : vector<16xf32>
        %reduce_sum3A_1032 = arith.constant true
        %reduce_sum3A_1033 = vector.broadcast %reduce_sum3A_1032 : i1 to vector<16xi1>
        %reduce_sum3A_1034 = tpu.scan <sum>, %add3A_1031 masked %reduce_sum3A_1033 : vector<16xf32>, vector<16xi1> -> vector<16xf32>
        %reduce_sum3A_1035 = vector.extract %reduce_sum3A_1034[15] : f32 from vector<16xf32>
        %sub3A_1036 = arith.subf %reduce_sum3A_415, %reduce_sum3A_1035 : f32
        %broadcast_in_dim3A_1037 = vector.broadcast %sub3A_1036 : f32 to vector<16xf32>
        %eq3A_1038 = arith.constant 2 : i32
        %eq3A_1039 = vector.broadcast %eq3A_1038 : i32 to vector<16xi32>
        %eq3A_1040 = arith.cmpi eq, %iota3A, %eq3A_1039 : vector<16xi32>
        %select_n3A_1041 = arith.select %eq3A_1040, %broadcast_in_dim3A_1037, %select_n3A_1008 : vector<16xi1>, vector<16xf32>
        %mul3A_1042 = arith.constant 20 : i32
        %mul3A_1043 = arith.muli %scan3A_363, %mul3A_1042 : i32
        %add3A_1044 = arith.constant 19 : i32
        %add3A_1045 = arith.addi %mul3A_1043, %add3A_1044 : i32
        %get3A_1046 = arith.index_cast %add3A_1045 : i32 to index
        %get3A_1047 = arith.constant 0 : index
        %get3A_1048 = tpu.vector_load %arg15[%get3A_1046, %get3A_1047] {strides = array<i32>} : memref<640x64xf32, #tpu.memory_space<vmem>>, vector<16xf32>,
        %get3A_1049 = arith.index_cast %add3A_1045 : i32 to index
        %get3A_1050 = arith.constant 16 : index
        %get3A_1051 = tpu.vector_load %arg15[%get3A_1049, %get3A_1050] {strides = array<i32>} : memref<640x64xf32, #tpu.memory_space<vmem>>, vector<16xf32>,
        %get3A_1052 = arith.index_cast %add3A_1045 : i32 to index
        %get3A_1053 = arith.constant 32 : index
        %get3A_1054 = tpu.vector_load %arg15[%get3A_1052, %get3A_1053] {strides = array<i32>} : memref<640x64xf32, #tpu.memory_space<vmem>>, vector<16xf32>,
        %get3A_1055 = arith.index_cast %add3A_1045 : i32 to index
        %get3A_1056 = arith.constant 48 : index
        %get3A_1057 = tpu.vector_load %arg15[%get3A_1055, %get3A_1056] {strides = array<i32>} : memref<640x64xf32, #tpu.memory_space<vmem>>, vector<16xf32>,
        %mul3A_1058 = arith.mulf %get3A_372, %get3A_1048 : vector<16xf32>
        %mul3A_1059 = arith.mulf %get3A_379, %get3A_1051 : vector<16xf32>
        %add3A_1060 = arith.addf %mul3A_1058, %mul3A_1059 : vector<16xf32>
        %mul3A_1061 = arith.mulf %get3A_386, %get3A_1054 : vector<16xf32>
        %add3A_1062 = arith.addf %add3A_1060, %mul3A_1061 : vector<16xf32>
        %mul3A_1063 = arith.mulf %get3A_393, %get3A_1057 : vector<16xf32>
        %add3A_1064 = arith.addf %add3A_1062, %mul3A_1063 : vector<16xf32>
        %reduce_sum3A_1065 = arith.constant true
        %reduce_sum3A_1066 = vector.broadcast %reduce_sum3A_1065 : i1 to vector<16xi1>
        %reduce_sum3A_1067 = tpu.scan <sum>, %add3A_1064 masked %reduce_sum3A_1066 : vector<16xf32>, vector<16xi1> -> vector<16xf32>
        %reduce_sum3A_1068 = vector.extract %reduce_sum3A_1067[15] : f32 from vector<16xf32>
        %sub3A_1069 = arith.subf %reduce_sum3A_415, %reduce_sum3A_1068 : f32
        %broadcast_in_dim3A_1070 = vector.broadcast %sub3A_1069 : f32 to vector<16xf32>
        %eq3A_1071 = arith.constant 3 : i32
        %eq3A_1072 = vector.broadcast %eq3A_1071 : i32 to vector<16xi32>
        %eq3A_1073 = arith.cmpi eq, %iota3A, %eq3A_1072 : vector<16xi32>
        %select_n3A_1074 = arith.select %eq3A_1073, %broadcast_in_dim3A_1070, %select_n3A_1041 : vector<16xi1>, vector<16xf32>
        %swap3A = arith.index_cast %scan3A_363 : i32 to index
        %swap3A_1075 = arith.constant 0 : index
        %swap3A_1076 = tpu.vector_load %arg17[%swap3A, %swap3A_1075] {strides = array<i32>} : memref<32x20xf32, #tpu.memory_space<vmem>>, vector<16xf32>,
        tpu.vector_store %arg17[%swap3A, %swap3A_1075], %select_n3A_942 {strides = array<i32>} : memref<32x20xf32, #tpu.memory_space<vmem>>, vector<16xf32>,
        %broadcast_in_dim3A_1077 = vector.broadcast %scan3A_363 : i32 to vector<16xi32>
        %and3A_1078 = arith.constant 3 : i32
        %and3A_1079 = vector.broadcast %and3A_1078 : i32 to vector<16xi32>
        %and3A_1080 = arith.andi %iota3A, %and3A_1079 : vector<16xi32>
        %add3A_1081 = arith.constant 16 : i32
        %add3A_1082 = vector.broadcast %add3A_1081 : i32 to vector<16xi32>
        %add3A_1083 = arith.addi %add3A_1082, %and3A_1080 : vector<16xi32>
        %lt3A_1084 = arith.constant 4 : i32
        %lt3A_1085 = vector.broadcast %lt3A_1084 : i32 to vector<16xi32>
        %lt3A_1086 = arith.cmpi slt, %iota3A, %lt3A_1085 : vector<16xi32>
        tpu.vector_store_idx %arg17[%broadcast_in_dim3A_1077, %add3A_1083], %select_n3A_1074 masked %lt3A_1086 : memref<32x20xf32, #tpu.memory_space<vmem>>[vector<16xi32>, vector<16xi32>], vector<16xf32>, vector<16xi1>
      }
      %scan3A_287 = arith.constant 32 : i32
      "tpu.region"() ({
        %run_scoped3A_363 = tpu.sem_alloc : memref<!tpu.dma_semaphore, #tpu.memory_space<semaphore_mem>>
        %dma_start3A_364 = arith.constant 0 : i32
        %dma_start3A_365 = tpu.memref_slice %arg6[%add3A_280, %dma_start3A_364] : memref<16384x20xf32, #tpu.memory_space<hbm>> -> memref<32x20xf32, #tpu.memory_space<hbm>>
        %dma_start3A_366 = arith.constant 0 : i32
        %dma_start3A_367 = tpu.memref_slice %arg6[%add3A_280, %dma_start3A_366] : memref<16384x20xf32, #tpu.memory_space<hbm>> -> memref<32x20xf32, #tpu.memory_space<hbm>>
        tpu.enqueue_dma source(%arg17 : memref<32x20xf32, #tpu.memory_space<vmem>>) target(%dma_start3A_367 : memref<32x20xf32, #tpu.memory_space<hbm>>) target_semaphore(%run_scoped3A_363 : memref<!tpu.dma_semaphore, #tpu.memory_space<semaphore_mem>>)
        %dma_wait3A_368 = arith.constant 0 : i32
        %dma_wait3A_369 = tpu.memref_slice %arg6[%add3A_280, %dma_wait3A_368] : memref<16384x20xf32, #tpu.memory_space<hbm>> -> memref<32x20xf32, #tpu.memory_space<hbm>>
        %dma_wait3A_370 = arith.constant 0 : i32
        %dma_wait3A_371 = tpu.memref_slice %arg6[%add3A_280, %dma_wait3A_370] : memref<16384x20xf32, #tpu.memory_space<hbm>> -> memref<32x20xf32, #tpu.memory_space<hbm>>
        tpu.wait_dma2 semaphore(%run_scoped3A_363 : memref<!tpu.dma_semaphore, #tpu.memory_space<semaphore_mem>>) src(%arg17 : memref<32x20xf32, #tpu.memory_space<vmem>>) dst(%dma_wait3A_371 : memref<32x20xf32, #tpu.memory_space<hbm>>)
        tpu.yield
      }) : () -> ()
      %lt3A = arith.constant 7 : i32
      %lt3A_288 = arith.cmpi slt, %scan3A_106, %lt3A : i32
      %convert_element_type3A = arith.extui %lt3A_288 : i1 to i32
      %cond3A = arith.constant 0 : i32
      %cond3A_289 = arith.cmpi ne, %convert_element_type3A, %cond3A : i32
      scf.if %cond3A_289 {
        %add3A_363 = arith.constant 2 : i32
        %add3A_364 = arith.addi %mul3A_108, %add3A_363 : i32
        %mul3A_365 = arith.constant 32 : i32
        %mul3A_366 = arith.muli %add3A_364, %mul3A_365 : i32
        %add3A_367 = arith.addi %mul3A_2, %mul3A_366 : i32
        "tpu.region"() ({
          %run_scoped3A_474 = tpu.sem_alloc : memref<!tpu.dma_semaphore, #tpu.memory_space<semaphore_mem>>
          %dma_start3A_475 = tpu.memref_slice %arg2[%add3A_367] : memref<16384xi32, #tpu.memory_space<hbm>> -> memref<32xi32, #tpu.memory_space<hbm>>
          %dma_start3A_476 = tpu.memref_slice %arg2[%add3A_367] : memref<16384xi32, #tpu.memory_space<hbm>> -> memref<32xi32, #tpu.memory_space<hbm>>
          tpu.enqueue_dma source(%dma_start3A_476 : memref<32xi32, #tpu.memory_space<hbm>>) target(%arg7 : memref<32xi32, #tpu.memory_space<vmem>>) target_semaphore(%run_scoped3A_474 : memref<!tpu.dma_semaphore, #tpu.memory_space<semaphore_mem>>)
          %dma_wait3A_477 = tpu.memref_slice %arg2[%add3A_367] : memref<16384xi32, #tpu.memory_space<hbm>> -> memref<32xi32, #tpu.memory_space<hbm>>
          %dma_wait3A_478 = tpu.memref_slice %arg2[%add3A_367] : memref<16384xi32, #tpu.memory_space<hbm>> -> memref<32xi32, #tpu.memory_space<hbm>>
          tpu.wait_dma2 semaphore(%run_scoped3A_474 : memref<!tpu.dma_semaphore, #tpu.memory_space<semaphore_mem>>) src(%dma_wait3A_478 : memref<32xi32, #tpu.memory_space<hbm>>) dst(%arg7 : memref<32xi32, #tpu.memory_space<vmem>>)
          tpu.yield
        }) : () -> ()
        %mul3A_368 = arith.constant 20 : i32
        %mul3A_369 = arith.muli %add3A_367, %mul3A_368 : i32
        %add3A_370 = arith.constant 0 : i32
        %add3A_371 = arith.addi %mul3A_369, %add3A_370 : i32
        %run_scoped3A_372 = arith.constant 0 : i32
        "tpu.region"() ({
          %run_scoped3A_474 = tpu.sem_alloc : memref<!tpu.dma_semaphore, #tpu.memory_space<semaphore_mem>>
          %dma_start3A_475 = arith.constant 0 : i32
          %dma_start3A_476 = tpu.memref_slice %arg9[%run_scoped3A_372, %dma_start3A_475] : memref<5x128xi32, #tpu.memory_space<vmem>> -> memref<1x128xi32, #tpu.memory_space<vmem>>
          %dma_start3A_477 = tpu.memref_squeeze %dma_start3A_476 : memref<1x128xi32, #tpu.memory_space<vmem>> -> memref<128xi32, #tpu.memory_space<vmem>>
          %dma_start3A_478 = tpu.memref_slice %arg3[%add3A_371] : memref<327680xi32, #tpu.memory_space<hbm>> -> memref<128xi32, #tpu.memory_space<hbm>>
          %dma_start3A_479 = arith.constant 0 : i32
          %dma_start3A_480 = tpu.memref_slice %arg9[%run_scoped3A_372, %dma_start3A_479] : memref<5x128xi32, #tpu.memory_space<vmem>> -> memref<1x128xi32, #tpu.memory_space<vmem>>
          %dma_start3A_481 = tpu.memref_squeeze %dma_start3A_480 : memref<1x128xi32, #tpu.memory_space<vmem>> -> memref<128xi32, #tpu.memory_space<vmem>>
          %dma_start3A_482 = tpu.memref_slice %arg3[%add3A_371] : memref<327680xi32, #tpu.memory_space<hbm>> -> memref<128xi32, #tpu.memory_space<hbm>>
          tpu.enqueue_dma source(%dma_start3A_482 : memref<128xi32, #tpu.memory_space<hbm>>) target(%dma_start3A_481 : memref<128xi32, #tpu.memory_space<vmem>>) target_semaphore(%run_scoped3A_474 : memref<!tpu.dma_semaphore, #tpu.memory_space<semaphore_mem>>)
          %dma_wait3A_483 = arith.constant 0 : i32
          %dma_wait3A_484 = tpu.memref_slice %arg9[%run_scoped3A_372, %dma_wait3A_483] : memref<5x128xi32, #tpu.memory_space<vmem>> -> memref<1x128xi32, #tpu.memory_space<vmem>>
          %dma_wait3A_485 = tpu.memref_squeeze %dma_wait3A_484 : memref<1x128xi32, #tpu.memory_space<vmem>> -> memref<128xi32, #tpu.memory_space<vmem>>
          %dma_wait3A_486 = tpu.memref_slice %arg3[%add3A_371] : memref<327680xi32, #tpu.memory_space<hbm>> -> memref<128xi32, #tpu.memory_space<hbm>>
          %dma_wait3A_487 = arith.constant 0 : i32
          %dma_wait3A_488 = tpu.memref_slice %arg9[%run_scoped3A_372, %dma_wait3A_487] : memref<5x128xi32, #tpu.memory_space<vmem>> -> memref<1x128xi32, #tpu.memory_space<vmem>>
          %dma_wait3A_489 = tpu.memref_squeeze %dma_wait3A_488 : memref<1x128xi32, #tpu.memory_space<vmem>> -> memref<128xi32, #tpu.memory_space<vmem>>
          %dma_wait3A_490 = tpu.memref_slice %arg3[%add3A_371] : memref<327680xi32, #tpu.memory_space<hbm>> -> memref<128xi32, #tpu.memory_space<hbm>>
          tpu.wait_dma2 semaphore(%run_scoped3A_474 : memref<!tpu.dma_semaphore, #tpu.memory_space<semaphore_mem>>) src(%dma_wait3A_490 : memref<128xi32, #tpu.memory_space<hbm>>) dst(%dma_wait3A_489 : memref<128xi32, #tpu.memory_space<vmem>>)
          tpu.yield
        }) : () -> ()
        %mul3A_373 = arith.constant 20 : i32
        %mul3A_374 = arith.muli %add3A_367, %mul3A_373 : i32
        %add3A_375 = arith.constant 128 : i32
        %add3A_376 = arith.addi %mul3A_374, %add3A_375 : i32
        %run_scoped3A_377 = arith.constant 1 : i32
        "tpu.region"() ({
          %run_scoped3A_474 = tpu.sem_alloc : memref<!tpu.dma_semaphore, #tpu.memory_space<semaphore_mem>>
          %dma_start3A_475 = arith.constant 0 : i32
          %dma_start3A_476 = tpu.memref_slice %arg9[%run_scoped3A_377, %dma_start3A_475] : memref<5x128xi32, #tpu.memory_space<vmem>> -> memref<1x128xi32, #tpu.memory_space<vmem>>
          %dma_start3A_477 = tpu.memref_squeeze %dma_start3A_476 : memref<1x128xi32, #tpu.memory_space<vmem>> -> memref<128xi32, #tpu.memory_space<vmem>>
          %dma_start3A_478 = tpu.memref_slice %arg3[%add3A_376] : memref<327680xi32, #tpu.memory_space<hbm>> -> memref<128xi32, #tpu.memory_space<hbm>>
          %dma_start3A_479 = arith.constant 0 : i32
          %dma_start3A_480 = tpu.memref_slice %arg9[%run_scoped3A_377, %dma_start3A_479] : memref<5x128xi32, #tpu.memory_space<vmem>> -> memref<1x128xi32, #tpu.memory_space<vmem>>
          %dma_start3A_481 = tpu.memref_squeeze %dma_start3A_480 : memref<1x128xi32, #tpu.memory_space<vmem>> -> memref<128xi32, #tpu.memory_space<vmem>>
          %dma_start3A_482 = tpu.memref_slice %arg3[%add3A_376] : memref<327680xi32, #tpu.memory_space<hbm>> -> memref<128xi32, #tpu.memory_space<hbm>>
          tpu.enqueue_dma source(%dma_start3A_482 : memref<128xi32, #tpu.memory_space<hbm>>) target(%dma_start3A_481 : memref<128xi32, #tpu.memory_space<vmem>>) target_semaphore(%run_scoped3A_474 : memref<!tpu.dma_semaphore, #tpu.memory_space<semaphore_mem>>)
          %dma_wait3A_483 = arith.constant 0 : i32
          %dma_wait3A_484 = tpu.memref_slice %arg9[%run_scoped3A_377, %dma_wait3A_483] : memref<5x128xi32, #tpu.memory_space<vmem>> -> memref<1x128xi32, #tpu.memory_space<vmem>>
          %dma_wait3A_485 = tpu.memref_squeeze %dma_wait3A_484 : memref<1x128xi32, #tpu.memory_space<vmem>> -> memref<128xi32, #tpu.memory_space<vmem>>
          %dma_wait3A_486 = tpu.memref_slice %arg3[%add3A_376] : memref<327680xi32, #tpu.memory_space<hbm>> -> memref<128xi32, #tpu.memory_space<hbm>>
          %dma_wait3A_487 = arith.constant 0 : i32
          %dma_wait3A_488 = tpu.memref_slice %arg9[%run_scoped3A_377, %dma_wait3A_487] : memref<5x128xi32, #tpu.memory_space<vmem>> -> memref<1x128xi32, #tpu.memory_space<vmem>>
          %dma_wait3A_489 = tpu.memref_squeeze %dma_wait3A_488 : memref<1x128xi32, #tpu.memory_space<vmem>> -> memref<128xi32, #tpu.memory_space<vmem>>
          %dma_wait3A_490 = tpu.memref_slice %arg3[%add3A_376] : memref<327680xi32, #tpu.memory_space<hbm>> -> memref<128xi32, #tpu.memory_space<hbm>>
          tpu.wait_dma2 semaphore(%run_scoped3A_474 : memref<!tpu.dma_semaphore, #tpu.memory_space<semaphore_mem>>) src(%dma_wait3A_490 : memref<128xi32, #tpu.memory_space<hbm>>) dst(%dma_wait3A_489 : memref<128xi32, #tpu.memory_space<vmem>>)
          tpu.yield
        }) : () -> ()
        %mul3A_378 = arith.constant 20 : i32
        %mul3A_379 = arith.muli %add3A_367, %mul3A_378 : i32
        %add3A_380 = arith.constant 256 : i32
        %add3A_381 = arith.addi %mul3A_379, %add3A_380 : i32
        %run_scoped3A_382 = arith.constant 2 : i32
        "tpu.region"() ({
          %run_scoped3A_474 = tpu.sem_alloc : memref<!tpu.dma_semaphore, #tpu.memory_space<semaphore_mem>>
          %dma_start3A_475 = arith.constant 0 : i32
          %dma_start3A_476 = tpu.memref_slice %arg9[%run_scoped3A_382, %dma_start3A_475] : memref<5x128xi32, #tpu.memory_space<vmem>> -> memref<1x128xi32, #tpu.memory_space<vmem>>
          %dma_start3A_477 = tpu.memref_squeeze %dma_start3A_476 : memref<1x128xi32, #tpu.memory_space<vmem>> -> memref<128xi32, #tpu.memory_space<vmem>>
          %dma_start3A_478 = tpu.memref_slice %arg3[%add3A_381] : memref<327680xi32, #tpu.memory_space<hbm>> -> memref<128xi32, #tpu.memory_space<hbm>>
          %dma_start3A_479 = arith.constant 0 : i32
          %dma_start3A_480 = tpu.memref_slice %arg9[%run_scoped3A_382, %dma_start3A_479] : memref<5x128xi32, #tpu.memory_space<vmem>> -> memref<1x128xi32, #tpu.memory_space<vmem>>
          %dma_start3A_481 = tpu.memref_squeeze %dma_start3A_480 : memref<1x128xi32, #tpu.memory_space<vmem>> -> memref<128xi32, #tpu.memory_space<vmem>>
          %dma_start3A_482 = tpu.memref_slice %arg3[%add3A_381] : memref<327680xi32, #tpu.memory_space<hbm>> -> memref<128xi32, #tpu.memory_space<hbm>>
          tpu.enqueue_dma source(%dma_start3A_482 : memref<128xi32, #tpu.memory_space<hbm>>) target(%dma_start3A_481 : memref<128xi32, #tpu.memory_space<vmem>>) target_semaphore(%run_scoped3A_474 : memref<!tpu.dma_semaphore, #tpu.memory_space<semaphore_mem>>)
          %dma_wait3A_483 = arith.constant 0 : i32
          %dma_wait3A_484 = tpu.memref_slice %arg9[%run_scoped3A_382, %dma_wait3A_483] : memref<5x128xi32, #tpu.memory_space<vmem>> -> memref<1x128xi32, #tpu.memory_space<vmem>>
          %dma_wait3A_485 = tpu.memref_squeeze %dma_wait3A_484 : memref<1x128xi32, #tpu.memory_space<vmem>> -> memref<128xi32, #tpu.memory_space<vmem>>
          %dma_wait3A_486 = tpu.memref_slice %arg3[%add3A_381] : memref<327680xi32, #tpu.memory_space<hbm>> -> memref<128xi32, #tpu.memory_space<hbm>>
          %dma_wait3A_487 = arith.constant 0 : i32
          %dma_wait3A_488 = tpu.memref_slice %arg9[%run_scoped3A_382, %dma_wait3A_487] : memref<5x128xi32, #tpu.memory_space<vmem>> -> memref<1x128xi32, #tpu.memory_space<vmem>>
          %dma_wait3A_489 = tpu.memref_squeeze %dma_wait3A_488 : memref<1x128xi32, #tpu.memory_space<vmem>> -> memref<128xi32, #tpu.memory_space<vmem>>
          %dma_wait3A_490 = tpu.memref_slice %arg3[%add3A_381] : memref<327680xi32, #tpu.memory_space<hbm>> -> memref<128xi32, #tpu.memory_space<hbm>>
          tpu.wait_dma2 semaphore(%run_scoped3A_474 : memref<!tpu.dma_semaphore, #tpu.memory_space<semaphore_mem>>) src(%dma_wait3A_490 : memref<128xi32, #tpu.memory_space<hbm>>) dst(%dma_wait3A_489 : memref<128xi32, #tpu.memory_space<vmem>>)
          tpu.yield
        }) : () -> ()
        %mul3A_383 = arith.constant 20 : i32
        %mul3A_384 = arith.muli %add3A_367, %mul3A_383 : i32
        %add3A_385 = arith.constant 384 : i32
        %add3A_386 = arith.addi %mul3A_384, %add3A_385 : i32
        %run_scoped3A_387 = arith.constant 3 : i32
        "tpu.region"() ({
          %run_scoped3A_474 = tpu.sem_alloc : memref<!tpu.dma_semaphore, #tpu.memory_space<semaphore_mem>>
          %dma_start3A_475 = arith.constant 0 : i32
          %dma_start3A_476 = tpu.memref_slice %arg9[%run_scoped3A_387, %dma_start3A_475] : memref<5x128xi32, #tpu.memory_space<vmem>> -> memref<1x128xi32, #tpu.memory_space<vmem>>
          %dma_start3A_477 = tpu.memref_squeeze %dma_start3A_476 : memref<1x128xi32, #tpu.memory_space<vmem>> -> memref<128xi32, #tpu.memory_space<vmem>>
          %dma_start3A_478 = tpu.memref_slice %arg3[%add3A_386] : memref<327680xi32, #tpu.memory_space<hbm>> -> memref<128xi32, #tpu.memory_space<hbm>>
          %dma_start3A_479 = arith.constant 0 : i32
          %dma_start3A_480 = tpu.memref_slice %arg9[%run_scoped3A_387, %dma_start3A_479] : memref<5x128xi32, #tpu.memory_space<vmem>> -> memref<1x128xi32, #tpu.memory_space<vmem>>
          %dma_start3A_481 = tpu.memref_squeeze %dma_start3A_480 : memref<1x128xi32, #tpu.memory_space<vmem>> -> memref<128xi32, #tpu.memory_space<vmem>>
          %dma_start3A_482 = tpu.memref_slice %arg3[%add3A_386] : memref<327680xi32, #tpu.memory_space<hbm>> -> memref<128xi32, #tpu.memory_space<hbm>>
          tpu.enqueue_dma source(%dma_start3A_482 : memref<128xi32, #tpu.memory_space<hbm>>) target(%dma_start3A_481 : memref<128xi32, #tpu.memory_space<vmem>>) target_semaphore(%run_scoped3A_474 : memref<!tpu.dma_semaphore, #tpu.memory_space<semaphore_mem>>)
          %dma_wait3A_483 = arith.constant 0 : i32
          %dma_wait3A_484 = tpu.memref_slice %arg9[%run_scoped3A_387, %dma_wait3A_483] : memref<5x128xi32, #tpu.memory_space<vmem>> -> memref<1x128xi32, #tpu.memory_space<vmem>>
          %dma_wait3A_485 = tpu.memref_squeeze %dma_wait3A_484 : memref<1x128xi32, #tpu.memory_space<vmem>> -> memref<128xi32, #tpu.memory_space<vmem>>
          %dma_wait3A_486 = tpu.memref_slice %arg3[%add3A_386] : memref<327680xi32, #tpu.memory_space<hbm>> -> memref<128xi32, #tpu.memory_space<hbm>>
          %dma_wait3A_487 = arith.constant 0 : i32
          %dma_wait3A_488 = tpu.memref_slice %arg9[%run_scoped3A_387, %dma_wait3A_487] : memref<5x128xi32, #tpu.memory_space<vmem>> -> memref<1x128xi32, #tpu.memory_space<vmem>>
          %dma_wait3A_489 = tpu.memref_squeeze %dma_wait3A_488 : memref<1x128xi32, #tpu.memory_space<vmem>> -> memref<128xi32, #tpu.memory_space<vmem>>
          %dma_wait3A_490 = tpu.memref_slice %arg3[%add3A_386] : memref<327680xi32, #tpu.memory_space<hbm>> -> memref<128xi32, #tpu.memory_space<hbm>>
          tpu.wait_dma2 semaphore(%run_scoped3A_474 : memref<!tpu.dma_semaphore, #tpu.memory_space<semaphore_mem>>) src(%dma_wait3A_490 : memref<128xi32, #tpu.memory_space<hbm>>) dst(%dma_wait3A_489 : memref<128xi32, #tpu.memory_space<vmem>>)
          tpu.yield
        }) : () -> ()
        %mul3A_388 = arith.constant 20 : i32
        %mul3A_389 = arith.muli %add3A_367, %mul3A_388 : i32
        %add3A_390 = arith.constant 512 : i32
        %add3A_391 = arith.addi %mul3A_389, %add3A_390 : i32
        %run_scoped3A_392 = arith.constant 4 : i32
        "tpu.region"() ({
          %run_scoped3A_474 = tpu.sem_alloc : memref<!tpu.dma_semaphore, #tpu.memory_space<semaphore_mem>>
          %dma_start3A_475 = arith.constant 0 : i32
          %dma_start3A_476 = tpu.memref_slice %arg9[%run_scoped3A_392, %dma_start3A_475] : memref<5x128xi32, #tpu.memory_space<vmem>> -> memref<1x128xi32, #tpu.memory_space<vmem>>
          %dma_start3A_477 = tpu.memref_squeeze %dma_start3A_476 : memref<1x128xi32, #tpu.memory_space<vmem>> -> memref<128xi32, #tpu.memory_space<vmem>>
          %dma_start3A_478 = tpu.memref_slice %arg3[%add3A_391] : memref<327680xi32, #tpu.memory_space<hbm>> -> memref<128xi32, #tpu.memory_space<hbm>>
          %dma_start3A_479 = arith.constant 0 : i32
          %dma_start3A_480 = tpu.memref_slice %arg9[%run_scoped3A_392, %dma_start3A_479] : memref<5x128xi32, #tpu.memory_space<vmem>> -> memref<1x128xi32, #tpu.memory_space<vmem>>
          %dma_start3A_481 = tpu.memref_squeeze %dma_start3A_480 : memref<1x128xi32, #tpu.memory_space<vmem>> -> memref<128xi32, #tpu.memory_space<vmem>>
          %dma_start3A_482 = tpu.memref_slice %arg3[%add3A_391] : memref<327680xi32, #tpu.memory_space<hbm>> -> memref<128xi32, #tpu.memory_space<hbm>>
          tpu.enqueue_dma source(%dma_start3A_482 : memref<128xi32, #tpu.memory_space<hbm>>) target(%dma_start3A_481 : memref<128xi32, #tpu.memory_space<vmem>>) target_semaphore(%run_scoped3A_474 : memref<!tpu.dma_semaphore, #tpu.memory_space<semaphore_mem>>)
          %dma_wait3A_483 = arith.constant 0 : i32
          %dma_wait3A_484 = tpu.memref_slice %arg9[%run_scoped3A_392, %dma_wait3A_483] : memref<5x128xi32, #tpu.memory_space<vmem>> -> memref<1x128xi32, #tpu.memory_space<vmem>>
          %dma_wait3A_485 = tpu.memref_squeeze %dma_wait3A_484 : memref<1x128xi32, #tpu.memory_space<vmem>> -> memref<128xi32, #tpu.memory_space<vmem>>
          %dma_wait3A_486 = tpu.memref_slice %arg3[%add3A_391] : memref<327680xi32, #tpu.memory_space<hbm>> -> memref<128xi32, #tpu.memory_space<hbm>>
          %dma_wait3A_487 = arith.constant 0 : i32
          %dma_wait3A_488 = tpu.memref_slice %arg9[%run_scoped3A_392, %dma_wait3A_487] : memref<5x128xi32, #tpu.memory_space<vmem>> -> memref<1x128xi32, #tpu.memory_space<vmem>>
          %dma_wait3A_489 = tpu.memref_squeeze %dma_wait3A_488 : memref<1x128xi32, #tpu.memory_space<vmem>> -> memref<128xi32, #tpu.memory_space<vmem>>
          %dma_wait3A_490 = tpu.memref_slice %arg3[%add3A_391] : memref<327680xi32, #tpu.memory_space<hbm>> -> memref<128xi32, #tpu.memory_space<hbm>>
          tpu.wait_dma2 semaphore(%run_scoped3A_474 : memref<!tpu.dma_semaphore, #tpu.memory_space<semaphore_mem>>) src(%dma_wait3A_490 : memref<128xi32, #tpu.memory_space<hbm>>) dst(%dma_wait3A_489 : memref<128xi32, #tpu.memory_space<vmem>>)
          tpu.yield
        }) : () -> ()
        %jit3A_393 = arith.constant 2 : i32
        %div3A_394 = arith.divsi %add3A_367, %jit3A_393 : i32
        %sign3A_395 = arith.constant 0 : i32
        %sign3A_396 = arith.cmpi sgt, %add3A_367, %sign3A_395 : i32
        %sign3A_397 = arith.extui %sign3A_396 : i1 to i32
        %sign3A_398 = arith.constant 0 : i32
        %sign3A_399 = arith.cmpi slt, %add3A_367, %sign3A_398 : i32
        %sign3A_400 = arith.extui %sign3A_399 : i1 to i32
        %sign3A_401 = arith.subi %sign3A_397, %sign3A_400 : i32
        %sign3A_402 = arith.constant 0 : i32
        %sign3A_403 = arith.cmpi sgt, %jit3A_393, %sign3A_402 : i32
        %sign3A_404 = arith.extui %sign3A_403 : i1 to i32
        %sign3A_405 = arith.constant 0 : i32
        %sign3A_406 = arith.cmpi slt, %jit3A_393, %sign3A_405 : i32
        %sign3A_407 = arith.extui %sign3A_406 : i1 to i32
        %sign3A_408 = arith.subi %sign3A_404, %sign3A_407 : i32
        %ne3A_409 = arith.cmpi ne, %sign3A_401, %sign3A_408 : i32
        %rem3A_410 = arith.remsi %add3A_367, %jit3A_393 : i32
        %ne3A_411 = arith.constant 0 : i32
        %ne3A_412 = arith.cmpi ne, %rem3A_410, %ne3A_411 : i32
        %and3A_413 = arith.andi %ne3A_409, %ne3A_412 : i1
        %sub3A_414 = arith.constant 1 : i32
        %sub3A_415 = arith.subi %div3A_394, %sub3A_414 : i32
        %select_n3A_416 = arith.select %and3A_413, %sub3A_415, %div3A_394 : i32
        %dma_start3A_417 = arith.constant 0 : i32
        %dma_start3A_418 = tpu.memref_slice %arg4[%select_n3A_416, %dma_start3A_417] : memref<8192x128xf32, #tpu.memory_space<hbm>> -> memref<16x128xf32, #tpu.memory_space<hbm>>
        %dma_start3A_419 = arith.constant 0 : i32
        %dma_start3A_420 = tpu.memref_slice %arg4[%select_n3A_416, %dma_start3A_419] : memref<8192x128xf32, #tpu.memory_space<hbm>> -> memref<16x128xf32, #tpu.memory_space<hbm>>
        tpu.enqueue_dma source(%dma_start3A_420 : memref<16x128xf32, #tpu.memory_space<hbm>>) target(%arg11 : memref<16x128xf32, #tpu.memory_space<vmem>>) target_semaphore(%arg19 : memref<!tpu.dma_semaphore, #tpu.memory_space<semaphore_mem>>)
        %dma_start3A_421 = arith.constant 0 : i32
        %dma_start3A_422 = arith.constant 0 : i32
        %dma_start3A_423 = tpu.memref_slice %arg5[%dma_start3A_421, %dma_start3A_422] : memref<1000000x64xf32, #tpu.memory_space<hbm>> -> memref<1000000x64xf32, #tpu.memory_space<hbm>>
        tpu.enqueue_indirect_dma source(%dma_start3A_423 : memref<1000000x64xf32, #tpu.memory_space<hbm>>) target(%arg13 : memref<32x64xf32, #tpu.memory_space<vmem>>) offsets(%arg7 : memref<32xi32, #tpu.memory_space<vmem>>) semaphore(%arg19 : memref<!tpu.dma_semaphore, #tpu.memory_space<semaphore_mem>>)
        %dma_start3A_424 = arith.constant 0 : i32
        %dma_start3A_425 = arith.constant 0 : i32
        %dma_start3A_426 = arith.constant 0 : i32
        %dma_start3A_427 = tpu.memref_slice %arg15[%dma_start3A_425, %dma_start3A_426] : memref<640x64xf32, #tpu.memory_space<vmem>> -> memref<128x64xf32, #tpu.memory_space<vmem>>
        %dma_start3A_428 = arith.constant 0 : i32
        %dma_start3A_429 = tpu.memref_slice %arg9[%dma_start3A_424, %dma_start3A_428] : memref<5x128xi32, #tpu.memory_space<vmem>> -> memref<1x128xi32, #tpu.memory_space<vmem>>
        %dma_start3A_430 = tpu.memref_squeeze %dma_start3A_429 : memref<1x128xi32, #tpu.memory_space<vmem>> -> memref<128xi32, #tpu.memory_space<vmem>>
        %dma_start3A_431 = arith.constant 0 : i32
        %dma_start3A_432 = arith.constant 0 : i32
        %dma_start3A_433 = tpu.memref_slice %arg5[%dma_start3A_431, %dma_start3A_432] : memref<1000000x64xf32, #tpu.memory_space<hbm>> -> memref<1000000x64xf32, #tpu.memory_space<hbm>>
        tpu.enqueue_indirect_dma source(%dma_start3A_433 : memref<1000000x64xf32, #tpu.memory_space<hbm>>) target(%dma_start3A_427 : memref<128x64xf32, #tpu.memory_space<vmem>>) offsets(%dma_start3A_430 : memref<128xi32, #tpu.memory_space<vmem>>) semaphore(%arg19 : memref<!tpu.dma_semaphore, #tpu.memory_space<semaphore_mem>>)
        %dma_start3A_434 = arith.constant 1 : i32
        %dma_start3A_435 = arith.constant 128 : i32
        %dma_start3A_436 = arith.constant 0 : i32
        %dma_start3A_437 = tpu.memref_slice %arg15[%dma_start3A_435, %dma_start3A_436] : memref<640x64xf32, #tpu.memory_space<vmem>> -> memref<128x64xf32, #tpu.memory_space<vmem>>
        %dma_start3A_438 = arith.constant 0 : i32
        %dma_start3A_439 = tpu.memref_slice %arg9[%dma_start3A_434, %dma_start3A_438] : memref<5x128xi32, #tpu.memory_space<vmem>> -> memref<1x128xi32, #tpu.memory_space<vmem>>
        %dma_start3A_440 = tpu.memref_squeeze %dma_start3A_439 : memref<1x128xi32, #tpu.memory_space<vmem>> -> memref<128xi32, #tpu.memory_space<vmem>>
        %dma_start3A_441 = arith.constant 0 : i32
        %dma_start3A_442 = arith.constant 0 : i32
        %dma_start3A_443 = tpu.memref_slice %arg5[%dma_start3A_441, %dma_start3A_442] : memref<1000000x64xf32, #tpu.memory_space<hbm>> -> memref<1000000x64xf32, #tpu.memory_space<hbm>>
        tpu.enqueue_indirect_dma source(%dma_start3A_443 : memref<1000000x64xf32, #tpu.memory_space<hbm>>) target(%dma_start3A_437 : memref<128x64xf32, #tpu.memory_space<vmem>>) offsets(%dma_start3A_440 : memref<128xi32, #tpu.memory_space<vmem>>) semaphore(%arg19 : memref<!tpu.dma_semaphore, #tpu.memory_space<semaphore_mem>>)
        %dma_start3A_444 = arith.constant 2 : i32
        %dma_start3A_445 = arith.constant 256 : i32
        %dma_start3A_446 = arith.constant 0 : i32
        %dma_start3A_447 = tpu.memref_slice %arg15[%dma_start3A_445, %dma_start3A_446] : memref<640x64xf32, #tpu.memory_space<vmem>> -> memref<128x64xf32, #tpu.memory_space<vmem>>
        %dma_start3A_448 = arith.constant 0 : i32
        %dma_start3A_449 = tpu.memref_slice %arg9[%dma_start3A_444, %dma_start3A_448] : memref<5x128xi32, #tpu.memory_space<vmem>> -> memref<1x128xi32, #tpu.memory_space<vmem>>
        %dma_start3A_450 = tpu.memref_squeeze %dma_start3A_449 : memref<1x128xi32, #tpu.memory_space<vmem>> -> memref<128xi32, #tpu.memory_space<vmem>>
        %dma_start3A_451 = arith.constant 0 : i32
        %dma_start3A_452 = arith.constant 0 : i32
        %dma_start3A_453 = tpu.memref_slice %arg5[%dma_start3A_451, %dma_start3A_452] : memref<1000000x64xf32, #tpu.memory_space<hbm>> -> memref<1000000x64xf32, #tpu.memory_space<hbm>>
        tpu.enqueue_indirect_dma source(%dma_start3A_453 : memref<1000000x64xf32, #tpu.memory_space<hbm>>) target(%dma_start3A_447 : memref<128x64xf32, #tpu.memory_space<vmem>>) offsets(%dma_start3A_450 : memref<128xi32, #tpu.memory_space<vmem>>) semaphore(%arg19 : memref<!tpu.dma_semaphore, #tpu.memory_space<semaphore_mem>>)
        %dma_start3A_454 = arith.constant 3 : i32
        %dma_start3A_455 = arith.constant 384 : i32
        %dma_start3A_456 = arith.constant 0 : i32
        %dma_start3A_457 = tpu.memref_slice %arg15[%dma_start3A_455, %dma_start3A_456] : memref<640x64xf32, #tpu.memory_space<vmem>> -> memref<128x64xf32, #tpu.memory_space<vmem>>
        %dma_start3A_458 = arith.constant 0 : i32
        %dma_start3A_459 = tpu.memref_slice %arg9[%dma_start3A_454, %dma_start3A_458] : memref<5x128xi32, #tpu.memory_space<vmem>> -> memref<1x128xi32, #tpu.memory_space<vmem>>
        %dma_start3A_460 = tpu.memref_squeeze %dma_start3A_459 : memref<1x128xi32, #tpu.memory_space<vmem>> -> memref<128xi32, #tpu.memory_space<vmem>>
        %dma_start3A_461 = arith.constant 0 : i32
        %dma_start3A_462 = arith.constant 0 : i32
        %dma_start3A_463 = tpu.memref_slice %arg5[%dma_start3A_461, %dma_start3A_462] : memref<1000000x64xf32, #tpu.memory_space<hbm>> -> memref<1000000x64xf32, #tpu.memory_space<hbm>>
        tpu.enqueue_indirect_dma source(%dma_start3A_463 : memref<1000000x64xf32, #tpu.memory_space<hbm>>) target(%dma_start3A_457 : memref<128x64xf32, #tpu.memory_space<vmem>>) offsets(%dma_start3A_460 : memref<128xi32, #tpu.memory_space<vmem>>) semaphore(%arg19 : memref<!tpu.dma_semaphore, #tpu.memory_space<semaphore_mem>>)
        %dma_start3A_464 = arith.constant 4 : i32
        %dma_start3A_465 = arith.constant 512 : i32
        %dma_start3A_466 = arith.constant 0 : i32
        %dma_start3A_467 = tpu.memref_slice %arg15[%dma_start3A_465, %dma_start3A_466] : memref<640x64xf32, #tpu.memory_space<vmem>> -> memref<128x64xf32, #tpu.memory_space<vmem>>
        %dma_start3A_468 = arith.constant 0 : i32
        %dma_start3A_469 = tpu.memref_slice %arg9[%dma_start3A_464, %dma_start3A_468] : memref<5x128xi32, #tpu.memory_space<vmem>> -> memref<1x128xi32, #tpu.memory_space<vmem>>
        %dma_start3A_470 = tpu.memref_squeeze %dma_start3A_469 : memref<1x128xi32, #tpu.memory_space<vmem>> -> memref<128xi32, #tpu.memory_space<vmem>>
        %dma_start3A_471 = arith.constant 0 : i32
        %dma_start3A_472 = arith.constant 0 : i32
        %dma_start3A_473 = tpu.memref_slice %arg5[%dma_start3A_471, %dma_start3A_472] : memref<1000000x64xf32, #tpu.memory_space<hbm>> -> memref<1000000x64xf32, #tpu.memory_space<hbm>>
        tpu.enqueue_indirect_dma source(%dma_start3A_473 : memref<1000000x64xf32, #tpu.memory_space<hbm>>) target(%dma_start3A_467 : memref<128x64xf32, #tpu.memory_space<vmem>>) offsets(%dma_start3A_470 : memref<128xi32, #tpu.memory_space<vmem>>) semaphore(%arg19 : memref<!tpu.dma_semaphore, #tpu.memory_space<semaphore_mem>>)
      } else {
      }
      %dma_wait3A_290 = arith.constant 0 : i32
      %dma_wait3A_291 = arith.constant 0 : i32
      %dma_wait3A_292 = tpu.memref_slice %arg4[%dma_wait3A_290, %dma_wait3A_291] : memref<8192x128xf32, #tpu.memory_space<hbm>> -> memref<16x128xf32, #tpu.memory_space<hbm>>
      %dma_wait3A_293 = arith.constant 0 : i32
      %dma_wait3A_294 = arith.constant 0 : i32
      %dma_wait3A_295 = tpu.memref_slice %arg4[%dma_wait3A_293, %dma_wait3A_294] : memref<8192x128xf32, #tpu.memory_space<hbm>> -> memref<16x128xf32, #tpu.memory_space<hbm>>
      tpu.wait_dma2 semaphore(%arg20 : memref<!tpu.dma_semaphore, #tpu.memory_space<semaphore_mem>>) src(%dma_wait3A_295 : memref<16x128xf32, #tpu.memory_space<hbm>>) dst(%arg12 : memref<16x128xf32, #tpu.memory_space<vmem>>)
      %dma_wait3A_296 = arith.constant 0 : i32
      %dma_wait3A_297 = arith.constant 0 : i32
      %dma_wait3A_298 = tpu.memref_slice %arg5[%dma_wait3A_296, %dma_wait3A_297] : memref<1000000x64xf32, #tpu.memory_space<hbm>> -> memref<1000000x64xf32, #tpu.memory_space<hbm>>
      tpu.wait_indirect_dma semaphore(%arg20 : memref<!tpu.dma_semaphore, #tpu.memory_space<semaphore_mem>>) src(%dma_wait3A_298 : memref<1000000x64xf32, #tpu.memory_space<hbm>>) dst(%arg14 : memref<32x64xf32, #tpu.memory_space<vmem>>)
      %dma_wait3A_299 = arith.constant 0 : i32
      %dma_wait3A_300 = arith.constant 0 : i32
      %dma_wait3A_301 = arith.constant 0 : i32
      %dma_wait3A_302 = tpu.memref_slice %arg16[%dma_wait3A_300, %dma_wait3A_301] : memref<640x64xf32, #tpu.memory_space<vmem>> -> memref<128x64xf32, #tpu.memory_space<vmem>>
      %dma_wait3A_303 = arith.constant 0 : i32
      %dma_wait3A_304 = tpu.memref_slice %arg10[%dma_wait3A_299, %dma_wait3A_303] : memref<5x128xi32, #tpu.memory_space<vmem>> -> memref<1x128xi32, #tpu.memory_space<vmem>>
      %dma_wait3A_305 = tpu.memref_squeeze %dma_wait3A_304 : memref<1x128xi32, #tpu.memory_space<vmem>> -> memref<128xi32, #tpu.memory_space<vmem>>
      %dma_wait3A_306 = arith.constant 0 : i32
      %dma_wait3A_307 = arith.constant 0 : i32
      %dma_wait3A_308 = tpu.memref_slice %arg5[%dma_wait3A_306, %dma_wait3A_307] : memref<1000000x64xf32, #tpu.memory_space<hbm>> -> memref<1000000x64xf32, #tpu.memory_space<hbm>>
      tpu.wait_indirect_dma semaphore(%arg20 : memref<!tpu.dma_semaphore, #tpu.memory_space<semaphore_mem>>) src(%dma_wait3A_308 : memref<1000000x64xf32, #tpu.memory_space<hbm>>) dst(%dma_wait3A_302 : memref<128x64xf32, #tpu.memory_space<vmem>>)
      %dma_wait3A_309 = arith.constant 1 : i32
      %dma_wait3A_310 = arith.constant 128 : i32
      %dma_wait3A_311 = arith.constant 0 : i32
      %dma_wait3A_312 = tpu.memref_slice %arg16[%dma_wait3A_310, %dma_wait3A_311] : memref<640x64xf32, #tpu.memory_space<vmem>> -> memref<128x64xf32, #tpu.memory_space<vmem>>
      %dma_wait3A_313 = arith.constant 0 : i32
      %dma_wait3A_314 = tpu.memref_slice %arg10[%dma_wait3A_309, %dma_wait3A_313] : memref<5x128xi32, #tpu.memory_space<vmem>> -> memref<1x128xi32, #tpu.memory_space<vmem>>
      %dma_wait3A_315 = tpu.memref_squeeze %dma_wait3A_314 : memref<1x128xi32, #tpu.memory_space<vmem>> -> memref<128xi32, #tpu.memory_space<vmem>>
      %dma_wait3A_316 = arith.constant 0 : i32
      %dma_wait3A_317 = arith.constant 0 : i32
      %dma_wait3A_318 = tpu.memref_slice %arg5[%dma_wait3A_316, %dma_wait3A_317] : memref<1000000x64xf32, #tpu.memory_space<hbm>> -> memref<1000000x64xf32, #tpu.memory_space<hbm>>
      tpu.wait_indirect_dma semaphore(%arg20 : memref<!tpu.dma_semaphore, #tpu.memory_space<semaphore_mem>>) src(%dma_wait3A_318 : memref<1000000x64xf32, #tpu.memory_space<hbm>>) dst(%dma_wait3A_312 : memref<128x64xf32, #tpu.memory_space<vmem>>)
      %dma_wait3A_319 = arith.constant 2 : i32
      %dma_wait3A_320 = arith.constant 256 : i32
      %dma_wait3A_321 = arith.constant 0 : i32
      %dma_wait3A_322 = tpu.memref_slice %arg16[%dma_wait3A_320, %dma_wait3A_321] : memref<640x64xf32, #tpu.memory_space<vmem>> -> memref<128x64xf32, #tpu.memory_space<vmem>>
      %dma_wait3A_323 = arith.constant 0 : i32
      %dma_wait3A_324 = tpu.memref_slice %arg10[%dma_wait3A_319, %dma_wait3A_323] : memref<5x128xi32, #tpu.memory_space<vmem>> -> memref<1x128xi32, #tpu.memory_space<vmem>>
      %dma_wait3A_325 = tpu.memref_squeeze %dma_wait3A_324 : memref<1x128xi32, #tpu.memory_space<vmem>> -> memref<128xi32, #tpu.memory_space<vmem>>
      %dma_wait3A_326 = arith.constant 0 : i32
      %dma_wait3A_327 = arith.constant 0 : i32
      %dma_wait3A_328 = tpu.memref_slice %arg5[%dma_wait3A_326, %dma_wait3A_327] : memref<1000000x64xf32, #tpu.memory_space<hbm>> -> memref<1000000x64xf32, #tpu.memory_space<hbm>>
      tpu.wait_indirect_dma semaphore(%arg20 : memref<!tpu.dma_semaphore, #tpu.memory_space<semaphore_mem>>) src(%dma_wait3A_328 : memref<1000000x64xf32, #tpu.memory_space<hbm>>) dst(%dma_wait3A_322 : memref<128x64xf32, #tpu.memory_space<vmem>>)
      %dma_wait3A_329 = arith.constant 3 : i32
      %dma_wait3A_330 = arith.constant 384 : i32
      %dma_wait3A_331 = arith.constant 0 : i32
      %dma_wait3A_332 = tpu.memref_slice %arg16[%dma_wait3A_330, %dma_wait3A_331] : memref<640x64xf32, #tpu.memory_space<vmem>> -> memref<128x64xf32, #tpu.memory_space<vmem>>
      %dma_wait3A_333 = arith.constant 0 : i32
      %dma_wait3A_334 = tpu.memref_slice %arg10[%dma_wait3A_329, %dma_wait3A_333] : memref<5x128xi32, #tpu.memory_space<vmem>> -> memref<1x128xi32, #tpu.memory_space<vmem>>
      %dma_wait3A_335 = tpu.memref_squeeze %dma_wait3A_334 : memref<1x128xi32, #tpu.memory_space<vmem>> -> memref<128xi32, #tpu.memory_space<vmem>>
      %dma_wait3A_336 = arith.constant 0 : i32
      %dma_wait3A_337 = arith.constant 0 : i32
      %dma_wait3A_338 = tpu.memref_slice %arg5[%dma_wait3A_336, %dma_wait3A_337] : memref<1000000x64xf32, #tpu.memory_space<hbm>> -> memref<1000000x64xf32, #tpu.memory_space<hbm>>
      tpu.wait_indirect_dma semaphore(%arg20 : memref<!tpu.dma_semaphore, #tpu.memory_space<semaphore_mem>>) src(%dma_wait3A_338 : memref<1000000x64xf32, #tpu.memory_space<hbm>>) dst(%dma_wait3A_332 : memref<128x64xf32, #tpu.memory_space<vmem>>)
      %dma_wait3A_339 = arith.constant 4 : i32
      %dma_wait3A_340 = arith.constant 512 : i32
      %dma_wait3A_341 = arith.constant 0 : i32
      %dma_wait3A_342 = tpu.memref_slice %arg16[%dma_wait3A_340, %dma_wait3A_341] : memref<640x64xf32, #tpu.memory_space<vmem>> -> memref<128x64xf32, #tpu.memory_space<vmem>>
      %dma_wait3A_343 = arith.constant 0 : i32
      %dma_wait3A_344 = tpu.memref_slice %arg10[%dma_wait3A_339, %dma_wait3A_343] : memref<5x128xi32, #tpu.memory_space<vmem>> -> memref<1x128xi32, #tpu.memory_space<vmem>>
      %dma_wait3A_345 = tpu.memref_squeeze %dma_wait3A_344 : memref<1x128xi32, #tpu.memory_space<vmem>> -> memref<128xi32, #tpu.memory_space<vmem>>
      %dma_wait3A_346 = arith.constant 0 : i32
      %dma_wait3A_347 = arith.constant 0 : i32
      %dma_wait3A_348 = tpu.memref_slice %arg5[%dma_wait3A_346, %dma_wait3A_347] : memref<1000000x64xf32, #tpu.memory_space<hbm>> -> memref<1000000x64xf32, #tpu.memory_space<hbm>>
      tpu.wait_indirect_dma semaphore(%arg20 : memref<!tpu.dma_semaphore, #tpu.memory_space<semaphore_mem>>) src(%dma_wait3A_348 : memref<1000000x64xf32, #tpu.memory_space<hbm>>) dst(%dma_wait3A_342 : memref<128x64xf32, #tpu.memory_space<vmem>>)
      %add3A_349 = arith.constant 1 : i32
      %add3A_350 = arith.addi %mul3A_108, %add3A_349 : i32
      %mul3A_351 = arith.constant 32 : i32
      %mul3A_352 = arith.muli %add3A_350, %mul3A_351 : i32
      %add3A_353 = arith.addi %mul3A_2, %mul3A_352 : i32
      %iota3A_354 = tpu.iota {dimensions = array<i32: 0>} : vector<16xi32>
      %broadcast_in_dim3A_355 = arith.constant 0.000000e+00 : f32
      %broadcast_in_dim3A_356 = vector.broadcast %broadcast_in_dim3A_355 : f32 to vector<16xf32>
      %scan3A_357 = arith.constant 0 : i32
      %scan3A_358 = arith.constant 0 : i32
      %scan3A_359 = arith.constant 32 : i32
      %scan3A_360 = arith.addi %scan3A_358, %scan3A_359 : i32
      %scan3A_361 = arith.constant 1 : i32
      scf.for %scan3A_363 = %scan3A_358 to %scan3A_360 step %scan3A_361  : i32 {
        %and3A_364 = arith.constant 1 : i32
        %and3A_365 = arith.andi %scan3A_363, %and3A_364 : i32
        %mul3A_366 = arith.constant 64 : i32
        %mul3A_367 = arith.muli %and3A_365, %mul3A_366 : i32
        %shift_right_arithmetic3A = arith.constant 1 : i32
        %shift_right_arithmetic3A_368 = arith.shrsi %scan3A_363, %shift_right_arithmetic3A : i32
        %add3A_369 = arith.constant 0 : i32
        %add3A_370 = arith.addi %mul3A_367, %add3A_369 : i32
        %get3A = arith.index_cast %shift_right_arithmetic3A_368 : i32 to index
        %get3A_371 = arith.index_cast %add3A_370 : i32 to index
        %get3A_372 = tpu.vector_load %arg12[%get3A, %get3A_371] {strides = array<i32>} : memref<16x128xf32, #tpu.memory_space<vmem>>, vector<16xf32>,
        %shift_right_arithmetic3A_373 = arith.constant 1 : i32
        %shift_right_arithmetic3A_374 = arith.shrsi %scan3A_363, %shift_right_arithmetic3A_373 : i32
        %add3A_375 = arith.constant 16 : i32
        %add3A_376 = arith.addi %mul3A_367, %add3A_375 : i32
        %get3A_377 = arith.index_cast %shift_right_arithmetic3A_374 : i32 to index
        %get3A_378 = arith.index_cast %add3A_376 : i32 to index
        %get3A_379 = tpu.vector_load %arg12[%get3A_377, %get3A_378] {strides = array<i32>} : memref<16x128xf32, #tpu.memory_space<vmem>>, vector<16xf32>,
        %shift_right_arithmetic3A_380 = arith.constant 1 : i32
        %shift_right_arithmetic3A_381 = arith.shrsi %scan3A_363, %shift_right_arithmetic3A_380 : i32
        %add3A_382 = arith.constant 32 : i32
        %add3A_383 = arith.addi %mul3A_367, %add3A_382 : i32
        %get3A_384 = arith.index_cast %shift_right_arithmetic3A_381 : i32 to index
        %get3A_385 = arith.index_cast %add3A_383 : i32 to index
        %get3A_386 = tpu.vector_load %arg12[%get3A_384, %get3A_385] {strides = array<i32>} : memref<16x128xf32, #tpu.memory_space<vmem>>, vector<16xf32>,
        %shift_right_arithmetic3A_387 = arith.constant 1 : i32
        %shift_right_arithmetic3A_388 = arith.shrsi %scan3A_363, %shift_right_arithmetic3A_387 : i32
        %add3A_389 = arith.constant 48 : i32
        %add3A_390 = arith.addi %mul3A_367, %add3A_389 : i32
        %get3A_391 = arith.index_cast %shift_right_arithmetic3A_388 : i32 to index
        %get3A_392 = arith.index_cast %add3A_390 : i32 to index
        %get3A_393 = tpu.vector_load %arg12[%get3A_391, %get3A_392] {strides = array<i32>} : memref<16x128xf32, #tpu.memory_space<vmem>>, vector<16xf32>,
        %get3A_394 = arith.index_cast %scan3A_363 : i32 to index
        %get3A_395 = arith.constant 0 : index
        %get3A_396 = tpu.vector_load %arg14[%get3A_394, %get3A_395] {strides = array<i32>} : memref<32x64xf32, #tpu.memory_space<vmem>>, vector<16xf32>,
        %get3A_397 = arith.index_cast %scan3A_363 : i32 to index
        %get3A_398 = arith.constant 16 : index
        %get3A_399 = tpu.vector_load %arg14[%get3A_397, %get3A_398] {strides = array<i32>} : memref<32x64xf32, #tpu.memory_space<vmem>>, vector<16xf32>,
        %get3A_400 = arith.index_cast %scan3A_363 : i32 to index
        %get3A_401 = arith.constant 32 : index
        %get3A_402 = tpu.vector_load %arg14[%get3A_400, %get3A_401] {strides = array<i32>} : memref<32x64xf32, #tpu.memory_space<vmem>>, vector<16xf32>,
        %get3A_403 = arith.index_cast %scan3A_363 : i32 to index
        %get3A_404 = arith.constant 48 : index
        %get3A_405 = tpu.vector_load %arg14[%get3A_403, %get3A_404] {strides = array<i32>} : memref<32x64xf32, #tpu.memory_space<vmem>>, vector<16xf32>,
        %mul3A_406 = arith.mulf %get3A_372, %get3A_396 : vector<16xf32>
        %mul3A_407 = arith.mulf %get3A_379, %get3A_399 : vector<16xf32>
        %add3A_408 = arith.addf %mul3A_406, %mul3A_407 : vector<16xf32>
        %mul3A_409 = arith.mulf %get3A_386, %get3A_402 : vector<16xf32>
        %add3A_410 = arith.addf %add3A_408, %mul3A_409 : vector<16xf32>
        %mul3A_411 = arith.mulf %get3A_393, %get3A_405 : vector<16xf32>
        %add3A_412 = arith.addf %add3A_410, %mul3A_411 : vector<16xf32>
        %reduce_sum3A = arith.constant true
        %reduce_sum3A_413 = vector.broadcast %reduce_sum3A : i1 to vector<16xi1>
        %reduce_sum3A_414 = tpu.scan <sum>, %add3A_412 masked %reduce_sum3A_413 : vector<16xf32>, vector<16xi1> -> vector<16xf32>
        %reduce_sum3A_415 = vector.extract %reduce_sum3A_414[15] : f32 from vector<16xf32>
        %mul3A_416 = arith.constant 20 : i32
        %mul3A_417 = arith.muli %scan3A_363, %mul3A_416 : i32
        %add3A_418 = arith.constant 0 : i32
        %add3A_419 = arith.addi %mul3A_417, %add3A_418 : i32
        %get3A_420 = arith.index_cast %add3A_419 : i32 to index
        %get3A_421 = arith.constant 0 : index
        %get3A_422 = tpu.vector_load %arg16[%get3A_420, %get3A_421] {strides = array<i32>} : memref<640x64xf32, #tpu.memory_space<vmem>>, vector<16xf32>,
        %get3A_423 = arith.index_cast %add3A_419 : i32 to index
        %get3A_424 = arith.constant 16 : index
        %get3A_425 = tpu.vector_load %arg16[%get3A_423, %get3A_424] {strides = array<i32>} : memref<640x64xf32, #tpu.memory_space<vmem>>, vector<16xf32>,
        %get3A_426 = arith.index_cast %add3A_419 : i32 to index
        %get3A_427 = arith.constant 32 : index
        %get3A_428 = tpu.vector_load %arg16[%get3A_426, %get3A_427] {strides = array<i32>} : memref<640x64xf32, #tpu.memory_space<vmem>>, vector<16xf32>,
        %get3A_429 = arith.index_cast %add3A_419 : i32 to index
        %get3A_430 = arith.constant 48 : index
        %get3A_431 = tpu.vector_load %arg16[%get3A_429, %get3A_430] {strides = array<i32>} : memref<640x64xf32, #tpu.memory_space<vmem>>, vector<16xf32>,
        %mul3A_432 = arith.mulf %get3A_372, %get3A_422 : vector<16xf32>
        %mul3A_433 = arith.mulf %get3A_379, %get3A_425 : vector<16xf32>
        %add3A_434 = arith.addf %mul3A_432, %mul3A_433 : vector<16xf32>
        %mul3A_435 = arith.mulf %get3A_386, %get3A_428 : vector<16xf32>
        %add3A_436 = arith.addf %add3A_434, %mul3A_435 : vector<16xf32>
        %mul3A_437 = arith.mulf %get3A_393, %get3A_431 : vector<16xf32>
        %add3A_438 = arith.addf %add3A_436, %mul3A_437 : vector<16xf32>
        %reduce_sum3A_439 = arith.constant true
        %reduce_sum3A_440 = vector.broadcast %reduce_sum3A_439 : i1 to vector<16xi1>
        %reduce_sum3A_441 = tpu.scan <sum>, %add3A_438 masked %reduce_sum3A_440 : vector<16xf32>, vector<16xi1> -> vector<16xf32>
        %reduce_sum3A_442 = vector.extract %reduce_sum3A_441[15] : f32 from vector<16xf32>
        %sub3A_443 = arith.subf %reduce_sum3A_415, %reduce_sum3A_442 : f32
        %broadcast_in_dim3A_444 = vector.broadcast %sub3A_443 : f32 to vector<16xf32>
        %eq3A = arith.constant 0 : i32
        %eq3A_445 = vector.broadcast %eq3A : i32 to vector<16xi32>
        %eq3A_446 = arith.cmpi eq, %iota3A_354, %eq3A_445 : vector<16xi32>
        %select_n3A_447 = arith.select %eq3A_446, %broadcast_in_dim3A_444, %broadcast_in_dim3A_356 : vector<16xi1>, vector<16xf32>
        %mul3A_448 = arith.constant 20 : i32
        %mul3A_449 = arith.muli %scan3A_363, %mul3A_448 : i32
        %add3A_450 = arith.constant 1 : i32
        %add3A_451 = arith.addi %mul3A_449, %add3A_450 : i32
        %get3A_452 = arith.index_cast %add3A_451 : i32 to index
        %get3A_453 = arith.constant 0 : index
        %get3A_454 = tpu.vector_load %arg16[%get3A_452, %get3A_453] {strides = array<i32>} : memref<640x64xf32, #tpu.memory_space<vmem>>, vector<16xf32>,
        %get3A_455 = arith.index_cast %add3A_451 : i32 to index
        %get3A_456 = arith.constant 16 : index
        %get3A_457 = tpu.vector_load %arg16[%get3A_455, %get3A_456] {strides = array<i32>} : memref<640x64xf32, #tpu.memory_space<vmem>>, vector<16xf32>,
        %get3A_458 = arith.index_cast %add3A_451 : i32 to index
        %get3A_459 = arith.constant 32 : index
        %get3A_460 = tpu.vector_load %arg16[%get3A_458, %get3A_459] {strides = array<i32>} : memref<640x64xf32, #tpu.memory_space<vmem>>, vector<16xf32>,
        %get3A_461 = arith.index_cast %add3A_451 : i32 to index
        %get3A_462 = arith.constant 48 : index
        %get3A_463 = tpu.vector_load %arg16[%get3A_461, %get3A_462] {strides = array<i32>} : memref<640x64xf32, #tpu.memory_space<vmem>>, vector<16xf32>,
        %mul3A_464 = arith.mulf %get3A_372, %get3A_454 : vector<16xf32>
        %mul3A_465 = arith.mulf %get3A_379, %get3A_457 : vector<16xf32>
        %add3A_466 = arith.addf %mul3A_464, %mul3A_465 : vector<16xf32>
        %mul3A_467 = arith.mulf %get3A_386, %get3A_460 : vector<16xf32>
        %add3A_468 = arith.addf %add3A_466, %mul3A_467 : vector<16xf32>
        %mul3A_469 = arith.mulf %get3A_393, %get3A_463 : vector<16xf32>
        %add3A_470 = arith.addf %add3A_468, %mul3A_469 : vector<16xf32>
        %reduce_sum3A_471 = arith.constant true
        %reduce_sum3A_472 = vector.broadcast %reduce_sum3A_471 : i1 to vector<16xi1>
        %reduce_sum3A_473 = tpu.scan <sum>, %add3A_470 masked %reduce_sum3A_472 : vector<16xf32>, vector<16xi1> -> vector<16xf32>
        %reduce_sum3A_474 = vector.extract %reduce_sum3A_473[15] : f32 from vector<16xf32>
        %sub3A_475 = arith.subf %reduce_sum3A_415, %reduce_sum3A_474 : f32
        %broadcast_in_dim3A_476 = vector.broadcast %sub3A_475 : f32 to vector<16xf32>
        %eq3A_477 = arith.constant 1 : i32
        %eq3A_478 = vector.broadcast %eq3A_477 : i32 to vector<16xi32>
        %eq3A_479 = arith.cmpi eq, %iota3A_354, %eq3A_478 : vector<16xi32>
        %select_n3A_480 = arith.select %eq3A_479, %broadcast_in_dim3A_476, %select_n3A_447 : vector<16xi1>, vector<16xf32>
        %mul3A_481 = arith.constant 20 : i32
        %mul3A_482 = arith.muli %scan3A_363, %mul3A_481 : i32
        %add3A_483 = arith.constant 2 : i32
        %add3A_484 = arith.addi %mul3A_482, %add3A_483 : i32
        %get3A_485 = arith.index_cast %add3A_484 : i32 to index
        %get3A_486 = arith.constant 0 : index
        %get3A_487 = tpu.vector_load %arg16[%get3A_485, %get3A_486] {strides = array<i32>} : memref<640x64xf32, #tpu.memory_space<vmem>>, vector<16xf32>,
        %get3A_488 = arith.index_cast %add3A_484 : i32 to index
        %get3A_489 = arith.constant 16 : index
        %get3A_490 = tpu.vector_load %arg16[%get3A_488, %get3A_489] {strides = array<i32>} : memref<640x64xf32, #tpu.memory_space<vmem>>, vector<16xf32>,
        %get3A_491 = arith.index_cast %add3A_484 : i32 to index
        %get3A_492 = arith.constant 32 : index
        %get3A_493 = tpu.vector_load %arg16[%get3A_491, %get3A_492] {strides = array<i32>} : memref<640x64xf32, #tpu.memory_space<vmem>>, vector<16xf32>,
        %get3A_494 = arith.index_cast %add3A_484 : i32 to index
        %get3A_495 = arith.constant 48 : index
        %get3A_496 = tpu.vector_load %arg16[%get3A_494, %get3A_495] {strides = array<i32>} : memref<640x64xf32, #tpu.memory_space<vmem>>, vector<16xf32>,
        %mul3A_497 = arith.mulf %get3A_372, %get3A_487 : vector<16xf32>
        %mul3A_498 = arith.mulf %get3A_379, %get3A_490 : vector<16xf32>
        %add3A_499 = arith.addf %mul3A_497, %mul3A_498 : vector<16xf32>
        %mul3A_500 = arith.mulf %get3A_386, %get3A_493 : vector<16xf32>
        %add3A_501 = arith.addf %add3A_499, %mul3A_500 : vector<16xf32>
        %mul3A_502 = arith.mulf %get3A_393, %get3A_496 : vector<16xf32>
        %add3A_503 = arith.addf %add3A_501, %mul3A_502 : vector<16xf32>
        %reduce_sum3A_504 = arith.constant true
        %reduce_sum3A_505 = vector.broadcast %reduce_sum3A_504 : i1 to vector<16xi1>
        %reduce_sum3A_506 = tpu.scan <sum>, %add3A_503 masked %reduce_sum3A_505 : vector<16xf32>, vector<16xi1> -> vector<16xf32>
        %reduce_sum3A_507 = vector.extract %reduce_sum3A_506[15] : f32 from vector<16xf32>
        %sub3A_508 = arith.subf %reduce_sum3A_415, %reduce_sum3A_507 : f32
        %broadcast_in_dim3A_509 = vector.broadcast %sub3A_508 : f32 to vector<16xf32>
        %eq3A_510 = arith.constant 2 : i32
        %eq3A_511 = vector.broadcast %eq3A_510 : i32 to vector<16xi32>
        %eq3A_512 = arith.cmpi eq, %iota3A_354, %eq3A_511 : vector<16xi32>
        %select_n3A_513 = arith.select %eq3A_512, %broadcast_in_dim3A_509, %select_n3A_480 : vector<16xi1>, vector<16xf32>
        %mul3A_514 = arith.constant 20 : i32
        %mul3A_515 = arith.muli %scan3A_363, %mul3A_514 : i32
        %add3A_516 = arith.constant 3 : i32
        %add3A_517 = arith.addi %mul3A_515, %add3A_516 : i32
        %get3A_518 = arith.index_cast %add3A_517 : i32 to index
        %get3A_519 = arith.constant 0 : index
        %get3A_520 = tpu.vector_load %arg16[%get3A_518, %get3A_519] {strides = array<i32>} : memref<640x64xf32, #tpu.memory_space<vmem>>, vector<16xf32>,
        %get3A_521 = arith.index_cast %add3A_517 : i32 to index
        %get3A_522 = arith.constant 16 : index
        %get3A_523 = tpu.vector_load %arg16[%get3A_521, %get3A_522] {strides = array<i32>} : memref<640x64xf32, #tpu.memory_space<vmem>>, vector<16xf32>,
        %get3A_524 = arith.index_cast %add3A_517 : i32 to index
        %get3A_525 = arith.constant 32 : index
        %get3A_526 = tpu.vector_load %arg16[%get3A_524, %get3A_525] {strides = array<i32>} : memref<640x64xf32, #tpu.memory_space<vmem>>, vector<16xf32>,
        %get3A_527 = arith.index_cast %add3A_517 : i32 to index
        %get3A_528 = arith.constant 48 : index
        %get3A_529 = tpu.vector_load %arg16[%get3A_527, %get3A_528] {strides = array<i32>} : memref<640x64xf32, #tpu.memory_space<vmem>>, vector<16xf32>,
        %mul3A_530 = arith.mulf %get3A_372, %get3A_520 : vector<16xf32>
        %mul3A_531 = arith.mulf %get3A_379, %get3A_523 : vector<16xf32>
        %add3A_532 = arith.addf %mul3A_530, %mul3A_531 : vector<16xf32>
        %mul3A_533 = arith.mulf %get3A_386, %get3A_526 : vector<16xf32>
        %add3A_534 = arith.addf %add3A_532, %mul3A_533 : vector<16xf32>
        %mul3A_535 = arith.mulf %get3A_393, %get3A_529 : vector<16xf32>
        %add3A_536 = arith.addf %add3A_534, %mul3A_535 : vector<16xf32>
        %reduce_sum3A_537 = arith.constant true
        %reduce_sum3A_538 = vector.broadcast %reduce_sum3A_537 : i1 to vector<16xi1>
        %reduce_sum3A_539 = tpu.scan <sum>, %add3A_536 masked %reduce_sum3A_538 : vector<16xf32>, vector<16xi1> -> vector<16xf32>
        %reduce_sum3A_540 = vector.extract %reduce_sum3A_539[15] : f32 from vector<16xf32>
        %sub3A_541 = arith.subf %reduce_sum3A_415, %reduce_sum3A_540 : f32
        %broadcast_in_dim3A_542 = vector.broadcast %sub3A_541 : f32 to vector<16xf32>
        %eq3A_543 = arith.constant 3 : i32
        %eq3A_544 = vector.broadcast %eq3A_543 : i32 to vector<16xi32>
        %eq3A_545 = arith.cmpi eq, %iota3A_354, %eq3A_544 : vector<16xi32>
        %select_n3A_546 = arith.select %eq3A_545, %broadcast_in_dim3A_542, %select_n3A_513 : vector<16xi1>, vector<16xf32>
        %mul3A_547 = arith.constant 20 : i32
        %mul3A_548 = arith.muli %scan3A_363, %mul3A_547 : i32
        %add3A_549 = arith.constant 4 : i32
        %add3A_550 = arith.addi %mul3A_548, %add3A_549 : i32
        %get3A_551 = arith.index_cast %add3A_550 : i32 to index
        %get3A_552 = arith.constant 0 : index
        %get3A_553 = tpu.vector_load %arg16[%get3A_551, %get3A_552] {strides = array<i32>} : memref<640x64xf32, #tpu.memory_space<vmem>>, vector<16xf32>,
        %get3A_554 = arith.index_cast %add3A_550 : i32 to index
        %get3A_555 = arith.constant 16 : index
        %get3A_556 = tpu.vector_load %arg16[%get3A_554, %get3A_555] {strides = array<i32>} : memref<640x64xf32, #tpu.memory_space<vmem>>, vector<16xf32>,
        %get3A_557 = arith.index_cast %add3A_550 : i32 to index
        %get3A_558 = arith.constant 32 : index
        %get3A_559 = tpu.vector_load %arg16[%get3A_557, %get3A_558] {strides = array<i32>} : memref<640x64xf32, #tpu.memory_space<vmem>>, vector<16xf32>,
        %get3A_560 = arith.index_cast %add3A_550 : i32 to index
        %get3A_561 = arith.constant 48 : index
        %get3A_562 = tpu.vector_load %arg16[%get3A_560, %get3A_561] {strides = array<i32>} : memref<640x64xf32, #tpu.memory_space<vmem>>, vector<16xf32>,
        %mul3A_563 = arith.mulf %get3A_372, %get3A_553 : vector<16xf32>
        %mul3A_564 = arith.mulf %get3A_379, %get3A_556 : vector<16xf32>
        %add3A_565 = arith.addf %mul3A_563, %mul3A_564 : vector<16xf32>
        %mul3A_566 = arith.mulf %get3A_386, %get3A_559 : vector<16xf32>
        %add3A_567 = arith.addf %add3A_565, %mul3A_566 : vector<16xf32>
        %mul3A_568 = arith.mulf %get3A_393, %get3A_562 : vector<16xf32>
        %add3A_569 = arith.addf %add3A_567, %mul3A_568 : vector<16xf32>
        %reduce_sum3A_570 = arith.constant true
        %reduce_sum3A_571 = vector.broadcast %reduce_sum3A_570 : i1 to vector<16xi1>
        %reduce_sum3A_572 = tpu.scan <sum>, %add3A_569 masked %reduce_sum3A_571 : vector<16xf32>, vector<16xi1> -> vector<16xf32>
        %reduce_sum3A_573 = vector.extract %reduce_sum3A_572[15] : f32 from vector<16xf32>
        %sub3A_574 = arith.subf %reduce_sum3A_415, %reduce_sum3A_573 : f32
        %broadcast_in_dim3A_575 = vector.broadcast %sub3A_574 : f32 to vector<16xf32>
        %eq3A_576 = arith.constant 4 : i32
        %eq3A_577 = vector.broadcast %eq3A_576 : i32 to vector<16xi32>
        %eq3A_578 = arith.cmpi eq, %iota3A_354, %eq3A_577 : vector<16xi32>
        %select_n3A_579 = arith.select %eq3A_578, %broadcast_in_dim3A_575, %select_n3A_546 : vector<16xi1>, vector<16xf32>
        %mul3A_580 = arith.constant 20 : i32
        %mul3A_581 = arith.muli %scan3A_363, %mul3A_580 : i32
        %add3A_582 = arith.constant 5 : i32
        %add3A_583 = arith.addi %mul3A_581, %add3A_582 : i32
        %get3A_584 = arith.index_cast %add3A_583 : i32 to index
        %get3A_585 = arith.constant 0 : index
        %get3A_586 = tpu.vector_load %arg16[%get3A_584, %get3A_585] {strides = array<i32>} : memref<640x64xf32, #tpu.memory_space<vmem>>, vector<16xf32>,
        %get3A_587 = arith.index_cast %add3A_583 : i32 to index
        %get3A_588 = arith.constant 16 : index
        %get3A_589 = tpu.vector_load %arg16[%get3A_587, %get3A_588] {strides = array<i32>} : memref<640x64xf32, #tpu.memory_space<vmem>>, vector<16xf32>,
        %get3A_590 = arith.index_cast %add3A_583 : i32 to index
        %get3A_591 = arith.constant 32 : index
        %get3A_592 = tpu.vector_load %arg16[%get3A_590, %get3A_591] {strides = array<i32>} : memref<640x64xf32, #tpu.memory_space<vmem>>, vector<16xf32>,
        %get3A_593 = arith.index_cast %add3A_583 : i32 to index
        %get3A_594 = arith.constant 48 : index
        %get3A_595 = tpu.vector_load %arg16[%get3A_593, %get3A_594] {strides = array<i32>} : memref<640x64xf32, #tpu.memory_space<vmem>>, vector<16xf32>,
        %mul3A_596 = arith.mulf %get3A_372, %get3A_586 : vector<16xf32>
        %mul3A_597 = arith.mulf %get3A_379, %get3A_589 : vector<16xf32>
        %add3A_598 = arith.addf %mul3A_596, %mul3A_597 : vector<16xf32>
        %mul3A_599 = arith.mulf %get3A_386, %get3A_592 : vector<16xf32>
        %add3A_600 = arith.addf %add3A_598, %mul3A_599 : vector<16xf32>
        %mul3A_601 = arith.mulf %get3A_393, %get3A_595 : vector<16xf32>
        %add3A_602 = arith.addf %add3A_600, %mul3A_601 : vector<16xf32>
        %reduce_sum3A_603 = arith.constant true
        %reduce_sum3A_604 = vector.broadcast %reduce_sum3A_603 : i1 to vector<16xi1>
        %reduce_sum3A_605 = tpu.scan <sum>, %add3A_602 masked %reduce_sum3A_604 : vector<16xf32>, vector<16xi1> -> vector<16xf32>
        %reduce_sum3A_606 = vector.extract %reduce_sum3A_605[15] : f32 from vector<16xf32>
        %sub3A_607 = arith.subf %reduce_sum3A_415, %reduce_sum3A_606 : f32
        %broadcast_in_dim3A_608 = vector.broadcast %sub3A_607 : f32 to vector<16xf32>
        %eq3A_609 = arith.constant 5 : i32
        %eq3A_610 = vector.broadcast %eq3A_609 : i32 to vector<16xi32>
        %eq3A_611 = arith.cmpi eq, %iota3A_354, %eq3A_610 : vector<16xi32>
        %select_n3A_612 = arith.select %eq3A_611, %broadcast_in_dim3A_608, %select_n3A_579 : vector<16xi1>, vector<16xf32>
        %mul3A_613 = arith.constant 20 : i32
        %mul3A_614 = arith.muli %scan3A_363, %mul3A_613 : i32
        %add3A_615 = arith.constant 6 : i32
        %add3A_616 = arith.addi %mul3A_614, %add3A_615 : i32
        %get3A_617 = arith.index_cast %add3A_616 : i32 to index
        %get3A_618 = arith.constant 0 : index
        %get3A_619 = tpu.vector_load %arg16[%get3A_617, %get3A_618] {strides = array<i32>} : memref<640x64xf32, #tpu.memory_space<vmem>>, vector<16xf32>,
        %get3A_620 = arith.index_cast %add3A_616 : i32 to index
        %get3A_621 = arith.constant 16 : index
        %get3A_622 = tpu.vector_load %arg16[%get3A_620, %get3A_621] {strides = array<i32>} : memref<640x64xf32, #tpu.memory_space<vmem>>, vector<16xf32>,
        %get3A_623 = arith.index_cast %add3A_616 : i32 to index
        %get3A_624 = arith.constant 32 : index
        %get3A_625 = tpu.vector_load %arg16[%get3A_623, %get3A_624] {strides = array<i32>} : memref<640x64xf32, #tpu.memory_space<vmem>>, vector<16xf32>,
        %get3A_626 = arith.index_cast %add3A_616 : i32 to index
        %get3A_627 = arith.constant 48 : index
        %get3A_628 = tpu.vector_load %arg16[%get3A_626, %get3A_627] {strides = array<i32>} : memref<640x64xf32, #tpu.memory_space<vmem>>, vector<16xf32>,
        %mul3A_629 = arith.mulf %get3A_372, %get3A_619 : vector<16xf32>
        %mul3A_630 = arith.mulf %get3A_379, %get3A_622 : vector<16xf32>
        %add3A_631 = arith.addf %mul3A_629, %mul3A_630 : vector<16xf32>
        %mul3A_632 = arith.mulf %get3A_386, %get3A_625 : vector<16xf32>
        %add3A_633 = arith.addf %add3A_631, %mul3A_632 : vector<16xf32>
        %mul3A_634 = arith.mulf %get3A_393, %get3A_628 : vector<16xf32>
        %add3A_635 = arith.addf %add3A_633, %mul3A_634 : vector<16xf32>
        %reduce_sum3A_636 = arith.constant true
        %reduce_sum3A_637 = vector.broadcast %reduce_sum3A_636 : i1 to vector<16xi1>
        %reduce_sum3A_638 = tpu.scan <sum>, %add3A_635 masked %reduce_sum3A_637 : vector<16xf32>, vector<16xi1> -> vector<16xf32>
        %reduce_sum3A_639 = vector.extract %reduce_sum3A_638[15] : f32 from vector<16xf32>
        %sub3A_640 = arith.subf %reduce_sum3A_415, %reduce_sum3A_639 : f32
        %broadcast_in_dim3A_641 = vector.broadcast %sub3A_640 : f32 to vector<16xf32>
        %eq3A_642 = arith.constant 6 : i32
        %eq3A_643 = vector.broadcast %eq3A_642 : i32 to vector<16xi32>
        %eq3A_644 = arith.cmpi eq, %iota3A_354, %eq3A_643 : vector<16xi32>
        %select_n3A_645 = arith.select %eq3A_644, %broadcast_in_dim3A_641, %select_n3A_612 : vector<16xi1>, vector<16xf32>
        %mul3A_646 = arith.constant 20 : i32
        %mul3A_647 = arith.muli %scan3A_363, %mul3A_646 : i32
        %add3A_648 = arith.constant 7 : i32
        %add3A_649 = arith.addi %mul3A_647, %add3A_648 : i32
        %get3A_650 = arith.index_cast %add3A_649 : i32 to index
        %get3A_651 = arith.constant 0 : index
        %get3A_652 = tpu.vector_load %arg16[%get3A_650, %get3A_651] {strides = array<i32>} : memref<640x64xf32, #tpu.memory_space<vmem>>, vector<16xf32>,
        %get3A_653 = arith.index_cast %add3A_649 : i32 to index
        %get3A_654 = arith.constant 16 : index
        %get3A_655 = tpu.vector_load %arg16[%get3A_653, %get3A_654] {strides = array<i32>} : memref<640x64xf32, #tpu.memory_space<vmem>>, vector<16xf32>,
        %get3A_656 = arith.index_cast %add3A_649 : i32 to index
        %get3A_657 = arith.constant 32 : index
        %get3A_658 = tpu.vector_load %arg16[%get3A_656, %get3A_657] {strides = array<i32>} : memref<640x64xf32, #tpu.memory_space<vmem>>, vector<16xf32>,
        %get3A_659 = arith.index_cast %add3A_649 : i32 to index
        %get3A_660 = arith.constant 48 : index
        %get3A_661 = tpu.vector_load %arg16[%get3A_659, %get3A_660] {strides = array<i32>} : memref<640x64xf32, #tpu.memory_space<vmem>>, vector<16xf32>,
        %mul3A_662 = arith.mulf %get3A_372, %get3A_652 : vector<16xf32>
        %mul3A_663 = arith.mulf %get3A_379, %get3A_655 : vector<16xf32>
        %add3A_664 = arith.addf %mul3A_662, %mul3A_663 : vector<16xf32>
        %mul3A_665 = arith.mulf %get3A_386, %get3A_658 : vector<16xf32>
        %add3A_666 = arith.addf %add3A_664, %mul3A_665 : vector<16xf32>
        %mul3A_667 = arith.mulf %get3A_393, %get3A_661 : vector<16xf32>
        %add3A_668 = arith.addf %add3A_666, %mul3A_667 : vector<16xf32>
        %reduce_sum3A_669 = arith.constant true
        %reduce_sum3A_670 = vector.broadcast %reduce_sum3A_669 : i1 to vector<16xi1>
        %reduce_sum3A_671 = tpu.scan <sum>, %add3A_668 masked %reduce_sum3A_670 : vector<16xf32>, vector<16xi1> -> vector<16xf32>
        %reduce_sum3A_672 = vector.extract %reduce_sum3A_671[15] : f32 from vector<16xf32>
        %sub3A_673 = arith.subf %reduce_sum3A_415, %reduce_sum3A_672 : f32
        %broadcast_in_dim3A_674 = vector.broadcast %sub3A_673 : f32 to vector<16xf32>
        %eq3A_675 = arith.constant 7 : i32
        %eq3A_676 = vector.broadcast %eq3A_675 : i32 to vector<16xi32>
        %eq3A_677 = arith.cmpi eq, %iota3A_354, %eq3A_676 : vector<16xi32>
        %select_n3A_678 = arith.select %eq3A_677, %broadcast_in_dim3A_674, %select_n3A_645 : vector<16xi1>, vector<16xf32>
        %mul3A_679 = arith.constant 20 : i32
        %mul3A_680 = arith.muli %scan3A_363, %mul3A_679 : i32
        %add3A_681 = arith.constant 8 : i32
        %add3A_682 = arith.addi %mul3A_680, %add3A_681 : i32
        %get3A_683 = arith.index_cast %add3A_682 : i32 to index
        %get3A_684 = arith.constant 0 : index
        %get3A_685 = tpu.vector_load %arg16[%get3A_683, %get3A_684] {strides = array<i32>} : memref<640x64xf32, #tpu.memory_space<vmem>>, vector<16xf32>,
        %get3A_686 = arith.index_cast %add3A_682 : i32 to index
        %get3A_687 = arith.constant 16 : index
        %get3A_688 = tpu.vector_load %arg16[%get3A_686, %get3A_687] {strides = array<i32>} : memref<640x64xf32, #tpu.memory_space<vmem>>, vector<16xf32>,
        %get3A_689 = arith.index_cast %add3A_682 : i32 to index
        %get3A_690 = arith.constant 32 : index
        %get3A_691 = tpu.vector_load %arg16[%get3A_689, %get3A_690] {strides = array<i32>} : memref<640x64xf32, #tpu.memory_space<vmem>>, vector<16xf32>,
        %get3A_692 = arith.index_cast %add3A_682 : i32 to index
        %get3A_693 = arith.constant 48 : index
        %get3A_694 = tpu.vector_load %arg16[%get3A_692, %get3A_693] {strides = array<i32>} : memref<640x64xf32, #tpu.memory_space<vmem>>, vector<16xf32>,
        %mul3A_695 = arith.mulf %get3A_372, %get3A_685 : vector<16xf32>
        %mul3A_696 = arith.mulf %get3A_379, %get3A_688 : vector<16xf32>
        %add3A_697 = arith.addf %mul3A_695, %mul3A_696 : vector<16xf32>
        %mul3A_698 = arith.mulf %get3A_386, %get3A_691 : vector<16xf32>
        %add3A_699 = arith.addf %add3A_697, %mul3A_698 : vector<16xf32>
        %mul3A_700 = arith.mulf %get3A_393, %get3A_694 : vector<16xf32>
        %add3A_701 = arith.addf %add3A_699, %mul3A_700 : vector<16xf32>
        %reduce_sum3A_702 = arith.constant true
        %reduce_sum3A_703 = vector.broadcast %reduce_sum3A_702 : i1 to vector<16xi1>
        %reduce_sum3A_704 = tpu.scan <sum>, %add3A_701 masked %reduce_sum3A_703 : vector<16xf32>, vector<16xi1> -> vector<16xf32>
        %reduce_sum3A_705 = vector.extract %reduce_sum3A_704[15] : f32 from vector<16xf32>
        %sub3A_706 = arith.subf %reduce_sum3A_415, %reduce_sum3A_705 : f32
        %broadcast_in_dim3A_707 = vector.broadcast %sub3A_706 : f32 to vector<16xf32>
        %eq3A_708 = arith.constant 8 : i32
        %eq3A_709 = vector.broadcast %eq3A_708 : i32 to vector<16xi32>
        %eq3A_710 = arith.cmpi eq, %iota3A_354, %eq3A_709 : vector<16xi32>
        %select_n3A_711 = arith.select %eq3A_710, %broadcast_in_dim3A_707, %select_n3A_678 : vector<16xi1>, vector<16xf32>
        %mul3A_712 = arith.constant 20 : i32
        %mul3A_713 = arith.muli %scan3A_363, %mul3A_712 : i32
        %add3A_714 = arith.constant 9 : i32
        %add3A_715 = arith.addi %mul3A_713, %add3A_714 : i32
        %get3A_716 = arith.index_cast %add3A_715 : i32 to index
        %get3A_717 = arith.constant 0 : index
        %get3A_718 = tpu.vector_load %arg16[%get3A_716, %get3A_717] {strides = array<i32>} : memref<640x64xf32, #tpu.memory_space<vmem>>, vector<16xf32>,
        %get3A_719 = arith.index_cast %add3A_715 : i32 to index
        %get3A_720 = arith.constant 16 : index
        %get3A_721 = tpu.vector_load %arg16[%get3A_719, %get3A_720] {strides = array<i32>} : memref<640x64xf32, #tpu.memory_space<vmem>>, vector<16xf32>,
        %get3A_722 = arith.index_cast %add3A_715 : i32 to index
        %get3A_723 = arith.constant 32 : index
        %get3A_724 = tpu.vector_load %arg16[%get3A_722, %get3A_723] {strides = array<i32>} : memref<640x64xf32, #tpu.memory_space<vmem>>, vector<16xf32>,
        %get3A_725 = arith.index_cast %add3A_715 : i32 to index
        %get3A_726 = arith.constant 48 : index
        %get3A_727 = tpu.vector_load %arg16[%get3A_725, %get3A_726] {strides = array<i32>} : memref<640x64xf32, #tpu.memory_space<vmem>>, vector<16xf32>,
        %mul3A_728 = arith.mulf %get3A_372, %get3A_718 : vector<16xf32>
        %mul3A_729 = arith.mulf %get3A_379, %get3A_721 : vector<16xf32>
        %add3A_730 = arith.addf %mul3A_728, %mul3A_729 : vector<16xf32>
        %mul3A_731 = arith.mulf %get3A_386, %get3A_724 : vector<16xf32>
        %add3A_732 = arith.addf %add3A_730, %mul3A_731 : vector<16xf32>
        %mul3A_733 = arith.mulf %get3A_393, %get3A_727 : vector<16xf32>
        %add3A_734 = arith.addf %add3A_732, %mul3A_733 : vector<16xf32>
        %reduce_sum3A_735 = arith.constant true
        %reduce_sum3A_736 = vector.broadcast %reduce_sum3A_735 : i1 to vector<16xi1>
        %reduce_sum3A_737 = tpu.scan <sum>, %add3A_734 masked %reduce_sum3A_736 : vector<16xf32>, vector<16xi1> -> vector<16xf32>
        %reduce_sum3A_738 = vector.extract %reduce_sum3A_737[15] : f32 from vector<16xf32>
        %sub3A_739 = arith.subf %reduce_sum3A_415, %reduce_sum3A_738 : f32
        %broadcast_in_dim3A_740 = vector.broadcast %sub3A_739 : f32 to vector<16xf32>
        %eq3A_741 = arith.constant 9 : i32
        %eq3A_742 = vector.broadcast %eq3A_741 : i32 to vector<16xi32>
        %eq3A_743 = arith.cmpi eq, %iota3A_354, %eq3A_742 : vector<16xi32>
        %select_n3A_744 = arith.select %eq3A_743, %broadcast_in_dim3A_740, %select_n3A_711 : vector<16xi1>, vector<16xf32>
        %mul3A_745 = arith.constant 20 : i32
        %mul3A_746 = arith.muli %scan3A_363, %mul3A_745 : i32
        %add3A_747 = arith.constant 10 : i32
        %add3A_748 = arith.addi %mul3A_746, %add3A_747 : i32
        %get3A_749 = arith.index_cast %add3A_748 : i32 to index
        %get3A_750 = arith.constant 0 : index
        %get3A_751 = tpu.vector_load %arg16[%get3A_749, %get3A_750] {strides = array<i32>} : memref<640x64xf32, #tpu.memory_space<vmem>>, vector<16xf32>,
        %get3A_752 = arith.index_cast %add3A_748 : i32 to index
        %get3A_753 = arith.constant 16 : index
        %get3A_754 = tpu.vector_load %arg16[%get3A_752, %get3A_753] {strides = array<i32>} : memref<640x64xf32, #tpu.memory_space<vmem>>, vector<16xf32>,
        %get3A_755 = arith.index_cast %add3A_748 : i32 to index
        %get3A_756 = arith.constant 32 : index
        %get3A_757 = tpu.vector_load %arg16[%get3A_755, %get3A_756] {strides = array<i32>} : memref<640x64xf32, #tpu.memory_space<vmem>>, vector<16xf32>,
        %get3A_758 = arith.index_cast %add3A_748 : i32 to index
        %get3A_759 = arith.constant 48 : index
        %get3A_760 = tpu.vector_load %arg16[%get3A_758, %get3A_759] {strides = array<i32>} : memref<640x64xf32, #tpu.memory_space<vmem>>, vector<16xf32>,
        %mul3A_761 = arith.mulf %get3A_372, %get3A_751 : vector<16xf32>
        %mul3A_762 = arith.mulf %get3A_379, %get3A_754 : vector<16xf32>
        %add3A_763 = arith.addf %mul3A_761, %mul3A_762 : vector<16xf32>
        %mul3A_764 = arith.mulf %get3A_386, %get3A_757 : vector<16xf32>
        %add3A_765 = arith.addf %add3A_763, %mul3A_764 : vector<16xf32>
        %mul3A_766 = arith.mulf %get3A_393, %get3A_760 : vector<16xf32>
        %add3A_767 = arith.addf %add3A_765, %mul3A_766 : vector<16xf32>
        %reduce_sum3A_768 = arith.constant true
        %reduce_sum3A_769 = vector.broadcast %reduce_sum3A_768 : i1 to vector<16xi1>
        %reduce_sum3A_770 = tpu.scan <sum>, %add3A_767 masked %reduce_sum3A_769 : vector<16xf32>, vector<16xi1> -> vector<16xf32>
        %reduce_sum3A_771 = vector.extract %reduce_sum3A_770[15] : f32 from vector<16xf32>
        %sub3A_772 = arith.subf %reduce_sum3A_415, %reduce_sum3A_771 : f32
        %broadcast_in_dim3A_773 = vector.broadcast %sub3A_772 : f32 to vector<16xf32>
        %eq3A_774 = arith.constant 10 : i32
        %eq3A_775 = vector.broadcast %eq3A_774 : i32 to vector<16xi32>
        %eq3A_776 = arith.cmpi eq, %iota3A_354, %eq3A_775 : vector<16xi32>
        %select_n3A_777 = arith.select %eq3A_776, %broadcast_in_dim3A_773, %select_n3A_744 : vector<16xi1>, vector<16xf32>
        %mul3A_778 = arith.constant 20 : i32
        %mul3A_779 = arith.muli %scan3A_363, %mul3A_778 : i32
        %add3A_780 = arith.constant 11 : i32
        %add3A_781 = arith.addi %mul3A_779, %add3A_780 : i32
        %get3A_782 = arith.index_cast %add3A_781 : i32 to index
        %get3A_783 = arith.constant 0 : index
        %get3A_784 = tpu.vector_load %arg16[%get3A_782, %get3A_783] {strides = array<i32>} : memref<640x64xf32, #tpu.memory_space<vmem>>, vector<16xf32>,
        %get3A_785 = arith.index_cast %add3A_781 : i32 to index
        %get3A_786 = arith.constant 16 : index
        %get3A_787 = tpu.vector_load %arg16[%get3A_785, %get3A_786] {strides = array<i32>} : memref<640x64xf32, #tpu.memory_space<vmem>>, vector<16xf32>,
        %get3A_788 = arith.index_cast %add3A_781 : i32 to index
        %get3A_789 = arith.constant 32 : index
        %get3A_790 = tpu.vector_load %arg16[%get3A_788, %get3A_789] {strides = array<i32>} : memref<640x64xf32, #tpu.memory_space<vmem>>, vector<16xf32>,
        %get3A_791 = arith.index_cast %add3A_781 : i32 to index
        %get3A_792 = arith.constant 48 : index
        %get3A_793 = tpu.vector_load %arg16[%get3A_791, %get3A_792] {strides = array<i32>} : memref<640x64xf32, #tpu.memory_space<vmem>>, vector<16xf32>,
        %mul3A_794 = arith.mulf %get3A_372, %get3A_784 : vector<16xf32>
        %mul3A_795 = arith.mulf %get3A_379, %get3A_787 : vector<16xf32>
        %add3A_796 = arith.addf %mul3A_794, %mul3A_795 : vector<16xf32>
        %mul3A_797 = arith.mulf %get3A_386, %get3A_790 : vector<16xf32>
        %add3A_798 = arith.addf %add3A_796, %mul3A_797 : vector<16xf32>
        %mul3A_799 = arith.mulf %get3A_393, %get3A_793 : vector<16xf32>
        %add3A_800 = arith.addf %add3A_798, %mul3A_799 : vector<16xf32>
        %reduce_sum3A_801 = arith.constant true
        %reduce_sum3A_802 = vector.broadcast %reduce_sum3A_801 : i1 to vector<16xi1>
        %reduce_sum3A_803 = tpu.scan <sum>, %add3A_800 masked %reduce_sum3A_802 : vector<16xf32>, vector<16xi1> -> vector<16xf32>
        %reduce_sum3A_804 = vector.extract %reduce_sum3A_803[15] : f32 from vector<16xf32>
        %sub3A_805 = arith.subf %reduce_sum3A_415, %reduce_sum3A_804 : f32
        %broadcast_in_dim3A_806 = vector.broadcast %sub3A_805 : f32 to vector<16xf32>
        %eq3A_807 = arith.constant 11 : i32
        %eq3A_808 = vector.broadcast %eq3A_807 : i32 to vector<16xi32>
        %eq3A_809 = arith.cmpi eq, %iota3A_354, %eq3A_808 : vector<16xi32>
        %select_n3A_810 = arith.select %eq3A_809, %broadcast_in_dim3A_806, %select_n3A_777 : vector<16xi1>, vector<16xf32>
        %mul3A_811 = arith.constant 20 : i32
        %mul3A_812 = arith.muli %scan3A_363, %mul3A_811 : i32
        %add3A_813 = arith.constant 12 : i32
        %add3A_814 = arith.addi %mul3A_812, %add3A_813 : i32
        %get3A_815 = arith.index_cast %add3A_814 : i32 to index
        %get3A_816 = arith.constant 0 : index
        %get3A_817 = tpu.vector_load %arg16[%get3A_815, %get3A_816] {strides = array<i32>} : memref<640x64xf32, #tpu.memory_space<vmem>>, vector<16xf32>,
        %get3A_818 = arith.index_cast %add3A_814 : i32 to index
        %get3A_819 = arith.constant 16 : index
        %get3A_820 = tpu.vector_load %arg16[%get3A_818, %get3A_819] {strides = array<i32>} : memref<640x64xf32, #tpu.memory_space<vmem>>, vector<16xf32>,
        %get3A_821 = arith.index_cast %add3A_814 : i32 to index
        %get3A_822 = arith.constant 32 : index
        %get3A_823 = tpu.vector_load %arg16[%get3A_821, %get3A_822] {strides = array<i32>} : memref<640x64xf32, #tpu.memory_space<vmem>>, vector<16xf32>,
        %get3A_824 = arith.index_cast %add3A_814 : i32 to index
        %get3A_825 = arith.constant 48 : index
        %get3A_826 = tpu.vector_load %arg16[%get3A_824, %get3A_825] {strides = array<i32>} : memref<640x64xf32, #tpu.memory_space<vmem>>, vector<16xf32>,
        %mul3A_827 = arith.mulf %get3A_372, %get3A_817 : vector<16xf32>
        %mul3A_828 = arith.mulf %get3A_379, %get3A_820 : vector<16xf32>
        %add3A_829 = arith.addf %mul3A_827, %mul3A_828 : vector<16xf32>
        %mul3A_830 = arith.mulf %get3A_386, %get3A_823 : vector<16xf32>
        %add3A_831 = arith.addf %add3A_829, %mul3A_830 : vector<16xf32>
        %mul3A_832 = arith.mulf %get3A_393, %get3A_826 : vector<16xf32>
        %add3A_833 = arith.addf %add3A_831, %mul3A_832 : vector<16xf32>
        %reduce_sum3A_834 = arith.constant true
        %reduce_sum3A_835 = vector.broadcast %reduce_sum3A_834 : i1 to vector<16xi1>
        %reduce_sum3A_836 = tpu.scan <sum>, %add3A_833 masked %reduce_sum3A_835 : vector<16xf32>, vector<16xi1> -> vector<16xf32>
        %reduce_sum3A_837 = vector.extract %reduce_sum3A_836[15] : f32 from vector<16xf32>
        %sub3A_838 = arith.subf %reduce_sum3A_415, %reduce_sum3A_837 : f32
        %broadcast_in_dim3A_839 = vector.broadcast %sub3A_838 : f32 to vector<16xf32>
        %eq3A_840 = arith.constant 12 : i32
        %eq3A_841 = vector.broadcast %eq3A_840 : i32 to vector<16xi32>
        %eq3A_842 = arith.cmpi eq, %iota3A_354, %eq3A_841 : vector<16xi32>
        %select_n3A_843 = arith.select %eq3A_842, %broadcast_in_dim3A_839, %select_n3A_810 : vector<16xi1>, vector<16xf32>
        %mul3A_844 = arith.constant 20 : i32
        %mul3A_845 = arith.muli %scan3A_363, %mul3A_844 : i32
        %add3A_846 = arith.constant 13 : i32
        %add3A_847 = arith.addi %mul3A_845, %add3A_846 : i32
        %get3A_848 = arith.index_cast %add3A_847 : i32 to index
        %get3A_849 = arith.constant 0 : index
        %get3A_850 = tpu.vector_load %arg16[%get3A_848, %get3A_849] {strides = array<i32>} : memref<640x64xf32, #tpu.memory_space<vmem>>, vector<16xf32>,
        %get3A_851 = arith.index_cast %add3A_847 : i32 to index
        %get3A_852 = arith.constant 16 : index
        %get3A_853 = tpu.vector_load %arg16[%get3A_851, %get3A_852] {strides = array<i32>} : memref<640x64xf32, #tpu.memory_space<vmem>>, vector<16xf32>,
        %get3A_854 = arith.index_cast %add3A_847 : i32 to index
        %get3A_855 = arith.constant 32 : index
        %get3A_856 = tpu.vector_load %arg16[%get3A_854, %get3A_855] {strides = array<i32>} : memref<640x64xf32, #tpu.memory_space<vmem>>, vector<16xf32>,
        %get3A_857 = arith.index_cast %add3A_847 : i32 to index
        %get3A_858 = arith.constant 48 : index
        %get3A_859 = tpu.vector_load %arg16[%get3A_857, %get3A_858] {strides = array<i32>} : memref<640x64xf32, #tpu.memory_space<vmem>>, vector<16xf32>,
        %mul3A_860 = arith.mulf %get3A_372, %get3A_850 : vector<16xf32>
        %mul3A_861 = arith.mulf %get3A_379, %get3A_853 : vector<16xf32>
        %add3A_862 = arith.addf %mul3A_860, %mul3A_861 : vector<16xf32>
        %mul3A_863 = arith.mulf %get3A_386, %get3A_856 : vector<16xf32>
        %add3A_864 = arith.addf %add3A_862, %mul3A_863 : vector<16xf32>
        %mul3A_865 = arith.mulf %get3A_393, %get3A_859 : vector<16xf32>
        %add3A_866 = arith.addf %add3A_864, %mul3A_865 : vector<16xf32>
        %reduce_sum3A_867 = arith.constant true
        %reduce_sum3A_868 = vector.broadcast %reduce_sum3A_867 : i1 to vector<16xi1>
        %reduce_sum3A_869 = tpu.scan <sum>, %add3A_866 masked %reduce_sum3A_868 : vector<16xf32>, vector<16xi1> -> vector<16xf32>
        %reduce_sum3A_870 = vector.extract %reduce_sum3A_869[15] : f32 from vector<16xf32>
        %sub3A_871 = arith.subf %reduce_sum3A_415, %reduce_sum3A_870 : f32
        %broadcast_in_dim3A_872 = vector.broadcast %sub3A_871 : f32 to vector<16xf32>
        %eq3A_873 = arith.constant 13 : i32
        %eq3A_874 = vector.broadcast %eq3A_873 : i32 to vector<16xi32>
        %eq3A_875 = arith.cmpi eq, %iota3A_354, %eq3A_874 : vector<16xi32>
        %select_n3A_876 = arith.select %eq3A_875, %broadcast_in_dim3A_872, %select_n3A_843 : vector<16xi1>, vector<16xf32>
        %mul3A_877 = arith.constant 20 : i32
        %mul3A_878 = arith.muli %scan3A_363, %mul3A_877 : i32
        %add3A_879 = arith.constant 14 : i32
        %add3A_880 = arith.addi %mul3A_878, %add3A_879 : i32
        %get3A_881 = arith.index_cast %add3A_880 : i32 to index
        %get3A_882 = arith.constant 0 : index
        %get3A_883 = tpu.vector_load %arg16[%get3A_881, %get3A_882] {strides = array<i32>} : memref<640x64xf32, #tpu.memory_space<vmem>>, vector<16xf32>,
        %get3A_884 = arith.index_cast %add3A_880 : i32 to index
        %get3A_885 = arith.constant 16 : index
        %get3A_886 = tpu.vector_load %arg16[%get3A_884, %get3A_885] {strides = array<i32>} : memref<640x64xf32, #tpu.memory_space<vmem>>, vector<16xf32>,
        %get3A_887 = arith.index_cast %add3A_880 : i32 to index
        %get3A_888 = arith.constant 32 : index
        %get3A_889 = tpu.vector_load %arg16[%get3A_887, %get3A_888] {strides = array<i32>} : memref<640x64xf32, #tpu.memory_space<vmem>>, vector<16xf32>,
        %get3A_890 = arith.index_cast %add3A_880 : i32 to index
        %get3A_891 = arith.constant 48 : index
        %get3A_892 = tpu.vector_load %arg16[%get3A_890, %get3A_891] {strides = array<i32>} : memref<640x64xf32, #tpu.memory_space<vmem>>, vector<16xf32>,
        %mul3A_893 = arith.mulf %get3A_372, %get3A_883 : vector<16xf32>
        %mul3A_894 = arith.mulf %get3A_379, %get3A_886 : vector<16xf32>
        %add3A_895 = arith.addf %mul3A_893, %mul3A_894 : vector<16xf32>
        %mul3A_896 = arith.mulf %get3A_386, %get3A_889 : vector<16xf32>
        %add3A_897 = arith.addf %add3A_895, %mul3A_896 : vector<16xf32>
        %mul3A_898 = arith.mulf %get3A_393, %get3A_892 : vector<16xf32>
        %add3A_899 = arith.addf %add3A_897, %mul3A_898 : vector<16xf32>
        %reduce_sum3A_900 = arith.constant true
        %reduce_sum3A_901 = vector.broadcast %reduce_sum3A_900 : i1 to vector<16xi1>
        %reduce_sum3A_902 = tpu.scan <sum>, %add3A_899 masked %reduce_sum3A_901 : vector<16xf32>, vector<16xi1> -> vector<16xf32>
        %reduce_sum3A_903 = vector.extract %reduce_sum3A_902[15] : f32 from vector<16xf32>
        %sub3A_904 = arith.subf %reduce_sum3A_415, %reduce_sum3A_903 : f32
        %broadcast_in_dim3A_905 = vector.broadcast %sub3A_904 : f32 to vector<16xf32>
        %eq3A_906 = arith.constant 14 : i32
        %eq3A_907 = vector.broadcast %eq3A_906 : i32 to vector<16xi32>
        %eq3A_908 = arith.cmpi eq, %iota3A_354, %eq3A_907 : vector<16xi32>
        %select_n3A_909 = arith.select %eq3A_908, %broadcast_in_dim3A_905, %select_n3A_876 : vector<16xi1>, vector<16xf32>
        %mul3A_910 = arith.constant 20 : i32
        %mul3A_911 = arith.muli %scan3A_363, %mul3A_910 : i32
        %add3A_912 = arith.constant 15 : i32
        %add3A_913 = arith.addi %mul3A_911, %add3A_912 : i32
        %get3A_914 = arith.index_cast %add3A_913 : i32 to index
        %get3A_915 = arith.constant 0 : index
        %get3A_916 = tpu.vector_load %arg16[%get3A_914, %get3A_915] {strides = array<i32>} : memref<640x64xf32, #tpu.memory_space<vmem>>, vector<16xf32>,
        %get3A_917 = arith.index_cast %add3A_913 : i32 to index
        %get3A_918 = arith.constant 16 : index
        %get3A_919 = tpu.vector_load %arg16[%get3A_917, %get3A_918] {strides = array<i32>} : memref<640x64xf32, #tpu.memory_space<vmem>>, vector<16xf32>,
        %get3A_920 = arith.index_cast %add3A_913 : i32 to index
        %get3A_921 = arith.constant 32 : index
        %get3A_922 = tpu.vector_load %arg16[%get3A_920, %get3A_921] {strides = array<i32>} : memref<640x64xf32, #tpu.memory_space<vmem>>, vector<16xf32>,
        %get3A_923 = arith.index_cast %add3A_913 : i32 to index
        %get3A_924 = arith.constant 48 : index
        %get3A_925 = tpu.vector_load %arg16[%get3A_923, %get3A_924] {strides = array<i32>} : memref<640x64xf32, #tpu.memory_space<vmem>>, vector<16xf32>,
        %mul3A_926 = arith.mulf %get3A_372, %get3A_916 : vector<16xf32>
        %mul3A_927 = arith.mulf %get3A_379, %get3A_919 : vector<16xf32>
        %add3A_928 = arith.addf %mul3A_926, %mul3A_927 : vector<16xf32>
        %mul3A_929 = arith.mulf %get3A_386, %get3A_922 : vector<16xf32>
        %add3A_930 = arith.addf %add3A_928, %mul3A_929 : vector<16xf32>
        %mul3A_931 = arith.mulf %get3A_393, %get3A_925 : vector<16xf32>
        %add3A_932 = arith.addf %add3A_930, %mul3A_931 : vector<16xf32>
        %reduce_sum3A_933 = arith.constant true
        %reduce_sum3A_934 = vector.broadcast %reduce_sum3A_933 : i1 to vector<16xi1>
        %reduce_sum3A_935 = tpu.scan <sum>, %add3A_932 masked %reduce_sum3A_934 : vector<16xf32>, vector<16xi1> -> vector<16xf32>
        %reduce_sum3A_936 = vector.extract %reduce_sum3A_935[15] : f32 from vector<16xf32>
        %sub3A_937 = arith.subf %reduce_sum3A_415, %reduce_sum3A_936 : f32
        %broadcast_in_dim3A_938 = vector.broadcast %sub3A_937 : f32 to vector<16xf32>
        %eq3A_939 = arith.constant 15 : i32
        %eq3A_940 = vector.broadcast %eq3A_939 : i32 to vector<16xi32>
        %eq3A_941 = arith.cmpi eq, %iota3A_354, %eq3A_940 : vector<16xi32>
        %select_n3A_942 = arith.select %eq3A_941, %broadcast_in_dim3A_938, %select_n3A_909 : vector<16xi1>, vector<16xf32>
        %mul3A_943 = arith.constant 20 : i32
        %mul3A_944 = arith.muli %scan3A_363, %mul3A_943 : i32
        %add3A_945 = arith.constant 16 : i32
        %add3A_946 = arith.addi %mul3A_944, %add3A_945 : i32
        %get3A_947 = arith.index_cast %add3A_946 : i32 to index
        %get3A_948 = arith.constant 0 : index
        %get3A_949 = tpu.vector_load %arg16[%get3A_947, %get3A_948] {strides = array<i32>} : memref<640x64xf32, #tpu.memory_space<vmem>>, vector<16xf32>,
        %get3A_950 = arith.index_cast %add3A_946 : i32 to index
        %get3A_951 = arith.constant 16 : index
        %get3A_952 = tpu.vector_load %arg16[%get3A_950, %get3A_951] {strides = array<i32>} : memref<640x64xf32, #tpu.memory_space<vmem>>, vector<16xf32>,
        %get3A_953 = arith.index_cast %add3A_946 : i32 to index
        %get3A_954 = arith.constant 32 : index
        %get3A_955 = tpu.vector_load %arg16[%get3A_953, %get3A_954] {strides = array<i32>} : memref<640x64xf32, #tpu.memory_space<vmem>>, vector<16xf32>,
        %get3A_956 = arith.index_cast %add3A_946 : i32 to index
        %get3A_957 = arith.constant 48 : index
        %get3A_958 = tpu.vector_load %arg16[%get3A_956, %get3A_957] {strides = array<i32>} : memref<640x64xf32, #tpu.memory_space<vmem>>, vector<16xf32>,
        %mul3A_959 = arith.mulf %get3A_372, %get3A_949 : vector<16xf32>
        %mul3A_960 = arith.mulf %get3A_379, %get3A_952 : vector<16xf32>
        %add3A_961 = arith.addf %mul3A_959, %mul3A_960 : vector<16xf32>
        %mul3A_962 = arith.mulf %get3A_386, %get3A_955 : vector<16xf32>
        %add3A_963 = arith.addf %add3A_961, %mul3A_962 : vector<16xf32>
        %mul3A_964 = arith.mulf %get3A_393, %get3A_958 : vector<16xf32>
        %add3A_965 = arith.addf %add3A_963, %mul3A_964 : vector<16xf32>
        %reduce_sum3A_966 = arith.constant true
        %reduce_sum3A_967 = vector.broadcast %reduce_sum3A_966 : i1 to vector<16xi1>
        %reduce_sum3A_968 = tpu.scan <sum>, %add3A_965 masked %reduce_sum3A_967 : vector<16xf32>, vector<16xi1> -> vector<16xf32>
        %reduce_sum3A_969 = vector.extract %reduce_sum3A_968[15] : f32 from vector<16xf32>
        %sub3A_970 = arith.subf %reduce_sum3A_415, %reduce_sum3A_969 : f32
        %broadcast_in_dim3A_971 = vector.broadcast %sub3A_970 : f32 to vector<16xf32>
        %eq3A_972 = arith.constant 0 : i32
        %eq3A_973 = vector.broadcast %eq3A_972 : i32 to vector<16xi32>
        %eq3A_974 = arith.cmpi eq, %iota3A_354, %eq3A_973 : vector<16xi32>
        %select_n3A_975 = arith.select %eq3A_974, %broadcast_in_dim3A_971, %broadcast_in_dim3A_356 : vector<16xi1>, vector<16xf32>
        %mul3A_976 = arith.constant 20 : i32
        %mul3A_977 = arith.muli %scan3A_363, %mul3A_976 : i32
        %add3A_978 = arith.constant 17 : i32
        %add3A_979 = arith.addi %mul3A_977, %add3A_978 : i32
        %get3A_980 = arith.index_cast %add3A_979 : i32 to index
        %get3A_981 = arith.constant 0 : index
        %get3A_982 = tpu.vector_load %arg16[%get3A_980, %get3A_981] {strides = array<i32>} : memref<640x64xf32, #tpu.memory_space<vmem>>, vector<16xf32>,
        %get3A_983 = arith.index_cast %add3A_979 : i32 to index
        %get3A_984 = arith.constant 16 : index
        %get3A_985 = tpu.vector_load %arg16[%get3A_983, %get3A_984] {strides = array<i32>} : memref<640x64xf32, #tpu.memory_space<vmem>>, vector<16xf32>,
        %get3A_986 = arith.index_cast %add3A_979 : i32 to index
        %get3A_987 = arith.constant 32 : index
        %get3A_988 = tpu.vector_load %arg16[%get3A_986, %get3A_987] {strides = array<i32>} : memref<640x64xf32, #tpu.memory_space<vmem>>, vector<16xf32>,
        %get3A_989 = arith.index_cast %add3A_979 : i32 to index
        %get3A_990 = arith.constant 48 : index
        %get3A_991 = tpu.vector_load %arg16[%get3A_989, %get3A_990] {strides = array<i32>} : memref<640x64xf32, #tpu.memory_space<vmem>>, vector<16xf32>,
        %mul3A_992 = arith.mulf %get3A_372, %get3A_982 : vector<16xf32>
        %mul3A_993 = arith.mulf %get3A_379, %get3A_985 : vector<16xf32>
        %add3A_994 = arith.addf %mul3A_992, %mul3A_993 : vector<16xf32>
        %mul3A_995 = arith.mulf %get3A_386, %get3A_988 : vector<16xf32>
        %add3A_996 = arith.addf %add3A_994, %mul3A_995 : vector<16xf32>
        %mul3A_997 = arith.mulf %get3A_393, %get3A_991 : vector<16xf32>
        %add3A_998 = arith.addf %add3A_996, %mul3A_997 : vector<16xf32>
        %reduce_sum3A_999 = arith.constant true
        %reduce_sum3A_1000 = vector.broadcast %reduce_sum3A_999 : i1 to vector<16xi1>
        %reduce_sum3A_1001 = tpu.scan <sum>, %add3A_998 masked %reduce_sum3A_1000 : vector<16xf32>, vector<16xi1> -> vector<16xf32>
        %reduce_sum3A_1002 = vector.extract %reduce_sum3A_1001[15] : f32 from vector<16xf32>
        %sub3A_1003 = arith.subf %reduce_sum3A_415, %reduce_sum3A_1002 : f32
        %broadcast_in_dim3A_1004 = vector.broadcast %sub3A_1003 : f32 to vector<16xf32>
        %eq3A_1005 = arith.constant 1 : i32
        %eq3A_1006 = vector.broadcast %eq3A_1005 : i32 to vector<16xi32>
        %eq3A_1007 = arith.cmpi eq, %iota3A_354, %eq3A_1006 : vector<16xi32>
        %select_n3A_1008 = arith.select %eq3A_1007, %broadcast_in_dim3A_1004, %select_n3A_975 : vector<16xi1>, vector<16xf32>
        %mul3A_1009 = arith.constant 20 : i32
        %mul3A_1010 = arith.muli %scan3A_363, %mul3A_1009 : i32
        %add3A_1011 = arith.constant 18 : i32
        %add3A_1012 = arith.addi %mul3A_1010, %add3A_1011 : i32
        %get3A_1013 = arith.index_cast %add3A_1012 : i32 to index
        %get3A_1014 = arith.constant 0 : index
        %get3A_1015 = tpu.vector_load %arg16[%get3A_1013, %get3A_1014] {strides = array<i32>} : memref<640x64xf32, #tpu.memory_space<vmem>>, vector<16xf32>,
        %get3A_1016 = arith.index_cast %add3A_1012 : i32 to index
        %get3A_1017 = arith.constant 16 : index
        %get3A_1018 = tpu.vector_load %arg16[%get3A_1016, %get3A_1017] {strides = array<i32>} : memref<640x64xf32, #tpu.memory_space<vmem>>, vector<16xf32>,
        %get3A_1019 = arith.index_cast %add3A_1012 : i32 to index
        %get3A_1020 = arith.constant 32 : index
        %get3A_1021 = tpu.vector_load %arg16[%get3A_1019, %get3A_1020] {strides = array<i32>} : memref<640x64xf32, #tpu.memory_space<vmem>>, vector<16xf32>,
        %get3A_1022 = arith.index_cast %add3A_1012 : i32 to index
        %get3A_1023 = arith.constant 48 : index
        %get3A_1024 = tpu.vector_load %arg16[%get3A_1022, %get3A_1023] {strides = array<i32>} : memref<640x64xf32, #tpu.memory_space<vmem>>, vector<16xf32>,
        %mul3A_1025 = arith.mulf %get3A_372, %get3A_1015 : vector<16xf32>
        %mul3A_1026 = arith.mulf %get3A_379, %get3A_1018 : vector<16xf32>
        %add3A_1027 = arith.addf %mul3A_1025, %mul3A_1026 : vector<16xf32>
        %mul3A_1028 = arith.mulf %get3A_386, %get3A_1021 : vector<16xf32>
        %add3A_1029 = arith.addf %add3A_1027, %mul3A_1028 : vector<16xf32>
        %mul3A_1030 = arith.mulf %get3A_393, %get3A_1024 : vector<16xf32>
        %add3A_1031 = arith.addf %add3A_1029, %mul3A_1030 : vector<16xf32>
        %reduce_sum3A_1032 = arith.constant true
        %reduce_sum3A_1033 = vector.broadcast %reduce_sum3A_1032 : i1 to vector<16xi1>
        %reduce_sum3A_1034 = tpu.scan <sum>, %add3A_1031 masked %reduce_sum3A_1033 : vector<16xf32>, vector<16xi1> -> vector<16xf32>
        %reduce_sum3A_1035 = vector.extract %reduce_sum3A_1034[15] : f32 from vector<16xf32>
        %sub3A_1036 = arith.subf %reduce_sum3A_415, %reduce_sum3A_1035 : f32
        %broadcast_in_dim3A_1037 = vector.broadcast %sub3A_1036 : f32 to vector<16xf32>
        %eq3A_1038 = arith.constant 2 : i32
        %eq3A_1039 = vector.broadcast %eq3A_1038 : i32 to vector<16xi32>
        %eq3A_1040 = arith.cmpi eq, %iota3A_354, %eq3A_1039 : vector<16xi32>
        %select_n3A_1041 = arith.select %eq3A_1040, %broadcast_in_dim3A_1037, %select_n3A_1008 : vector<16xi1>, vector<16xf32>
        %mul3A_1042 = arith.constant 20 : i32
        %mul3A_1043 = arith.muli %scan3A_363, %mul3A_1042 : i32
        %add3A_1044 = arith.constant 19 : i32
        %add3A_1045 = arith.addi %mul3A_1043, %add3A_1044 : i32
        %get3A_1046 = arith.index_cast %add3A_1045 : i32 to index
        %get3A_1047 = arith.constant 0 : index
        %get3A_1048 = tpu.vector_load %arg16[%get3A_1046, %get3A_1047] {strides = array<i32>} : memref<640x64xf32, #tpu.memory_space<vmem>>, vector<16xf32>,
        %get3A_1049 = arith.index_cast %add3A_1045 : i32 to index
        %get3A_1050 = arith.constant 16 : index
        %get3A_1051 = tpu.vector_load %arg16[%get3A_1049, %get3A_1050] {strides = array<i32>} : memref<640x64xf32, #tpu.memory_space<vmem>>, vector<16xf32>,
        %get3A_1052 = arith.index_cast %add3A_1045 : i32 to index
        %get3A_1053 = arith.constant 32 : index
        %get3A_1054 = tpu.vector_load %arg16[%get3A_1052, %get3A_1053] {strides = array<i32>} : memref<640x64xf32, #tpu.memory_space<vmem>>, vector<16xf32>,
        %get3A_1055 = arith.index_cast %add3A_1045 : i32 to index
        %get3A_1056 = arith.constant 48 : index
        %get3A_1057 = tpu.vector_load %arg16[%get3A_1055, %get3A_1056] {strides = array<i32>} : memref<640x64xf32, #tpu.memory_space<vmem>>, vector<16xf32>,
        %mul3A_1058 = arith.mulf %get3A_372, %get3A_1048 : vector<16xf32>
        %mul3A_1059 = arith.mulf %get3A_379, %get3A_1051 : vector<16xf32>
        %add3A_1060 = arith.addf %mul3A_1058, %mul3A_1059 : vector<16xf32>
        %mul3A_1061 = arith.mulf %get3A_386, %get3A_1054 : vector<16xf32>
        %add3A_1062 = arith.addf %add3A_1060, %mul3A_1061 : vector<16xf32>
        %mul3A_1063 = arith.mulf %get3A_393, %get3A_1057 : vector<16xf32>
        %add3A_1064 = arith.addf %add3A_1062, %mul3A_1063 : vector<16xf32>
        %reduce_sum3A_1065 = arith.constant true
        %reduce_sum3A_1066 = vector.broadcast %reduce_sum3A_1065 : i1 to vector<16xi1>
        %reduce_sum3A_1067 = tpu.scan <sum>, %add3A_1064 masked %reduce_sum3A_1066 : vector<16xf32>, vector<16xi1> -> vector<16xf32>
        %reduce_sum3A_1068 = vector.extract %reduce_sum3A_1067[15] : f32 from vector<16xf32>
        %sub3A_1069 = arith.subf %reduce_sum3A_415, %reduce_sum3A_1068 : f32
        %broadcast_in_dim3A_1070 = vector.broadcast %sub3A_1069 : f32 to vector<16xf32>
        %eq3A_1071 = arith.constant 3 : i32
        %eq3A_1072 = vector.broadcast %eq3A_1071 : i32 to vector<16xi32>
        %eq3A_1073 = arith.cmpi eq, %iota3A_354, %eq3A_1072 : vector<16xi32>
        %select_n3A_1074 = arith.select %eq3A_1073, %broadcast_in_dim3A_1070, %select_n3A_1041 : vector<16xi1>, vector<16xf32>
        %swap3A = arith.index_cast %scan3A_363 : i32 to index
        %swap3A_1075 = arith.constant 0 : index
        %swap3A_1076 = tpu.vector_load %arg18[%swap3A, %swap3A_1075] {strides = array<i32>} : memref<32x20xf32, #tpu.memory_space<vmem>>, vector<16xf32>,
        tpu.vector_store %arg18[%swap3A, %swap3A_1075], %select_n3A_942 {strides = array<i32>} : memref<32x20xf32, #tpu.memory_space<vmem>>, vector<16xf32>,
        %broadcast_in_dim3A_1077 = vector.broadcast %scan3A_363 : i32 to vector<16xi32>
        %and3A_1078 = arith.constant 3 : i32
        %and3A_1079 = vector.broadcast %and3A_1078 : i32 to vector<16xi32>
        %and3A_1080 = arith.andi %iota3A_354, %and3A_1079 : vector<16xi32>
        %add3A_1081 = arith.constant 16 : i32
        %add3A_1082 = vector.broadcast %add3A_1081 : i32 to vector<16xi32>
        %add3A_1083 = arith.addi %add3A_1082, %and3A_1080 : vector<16xi32>
        %lt3A_1084 = arith.constant 4 : i32
        %lt3A_1085 = vector.broadcast %lt3A_1084 : i32 to vector<16xi32>
        %lt3A_1086 = arith.cmpi slt, %iota3A_354, %lt3A_1085 : vector<16xi32>
        tpu.vector_store_idx %arg18[%broadcast_in_dim3A_1077, %add3A_1083], %select_n3A_1074 masked %lt3A_1086 : memref<32x20xf32, #tpu.memory_space<vmem>>[vector<16xi32>, vector<16xi32>], vector<16xf32>, vector<16xi1>
      }
      %scan3A_362 = arith.constant 32 : i32
      "tpu.region"() ({
        %run_scoped3A_363 = tpu.sem_alloc : memref<!tpu.dma_semaphore, #tpu.memory_space<semaphore_mem>>
        %dma_start3A_364 = arith.constant 0 : i32
        %dma_start3A_365 = tpu.memref_slice %arg6[%add3A_353, %dma_start3A_364] : memref<16384x20xf32, #tpu.memory_space<hbm>> -> memref<32x20xf32, #tpu.memory_space<hbm>>
        %dma_start3A_366 = arith.constant 0 : i32
        %dma_start3A_367 = tpu.memref_slice %arg6[%add3A_353, %dma_start3A_366] : memref<16384x20xf32, #tpu.memory_space<hbm>> -> memref<32x20xf32, #tpu.memory_space<hbm>>
        tpu.enqueue_dma source(%arg18 : memref<32x20xf32, #tpu.memory_space<vmem>>) target(%dma_start3A_367 : memref<32x20xf32, #tpu.memory_space<hbm>>) target_semaphore(%run_scoped3A_363 : memref<!tpu.dma_semaphore, #tpu.memory_space<semaphore_mem>>)
        %dma_wait3A_368 = arith.constant 0 : i32
        %dma_wait3A_369 = tpu.memref_slice %arg6[%add3A_353, %dma_wait3A_368] : memref<16384x20xf32, #tpu.memory_space<hbm>> -> memref<32x20xf32, #tpu.memory_space<hbm>>
        %dma_wait3A_370 = arith.constant 0 : i32
        %dma_wait3A_371 = tpu.memref_slice %arg6[%add3A_353, %dma_wait3A_370] : memref<16384x20xf32, #tpu.memory_space<hbm>> -> memref<32x20xf32, #tpu.memory_space<hbm>>
        tpu.wait_dma2 semaphore(%run_scoped3A_363 : memref<!tpu.dma_semaphore, #tpu.memory_space<semaphore_mem>>) src(%arg18 : memref<32x20xf32, #tpu.memory_space<vmem>>) dst(%dma_wait3A_371 : memref<32x20xf32, #tpu.memory_space<hbm>>)
        tpu.yield
      }) : () -> ()
    }
    %scan3A_105 = arith.constant 8 : i32
    return
  }
}

</mosaic_0001>

<sc_bundles>
// kernel: _mf.3.cloned.1.call-start
scs
__scs_entry_jumppad:
0x0: {  	(pc) =	sbr.rel $0x88, $3  }
0x1: {  	(tag) =	ssettag $0x0;
	lr =	simm.s32 $0x1  }
0x2: {  	[smem:$0x3F9C] =	sst lr;
	_ =	strace $0xD0000000  }
0x3: {  	_ = 	snop  }
0x4: {  	_ = 	snop  }
0x5: {  	_ = 	snop  }
0x6: {  	_ = 	snop  }
0x7: {  	_ = 	snop  }
__scs_overlays_trampoline_lowered:
0x8: {  	[smem:$0x3FAB] =	sst s0  }
0x9: {  	[smem:$0x3FAC] =	sst s1  }
0xa: {  	[smem:$0x3FAD] =	sst s2  }
0xb: {  	[smem:$0x3FAE] =	sst s3  }
0xc: {  	[smem:$0x3FAF] =	sst s4  }
0xd: {  	[smem:$0x3FB0] =	sst s5  }
0xe: {  	[smem:$0x3FB1] =	sst s6  }
0xf: {  	[smem:$0x3FB2] =	sst s7  }
0x10: {  	[smem:$0x3FB3] =	sst s8  }
0x11: {  	[smem:$0x3FB4] =	sst s9;
	s0 =	simm.s32 @!p0 $0x0  }
0x12: {  	s1 =	sld [smem:$0x3F9A];
	s0 =	simm.s32 @p0 $0x1  }
0x13: {  	[smem:$0x3FB5] =	sst s0;
	s0 =	simm.s32 @!p1 $0x0  }
0x14: {  	s2 =	sld [smem:$0x3F99];
	s0 =	simm.s32 @p1 $0x1  }
0x15: {  	[smem:$0x3FB6] =	sst s0;
	s0 =	simm.s32 @!p2 $0x0  }
0x16: {  	s3 =	sld [smem:$0x3FDB];
	s0 =	simm.s32 @p2 $0x1  }
0x17: {  	s4 =	simm.s32 $0x1BF5;
	[smem:$0x3FB8] =	sst s0  }
0x18: {  	s0 =	sld [smem:$0x3F9B];
	_ =	swait.ge [sflag:s4], $0x0  }
0x19: {  	s7 =	sld [smem:$0x3F9C]  }
0x1a: {  	s8 =	sadd.s32 $0xFFFFE003, lr  }
0x1b: {  	s9 =	sadd.s32 $0xFFFFFEF7, lr;
	s5 =	simm.s32 $0xFFFFFFFF;
	p2 =	slt.u32 s8, $0xFFFFF086  }
0x1c: {  	p1 =	slt.u32 s9, $0xF7A;
	s5 =	simm.s32 @!p2 $0x0  }
0x1d: {  	s5 =	simm.s32 @p1 $0x1;
	p0 =	seq.s32 s7, s2  }
0x1e: {  	s7 =	smul.u32 @!p0 $0xF7A, s2;
	p2 =	seq.s32 @!p0 s5, $0x0  }
0x1f: {  	s9 =	smul.u32 $0xF7A, s1;
	s8 =	simm.s32 @!p0 $0x1BF5;
	p2 =	por !p2, p0  }
0x20: {  	[sflag:s8] =	ssyncset.s32 @!p0 $0xFFFFF086;
	s6 =	sadd.s32 @!p0 s3, s7;
	s7 =	simm.s32 @!p0 $0x108  }
0x21: {  	s3 =	sadd.s32 s3, s9;
	s6 =	sadd.s32 @!p0 $0x88, s6;
	s7 =	simm.s32 @p2 $0x1082  }
0x22: {  	[simem:s7], [sflag:s8] =	dma.local @!p0 [hbm:s6], $0xF7A  }
0x23: {  	s9 =	sor.u32 $0xD0000000, s2;
	s6 =	simm.s32 $0x108;
	_ =	swait.ge @!p0 [sflag:s8], $0x0  }
0x24: {  	s3 =	sadd.s32 $0x88, s3;
	s6 =	simm.s32 @!p1 $0x1082;
	[sflag:s4] =	ssyncset.s32 $0xFFFFF086  }
0x25: {  	[simem:s6], [sflag:s4] =	dma.local [hbm:s3], $0xF7A  }
0x26: {  	[smem:$0x3F9C] =	sst s1;
	(tag) =	ssettag s2;
	_ =	strace s9  }
0x27: {  	s1 =	sld [smem:$0x3FAC]  }
0x28: {  	s2 =	sld [smem:$0x3FAD]  }
0x29: {  	s4 =	sld [smem:$0x3FAF]  }
0x2a: {  	p0 =	seq.s32 s5, $0x0;
	s5 =	sld [smem:$0x3FB0]  }
0x2b: {  	s6 =	sld [smem:$0x3FB1]  }
0x2c: {  	s7 =	sld [smem:$0x3FB2]  }
0x2d: {  	s3 =	simm.s32 $0x108;
	s8 =	sld [smem:$0x3FB3]  }
0x2e: {  	s3 =	simm.s32 @!p0 $0x1082;
	s9 =	sld [smem:$0x3FB4]  }
0x2f: {  	lr =	sadd.s32 s0, s3;
	s0 =	sld [smem:$0x3FAB]  }
0x30: {  	s3 =	sld [smem:$0x3FAE]  }
0x31: {  	[smem:$0x3FB7] =	sst s10  }
0x32: {  	s10 =	sld [smem:$0x3FB5];
	_ =	sdelay $0x3  }
0x33: {  	p0 =	seq.s32 s10, $0x1;
	s10 =	sld [smem:$0x3FB7];
	_ =	sdelay $0x3  }
0x34: {  	[smem:$0x3FB7] =	sst s10  }
0x35: {  	s10 =	sld [smem:$0x3FB6];
	_ =	sdelay $0x3  }
0x36: {  	p1 =	seq.s32 s10, $0x1;
	s10 =	sld [smem:$0x3FB7];
	_ =	sdelay $0x3  }
0x37: {  	[smem:$0x3FB7] =	sst s10  }
0x38: {  	s10 =	sld [smem:$0x3FB8]  }
0x39: {  	_ = 	snop;
	(pc) =	sbr.ind lr, $3  }
0x3a: {  	_ = 	snop  }
0x3b: {  	_ = 	snop  }
0x3c: {  	p2 =	seq.s32 s10, $0x1;
	s10 =	sld [smem:$0x3FB7]  }
0x3d: {  	_ =	shalt  }
0x3e: {  	_ =	shalt  }
0x3f: {  	_ =	shalt  }
0x40: {  	_ =	shalt  }
0x41: {  	_ =	shalt  }
0x42: {  	_ =	shalt  }
0x43: {  	_ =	shalt  }
0x44: {  	_ =	shalt  }
0x45: {  	_ =	shalt  }
0x46: {  	_ =	shalt  }
0x47: {  	_ =	shalt  }
0x48: {  	_ =	shalt  }
0x49: {  	_ =	shalt  }
0x4a: {  	_ =	shalt  }
0x4b: {  	_ =	shalt  }
0x4c: {  	_ =	shalt  }
0x4d: {  	_ =	shalt  }
0x4e: {  	_ =	shalt  }
0x4f: {  	_ =	shalt  }
0x50: {  	_ =	shalt  }
0x51: {  	_ =	shalt  }
0x52: {  	_ =	shalt  }
0x53: {  	_ =	shalt  }
0x54: {  	_ =	shalt  }
0x55: {  	_ =	shalt  }
0x56: {  	_ =	shalt  }
0x57: {  	_ =	shalt  }
0x58: {  	_ =	shalt  }
0x59: {  	_ =	shalt  }
0x5a: {  	_ =	shalt  }
0x5b: {  	_ =	shalt  }
0x5c: {  	_ =	shalt  }
0x5d: {  	_ =	shalt  }
0x5e: {  	_ =	shalt  }
0x5f: {  	_ =	shalt  }
0x60: {  	_ =	shalt  }
0x61: {  	_ =	shalt  }
0x62: {  	_ =	shalt  }
0x63: {  	_ =	shalt  }
0x64: {  	_ =	shalt  }
0x65: {  	_ =	shalt  }
0x66: {  	_ =	shalt  }
0x67: {  	_ =	shalt  }
0x68: {  	_ =	shalt  }
0x69: {  	_ =	shalt  }
0x6a: {  	_ =	shalt  }
0x6b: {  	_ =	shalt  }
0x6c: {  	_ =	shalt  }
0x6d: {  	_ =	shalt  }
0x6e: {  	_ =	shalt  }
0x6f: {  	_ =	shalt  }
0x70: {  	_ =	shalt  }
0x71: {  	_ =	shalt  }
0x72: {  	_ =	shalt  }
0x73: {  	_ =	shalt  }
0x74: {  	_ =	shalt  }
0x75: {  	_ =	shalt  }
0x76: {  	_ =	shalt  }
0x77: {  	_ =	shalt  }
0x78: {  	_ =	shalt  }
0x79: {  	_ =	shalt  }
0x7a: {  	_ =	shalt  }
0x7b: {  	_ =	shalt  }
0x7c: {  	_ =	shalt  }
0x7d: {  	_ =	shalt  }
0x7e: {  	_ =	shalt  }
0x7f: {  	_ =	shalt  }
0x80: {  	_ =	shalt  }
0x81: {  	_ =	shalt  }
0x82: {  	_ =	shalt  }
0x83: {  	_ =	shalt  }
0x84: {  	_ =	shalt  }
0x85: {  	_ =	shalt  }
0x86: {  	_ =	shalt  }
0x87: {  	_ =	shalt  }
.Lfunc_end0:
.L_simem_size_0:
called_computation.1_lowered:
.L_overlay_start_0:
0x88: {  	s2 =	sld [smem:$0x3FD9]  }
0x89: {  	s3 =	sld [smem:$0x3FFE];
	_ =	sdelay $0x1  }
0x8a: {  	s1 =	srdreg.scid  }
0x8b: {  	s0 =	sand.u32 $0x1, s1  }
0x8c: {  	s17 =	sshll.u32 s0, $0xA;
	s2 =	sadd.s32 s3, s2  }
0x8d: {  	s2 =	sadd.s32 s2, s17  }
0x8e: {  	[smem:$0x3FC3] =	sst s2  }
0x8f: {  	_ = 	snop  }
0x90: {  	s2 =	sld [smem:$0x3FC8]  }
0x91: {  	s18 =	sld [smem:$0x3FC7]  }
0x92: {  	s4 =	sld [smem:$0x3FD0];
	(tm) =	ssettm $0x1  }
0x93: {  	s5 =	sld [smem:$0x3FFB];
	_ =	sdelay $0x3  }
0x94: {  	_ =	strace s5  }
0x95: {  	s5 =	sld [smem:$0x3FFC];
	_ =	sdelay $0x3  }
0x96: {  	_ =	strace s5  }
0x97: {  	s5 =	sld [smem:$0x3FFD];
	_ =	sdelay $0x3  }
0x98: {  	_ =	strace s5  }
0x99: {  	_ =	strace $0x8FFFFFFF  }
0x9a: {  	s19 =	sld [smem:$0x3FDB];
	_ =	sdelay $0x1  }
0x9b: {  	s6 =	simm.s32 $_scs_section_size  }
0x9c: {  	s7 =	simm.s32 $_size__tile_overlayer_lowered;
	s8 =	simm.s32 $_tile_overlayer_lowered  }
0x9d: {  	s22 =	simm.s32 $0x1BFF;
	s21 =	sshll.u32 s8, $0x1;
	s5 =	sadd.s32 s6, s19  }
0x9e: {  	s9 =	simm.s32 $0x0;
	s20 =	sshll.u32 s7, $0x1;
	s7 =	sadd.s32 s21, s5  }
0x9f: {  	[timem:s9], [sflag:s22] =	dma.local [hbm:s7], s20  }
0xa0: {  	_ =	swait.ge [sflag:s22], s20  }
0xa1: {  	s6 =	ssub.s32 $0x0, s20;
	[sflag:s22] =	ssyncset.done $0x0  }
0xa2: {  	[sflag:s22] =	ssyncadd.s32 s6;
	_ =	sdelay $0x1  }
0xa3: {  	s23 =	simm.s32 $0x1B8B  }
0xa4: {  	_ =	swait.ge [sflag:s23], $0x1  }
0xa5: {  	[sflag:s23] =	ssyncset.done $0x0  }
0xa6: {  	s25 =	simm.s32 $0x1B8E;
	s24 =	sld [smem:$0x3FFE];
	[sflag:s23] =	ssyncadd.s32 $0xFFFFFFFF  }
0xa7: {  	s26 =	simm.s32 $execute0_lowered;
	[smem:$0x3FD2] =	sst s25  }
0xa8: {  	s7 =	sshll.u32 s26, $0x1;
	_ =	strace $0x80000049;
	[dreg:$0x1] =	wrdreg $0xFFFFFFFF  }
0xa9: {  	s28 =	simm.s32 $_size_execute0_lowered;
	s5 =	sadd.s32 s5, s7;
	[dreg:$0x0] =	wrdreg $0x0  }
0xaa: {  	s7 =	sshll.u32 s28, $0x1;
	[dreg:$0x2] =	wrdreg s5  }
0xab: {  	[dreg:$0x3] =	wrdreg s7  }
0xac: {  	[dreg:$0x4] =	wrdreg $0xC0  }
0xad: {  	_ =	task [dreg:s9], $0x5FFFF  }
0xae: {  	[dreg:$0x1] =	wrdreg $0xFFFFFFFF  }
0xaf: {  	[dreg:$0x0] =	wrdreg $0x60  }
0xb0: {  	[dreg:$0x2] =	wrdreg s2  }
0xb1: {  	[dreg:$0x3] =	wrdreg s18  }
0xb2: {  	[dreg:$0x4] =	wrdreg s24  }
0xb3: {  	[dreg:$0x5] =	wrdreg s4  }
0xb4: {  	[dreg:$0x6] =	wrdreg $0x9  }
0xb5: {  	_ =	task.clear_ibuf [dreg:s9], $0x7FFFF;
	_ =	strace $0x90000049  }
0xb6: {  	s29 =	simm.s32 $0x9;
	_ =	strace $0x8000004B  }
0xb7: {  	_ =	swait.ge [sflag:s29], $0x1  }
0xb8: {  	[sflag:s29] =	ssyncadd.s32 $0xFFFFFFFF  }
0xb9: {  	_ =	strace $0x9000004B  }
0xba: {  	_ =	sfence  }
0xbb: {  	s30 =	sld [smem:$0x0];
	_ =	sdelay $0x2  }
0xbc: {  	s31 =	sshll.u32 s1, $0xD;
	s1 =	sshrl.u32 s1, $0x2  }
0xbd: {  	s3 =	sand.u32 $0x4000, s31;
	s1 =	sadd.s32 s1, s30  }
0xbe: {  	s0 =	sor.u32 s3, s0;
	s1 =	sshll.u32 s1, $0x11  }
0xbf: {  	s0 =	sor.u32 s1, s0  }
0xc0: {  	s0 =	sadd.s32 $0x8F2B, s0  }
0xc1: {  	[sflag:s0] =	ssyncadd.remote.s32 $0x1  }
0xc2: {  	_ =	sfence.sel $0xFFFF  }
0xc3: {  	[dreg:$0x0] =	wrdreg $0xFFFFFFFF;
	(pc) =	sbr.abs _section_cstart, $3  }
0xc4: {  	[dreg:$0x1] =	wrdreg $0xFFFFFFFF  }
0xc5: {  	_ =	task.clear_ibuf [dreg:s9], $0x2FFFF;
	_ =	strace $0x9FFFFFFF  }
0xc6: {  	(tm) =	ssettm $0x7FFFFFFF  }
0xc7: {  	_ =	shalt  }
tec
execute0_lowered:
.L_overlay_start_1:
0x0: {  	(tag) =	ssettag $0x1  }
0x1: {  	s25 =	rddreg [dreg:$0x0]  }
0x2: {  	s8 =	rddreg [dreg:$0x1]  }
0x3: {  	s0 =	rddreg [dreg:$0x2]  }
0x4: {  	s5 =	simm.s32 $0x0;
	s1 =	srdreg.scid;
	s2 =	stileid.u32  }
0x5: {  	s28 =	simm.s32 $0x20;
	s30 =	simm.s32 $0x80;
	s29 =	simm.s32 $0x4C0  }
0x6: {  	s13 =	simm.s32 $0x1;
	s1 =	sand.u32 $0x1, s1;
	s2 =	sshll.u32 s2, $0x1  }
0x7: {  	[smem:$0x7FF] =	sst s5;
	s3 =	ssub.s32 $0x2, s1;
	s1 =	sor.u32 s1, s2  }
0x8: {  	s6 =	sadd.s32 $0xC00, s0;
	s4 =	smul.u32 $0x500, s1;
	s20 =	sshll.u32 s1, $0x6  }
0x9: {  	s19 =	sshll.u32 s1, $0x9;
	s1 =	sshll.u32 s1, $0xC;
	s2 =	sadd.s32 s25, s20  }
0xa: {  	_ =	strace $0x8000004A;
	s1 =	sadd.s32 s6, s1;
	[dreg:$0x7] =	wrdreg s2  }
0xb: {  	s14 =	simm.s32 $0x16540;
	s26 =	sor.u32 $0x40, s19;
	[dreg:$0xc] =	wrdreg s1  }
0xc: {  	s17 =	sshrl.u32 s3, $0x1;
	s31 =	sor.u32 $0x20, s19;
	[dreg:$0xd] =	wrdreg s26  }
0xd: {  	s9 =	sadd.s32 s8, s4;
	s8 =	sadd.s32 $0x10, s8;
	[dreg:$0xf] =	wrdreg s31  }
0xe: {  	s15 =	simm.s32 $0x2;
	s18 =	ssub.s32 s3, s17;
	[dreg:$0x6] =	wrdreg s8  }
0xf: {  	vm0 =	vcmask $0x300;
	vm1 =	vcmask $0x704;
	s7 =	sadd.s32 $0x1EC5C00, s0;
	s0 =	smax.u32 s18, $0x1;
	[dreg:$0x5] =	wrdreg s9  }
0x10: {  	vm2 =	vcmask $0xB08;
	vm3 =	vcmask $0xF0C;
	vm4 =	vcmask $0x1310;
	s16 =	simm.s32 $0x16840;
	s21 =	sadd.s32 s4, s8;
	[dreg:$0xe] =	wrdreg s0  }
0x11: {  	vm5 =	vcmask $0x1714;
	vm6 =	vcmask $0x1B18;
	vm7 =	vcmask $0x1F1C;
	s20 =	simm.s32 $0x3;
	s22 =	sadd.s32 $0x20, s9;
	[dreg:$0x8] =	wrdreg s21  }
0x12: {  	vm8 =	vcmask $0x2320;
	vm9 =	vcmask $0x2724;
	vm10 =	vcmask $0x2B28;
	s3 =	simm.s32 $0x3C0;
	s23 =	sadd.s32 $0x30, s9;
	[dreg:$0x9] =	wrdreg s22  }
0x13: {  	vm11 =	vcmask $0x2F2C;
	vm12 =	vcmask $0x3330;
	v0 =	vlaneseq.u32;
	s26 =	simm.s32 $0x440;
	s24 =	sadd.s32 $0x40, s9;
	[dreg:$0xa] =	wrdreg s23  }
0x14: {  	vm13 =	vcmask $0x3734;
	vm14 =	vcmask $0x3B38;
	v0 =	vand.u32 $0x3, v0;
	s2 =	simm.s32 $0x0;
	s0 =	smov.u32 s19;
	[dreg:$0xb] =	wrdreg s24  }
.LBB2_1:
0x15: {  	[dreg:$0x10] =	wrdreg s2  }
0x16: {  	s1 =	rddreg [dreg:$0x7]  }
0x17: {  	[tilespmem:s5], [sflag:$0x3] =	stream.linear.gather [hbm4b:s1+s5], $0x20, $0x38;
	[tilespmem:$0x16B40] =	vst v63  }
0x18: {  	_ =	swait.ge [sflag:s20], $0x20  }
0x19: {  	[sflag:s20] =	ssyncset.done $0x0  }
0x1a: {  	s31 =	simm.s32 $0x40;
	s24 =	rddreg [dreg:$0x5];
	[sflag:s20] =	ssyncadd.s32 $0xFFFFFFE0  }
0x1b: {  	[tilespmem:s31], [sflag:$0x3] =	stream.linear.gather [hbm4b:s24+s5], $0x80, $0x38;
	[tilespmem:$0x16B40] =	vst v63  }
0x1c: {  	_ =	swait.ge [sflag:s20], $0x80  }
0x1d: {  	[sflag:s20] =	ssyncset.done $0x0  }
0x1e: {  	s4 =	simm.s32 $0xC0;
	s10 =	rddreg [dreg:$0x8];
	[sflag:s20] =	ssyncadd.s32 $0xFFFFFF80  }
0x1f: {  	[tilespmem:s4], [sflag:$0x3] =	stream.linear.gather [hbm4b:s10+s5], $0x80, $0x38;
	[tilespmem:$0x16B40] =	vst v63  }
0x20: {  	_ =	swait.ge [sflag:s20], $0x80  }
0x21: {  	[sflag:s20] =	ssyncset.done $0x0  }
0x22: {  	s8 =	simm.s32 $0x140;
	s11 =	rddreg [dreg:$0x9];
	[sflag:s20] =	ssyncadd.s32 $0xFFFFFF80  }
0x23: {  	[tilespmem:s8], [sflag:$0x3] =	stream.linear.gather [hbm4b:s11+s5], $0x80, $0x38;
	[tilespmem:$0x16B40] =	vst v63  }
0x24: {  	_ =	swait.ge [sflag:s20], $0x80  }
0x25: {  	[sflag:s20] =	ssyncset.done $0x0  }
0x26: {  	s9 =	simm.s32 $0x1C0;
	s12 =	rddreg [dreg:$0xa];
	[sflag:s20] =	ssyncadd.s32 $0xFFFFFF80  }
0x27: {  	[tilespmem:s9], [sflag:$0x3] =	stream.linear.gather [hbm4b:s12+s5], $0x80, $0x38;
	[tilespmem:$0x16B40] =	vst v63  }
0x28: {  	_ =	swait.ge [sflag:s20], $0x80  }
0x29: {  	[sflag:s20] =	ssyncset.done $0x0  }
0x2a: {  	s10 =	simm.s32 $0x240;
	s17 =	rddreg [dreg:$0xb];
	[sflag:s20] =	ssyncadd.s32 $0xFFFFFF80  }
0x2b: {  	[tilespmem:s10], [sflag:$0x3] =	stream.linear.gather [hbm4b:s17+s5], $0x80, $0x38;
	[tilespmem:$0x16B40] =	vst v63  }
0x2c: {  	_ =	swait.ge [sflag:s20], $0x80  }
0x2d: {  	[sflag:s20] =	ssyncset.done $0x0  }
0x2e: {  	s11 =	simm.s32 $0x540;
	s18 =	rddreg [dreg:$0xc];
	[sflag:s20] =	ssyncadd.s32 $0xFFFFFF80  }
0x2f: {  	[tilespmem:s11], [sflag:$0x1] =	stream.linear.gather [hbm4b:s18+s5], $0x800, $0x38;
	[tilespmem:$0x16B40] =	vst v63  }
0x30: {  	s19 =	simm.s32 $0x1540  }
0x31: {  	[tilespmem:s19], [sflag:$0x1] =	stream.indirect.gather [hbm4b:s7+s28], $0x40, s5, s28, $0xb8;
	[tilespmem:$0x16B40] =	vst v63  }
0x32: {  	s21 =	simm.s32 $0x2540  }
0x33: {  	[tilespmem:s21], [sflag:$0x1] =	stream.indirect.gather [hbm4b:s7+s30], $0x40, s31, s30, $0xb8;
	[tilespmem:$0x16B40] =	vst v63  }
0x34: {  	s22 =	simm.s32 $0x4540  }
0x35: {  	[tilespmem:s22], [sflag:$0x1] =	stream.indirect.gather [hbm4b:s7+s30], $0x40, s4, s30, $0xb8;
	[tilespmem:$0x16B40] =	vst v63  }
0x36: {  	s23 =	simm.s32 $0x6540  }
0x37: {  	[tilespmem:s23], [sflag:$0x1] =	stream.indirect.gather [hbm4b:s7+s30], $0x40, s8, s30, $0xb8;
	[tilespmem:$0x16B40] =	vst v63  }
0x38: {  	s24 =	simm.s32 $0x8540  }
0x39: {  	[tilespmem:s24], [sflag:$0x1] =	stream.indirect.gather [hbm4b:s7+s30], $0x40, s9, s30, $0xb8;
	[tilespmem:$0x16B40] =	vst v63  }
0x3a: {  	s31 =	simm.s32 $0xA540;
	s9 =	simm.s32 $0x0  }
0x3b: {  	[tilespmem:s31], [sflag:$0x1] =	stream.indirect.gather [hbm4b:s7+s30], $0x40, s10, s30, $0xb8;
	[tilespmem:$0x16B40] =	vst v63  }
.LBB2_2:
0x3c: {  	s21 =	sshll.u32 s9, $0x6;
	s1 =	rddreg [dreg:$0xf]  }
0x3d: {  	s18 =	sor.u32 s1, s21  }
0x3e: {  	s1 =	sshrl.u32 s18, $0x3  }
0x3f: {  	s11 =	simm.s32 $0x0;
	s1 =	sadd.s32 s25, s1  }
0x40: {  	[tilespmem:s28], [sflag:$0x3] =	stream.linear.gather [hbm4b:s1+s11], $0x20, $0x38;
	[tilespmem:$0x16B40] =	vst v63  }
0x41: {  	_ =	swait.ge [sflag:s20], $0x20  }
0x42: {  	s17 =	smul.u32 $0x14, s18;
	[sflag:s20] =	ssyncset.done $0x0  }
0x43: {  	[sflag:s20] =	ssyncadd.s32 $0xFFFFFFE0  }
0x44: {  	s1 =	sshrl.u32 s17, $0x3;
	s2 =	rddreg [dreg:$0x1]  }
0x45: {  	s4 =	simm.s32 $0x2C0;
	s1 =	sadd.s32 s2, s1  }
0x46: {  	[tilespmem:s4], [sflag:$0x3] =	stream.linear.gather [hbm4b:s1+s11], $0x80, $0x38;
	[tilespmem:$0x16B40] =	vst v63  }
0x47: {  	_ =	swait.ge [sflag:s20], $0x80  }
0x48: {  	[sflag:s20] =	ssyncset.done $0x0  }
0x49: {  	s8 =	simm.s32 $0x340;
	s2 =	sadd.s32 $0x10, s1;
	[sflag:s20] =	ssyncadd.s32 $0xFFFFFF80  }
0x4a: {  	[tilespmem:s8], [sflag:$0x3] =	stream.linear.gather [hbm4b:s2+s11], $0x80, $0x38;
	[tilespmem:$0x16B40] =	vst v63  }
0x4b: {  	_ =	swait.ge [sflag:s20], $0x80  }
0x4c: {  	[sflag:s20] =	ssyncset.done $0x0  }
0x4d: {  	s19 =	sadd.s32 $0x20, s1;
	[sflag:s20] =	ssyncadd.s32 $0xFFFFFF80  }
0x4e: {  	[tilespmem:s3], [sflag:$0x3] =	stream.linear.gather [hbm4b:s19+s11], $0x80, $0x38;
	[tilespmem:$0x16B40] =	vst v63  }
0x4f: {  	_ =	swait.ge [sflag:s20], $0x80  }
0x50: {  	[sflag:s20] =	ssyncset.done $0x0  }
0x51: {  	s22 =	sadd.s32 $0x30, s1;
	[sflag:s20] =	ssyncadd.s32 $0xFFFFFF80  }
0x52: {  	[tilespmem:s26], [sflag:$0x3] =	stream.linear.gather [hbm4b:s22+s11], $0x80, $0x38;
	[tilespmem:$0x16B40] =	vst v63  }
0x53: {  	_ =	swait.ge [sflag:s20], $0x80  }
0x54: {  	[sflag:s20] =	ssyncset.done $0x0  }
0x55: {  	s1 =	sadd.s32 $0x40, s1;
	[sflag:s20] =	ssyncadd.s32 $0xFFFFFF80  }
0x56: {  	[tilespmem:s29], [sflag:$0x3] =	stream.linear.gather [hbm4b:s1+s11], $0x80, $0x38;
	[tilespmem:$0x16B40] =	vst v63  }
0x57: {  	s23 =	sshll.u32 s18, $0x3;
	_ =	swait.ge [sflag:s20], $0x80  }
0x58: {  	s1 =	sand.u32 $0x1FFFFF00, s23;
	[sflag:s20] =	ssyncset.done $0x0  }
0x59: {  	s24 =	simm.s32 $0xD40;
	s1 =	sadd.s32 s6, s1;
	[sflag:s20] =	ssyncadd.s32 $0xFFFFFF80  }
0x5a: {  	[tilespmem:s24], [sflag:$0x2] =	stream.linear.gather [hbm4b:s1+s11], $0x800, $0x38;
	[tilespmem:$0x16B40] =	vst v63  }
0x5b: {  	s31 =	smov.u32 s25;
	s25 =	simm.s32 $0x1D40  }
0x5c: {  	[tilespmem:s25], [sflag:$0x2] =	stream.indirect.gather [hbm4b:s7+s28], $0x40, s28, s28, $0xb8;
	[tilespmem:$0x16B40] =	vst v63  }
0x5d: {  	s2 =	simm.s32 $0xC540  }
0x5e: {  	[tilespmem:s2], [sflag:$0x2] =	stream.indirect.gather [hbm4b:s7+s30], $0x40, s4, s30, $0xb8;
	[tilespmem:$0x16B40] =	vst v63  }
0x5f: {  	s4 =	simm.s32 $0xE540  }
0x60: {  	[tilespmem:s4], [sflag:$0x2] =	stream.indirect.gather [hbm4b:s7+s30], $0x40, s8, s30, $0xb8;
	[tilespmem:$0x16B40] =	vst v63  }
0x61: {  	s8 =	simm.s32 $0x10540  }
0x62: {  	[tilespmem:s8], [sflag:$0x2] =	stream.indirect.gather [hbm4b:s7+s30], $0x40, s3, s30, $0xb8;
	[tilespmem:$0x16B40] =	vst v63  }
0x63: {  	s10 =	simm.s32 $0x12540  }
0x64: {  	[tilespmem:s10], [sflag:$0x2] =	stream.indirect.gather [hbm4b:s7+s30], $0x40, s26, s30, $0xb8;
	[tilespmem:$0x16B40] =	vst v63  }
0x65: {  	s12 =	simm.s32 $0x14540  }
0x66: {  	[tilespmem:s12], [sflag:$0x2] =	stream.indirect.gather [hbm4b:s7+s30], $0x40, s29, s30, $0xb8;
	[tilespmem:$0x16B40] =	vst v63  }
0x67: {  	_ =	swait.ge [sflag:s13], $0x800  }
0x68: {  	[sflag:s13] =	ssyncset.done $0x0  }
0x69: {  	[sflag:s13] =	ssyncadd.s32 $0xFFFFF800  }
0x6a: {  	_ =	swait.ge [sflag:s13], $0x800  }
0x6b: {  	[sflag:s13] =	ssyncset.done $0x0  }
0x6c: {  	[sflag:s13] =	ssyncadd.s32 $0xFFFFF800  }
0x6d: {  	_ =	swait.ge [sflag:s13], $0x2000  }
0x6e: {  	[sflag:s13] =	ssyncset.done $0x0  }
0x6f: {  	[sflag:s13] =	ssyncadd.s32 $0xFFFFE000  }
0x70: {  	_ =	swait.ge [sflag:s13], $0x2000  }
0x71: {  	[sflag:s13] =	ssyncset.done $0x0  }
0x72: {  	[sflag:s13] =	ssyncadd.s32 $0xFFFFE000  }
0x73: {  	_ =	swait.ge [sflag:s13], $0x2000  }
0x74: {  	[sflag:s13] =	ssyncset.done $0x0  }
0x75: {  	[sflag:s13] =	ssyncadd.s32 $0xFFFFE000  }
0x76: {  	_ =	swait.ge [sflag:s13], $0x2000  }
0x77: {  	[sflag:s13] =	ssyncset.done $0x0  }
0x78: {  	[sflag:s13] =	ssyncadd.s32 $0xFFFFE000  }
0x79: {  	_ =	swait.ge [sflag:s13], $0x2000  }
0x7a: {  	[sflag:s13] =	ssyncset.done $0x0  }
0x7b: {  	s12 =	simm.s32 $0x27C0;
	[sflag:s13] =	ssyncadd.s32 $0xFFFFE000  }
0x7c: {  	v8 =	vld [tilespmem:s12+$0x270]  }
0x7d: {  	v9 =	vld [tilespmem:s12+$0x130]  }
0x7e: {  	v10 =	vld [tilespmem:s12+$0x260]  }
0x7f: {  	v11 =	vld [tilespmem:s12+$0x120]  }
0x80: {  	v12 =	vld [tilespmem:s12+$0xF0]  }
0x81: {  	v13 =	vld [tilespmem:s12+$0x240]  }
0x82: {  	v14 =	vld [tilespmem:s12+$0x250]  }
0x83: {  	v15 =	vld [tilespmem:s12+$0x1F0]  }
0x84: {  	v7 =	vld [tilespmem:s12+$0x100]  }
0x85: {  	v16 =	vld [tilespmem:s12+$0x110]  }
0x86: {  	v17 =	vld [tilespmem:s12+$0xE0]  }
0x87: {  	v18 =	vld [tilespmem:s12+$0xB0]  }
0x88: {  	v19 =	vld [tilespmem:s12+$0x1E0]  }
0x89: {  	v20 =	vld [tilespmem:s12+$0xC0]  }
0x8a: {  	v21 =	vld [tilespmem:s12+$0xD0]  }
0x8b: {  	v22 =	vld [tilespmem:s12+$0xA0]  }
0x8c: {  	v23 =	vld [tilespmem:s12+$0x70]  }
0x8d: {  	v24 =	vld [tilespmem:s12+$0x1C0]  }
0x8e: {  	v25 =	vld [tilespmem:s12+$0x1D0]  }
0x8f: {  	v26 =	vld [tilespmem:s12+$0x80]  }
0x90: {  	v27 =	vld [tilespmem:s12+$0x90]  }
0x91: {  	s17 =	sand.u32 $0x7C0, s11;
	v28 =	vld [tilespmem:s12+$0x60]  }
0x92: {  	v5 =	vld [tilespmem:s17+$0x540]  }
0x93: {  	v4 =	vld [tilespmem:s17+$0x550]  }
0x94: {  	v29 =	vld [tilespmem:s12+$0x30]  }
0x95: {  	v3 =	vld [tilespmem:s17+$0x560]  }
0x96: {  	v30 =	vld [tilespmem:s12+$0x40]  }
0x97: {  	v2 =	vld [tilespmem:s17+$0x570]  }
0x98: {  	v31 =	vld [tilespmem:s12+$0x50]  }
0x99: {  	v32 =	vld [tilespmem:s12+$0x20]  }
0x9a: {  	v33 =	vld [tilespmem:s12+$0xFFFFFFF0]  }
0x9b: {  	v6 =	vld [tilespmem:s12+$0x180]  }
0x9c: {  	v34 =	vld [tilespmem:s12+$0x0]  }
0x9d: {  	v35 =	vld [tilespmem:s12+$0x10]  }
0x9e: {  	v36 =	vld [tilespmem:s12+$0xFFFFFFE0]  }
0x9f: {  	v37 =	vld [tilespmem:s12+$0xFFFFFFC0]  }
0xa0: {  	v38 =	vld [tilespmem:s12+$0xFFFFFFD0]  }
0xa1: {  	v39 =	vld [tilespmem:s12+$0xFFFFFF70];
	v40 =	vmul.f32 v7, v5  }
0xa2: {  	v41 =	vld [tilespmem:s12+$0xFFFFFF60];
	v16 =	vmul.f32 v16, v4;
	v11 =	vmul.f32 v11, v3  }
0xa3: {  	v46 =	vld [tilespmem:s12+$0xFFFFFF30];
	v13 =	vmul.f32 v13, v5;
	v14 =	vmul.f32 v14, v4  }
0xa4: {  	v42 =	vld [tilespmem:s12+$0xFFFFFF40];
	v9 =	vmul.f32 v9, v2;
	v10 =	vmul.f32 v10, v3  }
0xa5: {  	v48 =	vld [tilespmem:s12+$0xFFFFFE00];
	v8 =	vmul.f32 v8, v2;
	v17 =	vmul.f32 v17, v3  }
0xa6: {  	v50 =	vld [tilespmem:s12+$0xFFFFFDE0];
	v12 =	vmul.f32 v12, v2;
	v18 =	vmul.f32 v18, v2;
	v16 =	vadd.f32 v16, v40  }
0xa7: {  	v19 =	vmul.f32 v19, v3;
	v15 =	vmul.f32 v15, v2;
	v13 =	vadd.f32 v14, v13;
	v14 =	vld [tilespmem:s12+$0xFFFFFF20]  }
0xa8: {  	v51 =	vld [tilespmem:s12+$0xFFFFFDC0];
	v11 =	vadd.f32 v11, v16;
	v16 =	vmul.f32 v20, v5;
	v20 =	vmul.f32 v21, v4  }
0xa9: {  	v52 =	vld [tilespmem:s12+$0xFFFFFDD0];
	v47 =	vmul.f32 v38, v4;
	v29 =	vmul.f32 v29, v2;
	v10 =	vadd.f32 v10, v13  }
0xaa: {  	v49 =	vmul.f32 v36, v3;
	v21 =	vld [tilespmem:s12+$0xFFFFFF50];
	v13 =	vmul.f32 v26, v5;
	v16 =	vadd.f32 v20, v16  }
0xab: {  	v26 =	vmul.f32 v27, v4;
	v27 =	vld [tilespmem:s12+$0xFFFFFF10];
	v9 =	vadd.f32 v9, v11;
	v10 =	vadd.f32 v8, v10  }
0xac: {  	v20 =	vld [tilespmem:s12+$0xFFFFFF00];
	v14 =	vmul.f32 v14, v3;
	v11 =	vadd.f32 v17, v16;
	v17 =	vmul.f32 v22, v3  }
0xad: {  	v7 =	vld [tilespmem:s12+$0xFFFFFF80];
	v13 =	vadd.f32 v26, v13;
	v22 =	vmul.f32 v25, v4;
	v25 =	vmul.f32 v31, v4  }
0xae: {  	v8 =	vld [tilespmem:s12+$0xFFFFFEC0];
	(xrf2) =	vadd.scan.msk.f32 $0xffff, v9;
	v9 =	vmul.f32 v46, v2;
	v11 =	vadd.f32 v12, v11;
	v12 =	vmul.f32 v24, v5  }
0xaf: {  	v16 =	vld [tilespmem:s12+$0xFFFFFEB0];
	v21 =	vmul.f32 v21, v4;
	v13 =	vadd.f32 v17, v13;
	v17 =	vmul.f32 v30, v5  }
0xb0: {  	v27 =	vmul.f32 v27, v4;
	v24 =	vld [tilespmem:s12+$0xFFFFFEA0];
	v30 =	vmul.f32 v35, v4;
	v12 =	vadd.f32 v22, v12  }
0xb1: {  	v20 =	vmul.f32 v20, v5;
	v22 =	vld [tilespmem:s12+$0xFFFFFE80];
	v17 =	vadd.f32 v25, v17;
	v25 =	vmul.f32 v28, v3  }
0xb2: {  	v28 =	vld [tilespmem:s12+$0xFFFFFE90];
	v13 =	vadd.f32 v18, v13;
	v12 =	vadd.f32 v19, v12;
	v19 =	vmul.f32 v34, v5  }
0xb3: {  	v18 =	vmul.f32 v23, v2;
	v23 =	vld [tilespmem:s12+$0xFFFFFE40];
	v20 =	vadd.f32 v27, v20;
	v17 =	vadd.f32 v25, v17  }
0xb4: {  	v25 =	vld [tilespmem:s12+$0xFFFFFE50];
	v12 =	vadd.f32 v15, v12;
	v15 =	vadd.f32 v30, v19;
	v19 =	vmul.f32 v32, v3  }
0xb5: {  	v26 =	vld [tilespmem:s12+$0xFFFFFE70];
	(xrf2) =	vadd.scan.msk.f32 $0xffff, v10;
	v10 =	vmul.f32 v16, v2;
	v14 =	vadd.f32 v14, v20;
	v24 =	vmul.f32 v24, v3  }
0xb6: {  	v31 =	vld [tilespmem:s12+$0xFFFFFE60];
	v30 =	vmul.f32 v37, v5;
	v15 =	vadd.f32 v19, v15;
	v19 =	vmul.f32 v42, v5  }
0xb7: {  	v27 =	vld [tilespmem:s12+$0xFFFFFD80];
	v17 =	vadd.f32 v18, v17;
	v22 =	vmul.f32 v22, v5;
	v28 =	vmul.f32 v28, v4  }
0xb8: {  	v18 =	vld [tilespmem:s12+$0xFFFFFDF0];
	v20 =	vmul.f32 v23, v5;
	v19 =	vadd.f32 v21, v19;
	v21 =	vmul.f32 v41, v3  }
0xb9: {  	s19 =	simm.s32 $0x1560;
	v9 =	vadd.f32 v9, v14;
	v23 =	vmul.f32 v25, v4;
	v25 =	vld [tilespmem:s12+$0xFFFFFDA0];
	v22 =	vadd.f32 v28, v22  }
0xba: {  	v30 =	vadd.f32 v47, v30;
	v28 =	vld [tilespmem:s19+$0xFFFFFFF0];
	v19 =	vadd.f32 v21, v19;
	v21 =	vmul.f32 v39, v2  }
0xbb: {  	(xrf2) =	vadd.scan.msk.f32 $0xffff, v11;
	v16 =	vadd.f32 v23, v20;
	v20 =	vmul.f32 v31, v3;
	v23 =	vld [tilespmem:s19+$0xFFFFFFE0];
	v11 =	vadd.f32 v24, v22  }
0xbc: {  	v22 =	vmul.f32 v51, v5;
	v24 =	vmul.f32 v52, v4;
	v19 =	vadd.f32 v21, v19;
	v21 =	vld [tilespmem:s12+$0xFFFFFD90]  }
0xbd: {  	v33 =	vmul.f32 v33, v2;
	(xrf2) =	vadd.scan.msk.f32 $0xffff, v13;
	v15 =	vadd.f32 v29, v15;
	v29 =	vld [tilespmem:s12+$0xFFFFFDB0];
	v13 =	vadd.f32 v20, v16  }
0xbe: {  	(xrf2) =	vadd.scan.msk.f32 $0xffff, v12;
	v12 =	vmul.f32 v50, v3;
	v16 =	vld [tilespmem:s19+$0x0];
	v10 =	vadd.f32 v10, v11;
	v11 =	vadd.f32 v24, v22  }
0xbf: {  	v14 =	vmul.f32 v26, v2;
	(xrf2) =	vadd.scan.msk.f32 $0xffff, v17;
	v17 =	vmul.f32 v27, v5;
	v30 =	vadd.f32 v49, v30;
	v20 =	vld [tilespmem:s12+$0x150]  }
0xc0: {  	v31 =	vld [tilespmem:s12+$0x140];
	(xrf2) =	vadd.scan.msk.f32 $0xffff, v15;
	v15 =	vmul.f32 v28, v4;
	v11 =	vadd.f32 v12, v11;
	v12 =	vmul.f32 v23, v5  }
0xc1: {  	v30 =	vadd.f32 v33, v30;
	v13 =	vadd.f32 v14, v13;
	v14 =	vld [tilespmem:s19+$0x10];
	v21 =	vmul.f32 v21, v4  }
0xc2: {  	v22 =	vld [tilespmem:s12+$0x160];
	v12 =	vadd.f32 v15, v12  }
0xc3: {  	(xrf2) =	vadd.scan.msk.f32 $0xffff, v30;
	v23 =	vld [tilespmem:s12+$0xFFFFFE10];
	v15 =	vmul.f32 v16, v3;
	v17 =	vadd.f32 v21, v17;
	v21 =	vmul.f32 v25, v3  }
0xc4: {  	v18 =	vmul.f32 v18, v2;
	(xrf2) =	vadd.scan.msk.f32 $0xffff, v19;
	v16 =	vld [tilespmem:s12+$0x170];
	v20 =	vmul.f32 v20, v4  }
0xc5: {  	v19 =	vmul.f32 v29, v2;
	(xrf2) =	vadd.scan.msk.f32 $0xffff, v9;
	v9 =	vadd.f32 v21, v17;
	v17 =	vld [tilespmem:s12+$0xFFFFFE20];
	v21 =	vmul.f32 v31, v5  }
0xc6: {  	v24, _, _ =	vpop (xrf2);
	(xrf2) =	vadd.scan.msk.f32 $0xffff, v10;
	v10 =	vadd.f32 v18, v11;
	v11 =	vadd.f32 v15, v12;
	v12 =	vmul.f32 v14, v2;
	v14 =	vld [tilespmem:s12+$0xFFFFFED0]  }
0xc7: {  	v15, _, _ =	vpop (xrf2);
	(xrf2) =	vadd.scan.msk.f32 $0xffff, v13;
	v13 =	vld [tilespmem:s12+$0xFFFFFE30];
	v9 =	vadd.f32 v19, v9;
	v18 =	vadd.f32 v20, v21;
	v19 =	vmul.f32 v22, v3  }
0xc8: {  	v20, _, _ =	vpop (xrf2);
	(xrf2) =	vadd.scan.msk.f32 $0xffff, v10;
	v10 =	vadd.f32 v12, v11;
	v11 =	vmul.f32 v48, v5;
	v12 =	vmul.f32 v23, v4;
	v21 =	vld [tilespmem:s12+$0xFFFFFEE0]  }
0xc9: {  	v16 =	vmul.f32 v16, v2;
	v22, _, _ =	vpop (xrf2);
	(xrf2) =	vadd.scan.msk.f32 $0xffff, v9;
	v9 =	vld [tilespmem:s12+$0xFFFFFF90]  }
0xca: {  	v23 =	vld [tilespmem:s12+$0xFFFFFFA0];
	v18 =	vadd.f32 v19, v18;
	v11 =	vadd.f32 v12, v11;
	v12 =	vmul.f32 v17, v3  }
0xcb: {  	v8 =	vmul.f32 v8, v5;
	v14 =	vmul.f32 v14, v4;
	v17 =	vld [tilespmem:s12+$0xFFFFFEF0]  }
0xcc: {  	v19, _, _ =	vpop (xrf2);
	(xrf2) =	vadd.scan.msk.f32 $0xffff, v10;
	v16 =	vadd.f32 v16, v18;
	v11 =	vadd.f32 v12, v11;
	v12 =	vmul.f32 v13, v2;
	v13 =	vld [tilespmem:s12+$0x190]  }
0xcd: {  	v1 =	vld [tilespmem:s12+$0x200];
	v8 =	vadd.f32 v14, v8;
	v10, _, _ =	vpop (xrf2);
	v14 =	vmul.f32 v21, v3  }
0xce: {  	v7 =	vmul.f32 v7, v5;
	v21 =	vld [tilespmem:s12+$0xFFFFFFB0];
	v18, _, _ =	vpop (xrf2);
	v9 =	vmul.f32 v9, v4  }
0xcf: {  	(xrf2) =	vadd.scan.msk.f32 $0xffff, v16;
	v25, _, _ =	vpop (xrf2);
	v11 =	vadd.f32 v12, v11;
	v12 =	vld [tilespmem:s12+$0x1A0];
	v8 =	vadd.f32 v14, v8  }
0xd0: {  	v16, _, _ =	vpop (xrf2);
	v14 =	vmul.f32 v17, v2;
	v17 =	vld [tilespmem:s12+$0x210];
	v7 =	vadd.f32 v9, v7;
	v9 =	vmul.f32 v23, v3  }
0xd1: {  	v6 =	vmul.f32 v6, v5;
	v26, _, _ =	vpop (xrf2);
	v23 =	vld [tilespmem:s12+$0x1B0];
	v13 =	vmul.f32 v13, v4  }
0xd2: {  	(xrf2) =	vadd.scan.msk.f32 $0xffff, v11;
	v27, _, _ =	vpop (xrf2);
	v8 =	vadd.f32 v14, v8;
	v14 =	vld [tilespmem:s12+$0x220];
	v7 =	vadd.f32 v9, v7  }
0xd3: {  	v11, _, _ =	vpop (xrf2);
	v9 =	vmul.f32 v21, v2;
	v6 =	vadd.f32 v13, v6;
	v13 =	vld [tilespmem:s12+$0x230]  }
0xd4: {  	v28, _, _ =	vpop (xrf2);
	v12 =	vmul.f32 v12, v3  }
0xd5: {  	v1 =	vmul.f32 v1, v5;
	(xrf2) =	vadd.scan.msk.f32 $0xffff, v8;
	v21, _, _ =	vpop (xrf2);
	v5 =	vadd.f32 v9, v7;
	v4 =	vmul.f32 v17, v4  }
0xd6: {  	(v2sf) =	vpush v24, $0xF;
	v6 =	vadd.f32 v12, v6;
	v8 =	vmul.f32 v23, v2;
	v7, _, _ =	vpop (xrf2)  }
0xd7: {  	v1 =	vadd.f32 v4, v1;
	v3 =	vmul.f32 v14, v3;
	(v2sf) =	vpush v7, $0xF  }
0xd8: {  	(xrf2) =	vadd.scan.msk.f32 $0xffff, v5;
	v4 =	vadd.f32 v8, v6;
	(v2sf) =	vpush v20, $0xF;
	v2 =	vmul.f32 v13, v2  }
0xd9: {  	v5, _, _ =	vpop (xrf2);
	v1 =	vadd.f32 v3, v1;
	(v2sf) =	vpush v10, $0xF  }
0xda: {  	(v2sf) =	vpush v5, $0xF  }
0xdb: {  	(xrf2) =	vadd.scan.msk.f32 $0xffff, v4;
	v1 =	vadd.f32 v2, v1;
	(v2sf) =	vpush v21, $0xF  }
0xdc: {  	(v2sf) =	vpush v28, $0xF;
	v2, _, _ =	vpop (xrf2)  }
0xdd: {  	(v2sf) =	vpush v2, $0xF  }
0xde: {  	(xrf2) =	vadd.scan.msk.f32 $0xffff, v1;
	(v2sf) =	vpush v11, $0xF  }
0xdf: {  	v1, _, _ =	vpop (xrf2);
	(v2sf) =	vpush v27, $0xF  }
0xe0: {  	(v2sf) =	vpush v1, $0xF  }
0xe1: {  	(v2sf) =	vpush v26, $0xF  }
0xe2: {  	v1, _, _ =	vpop (xrf2);
	(v2sf) =	vpush v16, $0xF  }
0xe3: {  	(v2sf) =	vpush v1, $0xF  }
0xe4: {  	(v2sf) =	vpush v25, $0xF  }
0xe5: {  	s22 =	spop (v2sf);
	v1, _, _ =	vpop (xrf2);
	(v2sf) =	vpush v18, $0xF  }
0xe6: {  	s2 =	spop (v2sf);
	(v2sf) =	vpush v1, $0xF  }
0xe7: {  	s1 =	ssub.f32 s2, s22;
	(v2sf) =	vpush v22, $0xF;
	s23 =	spop (v2sf)  }
0xe8: {  	v1, _, _ =	vpop (xrf2);
	s4 =	ssub.f32 s2, s23;
	s24 =	spop (v2sf);
	(v2sf) =	vpush v19, $0xF  }
0xe9: {  	s8 =	ssub.f32 s2, s24;
	s25 =	spop (v2sf);
	(v2sf) =	vpush v1, $0xF  }
0xea: {  	s12 =	ssub.f32 s2, s25;
	s22 =	spop (v2sf);
	(v2sf) =	vpush v15, $0xF  }
0xeb: {  	s22 =	ssub.f32 s2, s22;
	s23 =	spop (v2sf)  }
0xec: {  	s23 =	ssub.f32 s2, s23;
	v1 =	vmov s12;
	s10 =	spop (v2sf)  }
0xed: {  	s12 =	ssub.f32 s2, s10;
	v1 =	vsel vm0, s22, v1;
	s17 =	spop (v2sf)  }
0xee: {  	s22 =	ssub.f32 s2, s17;
	v1 =	vsel vm1, s23, v1;
	s19 =	spop (v2sf)  }
0xef: {  	s23 =	ssub.f32 s2, s19;
	v1 =	vsel vm2, s12, v1;
	s24 =	spop (v2sf)  }
0xf0: {  	s12 =	ssub.f32 s2, s24;
	v1 =	vsel vm3, s22, v1;
	s25 =	spop (v2sf)  }
0xf1: {  	s22 =	ssub.f32 s2, s25;
	v1 =	vsel vm4, s23, v1;
	s10 =	spop (v2sf)  }
0xf2: {  	v2 =	vmov s11;
	v1 =	vsel vm5, s12, v1;
	s17 =	ssub.f32 s2, s10;
	s19 =	spop (v2sf)  }
0xf3: {  	v2 =	vmul.u32 $0x18, v2;
	s11 =	ssub.f32 s2, s19;
	v1 =	vsel vm6, s22, v1;
	s23 =	spop (v2sf)  }
0xf4: {  	s22 =	ssub.f32 s2, s23;
	v1 =	vsel vm7, s17, v1;
	s24 =	spop (v2sf)  }
0xf5: {  	v2 =	vadd.s32 $0x10, v2;
	s12 =	ssub.f32 s2, s24;
	v1 =	vsel vm8, s11, v1;
	s25 =	spop (v2sf)  }
0xf6: {  	v2 =	vbroadcast v2, $0x0;
	v1 =	vsel vm9, s22, v1;
	s11 =	ssub.f32 s2, s25;
	s10 =	spop (v2sf)  }
0xf7: {  	s22 =	ssub.f32 s2, s10;
	v1 =	vsel vm10, s12, v1;
	s17 =	spop (v2sf)  }
0xf8: {  	v2 =	vor.u32 v0, v2;
	v1 =	vsel vm11, s8, v1;
	s19 =	ssub.f32 s2, s17;
	v3 =	vmov s11;
	s23 =	spop (v2sf)  }
0xf9: {  	v1 =	vsel vm12, s22, v1;
	s11 =	ssub.f32 s2, s23;
	v3 =	vnsel vm0, $0x0, v3;
	s24 =	spop (v2sf)  }
0xfa: {  	v1 =	vsel vm13, s4, v1;
	s2 =	ssub.f32 s2, s24;
	v3 =	vsel vm1, s19, v3  }
0xfb: {  	s22 =	simm.s32 $0x16540;
	v1 =	vsel vm14, s1, v1;
	v3 =	vsel vm2, s11, v3  }
0xfc: {  	v3 =	vsel vm3, s2, v3;
	[tilespmem:s22+$0x0] =	vst v1  }
0xfd: {  	s23 =	simm.s32 $0x2CC0;
	[tilespmem:v2+s14+$0x0] =	vst.idx.msk $0xf, v3  }
0xfe: {  	v7 =	vld [tilespmem:s23+$0x270]  }
0xff: {  	v9 =	vld [tilespmem:s23+$0x130]  }
0x100: {  	v10 =	vld [tilespmem:s23+$0x260]  }
0x101: {  	v8 =	vld [tilespmem:s23+$0x120]  }
0x102: {  	v11 =	vld [tilespmem:s23+$0xF0]  }
0x103: {  	v12 =	vld [tilespmem:s23+$0x240]  }
0x104: {  	v13 =	vld [tilespmem:s23+$0x250]  }
0x105: {  	v14 =	vld [tilespmem:s23+$0x1F0]  }
0x106: {  	v15 =	vld [tilespmem:s23+$0x100]  }
0x107: {  	v16 =	vld [tilespmem:s23+$0x110]  }
0x108: {  	v17 =	vld [tilespmem:s23+$0xE0]  }
0x109: {  	v18 =	vld [tilespmem:s23+$0xB0]  }
0x10a: {  	v1 =	vld [tilespmem:s23+$0x200]  }
0x10b: {  	v19 =	vld [tilespmem:s23+$0x1E0]  }
0x10c: {  	v20 =	vld [tilespmem:s23+$0xC0]  }
0x10d: {  	v21 =	vld [tilespmem:s23+$0xD0]  }
0x10e: {  	v22 =	vld [tilespmem:s23+$0xA0]  }
0x10f: {  	v23 =	vld [tilespmem:s23+$0x70]  }
0x110: {  	v24 =	vld [tilespmem:s23+$0x1C0]  }
0x111: {  	v25 =	vld [tilespmem:s23+$0x1D0]  }
0x112: {  	v26 =	vld [tilespmem:s23+$0x80]  }
0x113: {  	s24 =	simm.s32 $0x40;
	v27 =	vld [tilespmem:s23+$0x90]  }
0x114: {  	s25 =	sand.u32 $0x7C0, s24;
	v28 =	vld [tilespmem:s23+$0x60]  }
0x115: {  	v5 =	vld [tilespmem:s25+$0x540]  }
0x116: {  	v4 =	vld [tilespmem:s25+$0x550]  }
0x117: {  	v29 =	vld [tilespmem:s23+$0x30]  }
0x118: {  	v3 =	vld [tilespmem:s25+$0x560]  }
0x119: {  	v30 =	vld [tilespmem:s23+$0x40]  }
0x11a: {  	v2 =	vld [tilespmem:s25+$0x570]  }
0x11b: {  	v31 =	vld [tilespmem:s23+$0x50]  }
0x11c: {  	v53 =	vld [tilespmem:s23+$0x20]  }
0x11d: {  	v54 =	vld [tilespmem:s23+$0xFFFFFFF0]  }
0x11e: {  	v6 =	vld [tilespmem:s23+$0x180]  }
0x11f: {  	v55 =	vld [tilespmem:s23+$0x0]  }
0x120: {  	v56 =	vld [tilespmem:s23+$0x10]  }
0x121: {  	v57 =	vld [tilespmem:s23+$0xFFFFFFE0];
	v15 =	vmul.f32 v15, v5;
	v16 =	vmul.f32 v16, v4  }
0x122: {  	v58 =	vld [tilespmem:s23+$0xFFFFFFC0];
	v12 =	vmul.f32 v12, v5;
	v13 =	vmul.f32 v13, v4  }
0x123: {  	v59 =	vld [tilespmem:s23+$0xFFFFFF70];
	v8 =	vmul.f32 v8, v3;
	v10 =	vmul.f32 v10, v3;
	v15 =	vadd.f32 v16, v15  }
0x124: {  	v60 =	vld [tilespmem:s23+$0xFFFFFF60];
	v12 =	vadd.f32 v13, v12;
	v13 =	vmul.f32 v20, v5;
	v20 =	vmul.f32 v21, v4  }
0x125: {  	v61 =	vld [tilespmem:s23+$0xFFFFFDF0];
	v9 =	vmul.f32 v9, v2;
	v7 =	vmul.f32 v7, v2;
	v15 =	vadd.f32 v8, v15  }
0x126: {  	v17 =	vmul.f32 v17, v3;
	v16 =	vld [tilespmem:s23+$0xFFFFFFD0];
	v10 =	vadd.f32 v10, v12;
	v13 =	vadd.f32 v20, v13  }
0x127: {  	v21 =	vld [tilespmem:s23+$0xFFFFFF30];
	v20 =	vmul.f32 v27, v4;
	v9 =	vadd.f32 v9, v15;
	v15 =	vmul.f32 v26, v5  }
0x128: {  	v18 =	vmul.f32 v18, v2;
	v8 =	vld [tilespmem:s23+$0xFFFFFF80];
	v27 =	vmul.f32 v31, v4;
	v7 =	vadd.f32 v7, v10  }
0x129: {  	v12 =	vld [tilespmem:s23+$0xFFFFFF40];
	v10 =	vmul.f32 v11, v2;
	v15 =	vadd.f32 v20, v15;
	v20 =	vmul.f32 v22, v3  }
0x12a: {  	v31 =	vld [tilespmem:s23+$0xFFFFFE80];
	v13 =	vadd.f32 v17, v13;
	v17 =	vmul.f32 v25, v4;
	v22 =	vmul.f32 v24, v5  }
0x12b: {  	v19 =	vmul.f32 v19, v3;
	v26 =	vld [tilespmem:s23+$0xFFFFFF50];
	v15 =	vadd.f32 v20, v15;
	v20 =	vmul.f32 v30, v5  }
0x12c: {  	v11 =	vld [tilespmem:s23+$0xFFFFFF20];
	v16 =	vmul.f32 v16, v4;
	v10 =	vadd.f32 v10, v13;
	v17 =	vadd.f32 v17, v22  }
0x12d: {  	v25 =	vld [tilespmem:s23+$0xFFFFFF10];
	v15 =	vadd.f32 v18, v15;
	v18 =	vadd.f32 v27, v20;
	v20 =	vmul.f32 v28, v3  }
0x12e: {  	v24 =	vld [tilespmem:s23+$0xFFFFFF00];
	v17 =	vadd.f32 v19, v17;
	v19 =	vmul.f32 v55, v5;
	v27 =	vmul.f32 v56, v4  }
0x12f: {  	v13 =	vld [tilespmem:s23+$0xFFFFFEC0];
	(xrf2) =	vadd.scan.msk.f32 $0xffff, v9;
	v9 =	vmul.f32 v14, v2;
	v18 =	vadd.f32 v20, v18;
	v20 =	vmul.f32 v58, v5  }
0x130: {  	(xrf2) =	vadd.scan.msk.f32 $0xffff, v7;
	v7 =	vmul.f32 v23, v2;
	v23 =	vld [tilespmem:s23+$0xFFFFFE60];
	v14 =	vadd.f32 v27, v19;
	v19 =	vmul.f32 v53, v3  }
0x131: {  	v30 =	vld [tilespmem:s23+$0xFFFFFEB0];
	(xrf2) =	vadd.scan.msk.f32 $0xffff, v10;
	v9 =	vadd.f32 v9, v17;
	v16 =	vadd.f32 v16, v20  }
0x132: {  	v27 =	vld [tilespmem:s23+$0xFFFFFE90];
	(xrf2) =	vadd.scan.msk.f32 $0xffff, v15;
	v20 =	vmul.f32 v57, v3;
	v10 =	vadd.f32 v19, v14;
	v14 =	vmul.f32 v29, v2  }
0x133: {  	v22 =	vld [tilespmem:s23+$0xFFFFFEA0];
	v7 =	vadd.f32 v7, v18;
	(xrf2) =	vadd.scan.msk.f32 $0xffff, v9;
	v9 =	vmul.f32 v12, v5;
	v12 =	vmul.f32 v26, v4  }
0x134: {  	v28 =	vld [tilespmem:s23+$0xFFFFFE70];
	v15 =	vadd.f32 v20, v16;
	v16 =	vmul.f32 v54, v2;
	v10 =	vadd.f32 v14, v10  }
0x135: {  	v17 =	vld [tilespmem:s23+$0xFFFFFE00];
	(xrf2) =	vadd.scan.msk.f32 $0xffff, v7;
	v7 =	vmul.f32 v60, v3;
	v9 =	vadd.f32 v12, v9;
	v12 =	vmul.f32 v25, v4  }
0x136: {  	v19 =	vld [tilespmem:s23+$0xFFFFFE40];
	v14 =	vadd.f32 v16, v15;
	(xrf2) =	vadd.scan.msk.f32 $0xffff, v10;
	v10 =	vmul.f32 v24, v5;
	v16 =	vmul.f32 v31, v5  }
0x137: {  	v20 =	vld [tilespmem:s23+$0xFFFFFE50];
	v24 =	vmul.f32 v27, v4;
	v7 =	vadd.f32 v7, v9;
	v9 =	vmul.f32 v59, v2  }
0x138: {  	v18 =	vld [tilespmem:s23+$0xFFFFFDB0];
	v10 =	vadd.f32 v12, v10;
	v12 =	vmul.f32 v11, v3  }
0x139: {  	(xrf2) =	vadd.scan.msk.f32 $0xffff, v14;
	v14 =	vld [tilespmem:s23+$0xFFFFFDC0];
	v16 =	vadd.f32 v24, v16;
	v24 =	vadd.f32 v9, v7  }
0x13a: {  	v21 =	vmul.f32 v21, v2;
	v25 =	vld [tilespmem:s23+$0xFFFFFDD0];
	v10 =	vadd.f32 v12, v10  }
0x13b: {  	v22 =	vmul.f32 v22, v3;
	v26 =	vld [tilespmem:s23+$0xFFFFFD80];
	v11, _, _ =	vpop (xrf2);
	v9 =	vmul.f32 v19, v5;
	(xrf2) =	vadd.scan.msk.f32 $0xffff, v24  }
0x13c: {  	v15 =	vld [tilespmem:s23+$0xFFFFFDE0];
	v20 =	vmul.f32 v20, v4;
	v29 =	vadd.f32 v21, v10  }
0x13d: {  	v27 =	vld [tilespmem:s23+$0xFFFFFD90];
	v7, _, _ =	vpop (xrf2);
	v16 =	vadd.f32 v22, v16;
	v22 =	vmul.f32 v30, v2  }
0x13e: {  	s11 =	simm.s32 $0x15A0;
	v23 =	vmul.f32 v23, v3;
	v19 =	vld [tilespmem:s23+$0xFFFFFDA0];
	v20 =	vadd.f32 v20, v9;
	v12, _, _ =	vpop (xrf2);
	v14 =	vmul.f32 v14, v5;
	(xrf2) =	vadd.scan.msk.f32 $0xffff, v29  }
0x13f: {  	v25 =	vmul.f32 v25, v4;
	v21 =	vld [tilespmem:s11+$0xFFFFFFF0];
	v30 =	vadd.f32 v22, v16;
	v9, _, _ =	vpop (xrf2)  }
0x140: {  	v24 =	vmul.f32 v28, v2;
	v22 =	vld [tilespmem:s11+$0xFFFFFFE0];
	v31 =	vadd.f32 v23, v20;
	v10, _, _ =	vpop (xrf2)  }
0x141: {  	v63 =	vmul.f32 v15, v3;
	v20 =	vld [tilespmem:s23+$0x140];
	v16, _, _ =	vpop (xrf2);
	v62 =	vadd.f32 v25, v14;
	(xrf2) =	vadd.scan.msk.f32 $0xffff, v30  }
0x142: {  	v28 =	vmul.f32 v26, v5;
	v23 =	vld [tilespmem:s11+$0x0];
	v29 =	vmul.f32 v27, v4;
	v25 =	vadd.f32 v24, v31;
	v14, _, _ =	vpop (xrf2)  }
0x143: {  	s12 =	simm.s32 $0x2;
	s25 =	simm.s32 $0x1;
	v27 =	vmul.f32 v61, v2;
	v24 =	vld [tilespmem:s23+$0x150];
	v26 =	vadd.f32 v63, v62;
	v15, _, _ =	vpop (xrf2)  }
.LBB2_3:
0x144: {  	p0 =	sne.s32 s12, $0x1F;
	v30 =	vld [tilespmem:s11+$0x10];
	v28 =	vadd.f32 v29, v28;
	v19 =	vmul.f32 v19, v3;
	(xrf2) =	vadd.scan.msk.f32 $0xffff, v25  }
0x145: {  	v21 =	vmul.f32 v21, v4;
	v22 =	vmul.f32 v22, v5;
	v29 =	vadd.f32 v27, v26;
	v26 =	vld [tilespmem:s23+$0x160];
	v27, _, _ =	vpop (xrf2)  }
0x146: {  	v18 =	vmul.f32 v18, v2;
	v19 =	vadd.f32 v19, v28;
	v28 =	vld [tilespmem:s23+$0xFFFFFE10]  }
0x147: {  	v21 =	vadd.f32 v21, v22;
	v22 =	vmul.f32 v23, v3;
	v23 =	vld [tilespmem:s23+$0x170];
	(xrf2) =	vadd.scan.msk.f32 $0xffff, v29  }
0x148: {  	v20 =	vmul.f32 v20, v5;
	v18 =	vadd.f32 v18, v19;
	v19 =	vld [tilespmem:s23+$0xFFFFFE20];
	v24 =	vmul.f32 v24, v4;
	v25, _, _ =	vpop (xrf2)  }
0x149: {  	v21 =	vadd.f32 v22, v21;
	v22 =	vmul.f32 v30, v2;
	v29 =	vld [tilespmem:s23+$0xFFFFFED0]  }
0x14a: {  	v30 =	vld [tilespmem:s23+$0xFFFFFE30];
	v20 =	vadd.f32 v24, v20;
	v24 =	vmul.f32 v26, v3;
	(xrf2) =	vadd.scan.msk.f32 $0xffff, v18  }
0x14b: {  	v17 =	vmul.f32 v17, v5;
	v18 =	vadd.f32 v22, v21;
	v21 =	vmul.f32 v28, v4;
	v22 =	vld [tilespmem:s23+$0xFFFFFEE0];
	v26, _, _ =	vpop (xrf2)  }
0x14c: {  	v28 =	vld [tilespmem:s23+$0xFFFFFF90];
	v20 =	vadd.f32 v24, v20;
	v31 =	vmul.f32 v23, v2  }
0x14d: {  	v17 =	vadd.f32 v21, v17;
	v19 =	vmul.f32 v19, v3;
	v21 =	vld [tilespmem:s23+$0xFFFFFEF0];
	(xrf2) =	vadd.scan.msk.f32 $0xffff, v18  }
0x14e: {  	v13 =	vmul.f32 v13, v5;
	v18 =	vmul.f32 v29, v4;
	v24 =	vld [tilespmem:s23+$0xFFFFFFA0];
	v20 =	vadd.f32 v31, v20;
	v23, _, _ =	vpop (xrf2)  }
0x14f: {  	v17 =	vadd.f32 v19, v17;
	v19 =	vmul.f32 v30, v2;
	v29 =	vld [tilespmem:s23+$0x190]  }
0x150: {  	v13 =	vadd.f32 v18, v13;
	v18 =	vmul.f32 v22, v3;
	v22 =	vld [tilespmem:s23+$0xFFFFFFB0];
	(xrf2) =	vadd.scan.msk.f32 $0xffff, v20  }
0x151: {  	v8 =	vmul.f32 v8, v5;
	v17 =	vadd.f32 v19, v17;
	v19 =	vmul.f32 v28, v4;
	v20 =	vld [tilespmem:s23+$0x1A0];
	v28, _, _ =	vpop (xrf2)  }
0x152: {  	v13 =	vadd.f32 v18, v13;
	v18 =	vmul.f32 v21, v2;
	v21 =	vld [tilespmem:s23+$0x210]  }
0x153: {  	v8 =	vadd.f32 v19, v8;
	v19 =	vmul.f32 v24, v3;
	v24 =	vld [tilespmem:s23+$0x1B0];
	(xrf2) =	vadd.scan.msk.f32 $0xffff, v17  }
0x154: {  	v6 =	vmul.f32 v6, v5;
	v13 =	vadd.f32 v18, v13;
	v17 =	vmul.f32 v29, v4;
	v18 =	vld [tilespmem:s23+$0x220];
	v29, _, _ =	vpop (xrf2)  }
0x155: {  	v30 =	vadd.f32 v19, v8;
	v19 =	vmul.f32 v22, v2  }
0x156: {  	v1 =	vmul.f32 v1, v5;
	v6 =	vadd.f32 v17, v6;
	v17 =	vmul.f32 v20, v3;
	v20 =	vld [tilespmem:s23+$0x230];
	(xrf2) =	vadd.scan.msk.f32 $0xffff, v13  }
0x157: {  	v13 =	vadd.f32 v19, v30;
	v4 =	vmul.f32 v21, v4;
	v8, _, _ =	vpop (xrf2);
	(v2sf) =	vpush v11, $0xF  }
0x158: {  	v6 =	vadd.f32 v17, v6;
	v11 =	vmul.f32 v24, v2;
	(v2sf) =	vpush v8, $0xF  }
0x159: {  	v1 =	vadd.f32 v4, v1;
	v3 =	vmul.f32 v18, v3;
	(xrf2) =	vadd.scan.msk.f32 $0xffff, v13;
	(v2sf) =	vpush v12, $0xF  }
0x15a: {  	v4 =	vadd.f32 v11, v6;
	(v2sf) =	vpush v16, $0xF;
	v5, _, _ =	vpop (xrf2)  }
0x15b: {  	v1 =	vadd.f32 v3, v1;
	v3 =	vmul.f32 v20, v2;
	(v2sf) =	vpush v5, $0xF  }
0x15c: {  	(v2sf) =	vpush v29, $0xF;
	(xrf2) =	vadd.scan.msk.f32 $0xffff, v4  }
0x15d: {  	v3 =	vadd.f32 v3, v1;
	(v2sf) =	vpush v28, $0xF;
	v2, _, _ =	vpop (xrf2)  }
0x15e: {  	(v2sf) =	vpush v2, $0xF  }
0x15f: {  	(v2sf) =	vpush v23, $0xF;
	(xrf2) =	vadd.scan.msk.f32 $0xffff, v3  }
0x160: {  	(v2sf) =	vpush v26, $0xF;
	v1, _, _ =	vpop (xrf2)  }
0x161: {  	(v2sf) =	vpush v1, $0xF  }
0x162: {  	(v2sf) =	vpush v25, $0xF  }
0x163: {  	(v2sf) =	vpush v27, $0xF;
	v1, _, _ =	vpop (xrf2)  }
0x164: {  	(v2sf) =	vpush v1, $0xF  }
0x165: {  	(v2sf) =	vpush v15, $0xF  }
0x166: {  	(v2sf) =	vpush v14, $0xF;
	s2 =	spop (v2sf);
	v1, _, _ =	vpop (xrf2)  }
0x167: {  	s1 =	spop (v2sf);
	(v2sf) =	vpush v1, $0xF  }
0x168: {  	s4 =	ssub.f32 s1, s2;
	(v2sf) =	vpush v9, $0xF;
	s2 =	spop (v2sf)  }
0x169: {  	s2 =	ssub.f32 s1, s2;
	s8 =	spop (v2sf);
	(v2sf) =	vpush v10, $0xF;
	v1, _, _ =	vpop (xrf2)  }
0x16a: {  	s8 =	ssub.f32 s1, s8;
	s10 =	spop (v2sf);
	(v2sf) =	vpush v1, $0xF  }
0x16b: {  	s10 =	ssub.f32 s1, s10;
	s17 =	spop (v2sf);
	(v2sf) =	vpush v7, $0xF  }
0x16c: {  	s17 =	ssub.f32 s1, s17;
	s19 =	spop (v2sf)  }
0x16d: {  	s19 =	ssub.f32 s1, s19;
	v1 =	vmov s10;
	s10 =	spop (v2sf)  }
0x16e: {  	s10 =	ssub.f32 s1, s10;
	v1 =	vsel vm0, s17, v1;
	s17 =	spop (v2sf)  }
0x16f: {  	s17 =	ssub.f32 s1, s17;
	v1 =	vsel vm1, s19, v1;
	s19 =	spop (v2sf)  }
0x170: {  	s19 =	ssub.f32 s1, s19;
	v1 =	vsel vm2, s10, v1;
	s10 =	spop (v2sf)  }
0x171: {  	s10 =	ssub.f32 s1, s10;
	v1 =	vsel vm3, s17, v1;
	s17 =	spop (v2sf)  }
0x172: {  	s17 =	ssub.f32 s1, s17;
	v1 =	vsel vm4, s19, v1;
	s19 =	spop (v2sf)  }
0x173: {  	v2 =	vmov s25;
	s25 =	smov.u32 s12;
	s19 =	ssub.f32 s1, s19;
	v1 =	vsel vm5, s10, v1;
	s10 =	spop (v2sf)  }
0x174: {  	v2 =	vmul.u32 $0x18, v2;
	s10 =	ssub.f32 s1, s10;
	v1 =	vsel vm6, s17, v1;
	s17 =	spop (v2sf)  }
0x175: {  	s17 =	ssub.f32 s1, s17;
	v1 =	vsel vm7, s19, v1;
	s19 =	spop (v2sf)  }
0x176: {  	v2 =	vadd.s32 $0x10, v2;
	s19 =	ssub.f32 s1, s19;
	v1 =	vsel vm8, s10, v1;
	s10 =	spop (v2sf)  }
0x177: {  	v2 =	vbroadcast v2, $0x0;
	v1 =	vsel vm9, s17, v1;
	s10 =	ssub.f32 s1, s10;
	s17 =	spop (v2sf)  }
0x178: {  	s17 =	ssub.f32 s1, s17;
	v1 =	vsel vm10, s19, v1;
	s19 =	spop (v2sf)  }
0x179: {  	v2 =	vor.u32 v0, v2;
	v1 =	vsel vm11, s8, v1;
	s8 =	ssub.f32 s1, s19;
	v3 =	vmov s10;
	s10 =	spop (v2sf)  }
0x17a: {  	v1 =	vsel vm12, s17, v1;
	s10 =	ssub.f32 s1, s10;
	v3 =	vnsel vm0, $0x0, v3;
	s17 =	spop (v2sf)  }
0x17b: {  	v1 =	vsel vm13, s2, v1;
	s1 =	ssub.f32 s1, s17;
	v3 =	vsel vm1, s8, v3  }
0x17c: {  	s22 =	sadd.s32 $0x18, s22;
	v1 =	vsel vm14, s4, v1;
	v3 =	vsel vm2, s10, v3  }
0x17d: {  	v3 =	vsel vm3, s1, v3;
	[tilespmem:s22+$0x0] =	vst v1  }
0x17e: {  	s23 =	sadd.s32 $0x500, s23;
	[tilespmem:v2+s14+$0x0] =	vst.idx.msk $0xf, v3  }
0x17f: {  	v7 =	vld [tilespmem:s23+$0x270]  }
0x180: {  	v8 =	vld [tilespmem:s23+$0x130]  }
0x181: {  	v9 =	vld [tilespmem:s23+$0x260]  }
0x182: {  	v6 =	vld [tilespmem:s23+$0x120]  }
0x183: {  	v10 =	vld [tilespmem:s23+$0xF0]  }
0x184: {  	v11 =	vld [tilespmem:s23+$0x240]  }
0x185: {  	v12 =	vld [tilespmem:s23+$0x250]  }
0x186: {  	v13 =	vld [tilespmem:s23+$0x1F0]  }
0x187: {  	v14 =	vld [tilespmem:s23+$0x100]  }
0x188: {  	v15 =	vld [tilespmem:s23+$0x110]  }
0x189: {  	v16 =	vld [tilespmem:s23+$0xE0]  }
0x18a: {  	v17 =	vld [tilespmem:s23+$0xB0]  }
0x18b: {  	v1 =	vld [tilespmem:s23+$0x200]  }
0x18c: {  	v18 =	vld [tilespmem:s23+$0x1E0]  }
0x18d: {  	v19 =	vld [tilespmem:s23+$0xC0]  }
0x18e: {  	v20 =	vld [tilespmem:s23+$0xD0]  }
0x18f: {  	v21 =	vld [tilespmem:s23+$0xA0]  }
0x190: {  	v22 =	vld [tilespmem:s23+$0x70]  }
0x191: {  	v23 =	vld [tilespmem:s23+$0x1C0]  }
0x192: {  	v24 =	vld [tilespmem:s23+$0x1D0]  }
0x193: {  	v25 =	vld [tilespmem:s23+$0x80]  }
0x194: {  	s24 =	sadd.s32 $0x40, s24;
	v26 =	vld [tilespmem:s23+$0x90]  }
0x195: {  	s1 =	sand.u32 $0x7C0, s24;
	v27 =	vld [tilespmem:s23+$0x60]  }
0x196: {  	v5 =	vld [tilespmem:s1+$0x540]  }
0x197: {  	v4 =	vld [tilespmem:s1+$0x550]  }
0x198: {  	v28 =	vld [tilespmem:s23+$0x30]  }
0x199: {  	v3 =	vld [tilespmem:s1+$0x560]  }
0x19a: {  	v29 =	vld [tilespmem:s23+$0x40]  }
0x19b: {  	v2 =	vld [tilespmem:s1+$0x570]  }
0x19c: {  	v14 =	vmul.f32 v14, v5;
	v30 =	vld [tilespmem:s23+$0x50];
	v15 =	vmul.f32 v15, v4  }
0x19d: {  	v31 =	vld [tilespmem:s23+$0x20]  }
0x19e: {  	v32 =	vld [tilespmem:s23+$0xFFFFFFF0];
	v14 =	vadd.f32 v15, v14;
	v15 =	vmul.f32 v6, v3  }
0x19f: {  	v11 =	vmul.f32 v11, v5;
	v12 =	vmul.f32 v12, v4;
	v6 =	vld [tilespmem:s23+$0x180]  }
0x1a0: {  	v33 =	vld [tilespmem:s23+$0x0];
	v14 =	vadd.f32 v15, v14;
	v8 =	vmul.f32 v8, v2  }
0x1a1: {  	v11 =	vadd.f32 v12, v11;
	v9 =	vmul.f32 v9, v3;
	v15 =	vld [tilespmem:s23+$0x10]  }
0x1a2: {  	v19 =	vmul.f32 v19, v5;
	v20 =	vmul.f32 v20, v4;
	v12 =	vld [tilespmem:s23+$0xFFFFFFE0];
	v8 =	vadd.f32 v8, v14  }
0x1a3: {  	v9 =	vadd.f32 v9, v11;
	v7 =	vmul.f32 v7, v2;
	v14 =	vld [tilespmem:s23+$0xFFFFFFC0]  }
0x1a4: {  	v16 =	vmul.f32 v16, v3;
	v11 =	vadd.f32 v20, v19;
	v34 =	vld [tilespmem:s23+$0xFFFFFFD0];
	(xrf2) =	vadd.scan.msk.f32 $0xffff, v8  }
0x1a5: {  	v20 =	vmul.f32 v25, v5;
	v25 =	vmul.f32 v26, v4;
	v7 =	vadd.f32 v7, v9;
	v19 =	vld [tilespmem:s23+$0xFFFFFF70]  }
0x1a6: {  	v10 =	vmul.f32 v10, v2;
	v9 =	vadd.f32 v16, v11;
	v8 =	vld [tilespmem:s23+$0xFFFFFF80]  }
0x1a7: {  	v11 =	vadd.f32 v25, v20;
	v20 =	vmul.f32 v21, v3;
	v16 =	vld [tilespmem:s23+$0xFFFFFF60];
	(xrf2) =	vadd.scan.msk.f32 $0xffff, v7  }
0x1a8: {  	v7 =	vadd.f32 v10, v9;
	v9 =	vmul.f32 v23, v5;
	v10 =	vmul.f32 v24, v4;
	v21 =	vld [tilespmem:s23+$0xFFFFFF30]  }
0x1a9: {  	v17 =	vmul.f32 v17, v2;
	v11 =	vadd.f32 v20, v11;
	v23 =	vld [tilespmem:s23+$0xFFFFFF40]  }
0x1aa: {  	v9 =	vadd.f32 v10, v9;
	v10 =	vmul.f32 v18, v3;
	v20 =	vld [tilespmem:s23+$0xFFFFFF50];
	(xrf2) =	vadd.scan.msk.f32 $0xffff, v7  }
0x1ab: {  	v24 =	vmul.f32 v30, v4;
	v7 =	vmul.f32 v29, v5;
	v29 =	vadd.f32 v17, v11;
	v18 =	vld [tilespmem:s23+$0xFFFFFF20]  }
0x1ac: {  	v9 =	vadd.f32 v10, v9;
	v10 =	vmul.f32 v13, v2;
	v17 =	vld [tilespmem:s23+$0xFFFFFF00]  }
0x1ad: {  	v7 =	vadd.f32 v24, v7;
	v24 =	vmul.f32 v27, v3;
	v25 =	vld [tilespmem:s23+$0xFFFFFF10];
	(xrf2) =	vadd.scan.msk.f32 $0xffff, v29  }
0x1ae: {  	v15 =	vmul.f32 v15, v4;
	v27 =	vmul.f32 v33, v5;
	v9 =	vadd.f32 v10, v9;
	v26 =	vld [tilespmem:s23+$0xFFFFFEB0];
	v11, _, _ =	vpop (xrf2)  }
0x1af: {  	v10 =	vmul.f32 v22, v2;
	v29 =	vadd.f32 v24, v7;
	v13 =	vld [tilespmem:s23+$0xFFFFFEC0]  }
0x1b0: {  	v15 =	vadd.f32 v15, v27;
	v24 =	vmul.f32 v31, v3;
	v22 =	vld [tilespmem:s23+$0xFFFFFEA0];
	(xrf2) =	vadd.scan.msk.f32 $0xffff, v9  }
0x1b1: {  	v9 =	vmul.f32 v14, v5;
	v14 =	vmul.f32 v34, v4;
	v10 =	vadd.f32 v10, v29;
	v27 =	vld [tilespmem:s23+$0xFFFFFE70];
	v7, _, _ =	vpop (xrf2)  }
0x1b2: {  	v15 =	vadd.f32 v24, v15;
	v24 =	vmul.f32 v28, v2;
	v29 =	vld [tilespmem:s23+$0xFFFFFE80]  }
0x1b3: {  	v9 =	vadd.f32 v14, v9;
	v14 =	vmul.f32 v12, v3;
	v28 =	vld [tilespmem:s23+$0xFFFFFE90];
	(xrf2) =	vadd.scan.msk.f32 $0xffff, v10  }
0x1b4: {  	v20 =	vmul.f32 v20, v4;
	v15 =	vadd.f32 v24, v15;
	v10 =	vmul.f32 v23, v5;
	v30 =	vld [tilespmem:s23+$0xFFFFFE60];
	v12, _, _ =	vpop (xrf2)  }
0x1b5: {  	v33 =	vadd.f32 v14, v9;
	v14 =	vmul.f32 v32, v2;
	v23 =	vld [tilespmem:s23+$0xFFFFFE40]  }
0x1b6: {  	v16 =	vmul.f32 v16, v3;
	v10 =	vadd.f32 v20, v10;
	v24 =	vld [tilespmem:s23+$0xFFFFFE50];
	(xrf2) =	vadd.scan.msk.f32 $0xffff, v15  }
0x1b7: {  	v20 =	vmul.f32 v25, v4;
	v15 =	vmul.f32 v17, v5;
	v14 =	vadd.f32 v14, v33;
	v31 =	vld [tilespmem:s23+$0xFFFFFDF0];
	v9, _, _ =	vpop (xrf2)  }
0x1b8: {  	v32 =	vadd.f32 v16, v10;
	v16 =	vmul.f32 v19, v2;
	v17 =	vld [tilespmem:s23+$0xFFFFFE00]  }
0x1b9: {  	v18 =	vmul.f32 v18, v3;
	v15 =	vadd.f32 v20, v15;
	v25 =	vld [tilespmem:s23+$0xFFFFFDE0];
	(xrf2) =	vadd.scan.msk.f32 $0xffff, v14  }
0x1ba: {  	v19 =	vmul.f32 v29, v5;
	v20 =	vmul.f32 v28, v4;
	v32 =	vadd.f32 v16, v32;
	v14 =	vld [tilespmem:s23+$0xFFFFFDC0];
	v10, _, _ =	vpop (xrf2)  }
0x1bb: {  	v21 =	vmul.f32 v21, v2;
	v15 =	vadd.f32 v18, v15;
	v28 =	vld [tilespmem:s23+$0xFFFFFDD0]  }
0x1bc: {  	v19 =	vadd.f32 v20, v19;
	v20 =	vmul.f32 v22, v3;
	v18 =	vld [tilespmem:s23+$0xFFFFFDB0];
	(xrf2) =	vadd.scan.msk.f32 $0xffff, v32  }
0x1bd: {  	v22 =	vmul.f32 v23, v5;
	v23 =	vmul.f32 v24, v4;
	v15 =	vadd.f32 v21, v15;
	v29 =	vld [tilespmem:s23+$0xFFFFFD80];
	v16, _, _ =	vpop (xrf2)  }
0x1be: {  	v26 =	vmul.f32 v26, v2;
	v20 =	vadd.f32 v20, v19;
	v24 =	vld [tilespmem:s23+$0xFFFFFD90]  }
0x1bf: {  	s11 =	sadd.s32 $0x40, s11;
	v30 =	vmul.f32 v30, v3;
	v23 =	vadd.f32 v23, v22;
	v19 =	vld [tilespmem:s23+$0xFFFFFDA0];
	(xrf2) =	vadd.scan.msk.f32 $0xffff, v15  }
.Ltmp0:
0x1c0: {  	v26 =	vadd.f32 v26, v20;
	v34 =	vmul.f32 v14, v5;
	v21 =	vld [tilespmem:s11+$0xFFFFFFF0];
	v28 =	vmul.f32 v28, v4;
	v14, _, _ =	vpop (xrf2);
	(pc) =	sbr.rel @p0 .LBB2_3-.Ltmp0, $4  }
0x1c1: {  	v27 =	vmul.f32 v27, v2;
	v30 =	vadd.f32 v30, v23;
	v22 =	vld [tilespmem:s11+$0xFFFFFFE0]  }
0x1c2: {  	v33 =	vmul.f32 v25, v3;
	v32 =	vadd.f32 v28, v34;
	v20 =	vld [tilespmem:s23+$0x140];
	(xrf2) =	vadd.scan.msk.f32 $0xffff, v26  }
0x1c3: {  	v25 =	vadd.f32 v27, v30;
	v28 =	vmul.f32 v29, v5;
	v23 =	vld [tilespmem:s11+$0x0];
	v29 =	vmul.f32 v24, v4;
	v15, _, _ =	vpop (xrf2)  }
0x1c4: {  	s12 =	sadd.s32 $0x1, s12;
	v27 =	vmul.f32 v31, v2;
	v26 =	vadd.f32 v33, v32;
	v24 =	vld [tilespmem:s23+$0x150]  }
0x1c5: {  	v30 =	vld [tilespmem:s11+$0x10];
	v21 =	vmul.f32 v21, v4  }
0x1c6: {  	v31 =	vld [tilespmem:s23+$0x160];
	v28 =	vadd.f32 v29, v28;
	v19 =	vmul.f32 v19, v3;
	v22 =	vmul.f32 v22, v5  }
0x1c7: {  	v29 =	vld [tilespmem:s23+$0xFFFFFE10];
	v18 =	vmul.f32 v18, v2  }
0x1c8: {  	v19 =	vadd.f32 v19, v28;
	v28 =	vld [tilespmem:s23+$0xFFFFFE20];
	v21 =	vadd.f32 v21, v22;
	v22 =	vmul.f32 v23, v3  }
0x1c9: {  	v20 =	vmul.f32 v20, v5;
	v23 =	vld [tilespmem:s23+$0x170];
	v24 =	vmul.f32 v24, v4  }
0x1ca: {  	v26 =	vadd.f32 v27, v26;
	v27 =	vld [tilespmem:s23+$0xFFFFFED0];
	v21 =	vadd.f32 v22, v21;
	v22 =	vmul.f32 v30, v2  }
0x1cb: {  	(xrf2) =	vadd.scan.msk.f32 $0xffff, v25;
	v25 =	vld [tilespmem:s23+$0xFFFFFEE0];
	v18 =	vadd.f32 v18, v19;
	v20 =	vadd.f32 v24, v20;
	v24 =	vmul.f32 v31, v3  }
0x1cc: {  	v17 =	vmul.f32 v17, v5;
	(xrf2) =	vadd.scan.msk.f32 $0xffff, v26;
	v19 =	vld [tilespmem:s23+$0xFFFFFE30];
	v21 =	vadd.f32 v22, v21;
	v22 =	vmul.f32 v29, v4  }
0x1cd: {  	(xrf2) =	vadd.scan.msk.f32 $0xffff, v18;
	v18 =	vld [tilespmem:s23+$0xFFFFFF90];
	v20 =	vadd.f32 v24, v20  }
0x1ce: {  	v23 =	vmul.f32 v23, v2;
	v24 =	vld [tilespmem:s23+$0xFFFFFEF0];
	v17 =	vadd.f32 v22, v17;
	v22 =	vmul.f32 v28, v3  }
0x1cf: {  	v13 =	vmul.f32 v13, v5;
	v26 =	vld [tilespmem:s23+$0xFFFFFFA0];
	(xrf2) =	vadd.scan.msk.f32 $0xffff, v21;
	v21 =	vmul.f32 v27, v4  }
0x1d0: {  	v20 =	vadd.f32 v23, v20;
	v17 =	vadd.f32 v22, v17;
	v22 =	vld [tilespmem:s23+$0x190]  }
0x1d1: {  	v19 =	vmul.f32 v19, v2;
	v13 =	vadd.f32 v21, v13;
	v21 =	vmul.f32 v25, v3  }
0x1d2: {  	v8 =	vmul.f32 v8, v5;
	v23 =	vld [tilespmem:s23+$0xFFFFFFB0];
	v18 =	vmul.f32 v18, v4  }
0x1d3: {  	(xrf2) =	vadd.scan.msk.f32 $0xffff, v20;
	v17 =	vadd.f32 v19, v17;
	v19 =	vld [tilespmem:s23+$0x1A0];
	v13 =	vadd.f32 v21, v13;
	v21 =	vmul.f32 v24, v2  }
0x1d4: {  	v24 =	vld [tilespmem:s23+$0x210];
	v8 =	vadd.f32 v18, v8;
	v18 =	vmul.f32 v26, v3;
	v20, _, _ =	vpop (xrf2)  }
0x1d5: {  	v6 =	vmul.f32 v6, v5;
	v26 =	vld [tilespmem:s23+$0x1B0];
	v25, _, _ =	vpop (xrf2);
	v13 =	vadd.f32 v21, v13;
	v21 =	vmul.f32 v22, v4  }
0x1d6: {  	v8 =	vadd.f32 v18, v8;
	v27, _, _ =	vpop (xrf2);
	(xrf2) =	vadd.scan.msk.f32 $0xffff, v17;
	v22 =	vld [tilespmem:s23+$0x220]  }
0x1d7: {  	v18 =	vmul.f32 v23, v2;
	v17, _, _ =	vpop (xrf2);
	v6 =	vadd.f32 v21, v6;
	v21 =	vld [tilespmem:s23+$0x230]  }
0x1d8: {  	v28, _, _ =	vpop (xrf2);
	v19 =	vmul.f32 v19, v3  }
0x1d9: {  	v1 =	vmul.f32 v1, v5;
	v5 =	vadd.f32 v18, v8;
	v4 =	vmul.f32 v24, v4;
	v23, _, _ =	vpop (xrf2);
	(xrf2) =	vadd.scan.msk.f32 $0xffff, v13  }
0x1da: {  	(v2sf) =	vpush v11, $0xF;
	v11 =	vmul.f32 v26, v2;
	v8, _, _ =	vpop (xrf2);
	v6 =	vadd.f32 v19, v6  }
0x1db: {  	v1 =	vadd.f32 v4, v1;
	(v2sf) =	vpush v8, $0xF;
	v3 =	vmul.f32 v22, v3  }
0x1dc: {  	(xrf2) =	vadd.scan.msk.f32 $0xffff, v5;
	(v2sf) =	vpush v12, $0xF;
	v4 =	vadd.f32 v11, v6;
	v2 =	vmul.f32 v21, v2  }
0x1dd: {  	v5, _, _ =	vpop (xrf2);
	(v2sf) =	vpush v16, $0xF;
	v1 =	vadd.f32 v3, v1  }
0x1de: {  	(v2sf) =	vpush v5, $0xF  }
0x1df: {  	(xrf2) =	vadd.scan.msk.f32 $0xffff, v4;
	(v2sf) =	vpush v23, $0xF;
	v1 =	vadd.f32 v2, v1  }
0x1e0: {  	(v2sf) =	vpush v28, $0xF;
	v2, _, _ =	vpop (xrf2)  }
0x1e1: {  	(v2sf) =	vpush v2, $0xF  }
0x1e2: {  	(xrf2) =	vadd.scan.msk.f32 $0xffff, v1;
	(v2sf) =	vpush v17, $0xF  }
0x1e3: {  	v1, _, _ =	vpop (xrf2);
	(v2sf) =	vpush v27, $0xF  }
0x1e4: {  	(v2sf) =	vpush v1, $0xF  }
0x1e5: {  	(v2sf) =	vpush v25, $0xF  }
0x1e6: {  	v1, _, _ =	vpop (xrf2);
	(v2sf) =	vpush v20, $0xF  }
0x1e7: {  	(v2sf) =	vpush v1, $0xF  }
0x1e8: {  	(v2sf) =	vpush v15, $0xF  }
0x1e9: {  	s1 =	spop (v2sf);
	v1, _, _ =	vpop (xrf2);
	(v2sf) =	vpush v14, $0xF  }
0x1ea: {  	s2 =	spop (v2sf);
	(v2sf) =	vpush v1, $0xF  }
0x1eb: {  	s1 =	ssub.f32 s2, s1;
	s4 =	spop (v2sf);
	(v2sf) =	vpush v9, $0xF  }
0x1ec: {  	v1, _, _ =	vpop (xrf2);
	s4 =	ssub.f32 s2, s4;
	s8 =	spop (v2sf);
	(v2sf) =	vpush v10, $0xF  }
0x1ed: {  	s8 =	ssub.f32 s2, s8;
	s10 =	spop (v2sf);
	(v2sf) =	vpush v1, $0xF  }
0x1ee: {  	s10 =	ssub.f32 s2, s10;
	s19 =	spop (v2sf);
	(v2sf) =	vpush v7, $0xF  }
0x1ef: {  	s11 =	ssub.f32 s2, s19;
	s12 =	spop (v2sf)  }
0x1f0: {  	s12 =	ssub.f32 s2, s12;
	v1 =	vmov s10;
	s23 =	spop (v2sf)  }
0x1f1: {  	v1 =	vsel vm0, s11, v1;
	s10 =	ssub.f32 s2, s23;
	s24 =	spop (v2sf)  }
0x1f2: {  	v1 =	vsel vm1, s12, v1;
	s11 =	ssub.f32 s2, s24;
	s17 =	spop (v2sf)  }
0x1f3: {  	s12 =	ssub.f32 s2, s17;
	v1 =	vsel vm2, s10, v1;
	s19 =	spop (v2sf)  }
0x1f4: {  	s10 =	ssub.f32 s2, s19;
	v1 =	vsel vm3, s11, v1;
	s23 =	spop (v2sf)  }
0x1f5: {  	s11 =	ssub.f32 s2, s23;
	v1 =	vsel vm4, s12, v1;
	s24 =	spop (v2sf)  }
0x1f6: {  	v2 =	vmov s25;
	s12 =	ssub.f32 s2, s24;
	v1 =	vsel vm5, s10, v1;
	s25 =	spop (v2sf)  }
0x1f7: {  	v2 =	vmul.u32 $0x18, v2;
	s10 =	ssub.f32 s2, s25;
	v1 =	vsel vm6, s11, v1;
	s17 =	spop (v2sf)  }
0x1f8: {  	s11 =	ssub.f32 s2, s17;
	v1 =	vsel vm7, s12, v1;
	s19 =	spop (v2sf)  }
0x1f9: {  	v2 =	vadd.s32 $0x10, v2;
	s12 =	ssub.f32 s2, s19;
	v1 =	vsel vm8, s10, v1;
	s23 =	spop (v2sf)  }
0x1fa: {  	v2 =	vbroadcast v2, $0x0;
	v1 =	vsel vm9, s11, v1;
	s10 =	ssub.f32 s2, s23;
	s24 =	spop (v2sf)  }
0x1fb: {  	s11 =	ssub.f32 s2, s24;
	v1 =	vsel vm10, s12, v1;
	s25 =	spop (v2sf)  }
0x1fc: {  	v2 =	vor.u32 v0, v2;
	v1 =	vsel vm11, s8, v1;
	s12 =	ssub.f32 s2, s25;
	v3 =	vmov s10;
	s17 =	spop (v2sf)  }
0x1fd: {  	v1 =	vsel vm12, s11, v1;
	s10 =	ssub.f32 s2, s17;
	v3 =	vnsel vm0, $0x0, v3;
	s19 =	spop (v2sf)  }
0x1fe: {  	s23 =	sadd.s32 s0, s21;
	v1 =	vsel vm13, s4, v1;
	s2 =	ssub.f32 s2, s19;
	v3 =	vsel vm1, s12, v3  }
0x1ff: {  	s24 =	sadd.s32 $0x18, s22;
	s4 =	smul.u32 $0x3, s23;
	v1 =	vsel vm14, s1, v1;
	v3 =	vsel vm2, s10, v3  }
0x200: {  	s25 =	rddreg [dreg:$0x3];
	v3 =	vsel vm3, s2, v3;
	[tilespmem:s24+$0x0] =	vst v1  }
0x201: {  	s1 =	sadd.s32 s25, s4;
	[tilespmem:v2+s14+$0x0] =	vst.idx.msk $0xf, v3  }
0x202: {  	[hbm4b:s1+s5] =	stream.linear.scatter [tilespmem:s14], [sflag:$0x3], $0x300, $0x38;
	[tilespmem:$0x16B40] =	vst v63  }
0x203: {  	_ =	swait.ge [sflag:s20], $0x300  }
0x204: {  	p0 =	seq.s32 s9, $0x7;
	s1 =	rddreg [dreg:$0xd]  }
0x205: {  	s1 =	sadd.s32 @!p0 s21, s1  }
0x206: {  	[sflag:s20] =	ssyncset.done $0x0;
	s2 =	sshrl.u32 @!p0 s1, $0x3  }
0x207: {  	s4 =	simm.s32 @!p0 $0x0;
	[sflag:s20] =	ssyncadd.s32 $0xFFFFFD00;
	s2 =	sadd.s32 @!p0 s31, s2  }
0x208: {  	[tilespmem:s4], [sflag:$0x3] =	stream.linear.gather @!p0 [hbm4b:s2+s4], $0x20, $0x38;
	[tilespmem:$0x16B40] =	vst v63  }
0x209: {  	s2 =	simm.s32 @!p0 $0x3  }
0x20a: {  	_ =	swait.ge @!p0 [sflag:s2], $0x20  }
0x20b: {  	s8 =	smul.u32 @!p0 $0x14, s1;
	[sflag:s2] =	ssyncset.done @!p0 $0x0  }
0x20c: {  	[sflag:s2] =	ssyncadd.s32 @!p0 $0xFFFFFFE0  }
0x20d: {  	s8 =	sshrl.u32 @!p0 s8, $0x3;
	s10 =	rddreg [dreg:$0x1]  }
0x20e: {  	s11 =	simm.s32 @!p0 $0x40;
	s10 =	sadd.s32 @!p0 s10, s8  }
0x20f: {  	[tilespmem:s11], [sflag:$0x3] =	stream.linear.gather @!p0 [hbm4b:s10+s4], $0x80, $0x38;
	[tilespmem:$0x16B40] =	vst v63  }
0x210: {  	_ =	swait.ge @!p0 [sflag:s2], $0x80  }
0x211: {  	[sflag:s2] =	ssyncset.done @!p0 $0x0;
	s12 =	rddreg [dreg:$0x6]  }
0x212: {  	[sflag:s2] =	ssyncadd.s32 @!p0 $0xFFFFFF80;
	s8 =	sadd.s32 @!p0 s8, s12;
	s12 =	simm.s32 @!p0 $0xC0  }
0x213: {  	[tilespmem:s12], [sflag:$0x3] =	stream.linear.gather @!p0 [hbm4b:s8+s4], $0x80, $0x38;
	[tilespmem:$0x16B40] =	vst v63  }
0x214: {  	_ =	swait.ge @!p0 [sflag:s2], $0x80  }
0x215: {  	[sflag:s2] =	ssyncset.done @!p0 $0x0  }
0x216: {  	s17 =	simm.s32 @!p0 $0x140;
	s8 =	sadd.s32 @!p0 $0x20, s10;
	[sflag:s2] =	ssyncadd.s32 @!p0 $0xFFFFFF80  }
0x217: {  	[tilespmem:s17], [sflag:$0x3] =	stream.linear.gather @!p0 [hbm4b:s8+s4], $0x80, $0x38;
	[tilespmem:$0x16B40] =	vst v63  }
0x218: {  	_ =	swait.ge @!p0 [sflag:s2], $0x80  }
0x219: {  	[sflag:s2] =	ssyncset.done @!p0 $0x0  }
0x21a: {  	s19 =	simm.s32 @!p0 $0x1C0;
	s8 =	sadd.s32 @!p0 $0x30, s10;
	[sflag:s2] =	ssyncadd.s32 @!p0 $0xFFFFFF80  }
0x21b: {  	[tilespmem:s19], [sflag:$0x3] =	stream.linear.gather @!p0 [hbm4b:s8+s4], $0x80, $0x38;
	[tilespmem:$0x16B40] =	vst v63  }
0x21c: {  	_ =	swait.ge @!p0 [sflag:s2], $0x80  }
0x21d: {  	[sflag:s2] =	ssyncset.done @!p0 $0x0  }
0x21e: {  	s8 =	sadd.s32 @!p0 $0x40, s10;
	s10 =	simm.s32 @!p0 $0x240;
	[sflag:s2] =	ssyncadd.s32 @!p0 $0xFFFFFF80  }
0x21f: {  	[tilespmem:s10], [sflag:$0x3] =	stream.linear.gather @!p0 [hbm4b:s8+s4], $0x80, $0x38;
	[tilespmem:$0x16B40] =	vst v63  }
0x220: {  	s1 =	sshll.u32 @!p0 s1, $0x3;
	_ =	swait.ge @!p0 [sflag:s2], $0x80  }
0x221: {  	s1 =	sand.u32 @!p0 $0x1FFFFE00, s1;
	[sflag:s2] =	ssyncset.done @!p0 $0x0  }
0x222: {  	s1 =	sadd.s32 @!p0 s6, s1;
	[sflag:s2] =	ssyncadd.s32 @!p0 $0xFFFFFF80;
	s2 =	simm.s32 @!p0 $0x540  }
0x223: {  	[tilespmem:s2], [sflag:$0x1] =	stream.linear.gather @!p0 [hbm4b:s1+s4], $0x800, $0x38;
	[tilespmem:$0x16B40] =	vst v63  }
0x224: {  	s1 =	simm.s32 @!p0 $0x20;
	s2 =	simm.s32 @!p0 $0x1540  }
0x225: {  	[tilespmem:s2], [sflag:$0x1] =	stream.indirect.gather @!p0 [hbm4b:s7+s1], $0x40, s4, s1, $0xb8;
	[tilespmem:$0x16B40] =	vst v63  }
0x226: {  	s1 =	simm.s32 @!p0 $0x80;
	s2 =	simm.s32 @!p0 $0x2540  }
0x227: {  	[tilespmem:s2], [sflag:$0x1] =	stream.indirect.gather @!p0 [hbm4b:s7+s1], $0x40, s11, s1, $0xb8;
	[tilespmem:$0x16B40] =	vst v63  }
0x228: {  	s2 =	simm.s32 @!p0 $0x4540  }
0x229: {  	[tilespmem:s2], [sflag:$0x1] =	stream.indirect.gather @!p0 [hbm4b:s7+s1], $0x40, s12, s1, $0xb8;
	[tilespmem:$0x16B40] =	vst v63  }
0x22a: {  	s2 =	simm.s32 @!p0 $0x6540  }
0x22b: {  	[tilespmem:s2], [sflag:$0x1] =	stream.indirect.gather @!p0 [hbm4b:s7+s1], $0x40, s17, s1, $0xb8;
	[tilespmem:$0x16B40] =	vst v63  }
0x22c: {  	s2 =	simm.s32 @!p0 $0x8540  }
0x22d: {  	[tilespmem:s2], [sflag:$0x1] =	stream.indirect.gather @!p0 [hbm4b:s7+s1], $0x40, s19, s1, $0xb8;
	[tilespmem:$0x16B40] =	vst v63  }
0x22e: {  	s2 =	simm.s32 @!p0 $0xA540  }
0x22f: {  	[tilespmem:s2], [sflag:$0x1] =	stream.indirect.gather @!p0 [hbm4b:s7+s1], $0x40, s10, s1, $0xb8;
	[tilespmem:$0x16B40] =	vst v63  }
0x230: {  	_ =	swait.ge [sflag:s15], $0x800  }
0x231: {  	[sflag:s15] =	ssyncset.done $0x0  }
0x232: {  	[sflag:s15] =	ssyncadd.s32 $0xFFFFF800  }
0x233: {  	_ =	swait.ge [sflag:s15], $0x800  }
0x234: {  	[sflag:s15] =	ssyncset.done $0x0  }
0x235: {  	[sflag:s15] =	ssyncadd.s32 $0xFFFFF800  }
0x236: {  	_ =	swait.ge [sflag:s15], $0x2000  }
0x237: {  	[sflag:s15] =	ssyncset.done $0x0  }
0x238: {  	[sflag:s15] =	ssyncadd.s32 $0xFFFFE000  }
0x239: {  	_ =	swait.ge [sflag:s15], $0x2000  }
0x23a: {  	[sflag:s15] =	ssyncset.done $0x0  }
0x23b: {  	[sflag:s15] =	ssyncadd.s32 $0xFFFFE000  }
0x23c: {  	_ =	swait.ge [sflag:s15], $0x2000  }
0x23d: {  	[sflag:s15] =	ssyncset.done $0x0  }
0x23e: {  	[sflag:s15] =	ssyncadd.s32 $0xFFFFE000  }
0x23f: {  	_ =	swait.ge [sflag:s15], $0x2000  }
0x240: {  	[sflag:s15] =	ssyncset.done $0x0  }
0x241: {  	[sflag:s15] =	ssyncadd.s32 $0xFFFFE000  }
0x242: {  	_ =	swait.ge [sflag:s15], $0x2000  }
0x243: {  	[sflag:s15] =	ssyncset.done $0x0  }
0x244: {  	s2 =	simm.s32 $0xC7C0;
	[sflag:s15] =	ssyncadd.s32 $0xFFFFE000  }
0x245: {  	v8 =	vld [tilespmem:s2+$0x270]  }
0x246: {  	v9 =	vld [tilespmem:s2+$0x130]  }
0x247: {  	v10 =	vld [tilespmem:s2+$0x260]  }
0x248: {  	v11 =	vld [tilespmem:s2+$0x120]  }
0x249: {  	v12 =	vld [tilespmem:s2+$0xF0]  }
0x24a: {  	v13 =	vld [tilespmem:s2+$0x240]  }
0x24b: {  	v14 =	vld [tilespmem:s2+$0x250]  }
0x24c: {  	v15 =	vld [tilespmem:s2+$0x1F0]  }
0x24d: {  	v7 =	vld [tilespmem:s2+$0x100]  }
0x24e: {  	v16 =	vld [tilespmem:s2+$0x110]  }
0x24f: {  	v17 =	vld [tilespmem:s2+$0xE0]  }
0x250: {  	v18 =	vld [tilespmem:s2+$0xB0]  }
0x251: {  	v19 =	vld [tilespmem:s2+$0x1E0]  }
0x252: {  	v20 =	vld [tilespmem:s2+$0xC0]  }
0x253: {  	v21 =	vld [tilespmem:s2+$0xD0]  }
0x254: {  	v22 =	vld [tilespmem:s2+$0xA0]  }
0x255: {  	v23 =	vld [tilespmem:s2+$0x70]  }
0x256: {  	v24 =	vld [tilespmem:s2+$0x1C0]  }
0x257: {  	v25 =	vld [tilespmem:s2+$0x1D0]  }
0x258: {  	v26 =	vld [tilespmem:s2+$0x80]  }
0x259: {  	s11 =	simm.s32 $0x0;
	v27 =	vld [tilespmem:s2+$0x90]  }
0x25a: {  	s4 =	sand.u32 $0x7C0, s11;
	v28 =	vld [tilespmem:s2+$0x60]  }
0x25b: {  	v5 =	vld [tilespmem:s4+$0xD40]  }
0x25c: {  	v4 =	vld [tilespmem:s4+$0xD50]  }
0x25d: {  	v29 =	vld [tilespmem:s2+$0x30]  }
0x25e: {  	v3 =	vld [tilespmem:s4+$0xD60]  }
0x25f: {  	v30 =	vld [tilespmem:s2+$0x40]  }
0x260: {  	v2 =	vld [tilespmem:s4+$0xD70]  }
0x261: {  	v31 =	vld [tilespmem:s2+$0x50]  }
0x262: {  	v32 =	vld [tilespmem:s2+$0x20]  }
0x263: {  	v33 =	vld [tilespmem:s2+$0xFFFFFFF0]  }
0x264: {  	v6 =	vld [tilespmem:s2+$0x180]  }
0x265: {  	v34 =	vld [tilespmem:s2+$0x0]  }
0x266: {  	v35 =	vld [tilespmem:s2+$0x10]  }
0x267: {  	v36 =	vld [tilespmem:s2+$0xFFFFFFE0]  }
0x268: {  	v37 =	vld [tilespmem:s2+$0xFFFFFFC0]  }
0x269: {  	v38 =	vld [tilespmem:s2+$0xFFFFFFD0]  }
0x26a: {  	v39 =	vld [tilespmem:s2+$0xFFFFFF70];
	v40 =	vmul.f32 v7, v5  }
0x26b: {  	v41 =	vld [tilespmem:s2+$0xFFFFFF60];
	v16 =	vmul.f32 v16, v4;
	v11 =	vmul.f32 v11, v3  }
0x26c: {  	v46 =	vld [tilespmem:s2+$0xFFFFFF30];
	v13 =	vmul.f32 v13, v5;
	v14 =	vmul.f32 v14, v4  }
0x26d: {  	v42 =	vld [tilespmem:s2+$0xFFFFFF40];
	v9 =	vmul.f32 v9, v2;
	v10 =	vmul.f32 v10, v3  }
0x26e: {  	v48 =	vld [tilespmem:s2+$0xFFFFFE00];
	v8 =	vmul.f32 v8, v2;
	v17 =	vmul.f32 v17, v3  }
0x26f: {  	v50 =	vld [tilespmem:s2+$0xFFFFFDE0];
	v12 =	vmul.f32 v12, v2;
	v18 =	vmul.f32 v18, v2;
	v16 =	vadd.f32 v16, v40  }
0x270: {  	v19 =	vmul.f32 v19, v3;
	v15 =	vmul.f32 v15, v2;
	v13 =	vadd.f32 v14, v13;
	v14 =	vld [tilespmem:s2+$0xFFFFFF20]  }
0x271: {  	v51 =	vld [tilespmem:s2+$0xFFFFFDC0];
	v11 =	vadd.f32 v11, v16;
	v16 =	vmul.f32 v20, v5;
	v20 =	vmul.f32 v21, v4  }
0x272: {  	v52 =	vld [tilespmem:s2+$0xFFFFFDD0];
	v47 =	vmul.f32 v38, v4;
	v29 =	vmul.f32 v29, v2;
	v10 =	vadd.f32 v10, v13  }
0x273: {  	v49 =	vmul.f32 v36, v3;
	v21 =	vld [tilespmem:s2+$0xFFFFFF50];
	v13 =	vmul.f32 v26, v5;
	v16 =	vadd.f32 v20, v16  }
0x274: {  	v26 =	vmul.f32 v27, v4;
	v27 =	vld [tilespmem:s2+$0xFFFFFF10];
	v9 =	vadd.f32 v9, v11;
	v10 =	vadd.f32 v8, v10  }
0x275: {  	v20 =	vld [tilespmem:s2+$0xFFFFFF00];
	v14 =	vmul.f32 v14, v3;
	v11 =	vadd.f32 v17, v16;
	v17 =	vmul.f32 v22, v3  }
0x276: {  	v7 =	vld [tilespmem:s2+$0xFFFFFF80];
	v13 =	vadd.f32 v26, v13;
	v22 =	vmul.f32 v25, v4;
	v25 =	vmul.f32 v31, v4  }
0x277: {  	v8 =	vld [tilespmem:s2+$0xFFFFFEC0];
	(xrf2) =	vadd.scan.msk.f32 $0xffff, v9;
	v9 =	vmul.f32 v46, v2;
	v11 =	vadd.f32 v12, v11;
	v12 =	vmul.f32 v24, v5  }
0x278: {  	v16 =	vld [tilespmem:s2+$0xFFFFFEB0];
	v21 =	vmul.f32 v21, v4;
	v13 =	vadd.f32 v17, v13;
	v17 =	vmul.f32 v30, v5  }
0x279: {  	v27 =	vmul.f32 v27, v4;
	v24 =	vld [tilespmem:s2+$0xFFFFFEA0];
	v30 =	vmul.f32 v35, v4;
	v12 =	vadd.f32 v22, v12  }
0x27a: {  	v20 =	vmul.f32 v20, v5;
	v22 =	vld [tilespmem:s2+$0xFFFFFE80];
	v17 =	vadd.f32 v25, v17;
	v25 =	vmul.f32 v28, v3  }
0x27b: {  	v28 =	vld [tilespmem:s2+$0xFFFFFE90];
	v13 =	vadd.f32 v18, v13;
	v12 =	vadd.f32 v19, v12;
	v19 =	vmul.f32 v34, v5  }
0x27c: {  	v18 =	vmul.f32 v23, v2;
	v23 =	vld [tilespmem:s2+$0xFFFFFE40];
	v20 =	vadd.f32 v27, v20;
	v17 =	vadd.f32 v25, v17  }
0x27d: {  	v25 =	vld [tilespmem:s2+$0xFFFFFE50];
	v12 =	vadd.f32 v15, v12;
	v15 =	vadd.f32 v30, v19;
	v19 =	vmul.f32 v32, v3  }
0x27e: {  	v26 =	vld [tilespmem:s2+$0xFFFFFE70];
	(xrf2) =	vadd.scan.msk.f32 $0xffff, v10;
	v10 =	vmul.f32 v16, v2;
	v14 =	vadd.f32 v14, v20;
	v24 =	vmul.f32 v24, v3  }
0x27f: {  	v31 =	vld [tilespmem:s2+$0xFFFFFE60];
	v30 =	vmul.f32 v37, v5;
	v15 =	vadd.f32 v19, v15;
	v19 =	vmul.f32 v42, v5  }
0x280: {  	v27 =	vld [tilespmem:s2+$0xFFFFFD80];
	v17 =	vadd.f32 v18, v17;
	v22 =	vmul.f32 v22, v5;
	v28 =	vmul.f32 v28, v4  }
0x281: {  	v18 =	vld [tilespmem:s2+$0xFFFFFDF0];
	v20 =	vmul.f32 v23, v5;
	v19 =	vadd.f32 v21, v19;
	v21 =	vmul.f32 v41, v3  }
0x282: {  	s8 =	simm.s32 $0x1D60;
	v9 =	vadd.f32 v9, v14;
	v23 =	vmul.f32 v25, v4;
	v25 =	vld [tilespmem:s2+$0xFFFFFDA0];
	v22 =	vadd.f32 v28, v22  }
0x283: {  	v30 =	vadd.f32 v47, v30;
	v28 =	vld [tilespmem:s8+$0xFFFFFFF0];
	v19 =	vadd.f32 v21, v19;
	v21 =	vmul.f32 v39, v2  }
0x284: {  	(xrf2) =	vadd.scan.msk.f32 $0xffff, v11;
	v16 =	vadd.f32 v23, v20;
	v20 =	vmul.f32 v31, v3;
	v23 =	vld [tilespmem:s8+$0xFFFFFFE0];
	v11 =	vadd.f32 v24, v22  }
0x285: {  	v22 =	vmul.f32 v51, v5;
	v24 =	vmul.f32 v52, v4;
	v19 =	vadd.f32 v21, v19;
	v21 =	vld [tilespmem:s2+$0xFFFFFD90]  }
0x286: {  	v33 =	vmul.f32 v33, v2;
	(xrf2) =	vadd.scan.msk.f32 $0xffff, v13;
	v15 =	vadd.f32 v29, v15;
	v29 =	vld [tilespmem:s2+$0xFFFFFDB0];
	v13 =	vadd.f32 v20, v16  }
0x287: {  	(xrf2) =	vadd.scan.msk.f32 $0xffff, v12;
	v12 =	vmul.f32 v50, v3;
	v16 =	vld [tilespmem:s8+$0x0];
	v10 =	vadd.f32 v10, v11;
	v11 =	vadd.f32 v24, v22  }
0x288: {  	v14 =	vmul.f32 v26, v2;
	(xrf2) =	vadd.scan.msk.f32 $0xffff, v17;
	v17 =	vmul.f32 v27, v5;
	v30 =	vadd.f32 v49, v30;
	v20 =	vld [tilespmem:s2+$0x150]  }
0x289: {  	v31 =	vld [tilespmem:s2+$0x140];
	(xrf2) =	vadd.scan.msk.f32 $0xffff, v15;
	v15 =	vmul.f32 v28, v4;
	v11 =	vadd.f32 v12, v11;
	v12 =	vmul.f32 v23, v5  }
0x28a: {  	v30 =	vadd.f32 v33, v30;
	v13 =	vadd.f32 v14, v13;
	v14 =	vld [tilespmem:s8+$0x10];
	v21 =	vmul.f32 v21, v4  }
0x28b: {  	v22 =	vld [tilespmem:s2+$0x160];
	v12 =	vadd.f32 v15, v12  }
0x28c: {  	(xrf2) =	vadd.scan.msk.f32 $0xffff, v30;
	v23 =	vld [tilespmem:s2+$0xFFFFFE10];
	v15 =	vmul.f32 v16, v3;
	v17 =	vadd.f32 v21, v17;
	v21 =	vmul.f32 v25, v3  }
0x28d: {  	v18 =	vmul.f32 v18, v2;
	(xrf2) =	vadd.scan.msk.f32 $0xffff, v19;
	v16 =	vld [tilespmem:s2+$0x170];
	v20 =	vmul.f32 v20, v4  }
0x28e: {  	v19 =	vmul.f32 v29, v2;
	(xrf2) =	vadd.scan.msk.f32 $0xffff, v9;
	v9 =	vadd.f32 v21, v17;
	v17 =	vld [tilespmem:s2+$0xFFFFFE20];
	v21 =	vmul.f32 v31, v5  }
0x28f: {  	v24, _, _ =	vpop (xrf2);
	(xrf2) =	vadd.scan.msk.f32 $0xffff, v10;
	v10 =	vadd.f32 v18, v11;
	v11 =	vadd.f32 v15, v12;
	v12 =	vmul.f32 v14, v2;
	v14 =	vld [tilespmem:s2+$0xFFFFFED0]  }
0x290: {  	v15, _, _ =	vpop (xrf2);
	(xrf2) =	vadd.scan.msk.f32 $0xffff, v13;
	v13 =	vld [tilespmem:s2+$0xFFFFFE30];
	v9 =	vadd.f32 v19, v9;
	v18 =	vadd.f32 v20, v21;
	v19 =	vmul.f32 v22, v3  }
0x291: {  	v20, _, _ =	vpop (xrf2);
	(xrf2) =	vadd.scan.msk.f32 $0xffff, v10;
	v10 =	vadd.f32 v12, v11;
	v11 =	vmul.f32 v48, v5;
	v12 =	vmul.f32 v23, v4;
	v21 =	vld [tilespmem:s2+$0xFFFFFEE0]  }
0x292: {  	v16 =	vmul.f32 v16, v2;
	v22, _, _ =	vpop (xrf2);
	(xrf2) =	vadd.scan.msk.f32 $0xffff, v9;
	v9 =	vld [tilespmem:s2+$0xFFFFFF90]  }
0x293: {  	v23 =	vld [tilespmem:s2+$0xFFFFFFA0];
	v18 =	vadd.f32 v19, v18;
	v11 =	vadd.f32 v12, v11;
	v12 =	vmul.f32 v17, v3  }
0x294: {  	v8 =	vmul.f32 v8, v5;
	v14 =	vmul.f32 v14, v4;
	v17 =	vld [tilespmem:s2+$0xFFFFFEF0]  }
0x295: {  	v19, _, _ =	vpop (xrf2);
	(xrf2) =	vadd.scan.msk.f32 $0xffff, v10;
	v16 =	vadd.f32 v16, v18;
	v11 =	vadd.f32 v12, v11;
	v12 =	vmul.f32 v13, v2;
	v13 =	vld [tilespmem:s2+$0x190]  }
0x296: {  	v1 =	vld [tilespmem:s2+$0x200];
	v8 =	vadd.f32 v14, v8;
	v10, _, _ =	vpop (xrf2);
	v14 =	vmul.f32 v21, v3  }
0x297: {  	v7 =	vmul.f32 v7, v5;
	v21 =	vld [tilespmem:s2+$0xFFFFFFB0];
	v18, _, _ =	vpop (xrf2);
	v9 =	vmul.f32 v9, v4  }
0x298: {  	(xrf2) =	vadd.scan.msk.f32 $0xffff, v16;
	v25, _, _ =	vpop (xrf2);
	v11 =	vadd.f32 v12, v11;
	v12 =	vld [tilespmem:s2+$0x1A0];
	v8 =	vadd.f32 v14, v8  }
0x299: {  	v16, _, _ =	vpop (xrf2);
	v14 =	vmul.f32 v17, v2;
	v17 =	vld [tilespmem:s2+$0x210];
	v7 =	vadd.f32 v9, v7;
	v9 =	vmul.f32 v23, v3  }
0x29a: {  	v6 =	vmul.f32 v6, v5;
	v26, _, _ =	vpop (xrf2);
	v23 =	vld [tilespmem:s2+$0x1B0];
	v13 =	vmul.f32 v13, v4  }
0x29b: {  	(xrf2) =	vadd.scan.msk.f32 $0xffff, v11;
	v27, _, _ =	vpop (xrf2);
	v8 =	vadd.f32 v14, v8;
	v14 =	vld [tilespmem:s2+$0x220];
	v7 =	vadd.f32 v9, v7  }
0x29c: {  	v11, _, _ =	vpop (xrf2);
	v9 =	vmul.f32 v21, v2;
	v6 =	vadd.f32 v13, v6;
	v13 =	vld [tilespmem:s2+$0x230]  }
0x29d: {  	v28, _, _ =	vpop (xrf2);
	v12 =	vmul.f32 v12, v3  }
0x29e: {  	v1 =	vmul.f32 v1, v5;
	(xrf2) =	vadd.scan.msk.f32 $0xffff, v8;
	v21, _, _ =	vpop (xrf2);
	v5 =	vadd.f32 v9, v7;
	v4 =	vmul.f32 v17, v4  }
0x29f: {  	(v2sf) =	vpush v24, $0xF;
	v6 =	vadd.f32 v12, v6;
	v8 =	vmul.f32 v23, v2;
	v7, _, _ =	vpop (xrf2)  }
0x2a0: {  	v1 =	vadd.f32 v4, v1;
	v3 =	vmul.f32 v14, v3;
	(v2sf) =	vpush v7, $0xF  }
0x2a1: {  	(xrf2) =	vadd.scan.msk.f32 $0xffff, v5;
	v4 =	vadd.f32 v8, v6;
	(v2sf) =	vpush v20, $0xF;
	v2 =	vmul.f32 v13, v2  }
0x2a2: {  	v5, _, _ =	vpop (xrf2);
	v1 =	vadd.f32 v3, v1;
	(v2sf) =	vpush v10, $0xF  }
0x2a3: {  	(v2sf) =	vpush v5, $0xF  }
0x2a4: {  	(xrf2) =	vadd.scan.msk.f32 $0xffff, v4;
	v1 =	vadd.f32 v2, v1;
	(v2sf) =	vpush v21, $0xF  }
0x2a5: {  	(v2sf) =	vpush v28, $0xF;
	v2, _, _ =	vpop (xrf2)  }
0x2a6: {  	(v2sf) =	vpush v2, $0xF  }
0x2a7: {  	(xrf2) =	vadd.scan.msk.f32 $0xffff, v1;
	(v2sf) =	vpush v11, $0xF  }
0x2a8: {  	v1, _, _ =	vpop (xrf2);
	(v2sf) =	vpush v27, $0xF  }
0x2a9: {  	(v2sf) =	vpush v1, $0xF  }
0x2aa: {  	(v2sf) =	vpush v26, $0xF  }
0x2ab: {  	v1, _, _ =	vpop (xrf2);
	(v2sf) =	vpush v16, $0xF  }
0x2ac: {  	(v2sf) =	vpush v1, $0xF  }
0x2ad: {  	(v2sf) =	vpush v25, $0xF  }
0x2ae: {  	s10 =	spop (v2sf);
	v1, _, _ =	vpop (xrf2);
	(v2sf) =	vpush v18, $0xF  }
0x2af: {  	s2 =	spop (v2sf);
	(v2sf) =	vpush v1, $0xF  }
0x2b0: {  	s1 =	ssub.f32 s2, s10;
	(v2sf) =	vpush v22, $0xF;
	s12 =	spop (v2sf)  }
0x2b1: {  	v1, _, _ =	vpop (xrf2);
	s4 =	ssub.f32 s2, s12;
	s17 =	spop (v2sf);
	(v2sf) =	vpush v19, $0xF  }
0x2b2: {  	s8 =	ssub.f32 s2, s17;
	s19 =	spop (v2sf);
	(v2sf) =	vpush v1, $0xF  }
0x2b3: {  	s10 =	ssub.f32 s2, s19;
	s21 =	spop (v2sf);
	(v2sf) =	vpush v15, $0xF  }
0x2b4: {  	s12 =	ssub.f32 s2, s21;
	s22 =	spop (v2sf)  }
0x2b5: {  	s17 =	ssub.f32 s2, s22;
	v1 =	vmov s10;
	s23 =	spop (v2sf)  }
0x2b6: {  	s10 =	ssub.f32 s2, s23;
	v1 =	vsel vm0, s12, v1;
	s24 =	spop (v2sf)  }
0x2b7: {  	s25 =	smov.u32 s31;
	s12 =	ssub.f32 s2, s24;
	v1 =	vsel vm1, s17, v1;
	s31 =	spop (v2sf)  }
0x2b8: {  	s17 =	ssub.f32 s2, s31;
	v1 =	vsel vm2, s10, v1;
	s19 =	spop (v2sf)  }
0x2b9: {  	s10 =	ssub.f32 s2, s19;
	v1 =	vsel vm3, s12, v1;
	s21 =	spop (v2sf)  }
0x2ba: {  	s12 =	ssub.f32 s2, s21;
	v1 =	vsel vm4, s17, v1;
	s22 =	spop (v2sf)  }
0x2bb: {  	v2 =	vmov s11;
	s17 =	ssub.f32 s2, s22;
	v1 =	vsel vm5, s10, v1;
	s23 =	spop (v2sf)  }
0x2bc: {  	v2 =	vmul.u32 $0x18, v2;
	s10 =	ssub.f32 s2, s23;
	v1 =	vsel vm6, s12, v1;
	s24 =	spop (v2sf)  }
0x2bd: {  	s11 =	ssub.f32 s2, s24;
	v1 =	vsel vm7, s17, v1;
	s31 =	spop (v2sf)  }
0x2be: {  	v2 =	vadd.s32 $0x10, v2;
	s12 =	ssub.f32 s2, s31;
	v1 =	vsel vm8, s10, v1;
	s17 =	spop (v2sf)  }
0x2bf: {  	v2 =	vbroadcast v2, $0x0;
	v1 =	vsel vm9, s11, v1;
	s10 =	ssub.f32 s2, s17;
	s19 =	spop (v2sf)  }
0x2c0: {  	s11 =	ssub.f32 s2, s19;
	v1 =	vsel vm10, s12, v1;
	s21 =	spop (v2sf)  }
0x2c1: {  	v2 =	vor.u32 v0, v2;
	v1 =	vsel vm11, s8, v1;
	s22 =	ssub.f32 s2, s21;
	v3 =	vmov s10;
	s23 =	spop (v2sf)  }
0x2c2: {  	v1 =	vsel vm12, s11, v1;
	s10 =	ssub.f32 s2, s23;
	v3 =	vnsel vm0, $0x0, v3;
	s24 =	spop (v2sf)  }
0x2c3: {  	v1 =	vsel vm13, s4, v1;
	s2 =	ssub.f32 s2, s24;
	v3 =	vsel vm1, s22, v3  }
0x2c4: {  	s21 =	simm.s32 $0x16840;
	v1 =	vsel vm14, s1, v1;
	v3 =	vsel vm2, s10, v3  }
0x2c5: {  	v3 =	vsel vm3, s2, v3;
	[tilespmem:s21+$0x0] =	vst v1  }
0x2c6: {  	s22 =	simm.s32 $0xCCC0;
	[tilespmem:v2+s16+$0x0] =	vst.idx.msk $0xf, v3  }
0x2c7: {  	v7 =	vld [tilespmem:s22+$0x270]  }
0x2c8: {  	v9 =	vld [tilespmem:s22+$0x130]  }
0x2c9: {  	v10 =	vld [tilespmem:s22+$0x260]  }
0x2ca: {  	v8 =	vld [tilespmem:s22+$0x120]  }
0x2cb: {  	v11 =	vld [tilespmem:s22+$0xF0]  }
0x2cc: {  	v12 =	vld [tilespmem:s22+$0x240]  }
0x2cd: {  	v13 =	vld [tilespmem:s22+$0x250]  }
0x2ce: {  	v14 =	vld [tilespmem:s22+$0x1F0]  }
0x2cf: {  	v15 =	vld [tilespmem:s22+$0x100]  }
0x2d0: {  	v16 =	vld [tilespmem:s22+$0x110]  }
0x2d1: {  	v17 =	vld [tilespmem:s22+$0xE0]  }
0x2d2: {  	v18 =	vld [tilespmem:s22+$0xB0]  }
0x2d3: {  	v1 =	vld [tilespmem:s22+$0x200]  }
0x2d4: {  	v19 =	vld [tilespmem:s22+$0x1E0]  }
0x2d5: {  	v20 =	vld [tilespmem:s22+$0xC0]  }
0x2d6: {  	v21 =	vld [tilespmem:s22+$0xD0]  }
0x2d7: {  	v22 =	vld [tilespmem:s22+$0xA0]  }
0x2d8: {  	v23 =	vld [tilespmem:s22+$0x70]  }
0x2d9: {  	v24 =	vld [tilespmem:s22+$0x1C0]  }
0x2da: {  	v25 =	vld [tilespmem:s22+$0x1D0]  }
0x2db: {  	v26 =	vld [tilespmem:s22+$0x80]  }
0x2dc: {  	s23 =	simm.s32 $0x40;
	v27 =	vld [tilespmem:s22+$0x90]  }
0x2dd: {  	s31 =	sand.u32 $0x7C0, s23;
	v28 =	vld [tilespmem:s22+$0x60]  }
0x2de: {  	v5 =	vld [tilespmem:s31+$0xD40]  }
0x2df: {  	v4 =	vld [tilespmem:s31+$0xD50]  }
0x2e0: {  	v29 =	vld [tilespmem:s22+$0x30]  }
0x2e1: {  	v3 =	vld [tilespmem:s31+$0xD60]  }
0x2e2: {  	v30 =	vld [tilespmem:s22+$0x40]  }
0x2e3: {  	v2 =	vld [tilespmem:s31+$0xD70]  }
0x2e4: {  	v31 =	vld [tilespmem:s22+$0x50]  }
0x2e5: {  	v53 =	vld [tilespmem:s22+$0x20]  }
0x2e6: {  	v54 =	vld [tilespmem:s22+$0xFFFFFFF0]  }
0x2e7: {  	v6 =	vld [tilespmem:s22+$0x180]  }
0x2e8: {  	v55 =	vld [tilespmem:s22+$0x0]  }
0x2e9: {  	v56 =	vld [tilespmem:s22+$0x10]  }
0x2ea: {  	v57 =	vld [tilespmem:s22+$0xFFFFFFE0];
	v15 =	vmul.f32 v15, v5;
	v16 =	vmul.f32 v16, v4  }
0x2eb: {  	v58 =	vld [tilespmem:s22+$0xFFFFFFC0];
	v12 =	vmul.f32 v12, v5;
	v13 =	vmul.f32 v13, v4  }
0x2ec: {  	v59 =	vld [tilespmem:s22+$0xFFFFFF70];
	v8 =	vmul.f32 v8, v3;
	v10 =	vmul.f32 v10, v3;
	v15 =	vadd.f32 v16, v15  }
0x2ed: {  	v60 =	vld [tilespmem:s22+$0xFFFFFF60];
	v12 =	vadd.f32 v13, v12;
	v13 =	vmul.f32 v20, v5;
	v20 =	vmul.f32 v21, v4  }
0x2ee: {  	v61 =	vld [tilespmem:s22+$0xFFFFFDF0];
	v9 =	vmul.f32 v9, v2;
	v7 =	vmul.f32 v7, v2;
	v15 =	vadd.f32 v8, v15  }
0x2ef: {  	v17 =	vmul.f32 v17, v3;
	v16 =	vld [tilespmem:s22+$0xFFFFFFD0];
	v10 =	vadd.f32 v10, v12;
	v13 =	vadd.f32 v20, v13  }
0x2f0: {  	v21 =	vld [tilespmem:s22+$0xFFFFFF30];
	v20 =	vmul.f32 v27, v4;
	v9 =	vadd.f32 v9, v15;
	v15 =	vmul.f32 v26, v5  }
0x2f1: {  	v18 =	vmul.f32 v18, v2;
	v8 =	vld [tilespmem:s22+$0xFFFFFF80];
	v27 =	vmul.f32 v31, v4;
	v7 =	vadd.f32 v7, v10  }
0x2f2: {  	v12 =	vld [tilespmem:s22+$0xFFFFFF40];
	v10 =	vmul.f32 v11, v2;
	v15 =	vadd.f32 v20, v15;
	v20 =	vmul.f32 v22, v3  }
0x2f3: {  	v31 =	vld [tilespmem:s22+$0xFFFFFE80];
	v13 =	vadd.f32 v17, v13;
	v17 =	vmul.f32 v25, v4;
	v22 =	vmul.f32 v24, v5  }
0x2f4: {  	v19 =	vmul.f32 v19, v3;
	v26 =	vld [tilespmem:s22+$0xFFFFFF50];
	v15 =	vadd.f32 v20, v15;
	v20 =	vmul.f32 v30, v5  }
0x2f5: {  	v11 =	vld [tilespmem:s22+$0xFFFFFF20];
	v16 =	vmul.f32 v16, v4;
	v10 =	vadd.f32 v10, v13;
	v17 =	vadd.f32 v17, v22  }
0x2f6: {  	v25 =	vld [tilespmem:s22+$0xFFFFFF10];
	v15 =	vadd.f32 v18, v15;
	v18 =	vadd.f32 v27, v20;
	v20 =	vmul.f32 v28, v3  }
0x2f7: {  	v24 =	vld [tilespmem:s22+$0xFFFFFF00];
	v17 =	vadd.f32 v19, v17;
	v19 =	vmul.f32 v55, v5;
	v27 =	vmul.f32 v56, v4  }
0x2f8: {  	v13 =	vld [tilespmem:s22+$0xFFFFFEC0];
	(xrf2) =	vadd.scan.msk.f32 $0xffff, v9;
	v9 =	vmul.f32 v14, v2;
	v18 =	vadd.f32 v20, v18;
	v20 =	vmul.f32 v58, v5  }
0x2f9: {  	(xrf2) =	vadd.scan.msk.f32 $0xffff, v7;
	v7 =	vmul.f32 v23, v2;
	v23 =	vld [tilespmem:s22+$0xFFFFFE60];
	v14 =	vadd.f32 v27, v19;
	v19 =	vmul.f32 v53, v3  }
0x2fa: {  	v30 =	vld [tilespmem:s22+$0xFFFFFEB0];
	(xrf2) =	vadd.scan.msk.f32 $0xffff, v10;
	v9 =	vadd.f32 v9, v17;
	v16 =	vadd.f32 v16, v20  }
0x2fb: {  	v27 =	vld [tilespmem:s22+$0xFFFFFE90];
	(xrf2) =	vadd.scan.msk.f32 $0xffff, v15;
	v20 =	vmul.f32 v57, v3;
	v10 =	vadd.f32 v19, v14;
	v14 =	vmul.f32 v29, v2  }
0x2fc: {  	v22 =	vld [tilespmem:s22+$0xFFFFFEA0];
	v7 =	vadd.f32 v7, v18;
	(xrf2) =	vadd.scan.msk.f32 $0xffff, v9;
	v9 =	vmul.f32 v12, v5;
	v12 =	vmul.f32 v26, v4  }
0x2fd: {  	v28 =	vld [tilespmem:s22+$0xFFFFFE70];
	v15 =	vadd.f32 v20, v16;
	v16 =	vmul.f32 v54, v2;
	v10 =	vadd.f32 v14, v10  }
0x2fe: {  	v17 =	vld [tilespmem:s22+$0xFFFFFE00];
	(xrf2) =	vadd.scan.msk.f32 $0xffff, v7;
	v7 =	vmul.f32 v60, v3;
	v9 =	vadd.f32 v12, v9;
	v12 =	vmul.f32 v25, v4  }
0x2ff: {  	v19 =	vld [tilespmem:s22+$0xFFFFFE40];
	v14 =	vadd.f32 v16, v15;
	(xrf2) =	vadd.scan.msk.f32 $0xffff, v10;
	v10 =	vmul.f32 v24, v5;
	v16 =	vmul.f32 v31, v5  }
0x300: {  	v20 =	vld [tilespmem:s22+$0xFFFFFE50];
	v24 =	vmul.f32 v27, v4;
	v7 =	vadd.f32 v7, v9;
	v9 =	vmul.f32 v59, v2  }
0x301: {  	v18 =	vld [tilespmem:s22+$0xFFFFFDB0];
	v10 =	vadd.f32 v12, v10;
	v12 =	vmul.f32 v11, v3  }
0x302: {  	(xrf2) =	vadd.scan.msk.f32 $0xffff, v14;
	v14 =	vld [tilespmem:s22+$0xFFFFFDC0];
	v16 =	vadd.f32 v24, v16;
	v24 =	vadd.f32 v9, v7  }
0x303: {  	v21 =	vmul.f32 v21, v2;
	v25 =	vld [tilespmem:s22+$0xFFFFFDD0];
	v10 =	vadd.f32 v12, v10  }
0x304: {  	v22 =	vmul.f32 v22, v3;
	v26 =	vld [tilespmem:s22+$0xFFFFFD80];
	v11, _, _ =	vpop (xrf2);
	v9 =	vmul.f32 v19, v5;
	(xrf2) =	vadd.scan.msk.f32 $0xffff, v24  }
0x305: {  	v15 =	vld [tilespmem:s22+$0xFFFFFDE0];
	v20 =	vmul.f32 v20, v4;
	v29 =	vadd.f32 v21, v10  }
0x306: {  	v27 =	vld [tilespmem:s22+$0xFFFFFD90];
	v7, _, _ =	vpop (xrf2);
	v16 =	vadd.f32 v22, v16;
	v22 =	vmul.f32 v30, v2  }
0x307: {  	s11 =	simm.s32 $0x1DA0;
	v23 =	vmul.f32 v23, v3;
	v19 =	vld [tilespmem:s22+$0xFFFFFDA0];
	v20 =	vadd.f32 v20, v9;
	v12, _, _ =	vpop (xrf2);
	v14 =	vmul.f32 v14, v5;
	(xrf2) =	vadd.scan.msk.f32 $0xffff, v29  }
0x308: {  	v25 =	vmul.f32 v25, v4;
	v21 =	vld [tilespmem:s11+$0xFFFFFFF0];
	v30 =	vadd.f32 v22, v16;
	v9, _, _ =	vpop (xrf2)  }
0x309: {  	v24 =	vmul.f32 v28, v2;
	v22 =	vld [tilespmem:s11+$0xFFFFFFE0];
	v31 =	vadd.f32 v23, v20;
	v10, _, _ =	vpop (xrf2)  }
0x30a: {  	v63 =	vmul.f32 v15, v3;
	v20 =	vld [tilespmem:s22+$0x140];
	v16, _, _ =	vpop (xrf2);
	v62 =	vadd.f32 v25, v14;
	(xrf2) =	vadd.scan.msk.f32 $0xffff, v30  }
0x30b: {  	v28 =	vmul.f32 v26, v5;
	v23 =	vld [tilespmem:s11+$0x0];
	v29 =	vmul.f32 v27, v4;
	v25 =	vadd.f32 v24, v31;
	v14, _, _ =	vpop (xrf2)  }
0x30c: {  	s12 =	simm.s32 $0x2;
	s24 =	simm.s32 $0x1;
	v27 =	vmul.f32 v61, v2;
	v24 =	vld [tilespmem:s22+$0x150];
	v26 =	vadd.f32 v63, v62;
	v15, _, _ =	vpop (xrf2)  }
.LBB2_5:
0x30d: {  	p0 =	sne.s32 s12, $0x1F;
	v30 =	vld [tilespmem:s11+$0x10];
	v28 =	vadd.f32 v29, v28;
	v19 =	vmul.f32 v19, v3;
	(xrf2) =	vadd.scan.msk.f32 $0xffff, v25  }
0x30e: {  	v21 =	vmul.f32 v21, v4;
	v22 =	vmul.f32 v22, v5;
	v29 =	vadd.f32 v27, v26;
	v26 =	vld [tilespmem:s22+$0x160];
	v27, _, _ =	vpop (xrf2)  }
0x30f: {  	v18 =	vmul.f32 v18, v2;
	v19 =	vadd.f32 v19, v28;
	v28 =	vld [tilespmem:s22+$0xFFFFFE10]  }
0x310: {  	v21 =	vadd.f32 v21, v22;
	v22 =	vmul.f32 v23, v3;
	v23 =	vld [tilespmem:s22+$0x170];
	(xrf2) =	vadd.scan.msk.f32 $0xffff, v29  }
0x311: {  	v20 =	vmul.f32 v20, v5;
	v18 =	vadd.f32 v18, v19;
	v19 =	vld [tilespmem:s22+$0xFFFFFE20];
	v24 =	vmul.f32 v24, v4;
	v25, _, _ =	vpop (xrf2)  }
0x312: {  	v21 =	vadd.f32 v22, v21;
	v22 =	vmul.f32 v30, v2;
	v29 =	vld [tilespmem:s22+$0xFFFFFED0]  }
0x313: {  	v30 =	vld [tilespmem:s22+$0xFFFFFE30];
	v20 =	vadd.f32 v24, v20;
	v24 =	vmul.f32 v26, v3;
	(xrf2) =	vadd.scan.msk.f32 $0xffff, v18  }
0x314: {  	v17 =	vmul.f32 v17, v5;
	v18 =	vadd.f32 v22, v21;
	v21 =	vmul.f32 v28, v4;
	v22 =	vld [tilespmem:s22+$0xFFFFFEE0];
	v26, _, _ =	vpop (xrf2)  }
0x315: {  	v28 =	vld [tilespmem:s22+$0xFFFFFF90];
	v20 =	vadd.f32 v24, v20;
	v31 =	vmul.f32 v23, v2  }
0x316: {  	v17 =	vadd.f32 v21, v17;
	v19 =	vmul.f32 v19, v3;
	v21 =	vld [tilespmem:s22+$0xFFFFFEF0];
	(xrf2) =	vadd.scan.msk.f32 $0xffff, v18  }
0x317: {  	v13 =	vmul.f32 v13, v5;
	v18 =	vmul.f32 v29, v4;
	v24 =	vld [tilespmem:s22+$0xFFFFFFA0];
	v20 =	vadd.f32 v31, v20;
	v23, _, _ =	vpop (xrf2)  }
0x318: {  	v17 =	vadd.f32 v19, v17;
	v19 =	vmul.f32 v30, v2;
	v29 =	vld [tilespmem:s22+$0x190]  }
0x319: {  	v13 =	vadd.f32 v18, v13;
	v18 =	vmul.f32 v22, v3;
	v22 =	vld [tilespmem:s22+$0xFFFFFFB0];
	(xrf2) =	vadd.scan.msk.f32 $0xffff, v20  }
0x31a: {  	v8 =	vmul.f32 v8, v5;
	v17 =	vadd.f32 v19, v17;
	v19 =	vmul.f32 v28, v4;
	v20 =	vld [tilespmem:s22+$0x1A0];
	v28, _, _ =	vpop (xrf2)  }
0x31b: {  	v13 =	vadd.f32 v18, v13;
	v18 =	vmul.f32 v21, v2;
	v21 =	vld [tilespmem:s22+$0x210]  }
0x31c: {  	v8 =	vadd.f32 v19, v8;
	v19 =	vmul.f32 v24, v3;
	v24 =	vld [tilespmem:s22+$0x1B0];
	(xrf2) =	vadd.scan.msk.f32 $0xffff, v17  }
0x31d: {  	v6 =	vmul.f32 v6, v5;
	v13 =	vadd.f32 v18, v13;
	v17 =	vmul.f32 v29, v4;
	v18 =	vld [tilespmem:s22+$0x220];
	v29, _, _ =	vpop (xrf2)  }
0x31e: {  	v30 =	vadd.f32 v19, v8;
	v19 =	vmul.f32 v22, v2  }
0x31f: {  	v1 =	vmul.f32 v1, v5;
	v6 =	vadd.f32 v17, v6;
	v17 =	vmul.f32 v20, v3;
	v20 =	vld [tilespmem:s22+$0x230];
	(xrf2) =	vadd.scan.msk.f32 $0xffff, v13  }
0x320: {  	v13 =	vadd.f32 v19, v30;
	v4 =	vmul.f32 v21, v4;
	v8, _, _ =	vpop (xrf2);
	(v2sf) =	vpush v11, $0xF  }
0x321: {  	v6 =	vadd.f32 v17, v6;
	v11 =	vmul.f32 v24, v2;
	(v2sf) =	vpush v8, $0xF  }
0x322: {  	v1 =	vadd.f32 v4, v1;
	v3 =	vmul.f32 v18, v3;
	(xrf2) =	vadd.scan.msk.f32 $0xffff, v13;
	(v2sf) =	vpush v12, $0xF  }
0x323: {  	v4 =	vadd.f32 v11, v6;
	(v2sf) =	vpush v16, $0xF;
	v5, _, _ =	vpop (xrf2)  }
0x324: {  	v1 =	vadd.f32 v3, v1;
	v3 =	vmul.f32 v20, v2;
	(v2sf) =	vpush v5, $0xF  }
0x325: {  	(v2sf) =	vpush v29, $0xF;
	(xrf2) =	vadd.scan.msk.f32 $0xffff, v4  }
0x326: {  	v3 =	vadd.f32 v3, v1;
	(v2sf) =	vpush v28, $0xF;
	v2, _, _ =	vpop (xrf2)  }
0x327: {  	(v2sf) =	vpush v2, $0xF  }
0x328: {  	(v2sf) =	vpush v23, $0xF;
	(xrf2) =	vadd.scan.msk.f32 $0xffff, v3  }
0x329: {  	(v2sf) =	vpush v26, $0xF;
	v1, _, _ =	vpop (xrf2)  }
0x32a: {  	(v2sf) =	vpush v1, $0xF  }
0x32b: {  	(v2sf) =	vpush v25, $0xF  }
0x32c: {  	(v2sf) =	vpush v27, $0xF;
	v1, _, _ =	vpop (xrf2)  }
0x32d: {  	(v2sf) =	vpush v1, $0xF  }
0x32e: {  	(v2sf) =	vpush v15, $0xF  }
0x32f: {  	(v2sf) =	vpush v14, $0xF;
	s2 =	spop (v2sf);
	v1, _, _ =	vpop (xrf2)  }
0x330: {  	s1 =	spop (v2sf);
	(v2sf) =	vpush v1, $0xF  }
0x331: {  	s4 =	ssub.f32 s1, s2;
	(v2sf) =	vpush v9, $0xF;
	s2 =	spop (v2sf)  }
0x332: {  	s2 =	ssub.f32 s1, s2;
	s8 =	spop (v2sf);
	(v2sf) =	vpush v10, $0xF;
	v1, _, _ =	vpop (xrf2)  }
0x333: {  	s8 =	ssub.f32 s1, s8;
	s10 =	spop (v2sf);
	(v2sf) =	vpush v1, $0xF  }
0x334: {  	s10 =	ssub.f32 s1, s10;
	s17 =	spop (v2sf);
	(v2sf) =	vpush v7, $0xF  }
0x335: {  	s17 =	ssub.f32 s1, s17;
	s19 =	spop (v2sf)  }
0x336: {  	s19 =	ssub.f32 s1, s19;
	v1 =	vmov s10;
	s10 =	spop (v2sf)  }
0x337: {  	s10 =	ssub.f32 s1, s10;
	v1 =	vsel vm0, s17, v1;
	s17 =	spop (v2sf)  }
0x338: {  	s17 =	ssub.f32 s1, s17;
	v1 =	vsel vm1, s19, v1;
	s19 =	spop (v2sf)  }
0x339: {  	s19 =	ssub.f32 s1, s19;
	v1 =	vsel vm2, s10, v1;
	s10 =	spop (v2sf)  }
0x33a: {  	s10 =	ssub.f32 s1, s10;
	v1 =	vsel vm3, s17, v1;
	s17 =	spop (v2sf)  }
0x33b: {  	s17 =	ssub.f32 s1, s17;
	v1 =	vsel vm4, s19, v1;
	s19 =	spop (v2sf)  }
0x33c: {  	v2 =	vmov s24;
	s24 =	smov.u32 s12;
	s19 =	ssub.f32 s1, s19;
	v1 =	vsel vm5, s10, v1;
	s10 =	spop (v2sf)  }
0x33d: {  	v2 =	vmul.u32 $0x18, v2;
	s10 =	ssub.f32 s1, s10;
	v1 =	vsel vm6, s17, v1;
	s17 =	spop (v2sf)  }
0x33e: {  	s17 =	ssub.f32 s1, s17;
	v1 =	vsel vm7, s19, v1;
	s19 =	spop (v2sf)  }
0x33f: {  	v2 =	vadd.s32 $0x10, v2;
	s19 =	ssub.f32 s1, s19;
	v1 =	vsel vm8, s10, v1;
	s10 =	spop (v2sf)  }
0x340: {  	v2 =	vbroadcast v2, $0x0;
	v1 =	vsel vm9, s17, v1;
	s10 =	ssub.f32 s1, s10;
	s17 =	spop (v2sf)  }
0x341: {  	s17 =	ssub.f32 s1, s17;
	v1 =	vsel vm10, s19, v1;
	s19 =	spop (v2sf)  }
0x342: {  	v2 =	vor.u32 v0, v2;
	v1 =	vsel vm11, s8, v1;
	s8 =	ssub.f32 s1, s19;
	v3 =	vmov s10;
	s10 =	spop (v2sf)  }
0x343: {  	v1 =	vsel vm12, s17, v1;
	s10 =	ssub.f32 s1, s10;
	v3 =	vnsel vm0, $0x0, v3;
	s17 =	spop (v2sf)  }
0x344: {  	v1 =	vsel vm13, s2, v1;
	s1 =	ssub.f32 s1, s17;
	v3 =	vsel vm1, s8, v3  }
0x345: {  	s21 =	sadd.s32 $0x18, s21;
	v1 =	vsel vm14, s4, v1;
	v3 =	vsel vm2, s10, v3  }
0x346: {  	v3 =	vsel vm3, s1, v3;
	[tilespmem:s21+$0x0] =	vst v1  }
0x347: {  	s22 =	sadd.s32 $0x500, s22;
	[tilespmem:v2+s16+$0x0] =	vst.idx.msk $0xf, v3  }
0x348: {  	v7 =	vld [tilespmem:s22+$0x270]  }
0x349: {  	v8 =	vld [tilespmem:s22+$0x130]  }
0x34a: {  	v9 =	vld [tilespmem:s22+$0x260]  }
0x34b: {  	v6 =	vld [tilespmem:s22+$0x120]  }
0x34c: {  	v10 =	vld [tilespmem:s22+$0xF0]  }
0x34d: {  	v11 =	vld [tilespmem:s22+$0x240]  }
0x34e: {  	v12 =	vld [tilespmem:s22+$0x250]  }
0x34f: {  	v13 =	vld [tilespmem:s22+$0x1F0]  }
0x350: {  	v14 =	vld [tilespmem:s22+$0x100]  }
0x351: {  	v15 =	vld [tilespmem:s22+$0x110]  }
0x352: {  	v16 =	vld [tilespmem:s22+$0xE0]  }
0x353: {  	v17 =	vld [tilespmem:s22+$0xB0]  }
0x354: {  	v1 =	vld [tilespmem:s22+$0x200]  }
0x355: {  	v18 =	vld [tilespmem:s22+$0x1E0]  }
0x356: {  	v19 =	vld [tilespmem:s22+$0xC0]  }
0x357: {  	v20 =	vld [tilespmem:s22+$0xD0]  }
0x358: {  	v21 =	vld [tilespmem:s22+$0xA0]  }
0x359: {  	v22 =	vld [tilespmem:s22+$0x70]  }
0x35a: {  	v23 =	vld [tilespmem:s22+$0x1C0]  }
0x35b: {  	v24 =	vld [tilespmem:s22+$0x1D0]  }
0x35c: {  	v25 =	vld [tilespmem:s22+$0x80]  }
0x35d: {  	s23 =	sadd.s32 $0x40, s23;
	v26 =	vld [tilespmem:s22+$0x90]  }
0x35e: {  	s1 =	sand.u32 $0x7C0, s23;
	v27 =	vld [tilespmem:s22+$0x60]  }
0x35f: {  	v5 =	vld [tilespmem:s1+$0xD40]  }
0x360: {  	v4 =	vld [tilespmem:s1+$0xD50]  }
0x361: {  	v28 =	vld [tilespmem:s22+$0x30]  }
0x362: {  	v3 =	vld [tilespmem:s1+$0xD60]  }
0x363: {  	v29 =	vld [tilespmem:s22+$0x40]  }
0x364: {  	v2 =	vld [tilespmem:s1+$0xD70]  }
0x365: {  	v14 =	vmul.f32 v14, v5;
	v30 =	vld [tilespmem:s22+$0x50];
	v15 =	vmul.f32 v15, v4  }
0x366: {  	v31 =	vld [tilespmem:s22+$0x20]  }
0x367: {  	v32 =	vld [tilespmem:s22+$0xFFFFFFF0];
	v14 =	vadd.f32 v15, v14;
	v15 =	vmul.f32 v6, v3  }
0x368: {  	v11 =	vmul.f32 v11, v5;
	v12 =	vmul.f32 v12, v4;
	v6 =	vld [tilespmem:s22+$0x180]  }
0x369: {  	v33 =	vld [tilespmem:s22+$0x0];
	v14 =	vadd.f32 v15, v14;
	v8 =	vmul.f32 v8, v2  }
0x36a: {  	v11 =	vadd.f32 v12, v11;
	v9 =	vmul.f32 v9, v3;
	v15 =	vld [tilespmem:s22+$0x10]  }
0x36b: {  	v19 =	vmul.f32 v19, v5;
	v20 =	vmul.f32 v20, v4;
	v12 =	vld [tilespmem:s22+$0xFFFFFFE0];
	v8 =	vadd.f32 v8, v14  }
0x36c: {  	v9 =	vadd.f32 v9, v11;
	v7 =	vmul.f32 v7, v2;
	v14 =	vld [tilespmem:s22+$0xFFFFFFC0]  }
0x36d: {  	v16 =	vmul.f32 v16, v3;
	v11 =	vadd.f32 v20, v19;
	v34 =	vld [tilespmem:s22+$0xFFFFFFD0];
	(xrf2) =	vadd.scan.msk.f32 $0xffff, v8  }
0x36e: {  	v20 =	vmul.f32 v25, v5;
	v25 =	vmul.f32 v26, v4;
	v7 =	vadd.f32 v7, v9;
	v19 =	vld [tilespmem:s22+$0xFFFFFF70]  }
0x36f: {  	v10 =	vmul.f32 v10, v2;
	v9 =	vadd.f32 v16, v11;
	v8 =	vld [tilespmem:s22+$0xFFFFFF80]  }
0x370: {  	v11 =	vadd.f32 v25, v20;
	v20 =	vmul.f32 v21, v3;
	v16 =	vld [tilespmem:s22+$0xFFFFFF60];
	(xrf2) =	vadd.scan.msk.f32 $0xffff, v7  }
0x371: {  	v7 =	vadd.f32 v10, v9;
	v9 =	vmul.f32 v23, v5;
	v10 =	vmul.f32 v24, v4;
	v21 =	vld [tilespmem:s22+$0xFFFFFF30]  }
0x372: {  	v17 =	vmul.f32 v17, v2;
	v11 =	vadd.f32 v20, v11;
	v23 =	vld [tilespmem:s22+$0xFFFFFF40]  }
0x373: {  	v9 =	vadd.f32 v10, v9;
	v10 =	vmul.f32 v18, v3;
	v20 =	vld [tilespmem:s22+$0xFFFFFF50];
	(xrf2) =	vadd.scan.msk.f32 $0xffff, v7  }
0x374: {  	v24 =	vmul.f32 v30, v4;
	v7 =	vmul.f32 v29, v5;
	v29 =	vadd.f32 v17, v11;
	v18 =	vld [tilespmem:s22+$0xFFFFFF20]  }
0x375: {  	v9 =	vadd.f32 v10, v9;
	v10 =	vmul.f32 v13, v2;
	v17 =	vld [tilespmem:s22+$0xFFFFFF00]  }
0x376: {  	v7 =	vadd.f32 v24, v7;
	v24 =	vmul.f32 v27, v3;
	v25 =	vld [tilespmem:s22+$0xFFFFFF10];
	(xrf2) =	vadd.scan.msk.f32 $0xffff, v29  }
0x377: {  	v15 =	vmul.f32 v15, v4;
	v27 =	vmul.f32 v33, v5;
	v9 =	vadd.f32 v10, v9;
	v26 =	vld [tilespmem:s22+$0xFFFFFEB0];
	v11, _, _ =	vpop (xrf2)  }
0x378: {  	v10 =	vmul.f32 v22, v2;
	v29 =	vadd.f32 v24, v7;
	v13 =	vld [tilespmem:s22+$0xFFFFFEC0]  }
0x379: {  	v15 =	vadd.f32 v15, v27;
	v24 =	vmul.f32 v31, v3;
	v22 =	vld [tilespmem:s22+$0xFFFFFEA0];
	(xrf2) =	vadd.scan.msk.f32 $0xffff, v9  }
0x37a: {  	v9 =	vmul.f32 v14, v5;
	v14 =	vmul.f32 v34, v4;
	v10 =	vadd.f32 v10, v29;
	v27 =	vld [tilespmem:s22+$0xFFFFFE70];
	v7, _, _ =	vpop (xrf2)  }
0x37b: {  	v15 =	vadd.f32 v24, v15;
	v24 =	vmul.f32 v28, v2;
	v29 =	vld [tilespmem:s22+$0xFFFFFE80]  }
0x37c: {  	v9 =	vadd.f32 v14, v9;
	v14 =	vmul.f32 v12, v3;
	v28 =	vld [tilespmem:s22+$0xFFFFFE90];
	(xrf2) =	vadd.scan.msk.f32 $0xffff, v10  }
0x37d: {  	v20 =	vmul.f32 v20, v4;
	v15 =	vadd.f32 v24, v15;
	v10 =	vmul.f32 v23, v5;
	v30 =	vld [tilespmem:s22+$0xFFFFFE60];
	v12, _, _ =	vpop (xrf2)  }
0x37e: {  	v33 =	vadd.f32 v14, v9;
	v14 =	vmul.f32 v32, v2;
	v23 =	vld [tilespmem:s22+$0xFFFFFE40]  }
0x37f: {  	v16 =	vmul.f32 v16, v3;
	v10 =	vadd.f32 v20, v10;
	v24 =	vld [tilespmem:s22+$0xFFFFFE50];
	(xrf2) =	vadd.scan.msk.f32 $0xffff, v15  }
0x380: {  	v20 =	vmul.f32 v25, v4;
	v15 =	vmul.f32 v17, v5;
	v14 =	vadd.f32 v14, v33;
	v31 =	vld [tilespmem:s22+$0xFFFFFDF0];
	v9, _, _ =	vpop (xrf2)  }
0x381: {  	v32 =	vadd.f32 v16, v10;
	v16 =	vmul.f32 v19, v2;
	v17 =	vld [tilespmem:s22+$0xFFFFFE00]  }
0x382: {  	v18 =	vmul.f32 v18, v3;
	v15 =	vadd.f32 v20, v15;
	v25 =	vld [tilespmem:s22+$0xFFFFFDE0];
	(xrf2) =	vadd.scan.msk.f32 $0xffff, v14  }
0x383: {  	v19 =	vmul.f32 v29, v5;
	v20 =	vmul.f32 v28, v4;
	v32 =	vadd.f32 v16, v32;
	v14 =	vld [tilespmem:s22+$0xFFFFFDC0];
	v10, _, _ =	vpop (xrf2)  }
0x384: {  	v21 =	vmul.f32 v21, v2;
	v15 =	vadd.f32 v18, v15;
	v28 =	vld [tilespmem:s22+$0xFFFFFDD0]  }
0x385: {  	v19 =	vadd.f32 v20, v19;
	v20 =	vmul.f32 v22, v3;
	v18 =	vld [tilespmem:s22+$0xFFFFFDB0];
	(xrf2) =	vadd.scan.msk.f32 $0xffff, v32  }
0x386: {  	v22 =	vmul.f32 v23, v5;
	v23 =	vmul.f32 v24, v4;
	v15 =	vadd.f32 v21, v15;
	v29 =	vld [tilespmem:s22+$0xFFFFFD80];
	v16, _, _ =	vpop (xrf2)  }
0x387: {  	v26 =	vmul.f32 v26, v2;
	v20 =	vadd.f32 v20, v19;
	v24 =	vld [tilespmem:s22+$0xFFFFFD90]  }
0x388: {  	s11 =	sadd.s32 $0x40, s11;
	v30 =	vmul.f32 v30, v3;
	v23 =	vadd.f32 v23, v22;
	v19 =	vld [tilespmem:s22+$0xFFFFFDA0];
	(xrf2) =	vadd.scan.msk.f32 $0xffff, v15  }
.Ltmp1:
0x389: {  	v26 =	vadd.f32 v26, v20;
	v34 =	vmul.f32 v14, v5;
	v21 =	vld [tilespmem:s11+$0xFFFFFFF0];
	v28 =	vmul.f32 v28, v4;
	v14, _, _ =	vpop (xrf2);
	(pc) =	sbr.rel @p0 .LBB2_5-.Ltmp1, $4  }
0x38a: {  	v27 =	vmul.f32 v27, v2;
	v30 =	vadd.f32 v30, v23;
	v22 =	vld [tilespmem:s11+$0xFFFFFFE0]  }
0x38b: {  	v33 =	vmul.f32 v25, v3;
	v32 =	vadd.f32 v28, v34;
	v20 =	vld [tilespmem:s22+$0x140];
	(xrf2) =	vadd.scan.msk.f32 $0xffff, v26  }
0x38c: {  	v25 =	vadd.f32 v27, v30;
	v28 =	vmul.f32 v29, v5;
	v23 =	vld [tilespmem:s11+$0x0];
	v29 =	vmul.f32 v24, v4;
	v15, _, _ =	vpop (xrf2)  }
0x38d: {  	s12 =	sadd.s32 $0x1, s12;
	v27 =	vmul.f32 v31, v2;
	v26 =	vadd.f32 v33, v32;
	v24 =	vld [tilespmem:s22+$0x150]  }
0x38e: {  	v30 =	vld [tilespmem:s11+$0x10]  }
0x38f: {  	v31 =	vld [tilespmem:s22+$0x160]  }
0x390: {  	v21 =	vmul.f32 v21, v4;
	v58 =	vld [tilespmem:s22+$0xFFFFFE10];
	v22 =	vmul.f32 v22, v5  }
0x391: {  	v28 =	vadd.f32 v29, v28;
	v19 =	vmul.f32 v19, v3;
	v60 =	vld [tilespmem:s22+$0x170]  }
0x392: {  	v18 =	vmul.f32 v18, v2;
	v61 =	vld [tilespmem:s22+$0xFFFFFE20];
	v21 =	vadd.f32 v21, v22;
	v59 =	vmul.f32 v23, v3  }
0x393: {  	v63 =	vld [tilespmem:s22+$0xFFFFFED0];
	v19 =	vadd.f32 v19, v28;
	v20 =	vmul.f32 v20, v5;
	v24 =	vmul.f32 v24, v4  }
0x394: {  	v34 =	vld [tilespmem:s22+$0xFFFFFEE0];
	v26 =	vadd.f32 v27, v26;
	v21 =	vadd.f32 v59, v21;
	v62 =	vmul.f32 v30, v2  }
0x395: {  	(xrf2) =	vadd.scan.msk.f32 $0xffff, v25;
	v18 =	vadd.f32 v18, v19;
	v30 =	vld [tilespmem:s22+$0xFFFFFE30];
	v32 =	vmul.f32 v31, v3;
	v20 =	vadd.f32 v24, v20  }
0x396: {  	v17 =	vmul.f32 v17, v5;
	v35 =	vld [tilespmem:s22+$0xFFFFFF90];
	(xrf2) =	vadd.scan.msk.f32 $0xffff, v26;
	v33 =	vmul.f32 v58, v4;
	v21 =	vadd.f32 v62, v21  }
0x397: {  	v37 =	vld [tilespmem:s22+$0xFFFFFEF0];
	v23 =	vmul.f32 v60, v2;
	(xrf2) =	vadd.scan.msk.f32 $0xffff, v18;
	v20 =	vadd.f32 v32, v20  }
0x398: {  	v39 =	vld [tilespmem:s22+$0xFFFFFFA0];
	v36 =	vmul.f32 v61, v3;
	v17 =	vadd.f32 v33, v17;
	(xrf2) =	vadd.scan.msk.f32 $0xffff, v21  }
0x399: {  	v13 =	vmul.f32 v13, v5;
	v40 =	vld [tilespmem:s22+$0x190];
	v38 =	vmul.f32 v63, v4;
	v20 =	vadd.f32 v23, v20  }
0x39a: {  	v42 =	vld [tilespmem:s22+$0xFFFFFFB0];
	v17 =	vadd.f32 v36, v17;
	v19 =	vmul.f32 v30, v2  }
0x39b: {  	v47 =	vld [tilespmem:s22+$0x210];
	v41 =	vmul.f32 v34, v3;
	v13 =	vadd.f32 v38, v13;
	(xrf2) =	vadd.scan.msk.f32 $0xffff, v20  }
0x39c: {  	v8 =	vmul.f32 v8, v5;
	v44 =	vld [tilespmem:s22+$0x1A0];
	v43, _, _ =	vpop (xrf2);
	v18 =	vmul.f32 v35, v4;
	v17 =	vadd.f32 v19, v17  }
0x39d: {  	v53 =	vld [tilespmem:s22+$0x220];
	v45, _, _ =	vpop (xrf2);
	v46 =	vmul.f32 v37, v2;
	v13 =	vadd.f32 v41, v13  }
0x39e: {  	v50 =	vld [tilespmem:s22+$0x1B0];
	v6 =	vmul.f32 v6, v5;
	v49 =	vmul.f32 v39, v3;
	v48, _, _ =	vpop (xrf2);
	v8 =	vadd.f32 v18, v8;
	(xrf2) =	vadd.scan.msk.f32 $0xffff, v17  }
0x39f: {  	v57 =	vld [tilespmem:s22+$0x230];
	v1 =	vmul.f32 v1, v5;
	v52 =	vmul.f32 v40, v4;
	v51, _, _ =	vpop (xrf2);
	v13 =	vadd.f32 v46, v13  }
0x3a0: {  	v55 =	vmul.f32 v42, v2;
	v59 =	vmul.f32 v47, v4;
	v8 =	vadd.f32 v49, v8;
	v54, _, _ =	vpop (xrf2)  }
0x3a1: {  	(v2sf) =	vpush v11, $0xF;
	v6 =	vadd.f32 v52, v6;
	v19 =	vmul.f32 v44, v3;
	(xrf2) =	vadd.scan.msk.f32 $0xffff, v13;
	v56, _, _ =	vpop (xrf2)  }
0x3a2: {  	v1 =	vadd.f32 v59, v1;
	v58 =	vadd.f32 v55, v8;
	v3 =	vmul.f32 v53, v3;
	v60, _, _ =	vpop (xrf2)  }
0x3a3: {  	v61 =	vmul.f32 v50, v2;
	v6 =	vadd.f32 v19, v6;
	(v2sf) =	vpush v60, $0xF  }
0x3a4: {  	v2 =	vmul.f32 v57, v2;
	v1 =	vadd.f32 v3, v1;
	(xrf2) =	vadd.scan.msk.f32 $0xffff, v58;
	(v2sf) =	vpush v12, $0xF  }
0x3a5: {  	v62 =	vadd.f32 v61, v6;
	(v2sf) =	vpush v16, $0xF;
	v63, _, _ =	vpop (xrf2)  }
0x3a6: {  	(v2sf) =	vpush v63, $0xF  }
0x3a7: {  	v1 =	vadd.f32 v2, v1;
	(xrf2) =	vadd.scan.msk.f32 $0xffff, v62;
	(v2sf) =	vpush v56, $0xF  }
0x3a8: {  	v2, _, _ =	vpop (xrf2);
	(v2sf) =	vpush v54, $0xF  }
0x3a9: {  	(v2sf) =	vpush v2, $0xF  }
0x3aa: {  	(xrf2) =	vadd.scan.msk.f32 $0xffff, v1;
	(v2sf) =	vpush v51, $0xF  }
0x3ab: {  	v1, _, _ =	vpop (xrf2);
	(v2sf) =	vpush v48, $0xF  }
0x3ac: {  	(v2sf) =	vpush v1, $0xF  }
0x3ad: {  	(v2sf) =	vpush v45, $0xF  }
0x3ae: {  	v1, _, _ =	vpop (xrf2);
	(v2sf) =	vpush v43, $0xF  }
0x3af: {  	(v2sf) =	vpush v1, $0xF  }
0x3b0: {  	(v2sf) =	vpush v15, $0xF  }
0x3b1: {  	s2 =	spop (v2sf);
	v1, _, _ =	vpop (xrf2);
	(v2sf) =	vpush v14, $0xF  }
0x3b2: {  	s1 =	spop (v2sf);
	(v2sf) =	vpush v1, $0xF  }
0x3b3: {  	s2 =	ssub.f32 s1, s2;
	(v2sf) =	vpush v9, $0xF;
	s4 =	spop (v2sf)  }
0x3b4: {  	v1, _, _ =	vpop (xrf2);
	s4 =	ssub.f32 s1, s4;
	s8 =	spop (v2sf);
	(v2sf) =	vpush v10, $0xF  }
0x3b5: {  	s8 =	ssub.f32 s1, s8;
	s10 =	spop (v2sf);
	(v2sf) =	vpush v1, $0xF  }
0x3b6: {  	s10 =	ssub.f32 s1, s10;
	s23 =	spop (v2sf);
	(v2sf) =	vpush v7, $0xF  }
0x3b7: {  	s11 =	ssub.f32 s1, s23;
	s12 =	spop (v2sf)  }
0x3b8: {  	s12 =	ssub.f32 s1, s12;
	v1 =	vmov s10;
	s31 =	spop (v2sf)  }
0x3b9: {  	s10 =	ssub.f32 s1, s31;
	v1 =	vsel vm0, s11, v1;
	s17 =	spop (v2sf)  }
0x3ba: {  	s11 =	ssub.f32 s1, s17;
	v1 =	vsel vm1, s12, v1;
	s19 =	spop (v2sf)  }
0x3bb: {  	s12 =	ssub.f32 s1, s19;
	v1 =	vsel vm2, s10, v1;
	s22 =	spop (v2sf)  }
0x3bc: {  	s10 =	ssub.f32 s1, s22;
	v1 =	vsel vm3, s11, v1;
	s23 =	spop (v2sf)  }
0x3bd: {  	s11 =	ssub.f32 s1, s23;
	v1 =	vsel vm4, s12, v1;
	s31 =	spop (v2sf)  }
0x3be: {  	v2 =	vmov s24;
	s12 =	ssub.f32 s1, s31;
	v1 =	vsel vm5, s10, v1;
	s17 =	spop (v2sf)  }
0x3bf: {  	v2 =	vmul.u32 $0x18, v2;
	s10 =	ssub.f32 s1, s17;
	v1 =	vsel vm6, s11, v1;
	s19 =	spop (v2sf)  }
0x3c0: {  	s11 =	ssub.f32 s1, s19;
	v1 =	vsel vm7, s12, v1;
	s22 =	spop (v2sf)  }
0x3c1: {  	v2 =	vadd.s32 $0x10, v2;
	s12 =	ssub.f32 s1, s22;
	v1 =	vsel vm8, s10, v1;
	s23 =	spop (v2sf)  }
0x3c2: {  	v2 =	vbroadcast v2, $0x0;
	v1 =	vsel vm9, s11, v1;
	s10 =	ssub.f32 s1, s23;
	s24 =	spop (v2sf)  }
0x3c3: {  	s11 =	ssub.f32 s1, s24;
	v1 =	vsel vm10, s12, v1;
	s31 =	spop (v2sf)  }
0x3c4: {  	v2 =	vor.u32 v0, v2;
	v1 =	vsel vm11, s8, v1;
	s17 =	ssub.f32 s1, s31;
	v3 =	vmov s10;
	s19 =	spop (v2sf)  }
0x3c5: {  	v1 =	vsel vm12, s11, v1;
	s10 =	ssub.f32 s1, s19;
	v3 =	vnsel vm0, $0x0, v3;
	s22 =	spop (v2sf)  }
0x3c6: {  	v1 =	vsel vm13, s4, v1;
	s1 =	ssub.f32 s1, s22;
	v3 =	vsel vm1, s17, v3  }
0x3c7: {  	s9 =	sadd.s32 $0x1, s9;
	s23 =	sadd.s32 $0x18, s21;
	s24 =	smul.u32 $0x3, s18;
	v1 =	vsel vm14, s2, v1;
	v3 =	vsel vm2, s10, v3  }
0x3c8: {  	p0 =	sne.s32 s9, $0x8;
	s31 =	rddreg [dreg:$0x3];
	v3 =	vsel vm3, s1, v3;
	[tilespmem:s23+$0x0] =	vst v1  }
.Ltmp2:
0x3c9: {  	s1 =	sadd.s32 s31, s24;
	[tilespmem:v2+s16+$0x0] =	vst.idx.msk $0xf, v3;
	(pc) =	sbr.rel @p0 .LBB2_2-.Ltmp2, $4  }
0x3ca: {  	[hbm4b:s1+s5] =	stream.linear.scatter [tilespmem:s16], [sflag:$0x3], $0x300, $0x38;
	[tilespmem:$0x16B40] =	vst v63  }
0x3cb: {  	_ =	swait.ge [sflag:s20], $0x300  }
0x3cc: {  	[sflag:s20] =	ssyncset.done $0x0  }
0x3cd: {  	[sflag:s20] =	ssyncadd.s32 $0xFFFFFD00  }
0x3ce: {  	s2 =	rddreg [dreg:$0x10]  }
0x3cf: {  	s1 =	rddreg [dreg:$0xe];
	s2 =	sadd.s32 $0x1, s2  }
0x3d0: {  	p0 =	sne.s32 s2, s1  }
.Ltmp3:
0x3d1: {  	_ = 	snop;
	(pc) =	sbr.rel @p0 .LBB2_1-.Ltmp3, $1  }
0x3d2: {  	_ =	sdelay $0x3  }
0x3d3: {  	_ =	sfence.sel $0x180000  }
0x3d4: {  	[bflag:$0x0] =	sbarrier.arrive $0xFFFF  }
0x3d5: {  	_ =	strace $0x9000004A  }
0x3d6: {  	s0 =	stileid.u32;
	[bflag:$0x2] =	sbarrier.arrive $0xFFFF  }
0x3d7: {  	p0 =	sne.s32 s0, $0x0;
	s0 =	rddreg [dreg:$0x4]  }
0x3d8: {  	s0 =	sadd.s32 @!p0 $0x100000, s0  }
0x3d9: {  	[sflag:s0] =	ssyncadd.tile.s32 @!p0 $0x1;
	_ =	shalt  }
.Lfunc_end2:
_tile_overlayer_lowered:
.L_overlay_start_2:
0x3da: {  	(tag) =	ssettag $0x2  }
0x3db: {  	s0 =	rddreg [dreg:$0x0];
	s2 =	stileid.u32  }
0x3dc: {  	s1 =	rddreg [dreg:$0x1];
	p0 =	sne.s32 s2, $0x0  }
0x3dd: {  	s3 =	rddreg [dreg:$0x2];
	[bflag:$0x3] =	sbarrier.arrive $0xFFFF;
	s2 =	simm.s32 @!p0 $0x1C03  }
0x3de: {  	[timem:s3], [sflag:s2] =	dma.local @!p0 [hbm:s0], s1  }
0x3df: {  	s0 =	simm.s32 @!p0 $0x3  }
0x3e0: {  	_ =	swait.ge @!p0 [sflag:s0], s1  }
0x3e1: {  	s1 =	ssub.s32 @!p0 $0x0, s1;
	[sflag:s0] =	ssyncset.done @!p0 $0x0  }
0x3e2: {  	[sflag:s0] =	ssyncadd.s32 @!p0 s1  }
0x3e3: {  	[bflag:$0x3] =	sbarrier.arrive $0xFFFF  }
0x3e4: {  	_ =	shalt  }

// kernel: gather_offload_async_start
scs
__scs_entry_jumppad:
0x0: {  	(pc) =	sbr.rel $0x88, $3  }
0x1: {  	(tag) =	ssettag $0x0;
	lr =	simm.s32 $0x1  }
0x2: {  	[smem:$0x3F9C] =	sst lr;
	_ =	strace $0xD0000000  }
0x3: {  	_ = 	snop  }
0x4: {  	_ = 	snop  }
0x5: {  	_ = 	snop  }
0x6: {  	_ = 	snop  }
0x7: {  	_ = 	snop  }
__scs_overlays_trampoline_lowered:
0x8: {  	[smem:$0x3FAB] =	sst s0  }
0x9: {  	[smem:$0x3FAC] =	sst s1  }
0xa: {  	[smem:$0x3FAD] =	sst s2  }
0xb: {  	[smem:$0x3FAE] =	sst s3  }
0xc: {  	[smem:$0x3FAF] =	sst s4  }
0xd: {  	[smem:$0x3FB0] =	sst s5  }
0xe: {  	[smem:$0x3FB1] =	sst s6  }
0xf: {  	[smem:$0x3FB2] =	sst s7  }
0x10: {  	[smem:$0x3FB3] =	sst s8  }
0x11: {  	[smem:$0x3FB4] =	sst s9;
	s0 =	simm.s32 @!p0 $0x0  }
0x12: {  	s1 =	sld [smem:$0x3F9A];
	s0 =	simm.s32 @p0 $0x1  }
0x13: {  	[smem:$0x3FB5] =	sst s0;
	s0 =	simm.s32 @!p1 $0x0  }
0x14: {  	s2 =	sld [smem:$0x3F99];
	s0 =	simm.s32 @p1 $0x1  }
0x15: {  	[smem:$0x3FB6] =	sst s0;
	s0 =	simm.s32 @!p2 $0x0  }
0x16: {  	s3 =	sld [smem:$0x3FDB];
	s0 =	simm.s32 @p2 $0x1  }
0x17: {  	s4 =	simm.s32 $0x1BF5;
	[smem:$0x3FB8] =	sst s0  }
0x18: {  	s0 =	sld [smem:$0x3F9B];
	_ =	swait.ge [sflag:s4], $0x0  }
0x19: {  	s7 =	sld [smem:$0x3F9C]  }
0x1a: {  	s8 =	sadd.s32 $0xFFFFE003, lr  }
0x1b: {  	s9 =	sadd.s32 $0xFFFFFEF7, lr;
	s5 =	simm.s32 $0xFFFFFFFF;
	p2 =	slt.u32 s8, $0xFFFFF086  }
0x1c: {  	p1 =	slt.u32 s9, $0xF7A;
	s5 =	simm.s32 @!p2 $0x0  }
0x1d: {  	s5 =	simm.s32 @p1 $0x1;
	p0 =	seq.s32 s7, s2  }
0x1e: {  	s7 =	smul.u32 @!p0 $0xF7A, s2;
	p2 =	seq.s32 @!p0 s5, $0x0  }
0x1f: {  	s9 =	smul.u32 $0xF7A, s1;
	s8 =	simm.s32 @!p0 $0x1BF5;
	p2 =	por !p2, p0  }
0x20: {  	[sflag:s8] =	ssyncset.s32 @!p0 $0xFFFFF086;
	s6 =	sadd.s32 @!p0 s3, s7;
	s7 =	simm.s32 @!p0 $0x108  }
0x21: {  	s3 =	sadd.s32 s3, s9;
	s6 =	sadd.s32 @!p0 $0x88, s6;
	s7 =	simm.s32 @p2 $0x1082  }
0x22: {  	[simem:s7], [sflag:s8] =	dma.local @!p0 [hbm:s6], $0xF7A  }
0x23: {  	s9 =	sor.u32 $0xD0000000, s2;
	s6 =	simm.s32 $0x108;
	_ =	swait.ge @!p0 [sflag:s8], $0x0  }
0x24: {  	s3 =	sadd.s32 $0x88, s3;
	s6 =	simm.s32 @!p1 $0x1082;
	[sflag:s4] =	ssyncset.s32 $0xFFFFF086  }
0x25: {  	[simem:s6], [sflag:s4] =	dma.local [hbm:s3], $0xF7A  }
0x26: {  	[smem:$0x3F9C] =	sst s1;
	(tag) =	ssettag s2;
	_ =	strace s9  }
0x27: {  	s1 =	sld [smem:$0x3FAC]  }
0x28: {  	s2 =	sld [smem:$0x3FAD]  }
0x29: {  	s4 =	sld [smem:$0x3FAF]  }
0x2a: {  	p0 =	seq.s32 s5, $0x0;
	s5 =	sld [smem:$0x3FB0]  }
0x2b: {  	s6 =	sld [smem:$0x3FB1]  }
0x2c: {  	s7 =	sld [smem:$0x3FB2]  }
0x2d: {  	s3 =	simm.s32 $0x108;
	s8 =	sld [smem:$0x3FB3]  }
0x2e: {  	s3 =	simm.s32 @!p0 $0x1082;
	s9 =	sld [smem:$0x3FB4]  }
0x2f: {  	lr =	sadd.s32 s0, s3;
	s0 =	sld [smem:$0x3FAB]  }
0x30: {  	s3 =	sld [smem:$0x3FAE]  }
0x31: {  	[smem:$0x3FB7] =	sst s10  }
0x32: {  	s10 =	sld [smem:$0x3FB5];
	_ =	sdelay $0x3  }
0x33: {  	p0 =	seq.s32 s10, $0x1;
	s10 =	sld [smem:$0x3FB7];
	_ =	sdelay $0x3  }
0x34: {  	[smem:$0x3FB7] =	sst s10  }
0x35: {  	s10 =	sld [smem:$0x3FB6];
	_ =	sdelay $0x3  }
0x36: {  	p1 =	seq.s32 s10, $0x1;
	s10 =	sld [smem:$0x3FB7];
	_ =	sdelay $0x3  }
0x37: {  	[smem:$0x3FB7] =	sst s10  }
0x38: {  	s10 =	sld [smem:$0x3FB8]  }
0x39: {  	_ = 	snop;
	(pc) =	sbr.ind lr, $3  }
0x3a: {  	_ = 	snop  }
0x3b: {  	_ = 	snop  }
0x3c: {  	p2 =	seq.s32 s10, $0x1;
	s10 =	sld [smem:$0x3FB7]  }
0x3d: {  	_ =	shalt  }
0x3e: {  	_ =	shalt  }
0x3f: {  	_ =	shalt  }
0x40: {  	_ =	shalt  }
0x41: {  	_ =	shalt  }
0x42: {  	_ =	shalt  }
0x43: {  	_ =	shalt  }
0x44: {  	_ =	shalt  }
0x45: {  	_ =	shalt  }
0x46: {  	_ =	shalt  }
0x47: {  	_ =	shalt  }
0x48: {  	_ =	shalt  }
0x49: {  	_ =	shalt  }
0x4a: {  	_ =	shalt  }
0x4b: {  	_ =	shalt  }
0x4c: {  	_ =	shalt  }
0x4d: {  	_ =	shalt  }
0x4e: {  	_ =	shalt  }
0x4f: {  	_ =	shalt  }
0x50: {  	_ =	shalt  }
0x51: {  	_ =	shalt  }
0x52: {  	_ =	shalt  }
0x53: {  	_ =	shalt  }
0x54: {  	_ =	shalt  }
0x55: {  	_ =	shalt  }
0x56: {  	_ =	shalt  }
0x57: {  	_ =	shalt  }
0x58: {  	_ =	shalt  }
0x59: {  	_ =	shalt  }
0x5a: {  	_ =	shalt  }
0x5b: {  	_ =	shalt  }
0x5c: {  	_ =	shalt  }
0x5d: {  	_ =	shalt  }
0x5e: {  	_ =	shalt  }
0x5f: {  	_ =	shalt  }
0x60: {  	_ =	shalt  }
0x61: {  	_ =	shalt  }
0x62: {  	_ =	shalt  }
0x63: {  	_ =	shalt  }
0x64: {  	_ =	shalt  }
0x65: {  	_ =	shalt  }
0x66: {  	_ =	shalt  }
0x67: {  	_ =	shalt  }
0x68: {  	_ =	shalt  }
0x69: {  	_ =	shalt  }
0x6a: {  	_ =	shalt  }
0x6b: {  	_ =	shalt  }
0x6c: {  	_ =	shalt  }
0x6d: {  	_ =	shalt  }
0x6e: {  	_ =	shalt  }
0x6f: {  	_ =	shalt  }
0x70: {  	_ =	shalt  }
0x71: {  	_ =	shalt  }
0x72: {  	_ =	shalt  }
0x73: {  	_ =	shalt  }
0x74: {  	_ =	shalt  }
0x75: {  	_ =	shalt  }
0x76: {  	_ =	shalt  }
0x77: {  	_ =	shalt  }
0x78: {  	_ =	shalt  }
0x79: {  	_ =	shalt  }
0x7a: {  	_ =	shalt  }
0x7b: {  	_ =	shalt  }
0x7c: {  	_ =	shalt  }
0x7d: {  	_ =	shalt  }
0x7e: {  	_ =	shalt  }
0x7f: {  	_ =	shalt  }
0x80: {  	_ =	shalt  }
0x81: {  	_ =	shalt  }
0x82: {  	_ =	shalt  }
0x83: {  	_ =	shalt  }
0x84: {  	_ =	shalt  }
0x85: {  	_ =	shalt  }
0x86: {  	_ =	shalt  }
0x87: {  	_ =	shalt  }
.Lfunc_end0:
.L_simem_size_0:
called_computation_lowered:
.L_overlay_start_0:
0x88: {  	s2 =	sld [smem:$0x3FD9]  }
0x89: {  	s3 =	sld [smem:$0x3FFE];
	_ =	sdelay $0x1  }
0x8a: {  	s1 =	srdreg.scid  }
0x8b: {  	s0 =	sand.u32 $0x1, s1  }
0x8c: {  	s16 =	sshll.u32 s0, $0xA;
	s2 =	sadd.s32 s3, s2  }
0x8d: {  	s2 =	sadd.s32 s2, s16  }
0x8e: {  	[smem:$0x3FC3] =	sst s2  }
0x8f: {  	_ = 	snop  }
0x90: {  	(tm) =	ssettm $0x1  }
0x91: {  	s17 =	sld [smem:$0x3FFB];
	_ =	sdelay $0x3  }
0x92: {  	_ =	strace s17  }
0x93: {  	s2 =	sld [smem:$0x3FFC];
	_ =	sdelay $0x3  }
0x94: {  	_ =	strace s2  }
0x95: {  	s2 =	sld [smem:$0x3FFD];
	_ =	sdelay $0x3  }
0x96: {  	_ =	strace s2  }
0x97: {  	_ =	strace $0x8FFFFFFF  }
0x98: {  	s18 =	sld [smem:$0x3FDB];
	_ =	sdelay $0x1  }
0x99: {  	s19 =	simm.s32 $_scs_section_size  }
0x9a: {  	s4 =	simm.s32 $_size__tile_overlayer_lowered;
	s5 =	simm.s32 $_tile_overlayer_lowered  }
0x9b: {  	s22 =	simm.s32 $0x1BFF;
	s21 =	sshll.u32 s5, $0x1;
	s2 =	sadd.s32 s19, s18  }
0x9c: {  	s6 =	simm.s32 $0x0;
	s20 =	sshll.u32 s4, $0x1;
	s4 =	sadd.s32 s21, s2  }
0x9d: {  	[timem:s6], [sflag:s22] =	dma.local [hbm:s4], s20  }
0x9e: {  	_ =	swait.ge [sflag:s22], s20  }
0x9f: {  	s3 =	ssub.s32 $0x0, s20;
	[sflag:s22] =	ssyncset.done $0x0  }
0xa0: {  	[sflag:s22] =	ssyncadd.s32 s3;
	_ =	sdelay $0x1  }
0xa1: {  	s23 =	simm.s32 $0x1B8B  }
0xa2: {  	_ =	swait.ge [sflag:s23], $0x1  }
0xa3: {  	[sflag:s23] =	ssyncset.done $0x0  }
0xa4: {  	s25 =	simm.s32 $0x1B8E;
	s24 =	sld [smem:$0x3FFE];
	[sflag:s23] =	ssyncadd.s32 $0xFFFFFFFF  }
0xa5: {  	s26 =	simm.s32 $execute0_lowered;
	[smem:$0x3FD2] =	sst s25  }
0xa6: {  	s4 =	sshll.u32 s26, $0x1;
	_ =	strace $0x80000046;
	[dreg:$0x1] =	wrdreg $0xFFFFFFFF  }
0xa7: {  	s28 =	simm.s32 $_size_execute0_lowered;
	s2 =	sadd.s32 s2, s4;
	[dreg:$0x0] =	wrdreg $0x0  }
0xa8: {  	s4 =	sshll.u32 s28, $0x1;
	[dreg:$0x2] =	wrdreg s2  }
0xa9: {  	[dreg:$0x3] =	wrdreg s4  }
0xaa: {  	[dreg:$0x4] =	wrdreg $0xC0  }
0xab: {  	_ =	task [dreg:s6], $0x5FFFF  }
0xac: {  	[dreg:$0x1] =	wrdreg $0xFFFFFFFF  }
0xad: {  	[dreg:$0x0] =	wrdreg $0x60  }
0xae: {  	[dreg:$0x2] =	wrdreg s24  }
0xaf: {  	[dreg:$0x3] =	wrdreg $0x9  }
0xb0: {  	_ =	task.clear_ibuf [dreg:s6], $0x4FFFF;
	_ =	strace $0x90000046  }
0xb1: {  	s29 =	simm.s32 $0x9;
	_ =	strace $0x80000048  }
0xb2: {  	_ =	swait.ge [sflag:s29], $0x1  }
0xb3: {  	[sflag:s29] =	ssyncadd.s32 $0xFFFFFFFF  }
0xb4: {  	_ =	strace $0x90000048  }
0xb5: {  	_ =	sfence  }
0xb6: {  	s30 =	sld [smem:$0x0];
	_ =	sdelay $0x2  }
0xb7: {  	s31 =	sshll.u32 s1, $0xD;
	s1 =	sshrl.u32 s1, $0x2  }
0xb8: {  	s3 =	sand.u32 $0x4000, s31;
	s1 =	sadd.s32 s1, s30  }
0xb9: {  	s0 =	sor.u32 s3, s0;
	s1 =	sshll.u32 s1, $0x11  }
0xba: {  	s0 =	sor.u32 s1, s0  }
0xbb: {  	s0 =	sadd.s32 $0x8F2B, s0  }
0xbc: {  	[sflag:s0] =	ssyncadd.remote.s32 $0x1  }
0xbd: {  	_ =	sfence.sel $0xFFFF  }
0xbe: {  	[dreg:$0x0] =	wrdreg $0xFFFFFFFF;
	(pc) =	sbr.abs _section_cstart, $3  }
0xbf: {  	[dreg:$0x1] =	wrdreg $0xFFFFFFFF  }
0xc0: {  	_ =	task.clear_ibuf [dreg:s6], $0x2FFFF;
	_ =	strace $0x9FFFFFFF  }
0xc1: {  	(tm) =	ssettm $0x7FFFFFFF  }
tec
execute0_lowered:
.L_overlay_start_1:
0x0: {  	(tag) =	ssettag $0x1  }
0x1: {  	s7 =	rddreg [dreg:$0x0]  }
0x2: {  	s0 =	rddreg [dreg:$0x1];
	_ =	strace $0x80000047  }
0x3: {  	s1 =	srdreg.scid;
	s4 =	simm.s32 $0x1;
	s9 =	simm.s32 $0x3  }
0x4: {  	s11 =	simm.s32 $0x0;
	p0 =	por $0x0, $0x0;
	s5 =	sshll.u32 s1, $0x4  }
.Ltmp0:
0x5: {  	s1 =	stileid.u32;
	s5 =	sand.u32 $0x10, s5;
	(pc) =	sbr.rel .LBB2_1-.Ltmp0, $4  }
0x6: {  	s2 =	sadd.s32 $0x1400, s7;
	s3 =	sadd.s32 $0xC00, s7;
	s6 =	sor.u32 s1, s5  }
0x7: {  	[sflag:s4] =	ssyncpa.u1 $0x0;
	s5 =	simm.s32 $0x2;
	s6 =	sshll.u32 s6, $0x9  }
0x8: {  	s7 =	sadd.s32 $0xF43800, s7;
	[sflag:s5] =	ssyncpa.u1 $0x0;
	s8 =	sadd.s32 $0x200, s6  }
0x9: {  	vm0 =	vmmov $0xff;
	vm1 =	vcmask $0x3F20;
	[sflag:s9] =	ssyncpa.u1 $0x0;
	s10 =	smov.u32 s6;
	s9 =	simm.s32 $0x0  }
.LBB2_7:
0xa: {  	p1 =	slt.u32 s9, $0x2;
	s11 =	sadd.s32 $0x100, s10  }
0xb: {  	s13 =	smov.u32 s6;
	s9 =	sadd.s32 $0x1, s9;
	p2 =	slt.s32 s11, s8  }
0xc: {  	s13 =	smov.u32 @p2 s11;
	p2 =	sne.s32 s9, $0x4  }
.Ltmp1:
0xd: {  	_ = 	snop;
	(pc) =	sbr.rel @!p2 .LBB2_8-.Ltmp1, $4  }
0xe: {  	s12 =	simm.s32 @!p1 $0x3  }
0xf: {  	_ =	swait.ge @!p1 [sflag:s12], $0x8000  }
0x10: {  	p0 =	por !p0, !p0;
	[sflag:s12] =	ssyncset.done @!p1 $0x0  }
0x11: {  	s11 =	smov.u32 s10;
	s10 =	smov.u32 s13;
	[sflag:s12] =	ssyncadd.s32 @!p1 $0xFFFF8000  }
.LBB2_1:
0x12: {  	p1 =	sgt.u32 s9, $0x1  }
0x13: {  	s12 =	sshll.u32 @!p1 s9, $0x8;
	s13 =	sshrl.u32 @!p1 s10, $0x3  }
0x14: {  	s14 =	sand.u32 @!p1 $0x7, s10;
	s12 =	sxor.u32 @!p1 $0x100, s12;
	s13 =	sadd.s32 @!p1 s3, s13  }
0x15: {  	[tilespmem:s12], [sflag:$0x2] =	stream.linear.gather @!p1 [hbm4b:s13+s14], $0x100, $0x38;
	[tilespmem:$0x10200] =	vst v63  }
0x16: {  	p1 =	seq.s32 s9, $0x0  }
0x17: {  	p2 =	seq.s32 @!p1 s9, $0x3  }
0x18: {  	p1 =	por p1, p2  }
.Ltmp2:
0x19: {  	_ = 	snop;
	(pc) =	sbr.rel @p1 .LBB2_7-.Ltmp2, $1  }
0x1a: {  	_ =	sdelay $0x3  }
0x1b: {  	s12 =	simm.s32 $0x1  }
0x1c: {  	_ =	swait.ge [sflag:s5], $0x100;
	s12 =	simm.s32 @!p0 $0x0  }
0x1d: {  	[sflag:s5] =	ssyncset.done $0x0;
	s14 =	sshll.u32 s12, $0x8  }
0x1e: {  	[sflag:s5] =	ssyncadd.s32 $0xFFFFFF00;
	s13 =	sadd.s32 $0x0, s14  }
0x1f: {  	v0 =	vld.msk [tilespmem:s13+$0x0 ss:$0x1], $0xffff;
	_ =	sdelay $0x4  }
0x20: {  	vm2 =	vgt.s32 v0, $0x0  }
0x21: {  	v0 =	vnsel vm2, $0x0, v0  }
0x22: {  	v0 =	vmin.u32 v0, $0xF423F  }
0x23: {  	v0 =	vshll.u32 v0, $0x4;
	_ =	sdelay $0x2  }
0x24: {  	s12 =	sshll.u32 s12, $0xF  }
0x25: {  	s12 =	sor.u32 $0x200, s12  }
0x26: {  	[tilespmem:s12], [sflag:$0x1] =	stream.indirect_vreg.gather [hbm:s2], $0x80, v0, vm0, $0x38;
	[tilespmem:$0x10200] =	vst v63  }
0x27: {  	s15 =	sadd.s32 $0x10, s14;
	s13 =	sadd.s32 $0x400, s12  }
0x28: {  	[tilespmem:s13], [sflag:$0x1] =	stream.indirect_vreg.gather [hbm:s2], $0x80, v0, vm1, $0x38;
	[tilespmem:$0x10200] =	vst v63  }
0x29: {  	s16 =	simm.s32 $0x80;
	v0 =	vld.msk [tilespmem:s15+$0x0 ss:$0x1], $0xffff;
	s15 =	smov.u32 s12  }
.LBB2_3:
0x2a: {  	p1 =	sne.s32 s16, $0x3C0;
	_ =	sdelay $0x4  }
0x2b: {  	vm2 =	vgt.s32 v0, $0x0  }
0x2c: {  	v0 =	vnsel vm2, $0x0, v0  }
0x2d: {  	v0 =	vmin.u32 v0, $0xF423F  }
0x2e: {  	v0 =	vshll.u32 v0, $0x4;
	_ =	sdelay $0x3  }
.Ltmp3:
0x2f: {  	s17 =	sshra.s32 s16, $0x2;
	s15 =	sadd.s32 $0x800, s15;
	(pc) =	sbr.rel @p1 .LBB2_3-.Ltmp3, $4  }
0x30: {  	[tilespmem:s15], [sflag:$0x1] =	stream.indirect_vreg.gather [hbm:s2], $0x80, v0, vm0, $0x38;
	[tilespmem:$0x10200] =	vst v63  }
0x31: {  	s17 =	sadd.s32 s17, s14;
	s18 =	sadd.s32 $0x400, s15  }
0x32: {  	[tilespmem:s18], [sflag:$0x1] =	stream.indirect_vreg.gather [hbm:s2], $0x80, v0, vm1, $0x38;
	[tilespmem:$0x10200] =	vst v63  }
0x33: {  	s16 =	sadd.s32 $0x40, s16;
	v0 =	vld.msk [tilespmem:s17+$0x0 ss:$0x1], $0xffff  }
0x34: {  	_ =	sdelay $0x3  }
0x35: {  	vm2 =	vgt.s32 v0, $0x0  }
0x36: {  	v0 =	vnsel vm2, $0x0, v0  }
0x37: {  	v0 =	vmin.u32 v0, $0xF423F  }
0x38: {  	v0 =	vshll.u32 v0, $0x4;
	_ =	sdelay $0x3  }
0x39: {  	s14 =	sadd.s32 $0x800, s15  }
0x3a: {  	[tilespmem:s14], [sflag:$0x1] =	stream.indirect_vreg.gather [hbm:s2], $0x80, v0, vm0, $0x38;
	[tilespmem:$0x10200] =	vst v63  }
0x3b: {  	s14 =	sadd.s32 $0x400, s14  }
0x3c: {  	[tilespmem:s14], [sflag:$0x1] =	stream.indirect_vreg.gather [hbm:s2], $0x80, v0, vm1, $0x38;
	[tilespmem:$0x10200] =	vst v63  }
0x3d: {  	s11 =	sshll.u32 s11, $0x4;
	_ =	swait.ge [sflag:s4], $0x8000  }
0x3e: {  	s11 =	sadd.s32 s11, s7;
	[sflag:s4] =	ssyncset.done $0x0  }
0x3f: {  	s15 =	sadd.s32 $0x0, s11;
	s14 =	simm.s32 $0x80;
	[sflag:s4] =	ssyncadd.s32 $0xFFFF8000  }
.LBB2_5:
0x40: {  	[hbm:s15] =	stream.linear.scatter [tilespmem:s12], [sflag:$0x3], $0x400, $0x38;
	[tilespmem:$0x10200] =	vst v63  }
0x41: {  	s15 =	smov.u32 s14;
	s12 =	smov.u32 s13;
	p1 =	sne.s32 s14, $0xF80  }
.Ltmp4:
0x42: {  	s14 =	sadd.s32 $0x80, s14;
	(pc) =	sbr.rel @p1 .LBB2_5-.Ltmp4, $2  }
0x43: {  	_ =	sdelay $0x2  }
0x44: {  	s13 =	sadd.s32 $0x400, s13;
	s15 =	sadd.s32 s15, s11  }
.Ltmp5:
0x45: {  	(pc) =	sbr.rel .LBB2_7-.Ltmp5, $2  }
0x46: {  	_ =	sdelay $0x2  }
0x47: {  	[hbm:s15] =	stream.linear.scatter [tilespmem:s12], [sflag:$0x3], $0x400, $0x38;
	[tilespmem:$0x10200] =	vst v63  }
.LBB2_8:
0x48: {  	_ =	sfence.sel $0x180000  }
0x49: {  	s2 =	simm.s32 $0x2;
	[bflag:$0x0] =	sbarrier.arrive $0xFFFF  }
0x4a: {  	s30 =	simm.s32 $0x3;
	[sflag:s2] =	ssyncpa.u1 $0x1  }
0x4b: {  	s31 =	simm.s32 $0x1;
	[sflag:s30] =	ssyncpa.u1 $0x1  }
0x4c: {  	[sflag:s31] =	ssyncpa.u1 $0x1  }
0x4d: {  	p0 =	sne.s32 s1, $0x0;
	_ =	strace $0x90000047  }
0x4e: {  	s0 =	sadd.s32 @!p0 $0x100000, s0;
	[bflag:$0x2] =	sbarrier.arrive $0xFFFF  }
0x4f: {  	[sflag:s0] =	ssyncadd.tile.s32 @!p0 $0x1;
	_ =	shalt  }
.Lfunc_end2:
_tile_overlayer_lowered:
.L_overlay_start_2:
0x50: {  	(tag) =	ssettag $0x2  }
0x51: {  	s0 =	rddreg [dreg:$0x0];
	s2 =	stileid.u32  }
0x52: {  	s1 =	rddreg [dreg:$0x1];
	p0 =	sne.s32 s2, $0x0  }
0x53: {  	s3 =	rddreg [dreg:$0x2];
	[bflag:$0x3] =	sbarrier.arrive $0xFFFF;
	s2 =	simm.s32 @!p0 $0x1C01  }
0x54: {  	[timem:s3], [sflag:s2] =	dma.local @!p0 [hbm:s0], s1  }
0x55: {  	s0 =	simm.s32 @!p0 $0x1  }
0x56: {  	_ =	swait.ge @!p0 [sflag:s0], s1  }
0x57: {  	s1 =	ssub.s32 @!p0 $0x0, s1;
	[sflag:s0] =	ssyncset.done @!p0 $0x0  }
0x58: {  	[sflag:s0] =	ssyncadd.s32 @!p0 s1  }
0x59: {  	[bflag:$0x3] =	sbarrier.arrive $0xFFFF  }
0x5a: {  	_ =	shalt  }

</sc_bundles>
